<compile_context>
chip_gen: v7x
topology: tpu7x:2x2x1
jax: 0.10.2.dev20260603
libtpu: 0.0.44.dev20260713+nightly
codegen_flags: <defaults>
</compile_context>

<pallas_src>
import functools

import jax
import jax.numpy as jnp
from jax import lax
from jax.experimental import pallas as pl
from jax.experimental.pallas import tpu as pltpu
from jax.experimental.pallas import tpu_sc as plsc

N = 10000
D = 128
E = 320000
G = 64
NCORE = 2
NSUB = 16
NW = NCORE * NSUB
ACCROWS = 10240
RPT = ACCROWS // NSUB

CH = 64
DEPTH = 5
EW = (E + NW * CH - 1) // (NW * CH) * CH
NCHUNK = EW // CH
MTROWS = 10240

CHD = 100
NCHD = E // (NW * CHD)
NDEG = 10240
RPTD = NDEG // NSUB

BN = 400
GRID = N // BN

_sc_mesh = plsc.VectorSubcoreMesh(core_axis_name="c", subcore_axis_name="s")


@functools.partial(
    pl.kernel,
    out_type=jax.ShapeDtypeStruct((NCORE, NDEG), jnp.float32),
    mesh=_sc_mesh,
    scratch_types=[
        pltpu.VMEM((NCHD, CHD), jnp.int32),
        pltpu.VMEM((CHD,), jnp.float32),
        pltpu.VMEM_SHARED((NDEG,), jnp.float32),
    ],
)
def _deg_sc(dst_hbm, zeros_hbm, ones_hbm, out_hbm, dst_v, ones_v, acc_sh):
    c = lax.axis_index("c")
    s = lax.axis_index("s")
    wid = c * NSUB + s
    pltpu.sync_copy(dst_hbm.at[wid], dst_v)
    pltpu.sync_copy(ones_hbm, ones_v)
    pltpu.sync_copy(zeros_hbm.at[pl.ds(s * RPTD, RPTD)], acc_sh.at[pl.ds(s * RPTD, RPTD)])
    plsc.subcore_barrier()

    def body(j, carry):
        pltpu.sync_copy(ones_v, acc_sh.at[dst_v.at[j]], add=True)
        return carry

    lax.fori_loop(0, NCHD, body, 0)
    plsc.subcore_barrier()
    pltpu.sync_copy(acc_sh.at[pl.ds(s * RPTD, RPTD)], out_hbm.at[c, pl.ds(s * RPTD, RPTD)])


@functools.partial(
    pl.kernel,
    out_type=jax.ShapeDtypeStruct((NCORE, ACCROWS, D), jnp.float32),
    mesh=_sc_mesh,
    scratch_types=[
        pltpu.VMEM((DEPTH, 2, CH), jnp.int32),
        pltpu.VMEM((DEPTH, CH, D), jnp.float32),
        pltpu.VMEM_SHARED((ACCROWS, D), jnp.float32),
        [pltpu.SemaphoreType.DMA] * DEPTH,
        [pltpu.SemaphoreType.DMA] * DEPTH,
        [pltpu.SemaphoreType.DMA] * DEPTH,
    ],
)
def _prop_sc(mt_hbm, eg_hbm, zeros_hbm, out_hbm, idx_v, bufs, acc_sh,
             sem_i, sem_g, sem_s):
    c = lax.axis_index("c")
    s = lax.axis_index("s")
    wid = c * NSUB + s
    pltpu.sync_copy(zeros_hbm.at[pl.ds(s * RPT, RPT)], acc_sh.at[pl.ds(s * RPT, RPT)])
    plsc.subcore_barrier()

    def idx_cp(j, t):
        pltpu.async_copy(eg_hbm.at[wid, j], idx_v.at[t], sem_i[t])

    def idx_wait(j, t):
        pltpu.make_async_copy(eg_hbm.at[wid, j], idx_v.at[t], sem_i[t]).wait()

    def gather(t):
        pltpu.async_copy(mt_hbm.at[idx_v.at[t, 0]], bufs.at[t], sem_g[t])

    def gather_wait(t):
        pltpu.make_async_copy(mt_hbm.at[idx_v.at[t, 0]], bufs.at[t], sem_g[t]).wait()

    def scat(t):
        pltpu.async_copy(bufs.at[t], acc_sh.at[idx_v.at[t, 1]], sem_s[t], add=True)

    def scat_wait(t):
        pltpu.make_async_copy(bufs.at[t], acc_sh.at[idx_v.at[t, 1]], sem_s[t]).wait()

    for t in range(DEPTH):
        idx_cp(t, t)
    for t in range(DEPTH):
        idx_wait(t, t)
        gather(t)

    NITER = NCHUNK // DEPTH

    def body(k, carry):
        j = DEPTH * k
        for t in range(DEPTH):
            gather_wait(t)
            scat(t)

        @pl.when(k + 1 < NITER)
        def _():
            for t in range(DEPTH):
                scat_wait(t)
                idx_cp(j + DEPTH + t, t)
            for t in range(DEPTH):
                idx_wait(j + DEPTH + t, t)
                gather(t)

        return carry

    lax.fori_loop(0, NITER, body, 0)
    for t in range(DEPTH):
        scat_wait(t)
    plsc.subcore_barrier()
    pltpu.sync_copy(acc_sh.at[pl.ds(s * RPT, RPT)], out_hbm.at[c, pl.ds(s * RPT, RPT)])


def _gates_body(x_ref, p0_ref, p1_ref, win_ref, bin_ref, iww0_ref, ww0_ref,
                fww1_ref, iww1_ref, ww1_ref, tb0_ref, fwu1_ref, iwu1_ref,
                mt0_ref, theta_ref, if1_ref, dinv_ref):
    f32 = jnp.float32
    x = x_ref[...]
    h = jnp.dot(x, win_ref[...], preferred_element_type=f32) + bin_ref[...]
    indeg = p0_ref[...] + p1_ref[...]
    dinv = lax.rsqrt(indeg + 1.0)
    vf = jnp.dot(tb0_ref[...], fwu1_ref[...], preferred_element_type=f32)
    vi = jnp.dot(tb0_ref[...], iwu1_ref[...], preferred_element_type=f32)
    m0 = jax.nn.sigmoid(
        jax.nn.sigmoid(jnp.dot(h, iww0_ref[...], preferred_element_type=f32))
        * jnp.tanh(jnp.dot(h, ww0_ref[...], preferred_element_type=f32)))
    mt0_ref[...] = dinv * m0
    theta_ref[...] = jax.nn.sigmoid(
        indeg * vf + jnp.dot(h, fww1_ref[...], preferred_element_type=f32))
    if1_ref[...] = jax.nn.sigmoid(
        indeg * vi + jnp.dot(h, iww1_ref[...], preferred_element_type=f32)
    ) * jnp.tanh(jnp.dot(h, ww1_ref[...], preferred_element_type=f32))
    dinv_ref[...] = dinv


def _mid_body(a0_ref, a1_ref, mt0_ref, dinv_ref, theta_ref, if1_ref, mt2_ref):
    dinv = dinv_ref[...]
    m1 = dinv * (a0_ref[...] + a1_ref[...] + mt0_ref[...])
    m2 = jax.nn.sigmoid(m1 * theta_ref[...] + if1_ref[...])
    mt2_ref[...] = dinv * m2


def _epi_body(b0_ref, b1_ref, mt2_ref, dinv_ref, bid_ref, wcls_ref, bcls_ref,
              out_ref, s_ref, t_ref, c_ref):
    i = pl.program_id(0)
    f32 = jnp.float32

    @pl.when(i == 0)
    def _():
        s_ref[...] = jnp.zeros_like(s_ref)
        t_ref[...] = jnp.zeros_like(t_ref)
        c_ref[...] = jnp.zeros_like(c_ref)

    m3 = dinv_ref[...] * (b0_ref[...] + b1_ref[...] + mt2_ref[...])
    mx = jnp.max(m3, axis=1, keepdims=True)
    ex = jnp.exp(m3 - mx)
    lse = mx + jnp.log(jnp.sum(ex, axis=1, keepdims=True))
    onehot = (bid_ref[...] == lax.broadcasted_iota(jnp.int32, (BN, G), 1)).astype(f32)
    dn = (((0,), (0,)), ((), ()))
    s_ref[...] += lax.dot_general(onehot, m3, dn, preferred_element_type=f32)
    t_ref[...] += lax.dot_general(onehot, lse, dn, preferred_element_type=f32)
    c_ref[...] += lax.dot_general(onehot, jnp.ones((BN, 1), f32), dn,
                                  preferred_element_type=f32)

    @pl.when(i == GRID - 1)
    def _():
        wcls = wcls_ref[...]
        colsum = jnp.sum(wcls, axis=0, keepdims=True)
        out = jnp.dot(s_ref[...], wcls, preferred_element_type=f32) - t_ref[...] * colsum
        out_ref[...] = out / jnp.maximum(c_ref[...], 1.0) + bcls_ref[...]


def _row_spec(w):
    return pl.BlockSpec((BN, w), lambda i: (i, 0))


def _full_spec(shape):
    return pl.BlockSpec(shape, lambda i: tuple(0 for _ in shape))


_gates_call = pl.pallas_call(
    _gates_body,
    grid=(GRID,),
    in_specs=[
        _row_spec(D), _row_spec(1), _row_spec(1),
        _full_spec((D, D)), _full_spec((1, D)),
        _full_spec((D, D)), _full_spec((D, D)), _full_spec((D, D)),
        _full_spec((D, D)), _full_spec((D, D)),
        _full_spec((1, D)), _full_spec((D, D)), _full_spec((D, D)),
    ],
    out_specs=[_row_spec(D), _row_spec(D), _row_spec(D), _row_spec(1)],
    out_shape=[
        jax.ShapeDtypeStruct((N, D), jnp.float32),
        jax.ShapeDtypeStruct((N, D), jnp.float32),
        jax.ShapeDtypeStruct((N, D), jnp.float32),
        jax.ShapeDtypeStruct((N, 1), jnp.float32),
    ],
)

_mid_call = pl.pallas_call(
    _mid_body,
    grid=(GRID,),
    in_specs=[_row_spec(D), _row_spec(D), _row_spec(D), _row_spec(1),
              _row_spec(D), _row_spec(D)],
    out_specs=_row_spec(D),
    out_shape=jax.ShapeDtypeStruct((N, D), jnp.float32),
)

_epi_call = pl.pallas_call(
    _epi_body,
    grid=(GRID,),
    in_specs=[_row_spec(D), _row_spec(D), _row_spec(D), _row_spec(1),
              _row_spec(1), _full_spec((D, D)), _full_spec((1, D))],
    out_specs=_full_spec((G, D)),
    out_shape=jax.ShapeDtypeStruct((G, D), jnp.float32),
    scratch_shapes=[
        pltpu.VMEM((G, D), jnp.float32),
        pltpu.VMEM((G, 1), jnp.float32),
        pltpu.VMEM((G, 1), jnp.float32),
    ],
)


def kernel(x, edge_index, batch_ids, W_in, b_in, f_Ww, f_Wu, i_Ww, i_Wu, Ww,
           t_W, t_b, W_cls, b_cls):
    src = edge_index[0].astype(jnp.int32)
    dst = edge_index[1].astype(jnp.int32)
    pad_e = NW * EW - E
    src_p = jnp.concatenate([src, jnp.full((pad_e,), N, jnp.int32)]).reshape(NW, NCHUNK, CH)
    dst_p = jnp.concatenate([dst, jnp.full((pad_e,), ACCROWS - 1, jnp.int32)]).reshape(NW, NCHUNK, CH)
    eg = jnp.stack([src_p, dst_p], axis=2)
    dst_d = dst.reshape(NW, NCHD, CHD)
    bid = batch_ids.astype(jnp.int32).reshape(N, 1)
    zeros1 = jnp.zeros((NDEG,), jnp.float32)
    zerosn = jnp.zeros((ACCROWS, D), jnp.float32)

    degp = _deg_sc(dst_d, zeros1, jnp.ones((CHD,), jnp.float32))
    p0 = degp[0, :N].reshape(N, 1)
    p1 = degp[1, :N].reshape(N, 1)
    mt0, theta, if1, dinv = _gates_call(
        x, p0, p1, W_in, b_in.reshape(1, D), i_Ww[0], Ww[0], f_Ww[1],
        i_Ww[1], Ww[1], t_b[0].reshape(1, D), f_Wu[1], i_Wu[1])
    mt0_p = jnp.pad(mt0, ((0, MTROWS - N), (0, 0)))
    acc1 = _prop_sc(mt0_p, eg, zerosn)
    mt2 = _mid_call(acc1[0, :N], acc1[1, :N], mt0, dinv, theta, if1)
    mt2_p = jnp.pad(mt2, ((0, MTROWS - N), (0, 0)))
    acc2 = _prop_sc(mt2_p, eg, zerosn)
    out = _epi_call(acc2[0, :N], acc2[1, :N], mt2, dinv, bid, W_cls, b_cls.reshape(1, D))
    return out

# --- scband reference (transcript-rebuilt; emitter-appended) ---
"""Pipeline reference for scband-me-mp-27324581937612 (READ-ONLY COPY).

The authoritative reference and input builder live on the scoring server;
editing this copy changes nothing except your own understanding.
"""

import jax, jax.numpy as jnp
import numpy as np

N = 10000
E = 320000
D = 128
HOPS = 2
G = 64


def setup_inputs(seed: int = 0) -> dict:
    key = jax.random.key(seed)
    ks = jax.random.split(key, 16)
    s = (2.0 / (D + D)) ** 0.5
    return {
        "x": jax.random.normal(ks[0], (N, D), dtype=jnp.float32),
        "edge_index": jax.random.randint(ks[1], (2, E), 0, N),
        "batch_ids": jnp.sort(jax.random.randint(ks[2], (N,), 0, G)),
        "W_in": jax.random.normal(ks[3], (D, D), dtype=jnp.float32) * s,
        "b_in": jnp.zeros((D,), dtype=jnp.float32),
        "f_Ww": jax.random.normal(ks[4], (HOPS, D, D), dtype=jnp.float32) * s,
        "f_Wu": jax.random.normal(ks[5], (HOPS, D, D), dtype=jnp.float32) * s,
        "i_Ww": jax.random.normal(ks[6], (HOPS, D, D), dtype=jnp.float32) * s,
        "i_Wu": jax.random.normal(ks[7], (HOPS, D, D), dtype=jnp.float32) * s,
        "Ww": jax.random.normal(ks[8], (HOPS, D, D), dtype=jnp.float32) * s,
        "t_W": jax.random.normal(ks[9], (HOPS, D, D), dtype=jnp.float32) * s,
        "t_b": jnp.zeros((HOPS, D), dtype=jnp.float32),
        "W_cls": jax.random.normal(ks[10], (D, D), dtype=jnp.float32) * s,
        "b_cls": jnp.zeros((D,), dtype=jnp.float32),
    }


def _gcn_norm(src, dst, n):
    loop = jnp.arange(n, dtype=src.dtype)
    s = jnp.concatenate([src, loop])
    d = jnp.concatenate([dst, loop])
    w = jnp.ones(s.shape[0], dtype=jnp.float32)
    deg = jax.ops.segment_sum(w, d, num_segments=n)
    dinv = jnp.where(deg > 0, deg ** -0.5, 0.0)
    return s, d, dinv[s] * dinv[d]


def reference(x, edge_index, batch_ids, W_in, b_in, f_Ww, f_Wu, i_Ww, i_Wu, Ww, t_W, t_b, W_cls, b_cls):
    n = x.shape[0]
    src, dst = edge_index[0], edge_index[1]
    # LinearEncoder
    h = x @ W_in + b_in
    temporal = jnp.zeros_like(h)
    memory = jnp.zeros_like(h)
    s2, d2, norm = _gcn_norm(src, dst, n)
    for l in range(HOPS):
        # forget gate: SequenceGCN(x, temporal)
        neigh_f = jax.ops.segment_sum((temporal @ f_Wu[l])[src], dst, num_segments=n)
        theta = jax.nn.sigmoid(neigh_f + h @ f_Ww[l])
        memory = memory * theta
        # input gate
        input_weight = jnp.tanh(h @ Ww[l])
        neigh_i = jax.ops.segment_sum((temporal @ i_Wu[l])[src], dst, num_segments=n)
        input_feature = jax.nn.sigmoid(neigh_i + h @ i_Ww[l]) * input_weight
        memory = jax.nn.sigmoid(memory + input_feature)
        # gcn_norm propagate of memory (with self loops)
        memory = jax.ops.segment_sum(norm[:, None] * memory[s2], d2, num_segments=n)
        # GCNConv on temporal
        ht = temporal @ t_W[l]
        temporal = jax.ops.segment_sum(norm[:, None] * ht[s2], d2, num_segments=n) + t_b[l]
        # dropout p=0.0 -> identity
    y = jax.nn.log_softmax(memory, axis=-1) @ W_cls + b_cls
    sums = jax.ops.segment_sum(y, batch_ids, num_segments=G)
    counts = jax.ops.segment_sum(jnp.ones((n,), dtype=jnp.float32), batch_ids, num_segments=G)
    out = sums / jnp.clip(counts, 1.0)[:, None]
    return out

if __name__ == "__main__":
    import jax
    _d = setup_inputs()
    print(jax.jit(kernel)(*tuple(_d.values())))

</pallas_src>

<mosaic_0001>
#map = affine_map<(d0, d1) -> (0, 0, 0)>
#map1 = affine_map<(d0, d1) -> (0)>
#map2 = affine_map<(d0, d1) -> (0, 0)>
module attributes {stable_mosaic.version = 14 : i64} {
  func.func @_deg_sc(%arg0: i32, %arg1: i32, %arg2: memref<32x100x100xi32, #tpu.memory_space<hbm>>, %arg3: memref<10240xf32, #tpu.memory_space<hbm>>, %arg4: memref<100xf32, #tpu.memory_space<hbm>>, %arg5: memref<2x10240xf32, #tpu.memory_space<hbm>>, %arg6: memref<100x100xi32, #tpu.memory_space<vmem>>, %arg7: memref<100xf32, #tpu.memory_space<vmem>>, %arg8: memref<10240xf32, #tpu.memory_space<vmem_shared>>) attributes {dimension_semantics = [#tpu.dimension_semantics<core_parallel>, #tpu.dimension_semantics<subcore_parallel>], iteration_bounds = array<i64: 2, 16>, scalar_prefetch = 0 : i64, scratch_operands = 3 : i64, tpu.core_type = #tpu.core_type<sc_vector_subcore>, window_params = [{transform_indices = #map}, {transform_indices = #map1}, {transform_indices = #map1}, {transform_indices = #map2}]} {
    %mul3A = arith.constant 16 : i32
    %mul3A_0 = arith.muli %arg0, %mul3A : i32
    %add3A = arith.addi %mul3A_0, %arg1 : i32
    "tpu.region"() ({
      %run_scoped3A = tpu.sem_alloc : memref<!tpu.dma_semaphore, #tpu.memory_space<semaphore_mem>>
      %dma_start3A = arith.constant 0 : i32
      %dma_start3A_15 = arith.constant 0 : i32
      %dma_start3A_16 = tpu.memref_slice %arg2[%add3A, %dma_start3A, %dma_start3A_15] : memref<32x100x100xi32, #tpu.memory_space<hbm>> -> memref<1x100x100xi32, #tpu.memory_space<hbm>>
      %dma_start3A_17 = tpu.memref_squeeze %dma_start3A_16 : memref<1x100x100xi32, #tpu.memory_space<hbm>> -> memref<100x100xi32, #tpu.memory_space<hbm>>
      %dma_start3A_18 = arith.constant 0 : i32
      %dma_start3A_19 = arith.constant 0 : i32
      %dma_start3A_20 = tpu.memref_slice %arg2[%add3A, %dma_start3A_18, %dma_start3A_19] : memref<32x100x100xi32, #tpu.memory_space<hbm>> -> memref<1x100x100xi32, #tpu.memory_space<hbm>>
      %dma_start3A_21 = tpu.memref_squeeze %dma_start3A_20 : memref<1x100x100xi32, #tpu.memory_space<hbm>> -> memref<100x100xi32, #tpu.memory_space<hbm>>
      tpu.enqueue_dma source(%dma_start3A_21 : memref<100x100xi32, #tpu.memory_space<hbm>>) target(%arg6 : memref<100x100xi32, #tpu.memory_space<vmem>>) target_semaphore(%run_scoped3A : memref<!tpu.dma_semaphore, #tpu.memory_space<semaphore_mem>>)
      %dma_wait3A = arith.constant 0 : i32
      %dma_wait3A_22 = arith.constant 0 : i32
      %dma_wait3A_23 = tpu.memref_slice %arg2[%add3A, %dma_wait3A, %dma_wait3A_22] : memref<32x100x100xi32, #tpu.memory_space<hbm>> -> memref<1x100x100xi32, #tpu.memory_space<hbm>>
      %dma_wait3A_24 = tpu.memref_squeeze %dma_wait3A_23 : memref<1x100x100xi32, #tpu.memory_space<hbm>> -> memref<100x100xi32, #tpu.memory_space<hbm>>
      %dma_wait3A_25 = arith.constant 0 : i32
      %dma_wait3A_26 = arith.constant 0 : i32
      %dma_wait3A_27 = tpu.memref_slice %arg2[%add3A, %dma_wait3A_25, %dma_wait3A_26] : memref<32x100x100xi32, #tpu.memory_space<hbm>> -> memref<1x100x100xi32, #tpu.memory_space<hbm>>
      %dma_wait3A_28 = tpu.memref_squeeze %dma_wait3A_27 : memref<1x100x100xi32, #tpu.memory_space<hbm>> -> memref<100x100xi32, #tpu.memory_space<hbm>>
      tpu.wait_dma2 semaphore(%run_scoped3A : memref<!tpu.dma_semaphore, #tpu.memory_space<semaphore_mem>>) src(%dma_wait3A_28 : memref<100x100xi32, #tpu.memory_space<hbm>>) dst(%arg6 : memref<100x100xi32, #tpu.memory_space<vmem>>)
      tpu.yield
    }) : () -> ()
    "tpu.region"() ({
      %run_scoped3A = tpu.sem_alloc : memref<!tpu.dma_semaphore, #tpu.memory_space<semaphore_mem>>
      tpu.enqueue_dma source(%arg4 : memref<100xf32, #tpu.memory_space<hbm>>) target(%arg7 : memref<100xf32, #tpu.memory_space<vmem>>) target_semaphore(%run_scoped3A : memref<!tpu.dma_semaphore, #tpu.memory_space<semaphore_mem>>)
      tpu.wait_dma2 semaphore(%run_scoped3A : memref<!tpu.dma_semaphore, #tpu.memory_space<semaphore_mem>>) src(%arg4 : memref<100xf32, #tpu.memory_space<hbm>>) dst(%arg7 : memref<100xf32, #tpu.memory_space<vmem>>)
      tpu.yield
    }) : () -> ()
    %mul3A_1 = arith.constant 640 : i32
    %mul3A_2 = arith.muli %arg1, %mul3A_1 : i32
    %mul3A_3 = arith.constant 640 : i32
    %mul3A_4 = arith.muli %arg1, %mul3A_3 : i32
    "tpu.region"() ({
      %run_scoped3A = tpu.sem_alloc : memref<!tpu.dma_semaphore, #tpu.memory_space<semaphore_mem>>
      %dma_start3A = tpu.memref_slice %arg8[%mul3A_4] : memref<10240xf32, #tpu.memory_space<vmem_shared>> -> memref<640xf32, #tpu.memory_space<vmem_shared>>
      %dma_start3A_15 = tpu.memref_slice %arg3[%mul3A_2] : memref<10240xf32, #tpu.memory_space<hbm>> -> memref<640xf32, #tpu.memory_space<hbm>>
      tpu.enqueue_dma source(%dma_start3A_15 : memref<640xf32, #tpu.memory_space<hbm>>) target(%dma_start3A : memref<640xf32, #tpu.memory_space<vmem_shared>>) target_semaphore(%run_scoped3A : memref<!tpu.dma_semaphore, #tpu.memory_space<semaphore_mem>>)
      %dma_wait3A = tpu.memref_slice %arg8[%mul3A_4] : memref<10240xf32, #tpu.memory_space<vmem_shared>> -> memref<640xf32, #tpu.memory_space<vmem_shared>>
      %dma_wait3A_16 = tpu.memref_slice %arg3[%mul3A_2] : memref<10240xf32, #tpu.memory_space<hbm>> -> memref<640xf32, #tpu.memory_space<hbm>>
      tpu.wait_dma2 semaphore(%run_scoped3A : memref<!tpu.dma_semaphore, #tpu.memory_space<semaphore_mem>>) src(%dma_wait3A_16 : memref<640xf32, #tpu.memory_space<hbm>>) dst(%dma_wait3A : memref<640xf32, #tpu.memory_space<vmem_shared>>)
      tpu.yield
    }) : () -> ()
    %barrier3A = arith.constant 0 : index
    tpu.barrier barrier_id(%barrier3A)
    %scan3A = arith.constant 0 : i32
    %scan3A_5 = arith.constant 0 : i32
    %scan3A_6 = arith.constant 100 : i32
    %scan3A_7 = arith.addi %scan3A_5, %scan3A_6 : i32
    %scan3A_8 = arith.constant 1 : i32
    scf.for %scan3A_15 = %scan3A_5 to %scan3A_7 step %scan3A_8  : i32 {
      "tpu.region"() ({
        %run_scoped3A = tpu.sem_alloc : memref<!tpu.dma_semaphore, #tpu.memory_space<semaphore_mem>>
        %dma_start3A = arith.constant 0 : i32
        %dma_start3A_16 = tpu.memref_slice %arg6[%scan3A_15, %dma_start3A] : memref<100x100xi32, #tpu.memory_space<vmem>> -> memref<1x100xi32, #tpu.memory_space<vmem>>
        %dma_start3A_17 = tpu.memref_squeeze %dma_start3A_16 : memref<1x100xi32, #tpu.memory_space<vmem>> -> memref<100xi32, #tpu.memory_space<vmem>>
        %dma_start3A_18 = arith.constant 0 : i32
        %dma_start3A_19 = tpu.memref_slice %arg8[%dma_start3A_18] : memref<10240xf32, #tpu.memory_space<vmem_shared>> -> memref<10240xf32, #tpu.memory_space<vmem_shared>>
        tpu.enqueue_indirect_dma source(%arg7 : memref<100xf32, #tpu.memory_space<vmem>>) target(%dma_start3A_19 : memref<10240xf32, #tpu.memory_space<vmem_shared>>) offsets(%dma_start3A_17 : memref<100xi32, #tpu.memory_space<vmem>>) semaphore(%run_scoped3A : memref<!tpu.dma_semaphore, #tpu.memory_space<semaphore_mem>>) {add = true}
        %dma_wait3A = arith.constant 0 : i32
        %dma_wait3A_20 = tpu.memref_slice %arg6[%scan3A_15, %dma_wait3A] : memref<100x100xi32, #tpu.memory_space<vmem>> -> memref<1x100xi32, #tpu.memory_space<vmem>>
        %dma_wait3A_21 = tpu.memref_squeeze %dma_wait3A_20 : memref<1x100xi32, #tpu.memory_space<vmem>> -> memref<100xi32, #tpu.memory_space<vmem>>
        %dma_wait3A_22 = arith.constant 0 : i32
        %dma_wait3A_23 = tpu.memref_slice %arg8[%dma_wait3A_22] : memref<10240xf32, #tpu.memory_space<vmem_shared>> -> memref<10240xf32, #tpu.memory_space<vmem_shared>>
        tpu.wait_indirect_dma semaphore(%run_scoped3A : memref<!tpu.dma_semaphore, #tpu.memory_space<semaphore_mem>>) src(%arg7 : memref<100xf32, #tpu.memory_space<vmem>>) dst(%dma_wait3A_23 : memref<10240xf32, #tpu.memory_space<vmem_shared>>)
        tpu.yield
      }) : () -> ()
    }
    %scan3A_9 = arith.constant 100 : i32
    %barrier3A_10 = arith.constant 0 : index
    tpu.barrier barrier_id(%barrier3A_10)
    %mul3A_11 = arith.constant 640 : i32
    %mul3A_12 = arith.muli %arg1, %mul3A_11 : i32
    %mul3A_13 = arith.constant 640 : i32
    %mul3A_14 = arith.muli %arg1, %mul3A_13 : i32
    "tpu.region"() ({
      %run_scoped3A = tpu.sem_alloc : memref<!tpu.dma_semaphore, #tpu.memory_space<semaphore_mem>>
      %dma_start3A = tpu.memref_slice %arg5[%arg0, %mul3A_14] : memref<2x10240xf32, #tpu.memory_space<hbm>> -> memref<1x640xf32, #tpu.memory_space<hbm>>
      %dma_start3A_15 = tpu.memref_squeeze %dma_start3A : memref<1x640xf32, #tpu.memory_space<hbm>> -> memref<640xf32, #tpu.memory_space<hbm>>
      %dma_start3A_16 = tpu.memref_slice %arg8[%mul3A_12] : memref<10240xf32, #tpu.memory_space<vmem_shared>> -> memref<640xf32, #tpu.memory_space<vmem_shared>>
      tpu.enqueue_dma source(%dma_start3A_16 : memref<640xf32, #tpu.memory_space<vmem_shared>>) target(%dma_start3A_15 : memref<640xf32, #tpu.memory_space<hbm>>) target_semaphore(%run_scoped3A : memref<!tpu.dma_semaphore, #tpu.memory_space<semaphore_mem>>)
      %dma_wait3A = tpu.memref_slice %arg5[%arg0, %mul3A_14] : memref<2x10240xf32, #tpu.memory_space<hbm>> -> memref<1x640xf32, #tpu.memory_space<hbm>>
      %dma_wait3A_17 = tpu.memref_squeeze %dma_wait3A : memref<1x640xf32, #tpu.memory_space<hbm>> -> memref<640xf32, #tpu.memory_space<hbm>>
      %dma_wait3A_18 = tpu.memref_slice %arg8[%mul3A_12] : memref<10240xf32, #tpu.memory_space<vmem_shared>> -> memref<640xf32, #tpu.memory_space<vmem_shared>>
      tpu.wait_dma2 semaphore(%run_scoped3A : memref<!tpu.dma_semaphore, #tpu.memory_space<semaphore_mem>>) src(%dma_wait3A_18 : memref<640xf32, #tpu.memory_space<vmem_shared>>) dst(%dma_wait3A_17 : memref<640xf32, #tpu.memory_space<hbm>>)
      tpu.yield
    }) : () -> ()
    return
  }
}

#map = affine_map<(d0, d1) -> (0, 0)>
#map1 = affine_map<(d0, d1) -> (0, 0, 0, 0)>
#map2 = affine_map<(d0, d1) -> (0, 0, 0)>
module attributes {stable_mosaic.version = 14 : i64} {
  func.func @_prop_sc(%arg0: i32, %arg1: i32, %arg2: memref<10240x128xf32, #tpu.memory_space<hbm>>, %arg3: memref<32x157x2x64xi32, #tpu.memory_space<hbm>>, %arg4: memref<10240x128xf32, #tpu.memory_space<hbm>>, %arg5: memref<2x10240x128xf32, #tpu.memory_space<hbm>>, %arg6: memref<5x2x64xi32, #tpu.memory_space<vmem>>, %arg7: memref<5x64x128xf32, #tpu.memory_space<vmem>>, %arg8: memref<10240x128xf32, #tpu.memory_space<vmem_shared>>, %arg9: memref<!tpu.dma_semaphore, #tpu.memory_space<semaphore_mem>>, %arg10: memref<!tpu.dma_semaphore, #tpu.memory_space<semaphore_mem>>, %arg11: memref<!tpu.dma_semaphore, #tpu.memory_space<semaphore_mem>>, %arg12: memref<!tpu.dma_semaphore, #tpu.memory_space<semaphore_mem>>, %arg13: memref<!tpu.dma_semaphore, #tpu.memory_space<semaphore_mem>>, %arg14: memref<!tpu.dma_semaphore, #tpu.memory_space<semaphore_mem>>, %arg15: memref<!tpu.dma_semaphore, #tpu.memory_space<semaphore_mem>>, %arg16: memref<!tpu.dma_semaphore, #tpu.memory_space<semaphore_mem>>, %arg17: memref<!tpu.dma_semaphore, #tpu.memory_space<semaphore_mem>>, %arg18: memref<!tpu.dma_semaphore, #tpu.memory_space<semaphore_mem>>, %arg19: memref<!tpu.dma_semaphore, #tpu.memory_space<semaphore_mem>>, %arg20: memref<!tpu.dma_semaphore, #tpu.memory_space<semaphore_mem>>, %arg21: memref<!tpu.dma_semaphore, #tpu.memory_space<semaphore_mem>>, %arg22: memref<!tpu.dma_semaphore, #tpu.memory_space<semaphore_mem>>, %arg23: memref<!tpu.dma_semaphore, #tpu.memory_space<semaphore_mem>>) attributes {dimension_semantics = [#tpu.dimension_semantics<core_parallel>, #tpu.dimension_semantics<subcore_parallel>], iteration_bounds = array<i64: 2, 16>, scalar_prefetch = 0 : i64, scratch_operands = 18 : i64, tpu.core_type = #tpu.core_type<sc_vector_subcore>, window_params = [{transform_indices = #map}, {transform_indices = #map1}, {transform_indices = #map}, {transform_indices = #map2}]} {
    %mul3A = arith.constant 16 : i32
    %mul3A_0 = arith.muli %arg0, %mul3A : i32
    %add3A = arith.addi %mul3A_0, %arg1 : i32
    %mul3A_1 = arith.constant 640 : i32
    %mul3A_2 = arith.muli %arg1, %mul3A_1 : i32
    %mul3A_3 = arith.constant 640 : i32
    %mul3A_4 = arith.muli %arg1, %mul3A_3 : i32
    "tpu.region"() ({
      %run_scoped3A = tpu.sem_alloc : memref<!tpu.dma_semaphore, #tpu.memory_space<semaphore_mem>>
      %dma_start3A_323 = arith.constant 0 : i32
      %dma_start3A_324 = tpu.memref_slice %arg8[%mul3A_4, %dma_start3A_323] : memref<10240x128xf32, #tpu.memory_space<vmem_shared>> -> memref<640x128xf32, #tpu.memory_space<vmem_shared>>
      %dma_start3A_325 = arith.constant 0 : i32
      %dma_start3A_326 = tpu.memref_slice %arg4[%mul3A_2, %dma_start3A_325] : memref<10240x128xf32, #tpu.memory_space<hbm>> -> memref<640x128xf32, #tpu.memory_space<hbm>>
      tpu.enqueue_dma source(%dma_start3A_326 : memref<640x128xf32, #tpu.memory_space<hbm>>) target(%dma_start3A_324 : memref<640x128xf32, #tpu.memory_space<vmem_shared>>) target_semaphore(%run_scoped3A : memref<!tpu.dma_semaphore, #tpu.memory_space<semaphore_mem>>)
      %dma_wait3A_327 = arith.constant 0 : i32
      %dma_wait3A_328 = tpu.memref_slice %arg8[%mul3A_4, %dma_wait3A_327] : memref<10240x128xf32, #tpu.memory_space<vmem_shared>> -> memref<640x128xf32, #tpu.memory_space<vmem_shared>>
      %dma_wait3A_329 = arith.constant 0 : i32
      %dma_wait3A_330 = tpu.memref_slice %arg4[%mul3A_2, %dma_wait3A_329] : memref<10240x128xf32, #tpu.memory_space<hbm>> -> memref<640x128xf32, #tpu.memory_space<hbm>>
      tpu.wait_dma2 semaphore(%run_scoped3A : memref<!tpu.dma_semaphore, #tpu.memory_space<semaphore_mem>>) src(%dma_wait3A_330 : memref<640x128xf32, #tpu.memory_space<hbm>>) dst(%dma_wait3A_328 : memref<640x128xf32, #tpu.memory_space<vmem_shared>>)
      tpu.yield
    }) : () -> ()
    %barrier3A = arith.constant 0 : index
    tpu.barrier barrier_id(%barrier3A)
    %dma_start3A = arith.constant 0 : i32
    %dma_start3A_5 = arith.constant 0 : i32
    %dma_start3A_6 = arith.constant 0 : i32
    %dma_start3A_7 = arith.constant 0 : i32
    %dma_start3A_8 = tpu.memref_slice %arg6[%dma_start3A_5, %dma_start3A_6, %dma_start3A_7] : memref<5x2x64xi32, #tpu.memory_space<vmem>> -> memref<1x2x64xi32, #tpu.memory_space<vmem>>
    %dma_start3A_9 = tpu.memref_squeeze %dma_start3A_8 : memref<1x2x64xi32, #tpu.memory_space<vmem>> -> memref<2x64xi32, #tpu.memory_space<vmem>>
    %dma_start3A_10 = arith.constant 0 : i32
    %dma_start3A_11 = arith.constant 0 : i32
    %dma_start3A_12 = tpu.memref_slice %arg3[%add3A, %dma_start3A, %dma_start3A_10, %dma_start3A_11] : memref<32x157x2x64xi32, #tpu.memory_space<hbm>> -> memref<1x1x2x64xi32, #tpu.memory_space<hbm>>
    %dma_start3A_13 = tpu.memref_squeeze %dma_start3A_12 : memref<1x1x2x64xi32, #tpu.memory_space<hbm>> -> memref<2x64xi32, #tpu.memory_space<hbm>>
    %dma_start3A_14 = arith.constant 0 : i32
    %dma_start3A_15 = arith.constant 0 : i32
    %dma_start3A_16 = tpu.memref_slice %arg6[%dma_start3A_5, %dma_start3A_14, %dma_start3A_15] : memref<5x2x64xi32, #tpu.memory_space<vmem>> -> memref<1x2x64xi32, #tpu.memory_space<vmem>>
    %dma_start3A_17 = tpu.memref_squeeze %dma_start3A_16 : memref<1x2x64xi32, #tpu.memory_space<vmem>> -> memref<2x64xi32, #tpu.memory_space<vmem>>
    %dma_start3A_18 = arith.constant 0 : i32
    %dma_start3A_19 = arith.constant 0 : i32
    %dma_start3A_20 = tpu.memref_slice %arg3[%add3A, %dma_start3A, %dma_start3A_18, %dma_start3A_19] : memref<32x157x2x64xi32, #tpu.memory_space<hbm>> -> memref<1x1x2x64xi32, #tpu.memory_space<hbm>>
    %dma_start3A_21 = tpu.memref_squeeze %dma_start3A_20 : memref<1x1x2x64xi32, #tpu.memory_space<hbm>> -> memref<2x64xi32, #tpu.memory_space<hbm>>
    tpu.enqueue_dma source(%dma_start3A_21 : memref<2x64xi32, #tpu.memory_space<hbm>>) target(%dma_start3A_17 : memref<2x64xi32, #tpu.memory_space<vmem>>) target_semaphore(%arg9 : memref<!tpu.dma_semaphore, #tpu.memory_space<semaphore_mem>>)
    %dma_start3A_22 = arith.constant 1 : i32
    %dma_start3A_23 = arith.constant 1 : i32
    %dma_start3A_24 = arith.constant 0 : i32
    %dma_start3A_25 = arith.constant 0 : i32
    %dma_start3A_26 = tpu.memref_slice %arg6[%dma_start3A_23, %dma_start3A_24, %dma_start3A_25] : memref<5x2x64xi32, #tpu.memory_space<vmem>> -> memref<1x2x64xi32, #tpu.memory_space<vmem>>
    %dma_start3A_27 = tpu.memref_squeeze %dma_start3A_26 : memref<1x2x64xi32, #tpu.memory_space<vmem>> -> memref<2x64xi32, #tpu.memory_space<vmem>>
    %dma_start3A_28 = arith.constant 0 : i32
    %dma_start3A_29 = arith.constant 0 : i32
    %dma_start3A_30 = tpu.memref_slice %arg3[%add3A, %dma_start3A_22, %dma_start3A_28, %dma_start3A_29] : memref<32x157x2x64xi32, #tpu.memory_space<hbm>> -> memref<1x1x2x64xi32, #tpu.memory_space<hbm>>
    %dma_start3A_31 = tpu.memref_squeeze %dma_start3A_30 : memref<1x1x2x64xi32, #tpu.memory_space<hbm>> -> memref<2x64xi32, #tpu.memory_space<hbm>>
    %dma_start3A_32 = arith.constant 0 : i32
    %dma_start3A_33 = arith.constant 0 : i32
    %dma_start3A_34 = tpu.memref_slice %arg6[%dma_start3A_23, %dma_start3A_32, %dma_start3A_33] : memref<5x2x64xi32, #tpu.memory_space<vmem>> -> memref<1x2x64xi32, #tpu.memory_space<vmem>>
    %dma_start3A_35 = tpu.memref_squeeze %dma_start3A_34 : memref<1x2x64xi32, #tpu.memory_space<vmem>> -> memref<2x64xi32, #tpu.memory_space<vmem>>
    %dma_start3A_36 = arith.constant 0 : i32
    %dma_start3A_37 = arith.constant 0 : i32
    %dma_start3A_38 = tpu.memref_slice %arg3[%add3A, %dma_start3A_22, %dma_start3A_36, %dma_start3A_37] : memref<32x157x2x64xi32, #tpu.memory_space<hbm>> -> memref<1x1x2x64xi32, #tpu.memory_space<hbm>>
    %dma_start3A_39 = tpu.memref_squeeze %dma_start3A_38 : memref<1x1x2x64xi32, #tpu.memory_space<hbm>> -> memref<2x64xi32, #tpu.memory_space<hbm>>
    tpu.enqueue_dma source(%dma_start3A_39 : memref<2x64xi32, #tpu.memory_space<hbm>>) target(%dma_start3A_35 : memref<2x64xi32, #tpu.memory_space<vmem>>) target_semaphore(%arg10 : memref<!tpu.dma_semaphore, #tpu.memory_space<semaphore_mem>>)
    %dma_start3A_40 = arith.constant 2 : i32
    %dma_start3A_41 = arith.constant 2 : i32
    %dma_start3A_42 = arith.constant 0 : i32
    %dma_start3A_43 = arith.constant 0 : i32
    %dma_start3A_44 = tpu.memref_slice %arg6[%dma_start3A_41, %dma_start3A_42, %dma_start3A_43] : memref<5x2x64xi32, #tpu.memory_space<vmem>> -> memref<1x2x64xi32, #tpu.memory_space<vmem>>
    %dma_start3A_45 = tpu.memref_squeeze %dma_start3A_44 : memref<1x2x64xi32, #tpu.memory_space<vmem>> -> memref<2x64xi32, #tpu.memory_space<vmem>>
    %dma_start3A_46 = arith.constant 0 : i32
    %dma_start3A_47 = arith.constant 0 : i32
    %dma_start3A_48 = tpu.memref_slice %arg3[%add3A, %dma_start3A_40, %dma_start3A_46, %dma_start3A_47] : memref<32x157x2x64xi32, #tpu.memory_space<hbm>> -> memref<1x1x2x64xi32, #tpu.memory_space<hbm>>
    %dma_start3A_49 = tpu.memref_squeeze %dma_start3A_48 : memref<1x1x2x64xi32, #tpu.memory_space<hbm>> -> memref<2x64xi32, #tpu.memory_space<hbm>>
    %dma_start3A_50 = arith.constant 0 : i32
    %dma_start3A_51 = arith.constant 0 : i32
    %dma_start3A_52 = tpu.memref_slice %arg6[%dma_start3A_41, %dma_start3A_50, %dma_start3A_51] : memref<5x2x64xi32, #tpu.memory_space<vmem>> -> memref<1x2x64xi32, #tpu.memory_space<vmem>>
    %dma_start3A_53 = tpu.memref_squeeze %dma_start3A_52 : memref<1x2x64xi32, #tpu.memory_space<vmem>> -> memref<2x64xi32, #tpu.memory_space<vmem>>
    %dma_start3A_54 = arith.constant 0 : i32
    %dma_start3A_55 = arith.constant 0 : i32
    %dma_start3A_56 = tpu.memref_slice %arg3[%add3A, %dma_start3A_40, %dma_start3A_54, %dma_start3A_55] : memref<32x157x2x64xi32, #tpu.memory_space<hbm>> -> memref<1x1x2x64xi32, #tpu.memory_space<hbm>>
    %dma_start3A_57 = tpu.memref_squeeze %dma_start3A_56 : memref<1x1x2x64xi32, #tpu.memory_space<hbm>> -> memref<2x64xi32, #tpu.memory_space<hbm>>
    tpu.enqueue_dma source(%dma_start3A_57 : memref<2x64xi32, #tpu.memory_space<hbm>>) target(%dma_start3A_53 : memref<2x64xi32, #tpu.memory_space<vmem>>) target_semaphore(%arg11 : memref<!tpu.dma_semaphore, #tpu.memory_space<semaphore_mem>>)
    %dma_start3A_58 = arith.constant 3 : i32
    %dma_start3A_59 = arith.constant 3 : i32
    %dma_start3A_60 = arith.constant 0 : i32
    %dma_start3A_61 = arith.constant 0 : i32
    %dma_start3A_62 = tpu.memref_slice %arg6[%dma_start3A_59, %dma_start3A_60, %dma_start3A_61] : memref<5x2x64xi32, #tpu.memory_space<vmem>> -> memref<1x2x64xi32, #tpu.memory_space<vmem>>
    %dma_start3A_63 = tpu.memref_squeeze %dma_start3A_62 : memref<1x2x64xi32, #tpu.memory_space<vmem>> -> memref<2x64xi32, #tpu.memory_space<vmem>>
    %dma_start3A_64 = arith.constant 0 : i32
    %dma_start3A_65 = arith.constant 0 : i32
    %dma_start3A_66 = tpu.memref_slice %arg3[%add3A, %dma_start3A_58, %dma_start3A_64, %dma_start3A_65] : memref<32x157x2x64xi32, #tpu.memory_space<hbm>> -> memref<1x1x2x64xi32, #tpu.memory_space<hbm>>
    %dma_start3A_67 = tpu.memref_squeeze %dma_start3A_66 : memref<1x1x2x64xi32, #tpu.memory_space<hbm>> -> memref<2x64xi32, #tpu.memory_space<hbm>>
    %dma_start3A_68 = arith.constant 0 : i32
    %dma_start3A_69 = arith.constant 0 : i32
    %dma_start3A_70 = tpu.memref_slice %arg6[%dma_start3A_59, %dma_start3A_68, %dma_start3A_69] : memref<5x2x64xi32, #tpu.memory_space<vmem>> -> memref<1x2x64xi32, #tpu.memory_space<vmem>>
    %dma_start3A_71 = tpu.memref_squeeze %dma_start3A_70 : memref<1x2x64xi32, #tpu.memory_space<vmem>> -> memref<2x64xi32, #tpu.memory_space<vmem>>
    %dma_start3A_72 = arith.constant 0 : i32
    %dma_start3A_73 = arith.constant 0 : i32
    %dma_start3A_74 = tpu.memref_slice %arg3[%add3A, %dma_start3A_58, %dma_start3A_72, %dma_start3A_73] : memref<32x157x2x64xi32, #tpu.memory_space<hbm>> -> memref<1x1x2x64xi32, #tpu.memory_space<hbm>>
    %dma_start3A_75 = tpu.memref_squeeze %dma_start3A_74 : memref<1x1x2x64xi32, #tpu.memory_space<hbm>> -> memref<2x64xi32, #tpu.memory_space<hbm>>
    tpu.enqueue_dma source(%dma_start3A_75 : memref<2x64xi32, #tpu.memory_space<hbm>>) target(%dma_start3A_71 : memref<2x64xi32, #tpu.memory_space<vmem>>) target_semaphore(%arg12 : memref<!tpu.dma_semaphore, #tpu.memory_space<semaphore_mem>>)
    %dma_start3A_76 = arith.constant 4 : i32
    %dma_start3A_77 = arith.constant 4 : i32
    %dma_start3A_78 = arith.constant 0 : i32
    %dma_start3A_79 = arith.constant 0 : i32
    %dma_start3A_80 = tpu.memref_slice %arg6[%dma_start3A_77, %dma_start3A_78, %dma_start3A_79] : memref<5x2x64xi32, #tpu.memory_space<vmem>> -> memref<1x2x64xi32, #tpu.memory_space<vmem>>
    %dma_start3A_81 = tpu.memref_squeeze %dma_start3A_80 : memref<1x2x64xi32, #tpu.memory_space<vmem>> -> memref<2x64xi32, #tpu.memory_space<vmem>>
    %dma_start3A_82 = arith.constant 0 : i32
    %dma_start3A_83 = arith.constant 0 : i32
    %dma_start3A_84 = tpu.memref_slice %arg3[%add3A, %dma_start3A_76, %dma_start3A_82, %dma_start3A_83] : memref<32x157x2x64xi32, #tpu.memory_space<hbm>> -> memref<1x1x2x64xi32, #tpu.memory_space<hbm>>
    %dma_start3A_85 = tpu.memref_squeeze %dma_start3A_84 : memref<1x1x2x64xi32, #tpu.memory_space<hbm>> -> memref<2x64xi32, #tpu.memory_space<hbm>>
    %dma_start3A_86 = arith.constant 0 : i32
    %dma_start3A_87 = arith.constant 0 : i32
    %dma_start3A_88 = tpu.memref_slice %arg6[%dma_start3A_77, %dma_start3A_86, %dma_start3A_87] : memref<5x2x64xi32, #tpu.memory_space<vmem>> -> memref<1x2x64xi32, #tpu.memory_space<vmem>>
    %dma_start3A_89 = tpu.memref_squeeze %dma_start3A_88 : memref<1x2x64xi32, #tpu.memory_space<vmem>> -> memref<2x64xi32, #tpu.memory_space<vmem>>
    %dma_start3A_90 = arith.constant 0 : i32
    %dma_start3A_91 = arith.constant 0 : i32
    %dma_start3A_92 = tpu.memref_slice %arg3[%add3A, %dma_start3A_76, %dma_start3A_90, %dma_start3A_91] : memref<32x157x2x64xi32, #tpu.memory_space<hbm>> -> memref<1x1x2x64xi32, #tpu.memory_space<hbm>>
    %dma_start3A_93 = tpu.memref_squeeze %dma_start3A_92 : memref<1x1x2x64xi32, #tpu.memory_space<hbm>> -> memref<2x64xi32, #tpu.memory_space<hbm>>
    tpu.enqueue_dma source(%dma_start3A_93 : memref<2x64xi32, #tpu.memory_space<hbm>>) target(%dma_start3A_89 : memref<2x64xi32, #tpu.memory_space<vmem>>) target_semaphore(%arg13 : memref<!tpu.dma_semaphore, #tpu.memory_space<semaphore_mem>>)
    %dma_wait3A = arith.constant 0 : i32
    %dma_wait3A_94 = arith.constant 0 : i32
    %dma_wait3A_95 = arith.constant 0 : i32
    %dma_wait3A_96 = arith.constant 0 : i32
    %dma_wait3A_97 = tpu.memref_slice %arg6[%dma_wait3A_94, %dma_wait3A_95, %dma_wait3A_96] : memref<5x2x64xi32, #tpu.memory_space<vmem>> -> memref<1x2x64xi32, #tpu.memory_space<vmem>>
    %dma_wait3A_98 = tpu.memref_squeeze %dma_wait3A_97 : memref<1x2x64xi32, #tpu.memory_space<vmem>> -> memref<2x64xi32, #tpu.memory_space<vmem>>
    %dma_wait3A_99 = arith.constant 0 : i32
    %dma_wait3A_100 = arith.constant 0 : i32
    %dma_wait3A_101 = tpu.memref_slice %arg3[%add3A, %dma_wait3A, %dma_wait3A_99, %dma_wait3A_100] : memref<32x157x2x64xi32, #tpu.memory_space<hbm>> -> memref<1x1x2x64xi32, #tpu.memory_space<hbm>>
    %dma_wait3A_102 = tpu.memref_squeeze %dma_wait3A_101 : memref<1x1x2x64xi32, #tpu.memory_space<hbm>> -> memref<2x64xi32, #tpu.memory_space<hbm>>
    %dma_wait3A_103 = arith.constant 0 : i32
    %dma_wait3A_104 = arith.constant 0 : i32
    %dma_wait3A_105 = tpu.memref_slice %arg6[%dma_wait3A_94, %dma_wait3A_103, %dma_wait3A_104] : memref<5x2x64xi32, #tpu.memory_space<vmem>> -> memref<1x2x64xi32, #tpu.memory_space<vmem>>
    %dma_wait3A_106 = tpu.memref_squeeze %dma_wait3A_105 : memref<1x2x64xi32, #tpu.memory_space<vmem>> -> memref<2x64xi32, #tpu.memory_space<vmem>>
    %dma_wait3A_107 = arith.constant 0 : i32
    %dma_wait3A_108 = arith.constant 0 : i32
    %dma_wait3A_109 = tpu.memref_slice %arg3[%add3A, %dma_wait3A, %dma_wait3A_107, %dma_wait3A_108] : memref<32x157x2x64xi32, #tpu.memory_space<hbm>> -> memref<1x1x2x64xi32, #tpu.memory_space<hbm>>
    %dma_wait3A_110 = tpu.memref_squeeze %dma_wait3A_109 : memref<1x1x2x64xi32, #tpu.memory_space<hbm>> -> memref<2x64xi32, #tpu.memory_space<hbm>>
    tpu.wait_dma2 semaphore(%arg9 : memref<!tpu.dma_semaphore, #tpu.memory_space<semaphore_mem>>) src(%dma_wait3A_110 : memref<2x64xi32, #tpu.memory_space<hbm>>) dst(%dma_wait3A_106 : memref<2x64xi32, #tpu.memory_space<vmem>>)
    %dma_start3A_111 = arith.constant 0 : i32
    %dma_start3A_112 = arith.constant 0 : i32
    %dma_start3A_113 = arith.constant 0 : i32
    %dma_start3A_114 = arith.constant 0 : i32
    %dma_start3A_115 = arith.constant 0 : i32
    %dma_start3A_116 = tpu.memref_slice %arg7[%dma_start3A_113, %dma_start3A_114, %dma_start3A_115] : memref<5x64x128xf32, #tpu.memory_space<vmem>> -> memref<1x64x128xf32, #tpu.memory_space<vmem>>
    %dma_start3A_117 = tpu.memref_squeeze %dma_start3A_116 : memref<1x64x128xf32, #tpu.memory_space<vmem>> -> memref<64x128xf32, #tpu.memory_space<vmem>>
    %dma_start3A_118 = arith.constant 0 : i32
    %dma_start3A_119 = tpu.memref_slice %arg6[%dma_start3A_111, %dma_start3A_112, %dma_start3A_118] : memref<5x2x64xi32, #tpu.memory_space<vmem>> -> memref<1x1x64xi32, #tpu.memory_space<vmem>>
    %dma_start3A_120 = tpu.memref_squeeze %dma_start3A_119 : memref<1x1x64xi32, #tpu.memory_space<vmem>> -> memref<64xi32, #tpu.memory_space<vmem>>
    %dma_start3A_121 = arith.constant 0 : i32
    %dma_start3A_122 = arith.constant 0 : i32
    %dma_start3A_123 = tpu.memref_slice %arg2[%dma_start3A_121, %dma_start3A_122] : memref<10240x128xf32, #tpu.memory_space<hbm>> -> memref<10240x128xf32, #tpu.memory_space<hbm>>
    tpu.enqueue_indirect_dma source(%dma_start3A_123 : memref<10240x128xf32, #tpu.memory_space<hbm>>) target(%dma_start3A_117 : memref<64x128xf32, #tpu.memory_space<vmem>>) offsets(%dma_start3A_120 : memref<64xi32, #tpu.memory_space<vmem>>) semaphore(%arg14 : memref<!tpu.dma_semaphore, #tpu.memory_space<semaphore_mem>>)
    %dma_wait3A_124 = arith.constant 1 : i32
    %dma_wait3A_125 = arith.constant 1 : i32
    %dma_wait3A_126 = arith.constant 0 : i32
    %dma_wait3A_127 = arith.constant 0 : i32
    %dma_wait3A_128 = tpu.memref_slice %arg6[%dma_wait3A_125, %dma_wait3A_126, %dma_wait3A_127] : memref<5x2x64xi32, #tpu.memory_space<vmem>> -> memref<1x2x64xi32, #tpu.memory_space<vmem>>
    %dma_wait3A_129 = tpu.memref_squeeze %dma_wait3A_128 : memref<1x2x64xi32, #tpu.memory_space<vmem>> -> memref<2x64xi32, #tpu.memory_space<vmem>>
    %dma_wait3A_130 = arith.constant 0 : i32
    %dma_wait3A_131 = arith.constant 0 : i32
    %dma_wait3A_132 = tpu.memref_slice %arg3[%add3A, %dma_wait3A_124, %dma_wait3A_130, %dma_wait3A_131] : memref<32x157x2x64xi32, #tpu.memory_space<hbm>> -> memref<1x1x2x64xi32, #tpu.memory_space<hbm>>
    %dma_wait3A_133 = tpu.memref_squeeze %dma_wait3A_132 : memref<1x1x2x64xi32, #tpu.memory_space<hbm>> -> memref<2x64xi32, #tpu.memory_space<hbm>>
    %dma_wait3A_134 = arith.constant 0 : i32
    %dma_wait3A_135 = arith.constant 0 : i32
    %dma_wait3A_136 = tpu.memref_slice %arg6[%dma_wait3A_125, %dma_wait3A_134, %dma_wait3A_135] : memref<5x2x64xi32, #tpu.memory_space<vmem>> -> memref<1x2x64xi32, #tpu.memory_space<vmem>>
    %dma_wait3A_137 = tpu.memref_squeeze %dma_wait3A_136 : memref<1x2x64xi32, #tpu.memory_space<vmem>> -> memref<2x64xi32, #tpu.memory_space<vmem>>
    %dma_wait3A_138 = arith.constant 0 : i32
    %dma_wait3A_139 = arith.constant 0 : i32
    %dma_wait3A_140 = tpu.memref_slice %arg3[%add3A, %dma_wait3A_124, %dma_wait3A_138, %dma_wait3A_139] : memref<32x157x2x64xi32, #tpu.memory_space<hbm>> -> memref<1x1x2x64xi32, #tpu.memory_space<hbm>>
    %dma_wait3A_141 = tpu.memref_squeeze %dma_wait3A_140 : memref<1x1x2x64xi32, #tpu.memory_space<hbm>> -> memref<2x64xi32, #tpu.memory_space<hbm>>
    tpu.wait_dma2 semaphore(%arg10 : memref<!tpu.dma_semaphore, #tpu.memory_space<semaphore_mem>>) src(%dma_wait3A_141 : memref<2x64xi32, #tpu.memory_space<hbm>>) dst(%dma_wait3A_137 : memref<2x64xi32, #tpu.memory_space<vmem>>)
    %dma_start3A_142 = arith.constant 1 : i32
    %dma_start3A_143 = arith.constant 0 : i32
    %dma_start3A_144 = arith.constant 1 : i32
    %dma_start3A_145 = arith.constant 0 : i32
    %dma_start3A_146 = arith.constant 0 : i32
    %dma_start3A_147 = tpu.memref_slice %arg7[%dma_start3A_144, %dma_start3A_145, %dma_start3A_146] : memref<5x64x128xf32, #tpu.memory_space<vmem>> -> memref<1x64x128xf32, #tpu.memory_space<vmem>>
    %dma_start3A_148 = tpu.memref_squeeze %dma_start3A_147 : memref<1x64x128xf32, #tpu.memory_space<vmem>> -> memref<64x128xf32, #tpu.memory_space<vmem>>
    %dma_start3A_149 = arith.constant 0 : i32
    %dma_start3A_150 = tpu.memref_slice %arg6[%dma_start3A_142, %dma_start3A_143, %dma_start3A_149] : memref<5x2x64xi32, #tpu.memory_space<vmem>> -> memref<1x1x64xi32, #tpu.memory_space<vmem>>
    %dma_start3A_151 = tpu.memref_squeeze %dma_start3A_150 : memref<1x1x64xi32, #tpu.memory_space<vmem>> -> memref<64xi32, #tpu.memory_space<vmem>>
    %dma_start3A_152 = arith.constant 0 : i32
    %dma_start3A_153 = arith.constant 0 : i32
    %dma_start3A_154 = tpu.memref_slice %arg2[%dma_start3A_152, %dma_start3A_153] : memref<10240x128xf32, #tpu.memory_space<hbm>> -> memref<10240x128xf32, #tpu.memory_space<hbm>>
    tpu.enqueue_indirect_dma source(%dma_start3A_154 : memref<10240x128xf32, #tpu.memory_space<hbm>>) target(%dma_start3A_148 : memref<64x128xf32, #tpu.memory_space<vmem>>) offsets(%dma_start3A_151 : memref<64xi32, #tpu.memory_space<vmem>>) semaphore(%arg15 : memref<!tpu.dma_semaphore, #tpu.memory_space<semaphore_mem>>)
    %dma_wait3A_155 = arith.constant 2 : i32
    %dma_wait3A_156 = arith.constant 2 : i32
    %dma_wait3A_157 = arith.constant 0 : i32
    %dma_wait3A_158 = arith.constant 0 : i32
    %dma_wait3A_159 = tpu.memref_slice %arg6[%dma_wait3A_156, %dma_wait3A_157, %dma_wait3A_158] : memref<5x2x64xi32, #tpu.memory_space<vmem>> -> memref<1x2x64xi32, #tpu.memory_space<vmem>>
    %dma_wait3A_160 = tpu.memref_squeeze %dma_wait3A_159 : memref<1x2x64xi32, #tpu.memory_space<vmem>> -> memref<2x64xi32, #tpu.memory_space<vmem>>
    %dma_wait3A_161 = arith.constant 0 : i32
    %dma_wait3A_162 = arith.constant 0 : i32
    %dma_wait3A_163 = tpu.memref_slice %arg3[%add3A, %dma_wait3A_155, %dma_wait3A_161, %dma_wait3A_162] : memref<32x157x2x64xi32, #tpu.memory_space<hbm>> -> memref<1x1x2x64xi32, #tpu.memory_space<hbm>>
    %dma_wait3A_164 = tpu.memref_squeeze %dma_wait3A_163 : memref<1x1x2x64xi32, #tpu.memory_space<hbm>> -> memref<2x64xi32, #tpu.memory_space<hbm>>
    %dma_wait3A_165 = arith.constant 0 : i32
    %dma_wait3A_166 = arith.constant 0 : i32
    %dma_wait3A_167 = tpu.memref_slice %arg6[%dma_wait3A_156, %dma_wait3A_165, %dma_wait3A_166] : memref<5x2x64xi32, #tpu.memory_space<vmem>> -> memref<1x2x64xi32, #tpu.memory_space<vmem>>
    %dma_wait3A_168 = tpu.memref_squeeze %dma_wait3A_167 : memref<1x2x64xi32, #tpu.memory_space<vmem>> -> memref<2x64xi32, #tpu.memory_space<vmem>>
    %dma_wait3A_169 = arith.constant 0 : i32
    %dma_wait3A_170 = arith.constant 0 : i32
    %dma_wait3A_171 = tpu.memref_slice %arg3[%add3A, %dma_wait3A_155, %dma_wait3A_169, %dma_wait3A_170] : memref<32x157x2x64xi32, #tpu.memory_space<hbm>> -> memref<1x1x2x64xi32, #tpu.memory_space<hbm>>
    %dma_wait3A_172 = tpu.memref_squeeze %dma_wait3A_171 : memref<1x1x2x64xi32, #tpu.memory_space<hbm>> -> memref<2x64xi32, #tpu.memory_space<hbm>>
    tpu.wait_dma2 semaphore(%arg11 : memref<!tpu.dma_semaphore, #tpu.memory_space<semaphore_mem>>) src(%dma_wait3A_172 : memref<2x64xi32, #tpu.memory_space<hbm>>) dst(%dma_wait3A_168 : memref<2x64xi32, #tpu.memory_space<vmem>>)
    %dma_start3A_173 = arith.constant 2 : i32
    %dma_start3A_174 = arith.constant 0 : i32
    %dma_start3A_175 = arith.constant 2 : i32
    %dma_start3A_176 = arith.constant 0 : i32
    %dma_start3A_177 = arith.constant 0 : i32
    %dma_start3A_178 = tpu.memref_slice %arg7[%dma_start3A_175, %dma_start3A_176, %dma_start3A_177] : memref<5x64x128xf32, #tpu.memory_space<vmem>> -> memref<1x64x128xf32, #tpu.memory_space<vmem>>
    %dma_start3A_179 = tpu.memref_squeeze %dma_start3A_178 : memref<1x64x128xf32, #tpu.memory_space<vmem>> -> memref<64x128xf32, #tpu.memory_space<vmem>>
    %dma_start3A_180 = arith.constant 0 : i32
    %dma_start3A_181 = tpu.memref_slice %arg6[%dma_start3A_173, %dma_start3A_174, %dma_start3A_180] : memref<5x2x64xi32, #tpu.memory_space<vmem>> -> memref<1x1x64xi32, #tpu.memory_space<vmem>>
    %dma_start3A_182 = tpu.memref_squeeze %dma_start3A_181 : memref<1x1x64xi32, #tpu.memory_space<vmem>> -> memref<64xi32, #tpu.memory_space<vmem>>
    %dma_start3A_183 = arith.constant 0 : i32
    %dma_start3A_184 = arith.constant 0 : i32
    %dma_start3A_185 = tpu.memref_slice %arg2[%dma_start3A_183, %dma_start3A_184] : memref<10240x128xf32, #tpu.memory_space<hbm>> -> memref<10240x128xf32, #tpu.memory_space<hbm>>
    tpu.enqueue_indirect_dma source(%dma_start3A_185 : memref<10240x128xf32, #tpu.memory_space<hbm>>) target(%dma_start3A_179 : memref<64x128xf32, #tpu.memory_space<vmem>>) offsets(%dma_start3A_182 : memref<64xi32, #tpu.memory_space<vmem>>) semaphore(%arg16 : memref<!tpu.dma_semaphore, #tpu.memory_space<semaphore_mem>>)
    %dma_wait3A_186 = arith.constant 3 : i32
    %dma_wait3A_187 = arith.constant 3 : i32
    %dma_wait3A_188 = arith.constant 0 : i32
    %dma_wait3A_189 = arith.constant 0 : i32
    %dma_wait3A_190 = tpu.memref_slice %arg6[%dma_wait3A_187, %dma_wait3A_188, %dma_wait3A_189] : memref<5x2x64xi32, #tpu.memory_space<vmem>> -> memref<1x2x64xi32, #tpu.memory_space<vmem>>
    %dma_wait3A_191 = tpu.memref_squeeze %dma_wait3A_190 : memref<1x2x64xi32, #tpu.memory_space<vmem>> -> memref<2x64xi32, #tpu.memory_space<vmem>>
    %dma_wait3A_192 = arith.constant 0 : i32
    %dma_wait3A_193 = arith.constant 0 : i32
    %dma_wait3A_194 = tpu.memref_slice %arg3[%add3A, %dma_wait3A_186, %dma_wait3A_192, %dma_wait3A_193] : memref<32x157x2x64xi32, #tpu.memory_space<hbm>> -> memref<1x1x2x64xi32, #tpu.memory_space<hbm>>
    %dma_wait3A_195 = tpu.memref_squeeze %dma_wait3A_194 : memref<1x1x2x64xi32, #tpu.memory_space<hbm>> -> memref<2x64xi32, #tpu.memory_space<hbm>>
    %dma_wait3A_196 = arith.constant 0 : i32
    %dma_wait3A_197 = arith.constant 0 : i32
    %dma_wait3A_198 = tpu.memref_slice %arg6[%dma_wait3A_187, %dma_wait3A_196, %dma_wait3A_197] : memref<5x2x64xi32, #tpu.memory_space<vmem>> -> memref<1x2x64xi32, #tpu.memory_space<vmem>>
    %dma_wait3A_199 = tpu.memref_squeeze %dma_wait3A_198 : memref<1x2x64xi32, #tpu.memory_space<vmem>> -> memref<2x64xi32, #tpu.memory_space<vmem>>
    %dma_wait3A_200 = arith.constant 0 : i32
    %dma_wait3A_201 = arith.constant 0 : i32
    %dma_wait3A_202 = tpu.memref_slice %arg3[%add3A, %dma_wait3A_186, %dma_wait3A_200, %dma_wait3A_201] : memref<32x157x2x64xi32, #tpu.memory_space<hbm>> -> memref<1x1x2x64xi32, #tpu.memory_space<hbm>>
    %dma_wait3A_203 = tpu.memref_squeeze %dma_wait3A_202 : memref<1x1x2x64xi32, #tpu.memory_space<hbm>> -> memref<2x64xi32, #tpu.memory_space<hbm>>
    tpu.wait_dma2 semaphore(%arg12 : memref<!tpu.dma_semaphore, #tpu.memory_space<semaphore_mem>>) src(%dma_wait3A_203 : memref<2x64xi32, #tpu.memory_space<hbm>>) dst(%dma_wait3A_199 : memref<2x64xi32, #tpu.memory_space<vmem>>)
    %dma_start3A_204 = arith.constant 3 : i32
    %dma_start3A_205 = arith.constant 0 : i32
    %dma_start3A_206 = arith.constant 3 : i32
    %dma_start3A_207 = arith.constant 0 : i32
    %dma_start3A_208 = arith.constant 0 : i32
    %dma_start3A_209 = tpu.memref_slice %arg7[%dma_start3A_206, %dma_start3A_207, %dma_start3A_208] : memref<5x64x128xf32, #tpu.memory_space<vmem>> -> memref<1x64x128xf32, #tpu.memory_space<vmem>>
    %dma_start3A_210 = tpu.memref_squeeze %dma_start3A_209 : memref<1x64x128xf32, #tpu.memory_space<vmem>> -> memref<64x128xf32, #tpu.memory_space<vmem>>
    %dma_start3A_211 = arith.constant 0 : i32
    %dma_start3A_212 = tpu.memref_slice %arg6[%dma_start3A_204, %dma_start3A_205, %dma_start3A_211] : memref<5x2x64xi32, #tpu.memory_space<vmem>> -> memref<1x1x64xi32, #tpu.memory_space<vmem>>
    %dma_start3A_213 = tpu.memref_squeeze %dma_start3A_212 : memref<1x1x64xi32, #tpu.memory_space<vmem>> -> memref<64xi32, #tpu.memory_space<vmem>>
    %dma_start3A_214 = arith.constant 0 : i32
    %dma_start3A_215 = arith.constant 0 : i32
    %dma_start3A_216 = tpu.memref_slice %arg2[%dma_start3A_214, %dma_start3A_215] : memref<10240x128xf32, #tpu.memory_space<hbm>> -> memref<10240x128xf32, #tpu.memory_space<hbm>>
    tpu.enqueue_indirect_dma source(%dma_start3A_216 : memref<10240x128xf32, #tpu.memory_space<hbm>>) target(%dma_start3A_210 : memref<64x128xf32, #tpu.memory_space<vmem>>) offsets(%dma_start3A_213 : memref<64xi32, #tpu.memory_space<vmem>>) semaphore(%arg17 : memref<!tpu.dma_semaphore, #tpu.memory_space<semaphore_mem>>)
    %dma_wait3A_217 = arith.constant 4 : i32
    %dma_wait3A_218 = arith.constant 4 : i32
    %dma_wait3A_219 = arith.constant 0 : i32
    %dma_wait3A_220 = arith.constant 0 : i32
    %dma_wait3A_221 = tpu.memref_slice %arg6[%dma_wait3A_218, %dma_wait3A_219, %dma_wait3A_220] : memref<5x2x64xi32, #tpu.memory_space<vmem>> -> memref<1x2x64xi32, #tpu.memory_space<vmem>>
    %dma_wait3A_222 = tpu.memref_squeeze %dma_wait3A_221 : memref<1x2x64xi32, #tpu.memory_space<vmem>> -> memref<2x64xi32, #tpu.memory_space<vmem>>
    %dma_wait3A_223 = arith.constant 0 : i32
    %dma_wait3A_224 = arith.constant 0 : i32
    %dma_wait3A_225 = tpu.memref_slice %arg3[%add3A, %dma_wait3A_217, %dma_wait3A_223, %dma_wait3A_224] : memref<32x157x2x64xi32, #tpu.memory_space<hbm>> -> memref<1x1x2x64xi32, #tpu.memory_space<hbm>>
    %dma_wait3A_226 = tpu.memref_squeeze %dma_wait3A_225 : memref<1x1x2x64xi32, #tpu.memory_space<hbm>> -> memref<2x64xi32, #tpu.memory_space<hbm>>
    %dma_wait3A_227 = arith.constant 0 : i32
    %dma_wait3A_228 = arith.constant 0 : i32
    %dma_wait3A_229 = tpu.memref_slice %arg6[%dma_wait3A_218, %dma_wait3A_227, %dma_wait3A_228] : memref<5x2x64xi32, #tpu.memory_space<vmem>> -> memref<1x2x64xi32, #tpu.memory_space<vmem>>
    %dma_wait3A_230 = tpu.memref_squeeze %dma_wait3A_229 : memref<1x2x64xi32, #tpu.memory_space<vmem>> -> memref<2x64xi32, #tpu.memory_space<vmem>>
    %dma_wait3A_231 = arith.constant 0 : i32
    %dma_wait3A_232 = arith.constant 0 : i32
    %dma_wait3A_233 = tpu.memref_slice %arg3[%add3A, %dma_wait3A_217, %dma_wait3A_231, %dma_wait3A_232] : memref<32x157x2x64xi32, #tpu.memory_space<hbm>> -> memref<1x1x2x64xi32, #tpu.memory_space<hbm>>
    %dma_wait3A_234 = tpu.memref_squeeze %dma_wait3A_233 : memref<1x1x2x64xi32, #tpu.memory_space<hbm>> -> memref<2x64xi32, #tpu.memory_space<hbm>>
    tpu.wait_dma2 semaphore(%arg13 : memref<!tpu.dma_semaphore, #tpu.memory_space<semaphore_mem>>) src(%dma_wait3A_234 : memref<2x64xi32, #tpu.memory_space<hbm>>) dst(%dma_wait3A_230 : memref<2x64xi32, #tpu.memory_space<vmem>>)
    %dma_start3A_235 = arith.constant 4 : i32
    %dma_start3A_236 = arith.constant 0 : i32
    %dma_start3A_237 = arith.constant 4 : i32
    %dma_start3A_238 = arith.constant 0 : i32
    %dma_start3A_239 = arith.constant 0 : i32
    %dma_start3A_240 = tpu.memref_slice %arg7[%dma_start3A_237, %dma_start3A_238, %dma_start3A_239] : memref<5x64x128xf32, #tpu.memory_space<vmem>> -> memref<1x64x128xf32, #tpu.memory_space<vmem>>
    %dma_start3A_241 = tpu.memref_squeeze %dma_start3A_240 : memref<1x64x128xf32, #tpu.memory_space<vmem>> -> memref<64x128xf32, #tpu.memory_space<vmem>>
    %dma_start3A_242 = arith.constant 0 : i32
    %dma_start3A_243 = tpu.memref_slice %arg6[%dma_start3A_235, %dma_start3A_236, %dma_start3A_242] : memref<5x2x64xi32, #tpu.memory_space<vmem>> -> memref<1x1x64xi32, #tpu.memory_space<vmem>>
    %dma_start3A_244 = tpu.memref_squeeze %dma_start3A_243 : memref<1x1x64xi32, #tpu.memory_space<vmem>> -> memref<64xi32, #tpu.memory_space<vmem>>
    %dma_start3A_245 = arith.constant 0 : i32
    %dma_start3A_246 = arith.constant 0 : i32
    %dma_start3A_247 = tpu.memref_slice %arg2[%dma_start3A_245, %dma_start3A_246] : memref<10240x128xf32, #tpu.memory_space<hbm>> -> memref<10240x128xf32, #tpu.memory_space<hbm>>
    tpu.enqueue_indirect_dma source(%dma_start3A_247 : memref<10240x128xf32, #tpu.memory_space<hbm>>) target(%dma_start3A_241 : memref<64x128xf32, #tpu.memory_space<vmem>>) offsets(%dma_start3A_244 : memref<64xi32, #tpu.memory_space<vmem>>) semaphore(%arg18 : memref<!tpu.dma_semaphore, #tpu.memory_space<semaphore_mem>>)
    %scan3A = arith.constant 0 : i32
    %scan3A_248 = arith.constant 0 : i32
    %scan3A_249 = arith.constant 31 : i32
    %scan3A_250 = arith.addi %scan3A_248, %scan3A_249 : i32
    %scan3A_251 = arith.constant 1 : i32
    scf.for %scan3A_323 = %scan3A_248 to %scan3A_250 step %scan3A_251  : i32 {
      %mul3A_324 = arith.constant 5 : i32
      %mul3A_325 = arith.muli %mul3A_324, %scan3A_323 : i32
      %dma_wait3A_326 = arith.constant 0 : i32
      %dma_wait3A_327 = arith.constant 0 : i32
      %dma_wait3A_328 = arith.constant 0 : i32
      %dma_wait3A_329 = arith.constant 0 : i32
      %dma_wait3A_330 = arith.constant 0 : i32
      %dma_wait3A_331 = tpu.memref_slice %arg7[%dma_wait3A_328, %dma_wait3A_329, %dma_wait3A_330] : memref<5x64x128xf32, #tpu.memory_space<vmem>> -> memref<1x64x128xf32, #tpu.memory_space<vmem>>
      %dma_wait3A_332 = tpu.memref_squeeze %dma_wait3A_331 : memref<1x64x128xf32, #tpu.memory_space<vmem>> -> memref<64x128xf32, #tpu.memory_space<vmem>>
      %dma_wait3A_333 = arith.constant 0 : i32
      %dma_wait3A_334 = tpu.memref_slice %arg6[%dma_wait3A_326, %dma_wait3A_327, %dma_wait3A_333] : memref<5x2x64xi32, #tpu.memory_space<vmem>> -> memref<1x1x64xi32, #tpu.memory_space<vmem>>
      %dma_wait3A_335 = tpu.memref_squeeze %dma_wait3A_334 : memref<1x1x64xi32, #tpu.memory_space<vmem>> -> memref<64xi32, #tpu.memory_space<vmem>>
      %dma_wait3A_336 = arith.constant 0 : i32
      %dma_wait3A_337 = arith.constant 0 : i32
      %dma_wait3A_338 = tpu.memref_slice %arg2[%dma_wait3A_336, %dma_wait3A_337] : memref<10240x128xf32, #tpu.memory_space<hbm>> -> memref<10240x128xf32, #tpu.memory_space<hbm>>
      tpu.wait_indirect_dma semaphore(%arg14 : memref<!tpu.dma_semaphore, #tpu.memory_space<semaphore_mem>>) src(%dma_wait3A_338 : memref<10240x128xf32, #tpu.memory_space<hbm>>) dst(%dma_wait3A_332 : memref<64x128xf32, #tpu.memory_space<vmem>>)
      %dma_start3A_339 = arith.constant 0 : i32
      %dma_start3A_340 = arith.constant 0 : i32
      %dma_start3A_341 = arith.constant 1 : i32
      %dma_start3A_342 = arith.constant 0 : i32
      %dma_start3A_343 = arith.constant 0 : i32
      %dma_start3A_344 = tpu.memref_slice %arg7[%dma_start3A_339, %dma_start3A_342, %dma_start3A_343] : memref<5x64x128xf32, #tpu.memory_space<vmem>> -> memref<1x64x128xf32, #tpu.memory_space<vmem>>
      %dma_start3A_345 = tpu.memref_squeeze %dma_start3A_344 : memref<1x64x128xf32, #tpu.memory_space<vmem>> -> memref<64x128xf32, #tpu.memory_space<vmem>>
      %dma_start3A_346 = arith.constant 0 : i32
      %dma_start3A_347 = tpu.memref_slice %arg6[%dma_start3A_340, %dma_start3A_341, %dma_start3A_346] : memref<5x2x64xi32, #tpu.memory_space<vmem>> -> memref<1x1x64xi32, #tpu.memory_space<vmem>>
      %dma_start3A_348 = tpu.memref_squeeze %dma_start3A_347 : memref<1x1x64xi32, #tpu.memory_space<vmem>> -> memref<64xi32, #tpu.memory_space<vmem>>
      %dma_start3A_349 = arith.constant 0 : i32
      %dma_start3A_350 = arith.constant 0 : i32
      %dma_start3A_351 = tpu.memref_slice %arg8[%dma_start3A_349, %dma_start3A_350] : memref<10240x128xf32, #tpu.memory_space<vmem_shared>> -> memref<10240x128xf32, #tpu.memory_space<vmem_shared>>
      tpu.enqueue_indirect_dma source(%dma_start3A_345 : memref<64x128xf32, #tpu.memory_space<vmem>>) target(%dma_start3A_351 : memref<10240x128xf32, #tpu.memory_space<vmem_shared>>) offsets(%dma_start3A_348 : memref<64xi32, #tpu.memory_space<vmem>>) semaphore(%arg19 : memref<!tpu.dma_semaphore, #tpu.memory_space<semaphore_mem>>) {add = true}
      %dma_wait3A_352 = arith.constant 1 : i32
      %dma_wait3A_353 = arith.constant 0 : i32
      %dma_wait3A_354 = arith.constant 1 : i32
      %dma_wait3A_355 = arith.constant 0 : i32
      %dma_wait3A_356 = arith.constant 0 : i32
      %dma_wait3A_357 = tpu.memref_slice %arg7[%dma_wait3A_354, %dma_wait3A_355, %dma_wait3A_356] : memref<5x64x128xf32, #tpu.memory_space<vmem>> -> memref<1x64x128xf32, #tpu.memory_space<vmem>>
      %dma_wait3A_358 = tpu.memref_squeeze %dma_wait3A_357 : memref<1x64x128xf32, #tpu.memory_space<vmem>> -> memref<64x128xf32, #tpu.memory_space<vmem>>
      %dma_wait3A_359 = arith.constant 0 : i32
      %dma_wait3A_360 = tpu.memref_slice %arg6[%dma_wait3A_352, %dma_wait3A_353, %dma_wait3A_359] : memref<5x2x64xi32, #tpu.memory_space<vmem>> -> memref<1x1x64xi32, #tpu.memory_space<vmem>>
      %dma_wait3A_361 = tpu.memref_squeeze %dma_wait3A_360 : memref<1x1x64xi32, #tpu.memory_space<vmem>> -> memref<64xi32, #tpu.memory_space<vmem>>
      %dma_wait3A_362 = arith.constant 0 : i32
      %dma_wait3A_363 = arith.constant 0 : i32
      %dma_wait3A_364 = tpu.memref_slice %arg2[%dma_wait3A_362, %dma_wait3A_363] : memref<10240x128xf32, #tpu.memory_space<hbm>> -> memref<10240x128xf32, #tpu.memory_space<hbm>>
      tpu.wait_indirect_dma semaphore(%arg15 : memref<!tpu.dma_semaphore, #tpu.memory_space<semaphore_mem>>) src(%dma_wait3A_364 : memref<10240x128xf32, #tpu.memory_space<hbm>>) dst(%dma_wait3A_358 : memref<64x128xf32, #tpu.memory_space<vmem>>)
      %dma_start3A_365 = arith.constant 1 : i32
      %dma_start3A_366 = arith.constant 1 : i32
      %dma_start3A_367 = arith.constant 1 : i32
      %dma_start3A_368 = arith.constant 0 : i32
      %dma_start3A_369 = arith.constant 0 : i32
      %dma_start3A_370 = tpu.memref_slice %arg7[%dma_start3A_365, %dma_start3A_368, %dma_start3A_369] : memref<5x64x128xf32, #tpu.memory_space<vmem>> -> memref<1x64x128xf32, #tpu.memory_space<vmem>>
      %dma_start3A_371 = tpu.memref_squeeze %dma_start3A_370 : memref<1x64x128xf32, #tpu.memory_space<vmem>> -> memref<64x128xf32, #tpu.memory_space<vmem>>
      %dma_start3A_372 = arith.constant 0 : i32
      %dma_start3A_373 = tpu.memref_slice %arg6[%dma_start3A_366, %dma_start3A_367, %dma_start3A_372] : memref<5x2x64xi32, #tpu.memory_space<vmem>> -> memref<1x1x64xi32, #tpu.memory_space<vmem>>
      %dma_start3A_374 = tpu.memref_squeeze %dma_start3A_373 : memref<1x1x64xi32, #tpu.memory_space<vmem>> -> memref<64xi32, #tpu.memory_space<vmem>>
      %dma_start3A_375 = arith.constant 0 : i32
      %dma_start3A_376 = arith.constant 0 : i32
      %dma_start3A_377 = tpu.memref_slice %arg8[%dma_start3A_375, %dma_start3A_376] : memref<10240x128xf32, #tpu.memory_space<vmem_shared>> -> memref<10240x128xf32, #tpu.memory_space<vmem_shared>>
      tpu.enqueue_indirect_dma source(%dma_start3A_371 : memref<64x128xf32, #tpu.memory_space<vmem>>) target(%dma_start3A_377 : memref<10240x128xf32, #tpu.memory_space<vmem_shared>>) offsets(%dma_start3A_374 : memref<64xi32, #tpu.memory_space<vmem>>) semaphore(%arg20 : memref<!tpu.dma_semaphore, #tpu.memory_space<semaphore_mem>>) {add = true}
      %dma_wait3A_378 = arith.constant 2 : i32
      %dma_wait3A_379 = arith.constant 0 : i32
      %dma_wait3A_380 = arith.constant 2 : i32
      %dma_wait3A_381 = arith.constant 0 : i32
      %dma_wait3A_382 = arith.constant 0 : i32
      %dma_wait3A_383 = tpu.memref_slice %arg7[%dma_wait3A_380, %dma_wait3A_381, %dma_wait3A_382] : memref<5x64x128xf32, #tpu.memory_space<vmem>> -> memref<1x64x128xf32, #tpu.memory_space<vmem>>
      %dma_wait3A_384 = tpu.memref_squeeze %dma_wait3A_383 : memref<1x64x128xf32, #tpu.memory_space<vmem>> -> memref<64x128xf32, #tpu.memory_space<vmem>>
      %dma_wait3A_385 = arith.constant 0 : i32
      %dma_wait3A_386 = tpu.memref_slice %arg6[%dma_wait3A_378, %dma_wait3A_379, %dma_wait3A_385] : memref<5x2x64xi32, #tpu.memory_space<vmem>> -> memref<1x1x64xi32, #tpu.memory_space<vmem>>
      %dma_wait3A_387 = tpu.memref_squeeze %dma_wait3A_386 : memref<1x1x64xi32, #tpu.memory_space<vmem>> -> memref<64xi32, #tpu.memory_space<vmem>>
      %dma_wait3A_388 = arith.constant 0 : i32
      %dma_wait3A_389 = arith.constant 0 : i32
      %dma_wait3A_390 = tpu.memref_slice %arg2[%dma_wait3A_388, %dma_wait3A_389] : memref<10240x128xf32, #tpu.memory_space<hbm>> -> memref<10240x128xf32, #tpu.memory_space<hbm>>
      tpu.wait_indirect_dma semaphore(%arg16 : memref<!tpu.dma_semaphore, #tpu.memory_space<semaphore_mem>>) src(%dma_wait3A_390 : memref<10240x128xf32, #tpu.memory_space<hbm>>) dst(%dma_wait3A_384 : memref<64x128xf32, #tpu.memory_space<vmem>>)
      %dma_start3A_391 = arith.constant 2 : i32
      %dma_start3A_392 = arith.constant 2 : i32
      %dma_start3A_393 = arith.constant 1 : i32
      %dma_start3A_394 = arith.constant 0 : i32
      %dma_start3A_395 = arith.constant 0 : i32
      %dma_start3A_396 = tpu.memref_slice %arg7[%dma_start3A_391, %dma_start3A_394, %dma_start3A_395] : memref<5x64x128xf32, #tpu.memory_space<vmem>> -> memref<1x64x128xf32, #tpu.memory_space<vmem>>
      %dma_start3A_397 = tpu.memref_squeeze %dma_start3A_396 : memref<1x64x128xf32, #tpu.memory_space<vmem>> -> memref<64x128xf32, #tpu.memory_space<vmem>>
      %dma_start3A_398 = arith.constant 0 : i32
      %dma_start3A_399 = tpu.memref_slice %arg6[%dma_start3A_392, %dma_start3A_393, %dma_start3A_398] : memref<5x2x64xi32, #tpu.memory_space<vmem>> -> memref<1x1x64xi32, #tpu.memory_space<vmem>>
      %dma_start3A_400 = tpu.memref_squeeze %dma_start3A_399 : memref<1x1x64xi32, #tpu.memory_space<vmem>> -> memref<64xi32, #tpu.memory_space<vmem>>
      %dma_start3A_401 = arith.constant 0 : i32
      %dma_start3A_402 = arith.constant 0 : i32
      %dma_start3A_403 = tpu.memref_slice %arg8[%dma_start3A_401, %dma_start3A_402] : memref<10240x128xf32, #tpu.memory_space<vmem_shared>> -> memref<10240x128xf32, #tpu.memory_space<vmem_shared>>
      tpu.enqueue_indirect_dma source(%dma_start3A_397 : memref<64x128xf32, #tpu.memory_space<vmem>>) target(%dma_start3A_403 : memref<10240x128xf32, #tpu.memory_space<vmem_shared>>) offsets(%dma_start3A_400 : memref<64xi32, #tpu.memory_space<vmem>>) semaphore(%arg21 : memref<!tpu.dma_semaphore, #tpu.memory_space<semaphore_mem>>) {add = true}
      %dma_wait3A_404 = arith.constant 3 : i32
      %dma_wait3A_405 = arith.constant 0 : i32
      %dma_wait3A_406 = arith.constant 3 : i32
      %dma_wait3A_407 = arith.constant 0 : i32
      %dma_wait3A_408 = arith.constant 0 : i32
      %dma_wait3A_409 = tpu.memref_slice %arg7[%dma_wait3A_406, %dma_wait3A_407, %dma_wait3A_408] : memref<5x64x128xf32, #tpu.memory_space<vmem>> -> memref<1x64x128xf32, #tpu.memory_space<vmem>>
      %dma_wait3A_410 = tpu.memref_squeeze %dma_wait3A_409 : memref<1x64x128xf32, #tpu.memory_space<vmem>> -> memref<64x128xf32, #tpu.memory_space<vmem>>
      %dma_wait3A_411 = arith.constant 0 : i32
      %dma_wait3A_412 = tpu.memref_slice %arg6[%dma_wait3A_404, %dma_wait3A_405, %dma_wait3A_411] : memref<5x2x64xi32, #tpu.memory_space<vmem>> -> memref<1x1x64xi32, #tpu.memory_space<vmem>>
      %dma_wait3A_413 = tpu.memref_squeeze %dma_wait3A_412 : memref<1x1x64xi32, #tpu.memory_space<vmem>> -> memref<64xi32, #tpu.memory_space<vmem>>
      %dma_wait3A_414 = arith.constant 0 : i32
      %dma_wait3A_415 = arith.constant 0 : i32
      %dma_wait3A_416 = tpu.memref_slice %arg2[%dma_wait3A_414, %dma_wait3A_415] : memref<10240x128xf32, #tpu.memory_space<hbm>> -> memref<10240x128xf32, #tpu.memory_space<hbm>>
      tpu.wait_indirect_dma semaphore(%arg17 : memref<!tpu.dma_semaphore, #tpu.memory_space<semaphore_mem>>) src(%dma_wait3A_416 : memref<10240x128xf32, #tpu.memory_space<hbm>>) dst(%dma_wait3A_410 : memref<64x128xf32, #tpu.memory_space<vmem>>)
      %dma_start3A_417 = arith.constant 3 : i32
      %dma_start3A_418 = arith.constant 3 : i32
      %dma_start3A_419 = arith.constant 1 : i32
      %dma_start3A_420 = arith.constant 0 : i32
      %dma_start3A_421 = arith.constant 0 : i32
      %dma_start3A_422 = tpu.memref_slice %arg7[%dma_start3A_417, %dma_start3A_420, %dma_start3A_421] : memref<5x64x128xf32, #tpu.memory_space<vmem>> -> memref<1x64x128xf32, #tpu.memory_space<vmem>>
      %dma_start3A_423 = tpu.memref_squeeze %dma_start3A_422 : memref<1x64x128xf32, #tpu.memory_space<vmem>> -> memref<64x128xf32, #tpu.memory_space<vmem>>
      %dma_start3A_424 = arith.constant 0 : i32
      %dma_start3A_425 = tpu.memref_slice %arg6[%dma_start3A_418, %dma_start3A_419, %dma_start3A_424] : memref<5x2x64xi32, #tpu.memory_space<vmem>> -> memref<1x1x64xi32, #tpu.memory_space<vmem>>
      %dma_start3A_426 = tpu.memref_squeeze %dma_start3A_425 : memref<1x1x64xi32, #tpu.memory_space<vmem>> -> memref<64xi32, #tpu.memory_space<vmem>>
      %dma_start3A_427 = arith.constant 0 : i32
      %dma_start3A_428 = arith.constant 0 : i32
      %dma_start3A_429 = tpu.memref_slice %arg8[%dma_start3A_427, %dma_start3A_428] : memref<10240x128xf32, #tpu.memory_space<vmem_shared>> -> memref<10240x128xf32, #tpu.memory_space<vmem_shared>>
      tpu.enqueue_indirect_dma source(%dma_start3A_423 : memref<64x128xf32, #tpu.memory_space<vmem>>) target(%dma_start3A_429 : memref<10240x128xf32, #tpu.memory_space<vmem_shared>>) offsets(%dma_start3A_426 : memref<64xi32, #tpu.memory_space<vmem>>) semaphore(%arg22 : memref<!tpu.dma_semaphore, #tpu.memory_space<semaphore_mem>>) {add = true}
      %dma_wait3A_430 = arith.constant 4 : i32
      %dma_wait3A_431 = arith.constant 0 : i32
      %dma_wait3A_432 = arith.constant 4 : i32
      %dma_wait3A_433 = arith.constant 0 : i32
      %dma_wait3A_434 = arith.constant 0 : i32
      %dma_wait3A_435 = tpu.memref_slice %arg7[%dma_wait3A_432, %dma_wait3A_433, %dma_wait3A_434] : memref<5x64x128xf32, #tpu.memory_space<vmem>> -> memref<1x64x128xf32, #tpu.memory_space<vmem>>
      %dma_wait3A_436 = tpu.memref_squeeze %dma_wait3A_435 : memref<1x64x128xf32, #tpu.memory_space<vmem>> -> memref<64x128xf32, #tpu.memory_space<vmem>>
      %dma_wait3A_437 = arith.constant 0 : i32
      %dma_wait3A_438 = tpu.memref_slice %arg6[%dma_wait3A_430, %dma_wait3A_431, %dma_wait3A_437] : memref<5x2x64xi32, #tpu.memory_space<vmem>> -> memref<1x1x64xi32, #tpu.memory_space<vmem>>
      %dma_wait3A_439 = tpu.memref_squeeze %dma_wait3A_438 : memref<1x1x64xi32, #tpu.memory_space<vmem>> -> memref<64xi32, #tpu.memory_space<vmem>>
      %dma_wait3A_440 = arith.constant 0 : i32
      %dma_wait3A_441 = arith.constant 0 : i32
      %dma_wait3A_442 = tpu.memref_slice %arg2[%dma_wait3A_440, %dma_wait3A_441] : memref<10240x128xf32, #tpu.memory_space<hbm>> -> memref<10240x128xf32, #tpu.memory_space<hbm>>
      tpu.wait_indirect_dma semaphore(%arg18 : memref<!tpu.dma_semaphore, #tpu.memory_space<semaphore_mem>>) src(%dma_wait3A_442 : memref<10240x128xf32, #tpu.memory_space<hbm>>) dst(%dma_wait3A_436 : memref<64x128xf32, #tpu.memory_space<vmem>>)
      %dma_start3A_443 = arith.constant 4 : i32
      %dma_start3A_444 = arith.constant 4 : i32
      %dma_start3A_445 = arith.constant 1 : i32
      %dma_start3A_446 = arith.constant 0 : i32
      %dma_start3A_447 = arith.constant 0 : i32
      %dma_start3A_448 = tpu.memref_slice %arg7[%dma_start3A_443, %dma_start3A_446, %dma_start3A_447] : memref<5x64x128xf32, #tpu.memory_space<vmem>> -> memref<1x64x128xf32, #tpu.memory_space<vmem>>
      %dma_start3A_449 = tpu.memref_squeeze %dma_start3A_448 : memref<1x64x128xf32, #tpu.memory_space<vmem>> -> memref<64x128xf32, #tpu.memory_space<vmem>>
      %dma_start3A_450 = arith.constant 0 : i32
      %dma_start3A_451 = tpu.memref_slice %arg6[%dma_start3A_444, %dma_start3A_445, %dma_start3A_450] : memref<5x2x64xi32, #tpu.memory_space<vmem>> -> memref<1x1x64xi32, #tpu.memory_space<vmem>>
      %dma_start3A_452 = tpu.memref_squeeze %dma_start3A_451 : memref<1x1x64xi32, #tpu.memory_space<vmem>> -> memref<64xi32, #tpu.memory_space<vmem>>
      %dma_start3A_453 = arith.constant 0 : i32
      %dma_start3A_454 = arith.constant 0 : i32
      %dma_start3A_455 = tpu.memref_slice %arg8[%dma_start3A_453, %dma_start3A_454] : memref<10240x128xf32, #tpu.memory_space<vmem_shared>> -> memref<10240x128xf32, #tpu.memory_space<vmem_shared>>
      tpu.enqueue_indirect_dma source(%dma_start3A_449 : memref<64x128xf32, #tpu.memory_space<vmem>>) target(%dma_start3A_455 : memref<10240x128xf32, #tpu.memory_space<vmem_shared>>) offsets(%dma_start3A_452 : memref<64xi32, #tpu.memory_space<vmem>>) semaphore(%arg23 : memref<!tpu.dma_semaphore, #tpu.memory_space<semaphore_mem>>) {add = true}
      %add3A_456 = arith.constant 1 : i32
      %add3A_457 = arith.addi %scan3A_323, %add3A_456 : i32
      %lt3A = arith.constant 31 : i32
      %lt3A_458 = arith.cmpi slt, %add3A_457, %lt3A : i32
      %convert_element_type3A = arith.extui %lt3A_458 : i1 to i32
      %cond3A = arith.constant 0 : i32
      %cond3A_459 = arith.cmpi ne, %convert_element_type3A, %cond3A : i32
      scf.if %cond3A_459 {
        %dma_wait3A_460 = arith.constant 0 : i32
        %dma_wait3A_461 = arith.constant 0 : i32
        %dma_wait3A_462 = arith.constant 1 : i32
        %dma_wait3A_463 = arith.constant 0 : i32
        %dma_wait3A_464 = arith.constant 0 : i32
        %dma_wait3A_465 = tpu.memref_slice %arg7[%dma_wait3A_460, %dma_wait3A_463, %dma_wait3A_464] : memref<5x64x128xf32, #tpu.memory_space<vmem>> -> memref<1x64x128xf32, #tpu.memory_space<vmem>>
        %dma_wait3A_466 = tpu.memref_squeeze %dma_wait3A_465 : memref<1x64x128xf32, #tpu.memory_space<vmem>> -> memref<64x128xf32, #tpu.memory_space<vmem>>
        %dma_wait3A_467 = arith.constant 0 : i32
        %dma_wait3A_468 = tpu.memref_slice %arg6[%dma_wait3A_461, %dma_wait3A_462, %dma_wait3A_467] : memref<5x2x64xi32, #tpu.memory_space<vmem>> -> memref<1x1x64xi32, #tpu.memory_space<vmem>>
        %dma_wait3A_469 = tpu.memref_squeeze %dma_wait3A_468 : memref<1x1x64xi32, #tpu.memory_space<vmem>> -> memref<64xi32, #tpu.memory_space<vmem>>
        %dma_wait3A_470 = arith.constant 0 : i32
        %dma_wait3A_471 = arith.constant 0 : i32
        %dma_wait3A_472 = tpu.memref_slice %arg8[%dma_wait3A_470, %dma_wait3A_471] : memref<10240x128xf32, #tpu.memory_space<vmem_shared>> -> memref<10240x128xf32, #tpu.memory_space<vmem_shared>>
        tpu.wait_indirect_dma semaphore(%arg19 : memref<!tpu.dma_semaphore, #tpu.memory_space<semaphore_mem>>) src(%dma_wait3A_466 : memref<64x128xf32, #tpu.memory_space<vmem>>) dst(%dma_wait3A_472 : memref<10240x128xf32, #tpu.memory_space<vmem_shared>>)
        %add3A_473 = arith.constant 5 : i32
        %add3A_474 = arith.addi %mul3A_325, %add3A_473 : i32
        %add3A_475 = arith.constant 0 : i32
        %add3A_476 = arith.addi %add3A_474, %add3A_475 : i32
        %dma_start3A_477 = arith.constant 0 : i32
        %dma_start3A_478 = arith.constant 0 : i32
        %dma_start3A_479 = arith.constant 0 : i32
        %dma_start3A_480 = tpu.memref_slice %arg6[%dma_start3A_477, %dma_start3A_478, %dma_start3A_479] : memref<5x2x64xi32, #tpu.memory_space<vmem>> -> memref<1x2x64xi32, #tpu.memory_space<vmem>>
        %dma_start3A_481 = tpu.memref_squeeze %dma_start3A_480 : memref<1x2x64xi32, #tpu.memory_space<vmem>> -> memref<2x64xi32, #tpu.memory_space<vmem>>
        %dma_start3A_482 = arith.constant 0 : i32
        %dma_start3A_483 = arith.constant 0 : i32
        %dma_start3A_484 = tpu.memref_slice %arg3[%add3A, %add3A_476, %dma_start3A_482, %dma_start3A_483] : memref<32x157x2x64xi32, #tpu.memory_space<hbm>> -> memref<1x1x2x64xi32, #tpu.memory_space<hbm>>
        %dma_start3A_485 = tpu.memref_squeeze %dma_start3A_484 : memref<1x1x2x64xi32, #tpu.memory_space<hbm>> -> memref<2x64xi32, #tpu.memory_space<hbm>>
        %dma_start3A_486 = arith.constant 0 : i32
        %dma_start3A_487 = arith.constant 0 : i32
        %dma_start3A_488 = tpu.memref_slice %arg6[%dma_start3A_477, %dma_start3A_486, %dma_start3A_487] : memref<5x2x64xi32, #tpu.memory_space<vmem>> -> memref<1x2x64xi32, #tpu.memory_space<vmem>>
        %dma_start3A_489 = tpu.memref_squeeze %dma_start3A_488 : memref<1x2x64xi32, #tpu.memory_space<vmem>> -> memref<2x64xi32, #tpu.memory_space<vmem>>
        %dma_start3A_490 = arith.constant 0 : i32
        %dma_start3A_491 = arith.constant 0 : i32
        %dma_start3A_492 = tpu.memref_slice %arg3[%add3A, %add3A_476, %dma_start3A_490, %dma_start3A_491] : memref<32x157x2x64xi32, #tpu.memory_space<hbm>> -> memref<1x1x2x64xi32, #tpu.memory_space<hbm>>
        %dma_start3A_493 = tpu.memref_squeeze %dma_start3A_492 : memref<1x1x2x64xi32, #tpu.memory_space<hbm>> -> memref<2x64xi32, #tpu.memory_space<hbm>>
        tpu.enqueue_dma source(%dma_start3A_493 : memref<2x64xi32, #tpu.memory_space<hbm>>) target(%dma_start3A_489 : memref<2x64xi32, #tpu.memory_space<vmem>>) target_semaphore(%arg9 : memref<!tpu.dma_semaphore, #tpu.memory_space<semaphore_mem>>)
        %dma_wait3A_494 = arith.constant 1 : i32
        %dma_wait3A_495 = arith.constant 1 : i32
        %dma_wait3A_496 = arith.constant 1 : i32
        %dma_wait3A_497 = arith.constant 0 : i32
        %dma_wait3A_498 = arith.constant 0 : i32
        %dma_wait3A_499 = tpu.memref_slice %arg7[%dma_wait3A_494, %dma_wait3A_497, %dma_wait3A_498] : memref<5x64x128xf32, #tpu.memory_space<vmem>> -> memref<1x64x128xf32, #tpu.memory_space<vmem>>
        %dma_wait3A_500 = tpu.memref_squeeze %dma_wait3A_499 : memref<1x64x128xf32, #tpu.memory_space<vmem>> -> memref<64x128xf32, #tpu.memory_space<vmem>>
        %dma_wait3A_501 = arith.constant 0 : i32
        %dma_wait3A_502 = tpu.memref_slice %arg6[%dma_wait3A_495, %dma_wait3A_496, %dma_wait3A_501] : memref<5x2x64xi32, #tpu.memory_space<vmem>> -> memref<1x1x64xi32, #tpu.memory_space<vmem>>
        %dma_wait3A_503 = tpu.memref_squeeze %dma_wait3A_502 : memref<1x1x64xi32, #tpu.memory_space<vmem>> -> memref<64xi32, #tpu.memory_space<vmem>>
        %dma_wait3A_504 = arith.constant 0 : i32
        %dma_wait3A_505 = arith.constant 0 : i32
        %dma_wait3A_506 = tpu.memref_slice %arg8[%dma_wait3A_504, %dma_wait3A_505] : memref<10240x128xf32, #tpu.memory_space<vmem_shared>> -> memref<10240x128xf32, #tpu.memory_space<vmem_shared>>
        tpu.wait_indirect_dma semaphore(%arg20 : memref<!tpu.dma_semaphore, #tpu.memory_space<semaphore_mem>>) src(%dma_wait3A_500 : memref<64x128xf32, #tpu.memory_space<vmem>>) dst(%dma_wait3A_506 : memref<10240x128xf32, #tpu.memory_space<vmem_shared>>)
        %add3A_507 = arith.constant 5 : i32
        %add3A_508 = arith.addi %mul3A_325, %add3A_507 : i32
        %add3A_509 = arith.constant 1 : i32
        %add3A_510 = arith.addi %add3A_508, %add3A_509 : i32
        %dma_start3A_511 = arith.constant 1 : i32
        %dma_start3A_512 = arith.constant 0 : i32
        %dma_start3A_513 = arith.constant 0 : i32
        %dma_start3A_514 = tpu.memref_slice %arg6[%dma_start3A_511, %dma_start3A_512, %dma_start3A_513] : memref<5x2x64xi32, #tpu.memory_space<vmem>> -> memref<1x2x64xi32, #tpu.memory_space<vmem>>
        %dma_start3A_515 = tpu.memref_squeeze %dma_start3A_514 : memref<1x2x64xi32, #tpu.memory_space<vmem>> -> memref<2x64xi32, #tpu.memory_space<vmem>>
        %dma_start3A_516 = arith.constant 0 : i32
        %dma_start3A_517 = arith.constant 0 : i32
        %dma_start3A_518 = tpu.memref_slice %arg3[%add3A, %add3A_510, %dma_start3A_516, %dma_start3A_517] : memref<32x157x2x64xi32, #tpu.memory_space<hbm>> -> memref<1x1x2x64xi32, #tpu.memory_space<hbm>>
        %dma_start3A_519 = tpu.memref_squeeze %dma_start3A_518 : memref<1x1x2x64xi32, #tpu.memory_space<hbm>> -> memref<2x64xi32, #tpu.memory_space<hbm>>
        %dma_start3A_520 = arith.constant 0 : i32
        %dma_start3A_521 = arith.constant 0 : i32
        %dma_start3A_522 = tpu.memref_slice %arg6[%dma_start3A_511, %dma_start3A_520, %dma_start3A_521] : memref<5x2x64xi32, #tpu.memory_space<vmem>> -> memref<1x2x64xi32, #tpu.memory_space<vmem>>
        %dma_start3A_523 = tpu.memref_squeeze %dma_start3A_522 : memref<1x2x64xi32, #tpu.memory_space<vmem>> -> memref<2x64xi32, #tpu.memory_space<vmem>>
        %dma_start3A_524 = arith.constant 0 : i32
        %dma_start3A_525 = arith.constant 0 : i32
        %dma_start3A_526 = tpu.memref_slice %arg3[%add3A, %add3A_510, %dma_start3A_524, %dma_start3A_525] : memref<32x157x2x64xi32, #tpu.memory_space<hbm>> -> memref<1x1x2x64xi32, #tpu.memory_space<hbm>>
        %dma_start3A_527 = tpu.memref_squeeze %dma_start3A_526 : memref<1x1x2x64xi32, #tpu.memory_space<hbm>> -> memref<2x64xi32, #tpu.memory_space<hbm>>
        tpu.enqueue_dma source(%dma_start3A_527 : memref<2x64xi32, #tpu.memory_space<hbm>>) target(%dma_start3A_523 : memref<2x64xi32, #tpu.memory_space<vmem>>) target_semaphore(%arg10 : memref<!tpu.dma_semaphore, #tpu.memory_space<semaphore_mem>>)
        %dma_wait3A_528 = arith.constant 2 : i32
        %dma_wait3A_529 = arith.constant 2 : i32
        %dma_wait3A_530 = arith.constant 1 : i32
        %dma_wait3A_531 = arith.constant 0 : i32
        %dma_wait3A_532 = arith.constant 0 : i32
        %dma_wait3A_533 = tpu.memref_slice %arg7[%dma_wait3A_528, %dma_wait3A_531, %dma_wait3A_532] : memref<5x64x128xf32, #tpu.memory_space<vmem>> -> memref<1x64x128xf32, #tpu.memory_space<vmem>>
        %dma_wait3A_534 = tpu.memref_squeeze %dma_wait3A_533 : memref<1x64x128xf32, #tpu.memory_space<vmem>> -> memref<64x128xf32, #tpu.memory_space<vmem>>
        %dma_wait3A_535 = arith.constant 0 : i32
        %dma_wait3A_536 = tpu.memref_slice %arg6[%dma_wait3A_529, %dma_wait3A_530, %dma_wait3A_535] : memref<5x2x64xi32, #tpu.memory_space<vmem>> -> memref<1x1x64xi32, #tpu.memory_space<vmem>>
        %dma_wait3A_537 = tpu.memref_squeeze %dma_wait3A_536 : memref<1x1x64xi32, #tpu.memory_space<vmem>> -> memref<64xi32, #tpu.memory_space<vmem>>
        %dma_wait3A_538 = arith.constant 0 : i32
        %dma_wait3A_539 = arith.constant 0 : i32
        %dma_wait3A_540 = tpu.memref_slice %arg8[%dma_wait3A_538, %dma_wait3A_539] : memref<10240x128xf32, #tpu.memory_space<vmem_shared>> -> memref<10240x128xf32, #tpu.memory_space<vmem_shared>>
        tpu.wait_indirect_dma semaphore(%arg21 : memref<!tpu.dma_semaphore, #tpu.memory_space<semaphore_mem>>) src(%dma_wait3A_534 : memref<64x128xf32, #tpu.memory_space<vmem>>) dst(%dma_wait3A_540 : memref<10240x128xf32, #tpu.memory_space<vmem_shared>>)
        %add3A_541 = arith.constant 5 : i32
        %add3A_542 = arith.addi %mul3A_325, %add3A_541 : i32
        %add3A_543 = arith.constant 2 : i32
        %add3A_544 = arith.addi %add3A_542, %add3A_543 : i32
        %dma_start3A_545 = arith.constant 2 : i32
        %dma_start3A_546 = arith.constant 0 : i32
        %dma_start3A_547 = arith.constant 0 : i32
        %dma_start3A_548 = tpu.memref_slice %arg6[%dma_start3A_545, %dma_start3A_546, %dma_start3A_547] : memref<5x2x64xi32, #tpu.memory_space<vmem>> -> memref<1x2x64xi32, #tpu.memory_space<vmem>>
        %dma_start3A_549 = tpu.memref_squeeze %dma_start3A_548 : memref<1x2x64xi32, #tpu.memory_space<vmem>> -> memref<2x64xi32, #tpu.memory_space<vmem>>
        %dma_start3A_550 = arith.constant 0 : i32
        %dma_start3A_551 = arith.constant 0 : i32
        %dma_start3A_552 = tpu.memref_slice %arg3[%add3A, %add3A_544, %dma_start3A_550, %dma_start3A_551] : memref<32x157x2x64xi32, #tpu.memory_space<hbm>> -> memref<1x1x2x64xi32, #tpu.memory_space<hbm>>
        %dma_start3A_553 = tpu.memref_squeeze %dma_start3A_552 : memref<1x1x2x64xi32, #tpu.memory_space<hbm>> -> memref<2x64xi32, #tpu.memory_space<hbm>>
        %dma_start3A_554 = arith.constant 0 : i32
        %dma_start3A_555 = arith.constant 0 : i32
        %dma_start3A_556 = tpu.memref_slice %arg6[%dma_start3A_545, %dma_start3A_554, %dma_start3A_555] : memref<5x2x64xi32, #tpu.memory_space<vmem>> -> memref<1x2x64xi32, #tpu.memory_space<vmem>>
        %dma_start3A_557 = tpu.memref_squeeze %dma_start3A_556 : memref<1x2x64xi32, #tpu.memory_space<vmem>> -> memref<2x64xi32, #tpu.memory_space<vmem>>
        %dma_start3A_558 = arith.constant 0 : i32
        %dma_start3A_559 = arith.constant 0 : i32
        %dma_start3A_560 = tpu.memref_slice %arg3[%add3A, %add3A_544, %dma_start3A_558, %dma_start3A_559] : memref<32x157x2x64xi32, #tpu.memory_space<hbm>> -> memref<1x1x2x64xi32, #tpu.memory_space<hbm>>
        %dma_start3A_561 = tpu.memref_squeeze %dma_start3A_560 : memref<1x1x2x64xi32, #tpu.memory_space<hbm>> -> memref<2x64xi32, #tpu.memory_space<hbm>>
        tpu.enqueue_dma source(%dma_start3A_561 : memref<2x64xi32, #tpu.memory_space<hbm>>) target(%dma_start3A_557 : memref<2x64xi32, #tpu.memory_space<vmem>>) target_semaphore(%arg11 : memref<!tpu.dma_semaphore, #tpu.memory_space<semaphore_mem>>)
        %dma_wait3A_562 = arith.constant 3 : i32
        %dma_wait3A_563 = arith.constant 3 : i32
        %dma_wait3A_564 = arith.constant 1 : i32
        %dma_wait3A_565 = arith.constant 0 : i32
        %dma_wait3A_566 = arith.constant 0 : i32
        %dma_wait3A_567 = tpu.memref_slice %arg7[%dma_wait3A_562, %dma_wait3A_565, %dma_wait3A_566] : memref<5x64x128xf32, #tpu.memory_space<vmem>> -> memref<1x64x128xf32, #tpu.memory_space<vmem>>
        %dma_wait3A_568 = tpu.memref_squeeze %dma_wait3A_567 : memref<1x64x128xf32, #tpu.memory_space<vmem>> -> memref<64x128xf32, #tpu.memory_space<vmem>>
        %dma_wait3A_569 = arith.constant 0 : i32
        %dma_wait3A_570 = tpu.memref_slice %arg6[%dma_wait3A_563, %dma_wait3A_564, %dma_wait3A_569] : memref<5x2x64xi32, #tpu.memory_space<vmem>> -> memref<1x1x64xi32, #tpu.memory_space<vmem>>
        %dma_wait3A_571 = tpu.memref_squeeze %dma_wait3A_570 : memref<1x1x64xi32, #tpu.memory_space<vmem>> -> memref<64xi32, #tpu.memory_space<vmem>>
        %dma_wait3A_572 = arith.constant 0 : i32
        %dma_wait3A_573 = arith.constant 0 : i32
        %dma_wait3A_574 = tpu.memref_slice %arg8[%dma_wait3A_572, %dma_wait3A_573] : memref<10240x128xf32, #tpu.memory_space<vmem_shared>> -> memref<10240x128xf32, #tpu.memory_space<vmem_shared>>
        tpu.wait_indirect_dma semaphore(%arg22 : memref<!tpu.dma_semaphore, #tpu.memory_space<semaphore_mem>>) src(%dma_wait3A_568 : memref<64x128xf32, #tpu.memory_space<vmem>>) dst(%dma_wait3A_574 : memref<10240x128xf32, #tpu.memory_space<vmem_shared>>)
        %add3A_575 = arith.constant 5 : i32
        %add3A_576 = arith.addi %mul3A_325, %add3A_575 : i32
        %add3A_577 = arith.constant 3 : i32
        %add3A_578 = arith.addi %add3A_576, %add3A_577 : i32
        %dma_start3A_579 = arith.constant 3 : i32
        %dma_start3A_580 = arith.constant 0 : i32
        %dma_start3A_581 = arith.constant 0 : i32
        %dma_start3A_582 = tpu.memref_slice %arg6[%dma_start3A_579, %dma_start3A_580, %dma_start3A_581] : memref<5x2x64xi32, #tpu.memory_space<vmem>> -> memref<1x2x64xi32, #tpu.memory_space<vmem>>
        %dma_start3A_583 = tpu.memref_squeeze %dma_start3A_582 : memref<1x2x64xi32, #tpu.memory_space<vmem>> -> memref<2x64xi32, #tpu.memory_space<vmem>>
        %dma_start3A_584 = arith.constant 0 : i32
        %dma_start3A_585 = arith.constant 0 : i32
        %dma_start3A_586 = tpu.memref_slice %arg3[%add3A, %add3A_578, %dma_start3A_584, %dma_start3A_585] : memref<32x157x2x64xi32, #tpu.memory_space<hbm>> -> memref<1x1x2x64xi32, #tpu.memory_space<hbm>>
        %dma_start3A_587 = tpu.memref_squeeze %dma_start3A_586 : memref<1x1x2x64xi32, #tpu.memory_space<hbm>> -> memref<2x64xi32, #tpu.memory_space<hbm>>
        %dma_start3A_588 = arith.constant 0 : i32
        %dma_start3A_589 = arith.constant 0 : i32
        %dma_start3A_590 = tpu.memref_slice %arg6[%dma_start3A_579, %dma_start3A_588, %dma_start3A_589] : memref<5x2x64xi32, #tpu.memory_space<vmem>> -> memref<1x2x64xi32, #tpu.memory_space<vmem>>
        %dma_start3A_591 = tpu.memref_squeeze %dma_start3A_590 : memref<1x2x64xi32, #tpu.memory_space<vmem>> -> memref<2x64xi32, #tpu.memory_space<vmem>>
        %dma_start3A_592 = arith.constant 0 : i32
        %dma_start3A_593 = arith.constant 0 : i32
        %dma_start3A_594 = tpu.memref_slice %arg3[%add3A, %add3A_578, %dma_start3A_592, %dma_start3A_593] : memref<32x157x2x64xi32, #tpu.memory_space<hbm>> -> memref<1x1x2x64xi32, #tpu.memory_space<hbm>>
        %dma_start3A_595 = tpu.memref_squeeze %dma_start3A_594 : memref<1x1x2x64xi32, #tpu.memory_space<hbm>> -> memref<2x64xi32, #tpu.memory_space<hbm>>
        tpu.enqueue_dma source(%dma_start3A_595 : memref<2x64xi32, #tpu.memory_space<hbm>>) target(%dma_start3A_591 : memref<2x64xi32, #tpu.memory_space<vmem>>) target_semaphore(%arg12 : memref<!tpu.dma_semaphore, #tpu.memory_space<semaphore_mem>>)
        %dma_wait3A_596 = arith.constant 4 : i32
        %dma_wait3A_597 = arith.constant 4 : i32
        %dma_wait3A_598 = arith.constant 1 : i32
        %dma_wait3A_599 = arith.constant 0 : i32
        %dma_wait3A_600 = arith.constant 0 : i32
        %dma_wait3A_601 = tpu.memref_slice %arg7[%dma_wait3A_596, %dma_wait3A_599, %dma_wait3A_600] : memref<5x64x128xf32, #tpu.memory_space<vmem>> -> memref<1x64x128xf32, #tpu.memory_space<vmem>>
        %dma_wait3A_602 = tpu.memref_squeeze %dma_wait3A_601 : memref<1x64x128xf32, #tpu.memory_space<vmem>> -> memref<64x128xf32, #tpu.memory_space<vmem>>
        %dma_wait3A_603 = arith.constant 0 : i32
        %dma_wait3A_604 = tpu.memref_slice %arg6[%dma_wait3A_597, %dma_wait3A_598, %dma_wait3A_603] : memref<5x2x64xi32, #tpu.memory_space<vmem>> -> memref<1x1x64xi32, #tpu.memory_space<vmem>>
        %dma_wait3A_605 = tpu.memref_squeeze %dma_wait3A_604 : memref<1x1x64xi32, #tpu.memory_space<vmem>> -> memref<64xi32, #tpu.memory_space<vmem>>
        %dma_wait3A_606 = arith.constant 0 : i32
        %dma_wait3A_607 = arith.constant 0 : i32
        %dma_wait3A_608 = tpu.memref_slice %arg8[%dma_wait3A_606, %dma_wait3A_607] : memref<10240x128xf32, #tpu.memory_space<vmem_shared>> -> memref<10240x128xf32, #tpu.memory_space<vmem_shared>>
        tpu.wait_indirect_dma semaphore(%arg23 : memref<!tpu.dma_semaphore, #tpu.memory_space<semaphore_mem>>) src(%dma_wait3A_602 : memref<64x128xf32, #tpu.memory_space<vmem>>) dst(%dma_wait3A_608 : memref<10240x128xf32, #tpu.memory_space<vmem_shared>>)
        %add3A_609 = arith.constant 5 : i32
        %add3A_610 = arith.addi %mul3A_325, %add3A_609 : i32
        %add3A_611 = arith.constant 4 : i32
        %add3A_612 = arith.addi %add3A_610, %add3A_611 : i32
        %dma_start3A_613 = arith.constant 4 : i32
        %dma_start3A_614 = arith.constant 0 : i32
        %dma_start3A_615 = arith.constant 0 : i32
        %dma_start3A_616 = tpu.memref_slice %arg6[%dma_start3A_613, %dma_start3A_614, %dma_start3A_615] : memref<5x2x64xi32, #tpu.memory_space<vmem>> -> memref<1x2x64xi32, #tpu.memory_space<vmem>>
        %dma_start3A_617 = tpu.memref_squeeze %dma_start3A_616 : memref<1x2x64xi32, #tpu.memory_space<vmem>> -> memref<2x64xi32, #tpu.memory_space<vmem>>
        %dma_start3A_618 = arith.constant 0 : i32
        %dma_start3A_619 = arith.constant 0 : i32
        %dma_start3A_620 = tpu.memref_slice %arg3[%add3A, %add3A_612, %dma_start3A_618, %dma_start3A_619] : memref<32x157x2x64xi32, #tpu.memory_space<hbm>> -> memref<1x1x2x64xi32, #tpu.memory_space<hbm>>
        %dma_start3A_621 = tpu.memref_squeeze %dma_start3A_620 : memref<1x1x2x64xi32, #tpu.memory_space<hbm>> -> memref<2x64xi32, #tpu.memory_space<hbm>>
        %dma_start3A_622 = arith.constant 0 : i32
        %dma_start3A_623 = arith.constant 0 : i32
        %dma_start3A_624 = tpu.memref_slice %arg6[%dma_start3A_613, %dma_start3A_622, %dma_start3A_623] : memref<5x2x64xi32, #tpu.memory_space<vmem>> -> memref<1x2x64xi32, #tpu.memory_space<vmem>>
        %dma_start3A_625 = tpu.memref_squeeze %dma_start3A_624 : memref<1x2x64xi32, #tpu.memory_space<vmem>> -> memref<2x64xi32, #tpu.memory_space<vmem>>
        %dma_start3A_626 = arith.constant 0 : i32
        %dma_start3A_627 = arith.constant 0 : i32
        %dma_start3A_628 = tpu.memref_slice %arg3[%add3A, %add3A_612, %dma_start3A_626, %dma_start3A_627] : memref<32x157x2x64xi32, #tpu.memory_space<hbm>> -> memref<1x1x2x64xi32, #tpu.memory_space<hbm>>
        %dma_start3A_629 = tpu.memref_squeeze %dma_start3A_628 : memref<1x1x2x64xi32, #tpu.memory_space<hbm>> -> memref<2x64xi32, #tpu.memory_space<hbm>>
        tpu.enqueue_dma source(%dma_start3A_629 : memref<2x64xi32, #tpu.memory_space<hbm>>) target(%dma_start3A_625 : memref<2x64xi32, #tpu.memory_space<vmem>>) target_semaphore(%arg13 : memref<!tpu.dma_semaphore, #tpu.memory_space<semaphore_mem>>)
        %add3A_630 = arith.constant 5 : i32
        %add3A_631 = arith.addi %mul3A_325, %add3A_630 : i32
        %add3A_632 = arith.constant 0 : i32
        %add3A_633 = arith.addi %add3A_631, %add3A_632 : i32
        %dma_wait3A_634 = arith.constant 0 : i32
        %dma_wait3A_635 = arith.constant 0 : i32
        %dma_wait3A_636 = arith.constant 0 : i32
        %dma_wait3A_637 = tpu.memref_slice %arg6[%dma_wait3A_634, %dma_wait3A_635, %dma_wait3A_636] : memref<5x2x64xi32, #tpu.memory_space<vmem>> -> memref<1x2x64xi32, #tpu.memory_space<vmem>>
        %dma_wait3A_638 = tpu.memref_squeeze %dma_wait3A_637 : memref<1x2x64xi32, #tpu.memory_space<vmem>> -> memref<2x64xi32, #tpu.memory_space<vmem>>
        %dma_wait3A_639 = arith.constant 0 : i32
        %dma_wait3A_640 = arith.constant 0 : i32
        %dma_wait3A_641 = tpu.memref_slice %arg3[%add3A, %add3A_633, %dma_wait3A_639, %dma_wait3A_640] : memref<32x157x2x64xi32, #tpu.memory_space<hbm>> -> memref<1x1x2x64xi32, #tpu.memory_space<hbm>>
        %dma_wait3A_642 = tpu.memref_squeeze %dma_wait3A_641 : memref<1x1x2x64xi32, #tpu.memory_space<hbm>> -> memref<2x64xi32, #tpu.memory_space<hbm>>
        %dma_wait3A_643 = arith.constant 0 : i32
        %dma_wait3A_644 = arith.constant 0 : i32
        %dma_wait3A_645 = tpu.memref_slice %arg6[%dma_wait3A_634, %dma_wait3A_643, %dma_wait3A_644] : memref<5x2x64xi32, #tpu.memory_space<vmem>> -> memref<1x2x64xi32, #tpu.memory_space<vmem>>
        %dma_wait3A_646 = tpu.memref_squeeze %dma_wait3A_645 : memref<1x2x64xi32, #tpu.memory_space<vmem>> -> memref<2x64xi32, #tpu.memory_space<vmem>>
        %dma_wait3A_647 = arith.constant 0 : i32
        %dma_wait3A_648 = arith.constant 0 : i32
        %dma_wait3A_649 = tpu.memref_slice %arg3[%add3A, %add3A_633, %dma_wait3A_647, %dma_wait3A_648] : memref<32x157x2x64xi32, #tpu.memory_space<hbm>> -> memref<1x1x2x64xi32, #tpu.memory_space<hbm>>
        %dma_wait3A_650 = tpu.memref_squeeze %dma_wait3A_649 : memref<1x1x2x64xi32, #tpu.memory_space<hbm>> -> memref<2x64xi32, #tpu.memory_space<hbm>>
        tpu.wait_dma2 semaphore(%arg9 : memref<!tpu.dma_semaphore, #tpu.memory_space<semaphore_mem>>) src(%dma_wait3A_650 : memref<2x64xi32, #tpu.memory_space<hbm>>) dst(%dma_wait3A_646 : memref<2x64xi32, #tpu.memory_space<vmem>>)
        %dma_start3A_651 = arith.constant 0 : i32
        %dma_start3A_652 = arith.constant 0 : i32
        %dma_start3A_653 = arith.constant 0 : i32
        %dma_start3A_654 = arith.constant 0 : i32
        %dma_start3A_655 = arith.constant 0 : i32
        %dma_start3A_656 = tpu.memref_slice %arg7[%dma_start3A_653, %dma_start3A_654, %dma_start3A_655] : memref<5x64x128xf32, #tpu.memory_space<vmem>> -> memref<1x64x128xf32, #tpu.memory_space<vmem>>
        %dma_start3A_657 = tpu.memref_squeeze %dma_start3A_656 : memref<1x64x128xf32, #tpu.memory_space<vmem>> -> memref<64x128xf32, #tpu.memory_space<vmem>>
        %dma_start3A_658 = arith.constant 0 : i32
        %dma_start3A_659 = tpu.memref_slice %arg6[%dma_start3A_651, %dma_start3A_652, %dma_start3A_658] : memref<5x2x64xi32, #tpu.memory_space<vmem>> -> memref<1x1x64xi32, #tpu.memory_space<vmem>>
        %dma_start3A_660 = tpu.memref_squeeze %dma_start3A_659 : memref<1x1x64xi32, #tpu.memory_space<vmem>> -> memref<64xi32, #tpu.memory_space<vmem>>
        %dma_start3A_661 = arith.constant 0 : i32
        %dma_start3A_662 = arith.constant 0 : i32
        %dma_start3A_663 = tpu.memref_slice %arg2[%dma_start3A_661, %dma_start3A_662] : memref<10240x128xf32, #tpu.memory_space<hbm>> -> memref<10240x128xf32, #tpu.memory_space<hbm>>
        tpu.enqueue_indirect_dma source(%dma_start3A_663 : memref<10240x128xf32, #tpu.memory_space<hbm>>) target(%dma_start3A_657 : memref<64x128xf32, #tpu.memory_space<vmem>>) offsets(%dma_start3A_660 : memref<64xi32, #tpu.memory_space<vmem>>) semaphore(%arg14 : memref<!tpu.dma_semaphore, #tpu.memory_space<semaphore_mem>>)
        %add3A_664 = arith.constant 5 : i32
        %add3A_665 = arith.addi %mul3A_325, %add3A_664 : i32
        %add3A_666 = arith.constant 1 : i32
        %add3A_667 = arith.addi %add3A_665, %add3A_666 : i32
        %dma_wait3A_668 = arith.constant 1 : i32
        %dma_wait3A_669 = arith.constant 0 : i32
        %dma_wait3A_670 = arith.constant 0 : i32
        %dma_wait3A_671 = tpu.memref_slice %arg6[%dma_wait3A_668, %dma_wait3A_669, %dma_wait3A_670] : memref<5x2x64xi32, #tpu.memory_space<vmem>> -> memref<1x2x64xi32, #tpu.memory_space<vmem>>
        %dma_wait3A_672 = tpu.memref_squeeze %dma_wait3A_671 : memref<1x2x64xi32, #tpu.memory_space<vmem>> -> memref<2x64xi32, #tpu.memory_space<vmem>>
        %dma_wait3A_673 = arith.constant 0 : i32
        %dma_wait3A_674 = arith.constant 0 : i32
        %dma_wait3A_675 = tpu.memref_slice %arg3[%add3A, %add3A_667, %dma_wait3A_673, %dma_wait3A_674] : memref<32x157x2x64xi32, #tpu.memory_space<hbm>> -> memref<1x1x2x64xi32, #tpu.memory_space<hbm>>
        %dma_wait3A_676 = tpu.memref_squeeze %dma_wait3A_675 : memref<1x1x2x64xi32, #tpu.memory_space<hbm>> -> memref<2x64xi32, #tpu.memory_space<hbm>>
        %dma_wait3A_677 = arith.constant 0 : i32
        %dma_wait3A_678 = arith.constant 0 : i32
        %dma_wait3A_679 = tpu.memref_slice %arg6[%dma_wait3A_668, %dma_wait3A_677, %dma_wait3A_678] : memref<5x2x64xi32, #tpu.memory_space<vmem>> -> memref<1x2x64xi32, #tpu.memory_space<vmem>>
        %dma_wait3A_680 = tpu.memref_squeeze %dma_wait3A_679 : memref<1x2x64xi32, #tpu.memory_space<vmem>> -> memref<2x64xi32, #tpu.memory_space<vmem>>
        %dma_wait3A_681 = arith.constant 0 : i32
        %dma_wait3A_682 = arith.constant 0 : i32
        %dma_wait3A_683 = tpu.memref_slice %arg3[%add3A, %add3A_667, %dma_wait3A_681, %dma_wait3A_682] : memref<32x157x2x64xi32, #tpu.memory_space<hbm>> -> memref<1x1x2x64xi32, #tpu.memory_space<hbm>>
        %dma_wait3A_684 = tpu.memref_squeeze %dma_wait3A_683 : memref<1x1x2x64xi32, #tpu.memory_space<hbm>> -> memref<2x64xi32, #tpu.memory_space<hbm>>
        tpu.wait_dma2 semaphore(%arg10 : memref<!tpu.dma_semaphore, #tpu.memory_space<semaphore_mem>>) src(%dma_wait3A_684 : memref<2x64xi32, #tpu.memory_space<hbm>>) dst(%dma_wait3A_680 : memref<2x64xi32, #tpu.memory_space<vmem>>)
        %dma_start3A_685 = arith.constant 1 : i32
        %dma_start3A_686 = arith.constant 0 : i32
        %dma_start3A_687 = arith.constant 1 : i32
        %dma_start3A_688 = arith.constant 0 : i32
        %dma_start3A_689 = arith.constant 0 : i32
        %dma_start3A_690 = tpu.memref_slice %arg7[%dma_start3A_687, %dma_start3A_688, %dma_start3A_689] : memref<5x64x128xf32, #tpu.memory_space<vmem>> -> memref<1x64x128xf32, #tpu.memory_space<vmem>>
        %dma_start3A_691 = tpu.memref_squeeze %dma_start3A_690 : memref<1x64x128xf32, #tpu.memory_space<vmem>> -> memref<64x128xf32, #tpu.memory_space<vmem>>
        %dma_start3A_692 = arith.constant 0 : i32
        %dma_start3A_693 = tpu.memref_slice %arg6[%dma_start3A_685, %dma_start3A_686, %dma_start3A_692] : memref<5x2x64xi32, #tpu.memory_space<vmem>> -> memref<1x1x64xi32, #tpu.memory_space<vmem>>
        %dma_start3A_694 = tpu.memref_squeeze %dma_start3A_693 : memref<1x1x64xi32, #tpu.memory_space<vmem>> -> memref<64xi32, #tpu.memory_space<vmem>>
        %dma_start3A_695 = arith.constant 0 : i32
        %dma_start3A_696 = arith.constant 0 : i32
        %dma_start3A_697 = tpu.memref_slice %arg2[%dma_start3A_695, %dma_start3A_696] : memref<10240x128xf32, #tpu.memory_space<hbm>> -> memref<10240x128xf32, #tpu.memory_space<hbm>>
        tpu.enqueue_indirect_dma source(%dma_start3A_697 : memref<10240x128xf32, #tpu.memory_space<hbm>>) target(%dma_start3A_691 : memref<64x128xf32, #tpu.memory_space<vmem>>) offsets(%dma_start3A_694 : memref<64xi32, #tpu.memory_space<vmem>>) semaphore(%arg15 : memref<!tpu.dma_semaphore, #tpu.memory_space<semaphore_mem>>)
        %add3A_698 = arith.constant 5 : i32
        %add3A_699 = arith.addi %mul3A_325, %add3A_698 : i32
        %add3A_700 = arith.constant 2 : i32
        %add3A_701 = arith.addi %add3A_699, %add3A_700 : i32
        %dma_wait3A_702 = arith.constant 2 : i32
        %dma_wait3A_703 = arith.constant 0 : i32
        %dma_wait3A_704 = arith.constant 0 : i32
        %dma_wait3A_705 = tpu.memref_slice %arg6[%dma_wait3A_702, %dma_wait3A_703, %dma_wait3A_704] : memref<5x2x64xi32, #tpu.memory_space<vmem>> -> memref<1x2x64xi32, #tpu.memory_space<vmem>>
        %dma_wait3A_706 = tpu.memref_squeeze %dma_wait3A_705 : memref<1x2x64xi32, #tpu.memory_space<vmem>> -> memref<2x64xi32, #tpu.memory_space<vmem>>
        %dma_wait3A_707 = arith.constant 0 : i32
        %dma_wait3A_708 = arith.constant 0 : i32
        %dma_wait3A_709 = tpu.memref_slice %arg3[%add3A, %add3A_701, %dma_wait3A_707, %dma_wait3A_708] : memref<32x157x2x64xi32, #tpu.memory_space<hbm>> -> memref<1x1x2x64xi32, #tpu.memory_space<hbm>>
        %dma_wait3A_710 = tpu.memref_squeeze %dma_wait3A_709 : memref<1x1x2x64xi32, #tpu.memory_space<hbm>> -> memref<2x64xi32, #tpu.memory_space<hbm>>
        %dma_wait3A_711 = arith.constant 0 : i32
        %dma_wait3A_712 = arith.constant 0 : i32
        %dma_wait3A_713 = tpu.memref_slice %arg6[%dma_wait3A_702, %dma_wait3A_711, %dma_wait3A_712] : memref<5x2x64xi32, #tpu.memory_space<vmem>> -> memref<1x2x64xi32, #tpu.memory_space<vmem>>
        %dma_wait3A_714 = tpu.memref_squeeze %dma_wait3A_713 : memref<1x2x64xi32, #tpu.memory_space<vmem>> -> memref<2x64xi32, #tpu.memory_space<vmem>>
        %dma_wait3A_715 = arith.constant 0 : i32
        %dma_wait3A_716 = arith.constant 0 : i32
        %dma_wait3A_717 = tpu.memref_slice %arg3[%add3A, %add3A_701, %dma_wait3A_715, %dma_wait3A_716] : memref<32x157x2x64xi32, #tpu.memory_space<hbm>> -> memref<1x1x2x64xi32, #tpu.memory_space<hbm>>
        %dma_wait3A_718 = tpu.memref_squeeze %dma_wait3A_717 : memref<1x1x2x64xi32, #tpu.memory_space<hbm>> -> memref<2x64xi32, #tpu.memory_space<hbm>>
        tpu.wait_dma2 semaphore(%arg11 : memref<!tpu.dma_semaphore, #tpu.memory_space<semaphore_mem>>) src(%dma_wait3A_718 : memref<2x64xi32, #tpu.memory_space<hbm>>) dst(%dma_wait3A_714 : memref<2x64xi32, #tpu.memory_space<vmem>>)
        %dma_start3A_719 = arith.constant 2 : i32
        %dma_start3A_720 = arith.constant 0 : i32
        %dma_start3A_721 = arith.constant 2 : i32
        %dma_start3A_722 = arith.constant 0 : i32
        %dma_start3A_723 = arith.constant 0 : i32
        %dma_start3A_724 = tpu.memref_slice %arg7[%dma_start3A_721, %dma_start3A_722, %dma_start3A_723] : memref<5x64x128xf32, #tpu.memory_space<vmem>> -> memref<1x64x128xf32, #tpu.memory_space<vmem>>
        %dma_start3A_725 = tpu.memref_squeeze %dma_start3A_724 : memref<1x64x128xf32, #tpu.memory_space<vmem>> -> memref<64x128xf32, #tpu.memory_space<vmem>>
        %dma_start3A_726 = arith.constant 0 : i32
        %dma_start3A_727 = tpu.memref_slice %arg6[%dma_start3A_719, %dma_start3A_720, %dma_start3A_726] : memref<5x2x64xi32, #tpu.memory_space<vmem>> -> memref<1x1x64xi32, #tpu.memory_space<vmem>>
        %dma_start3A_728 = tpu.memref_squeeze %dma_start3A_727 : memref<1x1x64xi32, #tpu.memory_space<vmem>> -> memref<64xi32, #tpu.memory_space<vmem>>
        %dma_start3A_729 = arith.constant 0 : i32
        %dma_start3A_730 = arith.constant 0 : i32
        %dma_start3A_731 = tpu.memref_slice %arg2[%dma_start3A_729, %dma_start3A_730] : memref<10240x128xf32, #tpu.memory_space<hbm>> -> memref<10240x128xf32, #tpu.memory_space<hbm>>
        tpu.enqueue_indirect_dma source(%dma_start3A_731 : memref<10240x128xf32, #tpu.memory_space<hbm>>) target(%dma_start3A_725 : memref<64x128xf32, #tpu.memory_space<vmem>>) offsets(%dma_start3A_728 : memref<64xi32, #tpu.memory_space<vmem>>) semaphore(%arg16 : memref<!tpu.dma_semaphore, #tpu.memory_space<semaphore_mem>>)
        %add3A_732 = arith.constant 5 : i32
        %add3A_733 = arith.addi %mul3A_325, %add3A_732 : i32
        %add3A_734 = arith.constant 3 : i32
        %add3A_735 = arith.addi %add3A_733, %add3A_734 : i32
        %dma_wait3A_736 = arith.constant 3 : i32
        %dma_wait3A_737 = arith.constant 0 : i32
        %dma_wait3A_738 = arith.constant 0 : i32
        %dma_wait3A_739 = tpu.memref_slice %arg6[%dma_wait3A_736, %dma_wait3A_737, %dma_wait3A_738] : memref<5x2x64xi32, #tpu.memory_space<vmem>> -> memref<1x2x64xi32, #tpu.memory_space<vmem>>
        %dma_wait3A_740 = tpu.memref_squeeze %dma_wait3A_739 : memref<1x2x64xi32, #tpu.memory_space<vmem>> -> memref<2x64xi32, #tpu.memory_space<vmem>>
        %dma_wait3A_741 = arith.constant 0 : i32
        %dma_wait3A_742 = arith.constant 0 : i32
        %dma_wait3A_743 = tpu.memref_slice %arg3[%add3A, %add3A_735, %dma_wait3A_741, %dma_wait3A_742] : memref<32x157x2x64xi32, #tpu.memory_space<hbm>> -> memref<1x1x2x64xi32, #tpu.memory_space<hbm>>
        %dma_wait3A_744 = tpu.memref_squeeze %dma_wait3A_743 : memref<1x1x2x64xi32, #tpu.memory_space<hbm>> -> memref<2x64xi32, #tpu.memory_space<hbm>>
        %dma_wait3A_745 = arith.constant 0 : i32
        %dma_wait3A_746 = arith.constant 0 : i32
        %dma_wait3A_747 = tpu.memref_slice %arg6[%dma_wait3A_736, %dma_wait3A_745, %dma_wait3A_746] : memref<5x2x64xi32, #tpu.memory_space<vmem>> -> memref<1x2x64xi32, #tpu.memory_space<vmem>>
        %dma_wait3A_748 = tpu.memref_squeeze %dma_wait3A_747 : memref<1x2x64xi32, #tpu.memory_space<vmem>> -> memref<2x64xi32, #tpu.memory_space<vmem>>
        %dma_wait3A_749 = arith.constant 0 : i32
        %dma_wait3A_750 = arith.constant 0 : i32
        %dma_wait3A_751 = tpu.memref_slice %arg3[%add3A, %add3A_735, %dma_wait3A_749, %dma_wait3A_750] : memref<32x157x2x64xi32, #tpu.memory_space<hbm>> -> memref<1x1x2x64xi32, #tpu.memory_space<hbm>>
        %dma_wait3A_752 = tpu.memref_squeeze %dma_wait3A_751 : memref<1x1x2x64xi32, #tpu.memory_space<hbm>> -> memref<2x64xi32, #tpu.memory_space<hbm>>
        tpu.wait_dma2 semaphore(%arg12 : memref<!tpu.dma_semaphore, #tpu.memory_space<semaphore_mem>>) src(%dma_wait3A_752 : memref<2x64xi32, #tpu.memory_space<hbm>>) dst(%dma_wait3A_748 : memref<2x64xi32, #tpu.memory_space<vmem>>)
        %dma_start3A_753 = arith.constant 3 : i32
        %dma_start3A_754 = arith.constant 0 : i32
        %dma_start3A_755 = arith.constant 3 : i32
        %dma_start3A_756 = arith.constant 0 : i32
        %dma_start3A_757 = arith.constant 0 : i32
        %dma_start3A_758 = tpu.memref_slice %arg7[%dma_start3A_755, %dma_start3A_756, %dma_start3A_757] : memref<5x64x128xf32, #tpu.memory_space<vmem>> -> memref<1x64x128xf32, #tpu.memory_space<vmem>>
        %dma_start3A_759 = tpu.memref_squeeze %dma_start3A_758 : memref<1x64x128xf32, #tpu.memory_space<vmem>> -> memref<64x128xf32, #tpu.memory_space<vmem>>
        %dma_start3A_760 = arith.constant 0 : i32
        %dma_start3A_761 = tpu.memref_slice %arg6[%dma_start3A_753, %dma_start3A_754, %dma_start3A_760] : memref<5x2x64xi32, #tpu.memory_space<vmem>> -> memref<1x1x64xi32, #tpu.memory_space<vmem>>
        %dma_start3A_762 = tpu.memref_squeeze %dma_start3A_761 : memref<1x1x64xi32, #tpu.memory_space<vmem>> -> memref<64xi32, #tpu.memory_space<vmem>>
        %dma_start3A_763 = arith.constant 0 : i32
        %dma_start3A_764 = arith.constant 0 : i32
        %dma_start3A_765 = tpu.memref_slice %arg2[%dma_start3A_763, %dma_start3A_764] : memref<10240x128xf32, #tpu.memory_space<hbm>> -> memref<10240x128xf32, #tpu.memory_space<hbm>>
        tpu.enqueue_indirect_dma source(%dma_start3A_765 : memref<10240x128xf32, #tpu.memory_space<hbm>>) target(%dma_start3A_759 : memref<64x128xf32, #tpu.memory_space<vmem>>) offsets(%dma_start3A_762 : memref<64xi32, #tpu.memory_space<vmem>>) semaphore(%arg17 : memref<!tpu.dma_semaphore, #tpu.memory_space<semaphore_mem>>)
        %add3A_766 = arith.constant 5 : i32
        %add3A_767 = arith.addi %mul3A_325, %add3A_766 : i32
        %add3A_768 = arith.constant 4 : i32
        %add3A_769 = arith.addi %add3A_767, %add3A_768 : i32
        %dma_wait3A_770 = arith.constant 4 : i32
        %dma_wait3A_771 = arith.constant 0 : i32
        %dma_wait3A_772 = arith.constant 0 : i32
        %dma_wait3A_773 = tpu.memref_slice %arg6[%dma_wait3A_770, %dma_wait3A_771, %dma_wait3A_772] : memref<5x2x64xi32, #tpu.memory_space<vmem>> -> memref<1x2x64xi32, #tpu.memory_space<vmem>>
        %dma_wait3A_774 = tpu.memref_squeeze %dma_wait3A_773 : memref<1x2x64xi32, #tpu.memory_space<vmem>> -> memref<2x64xi32, #tpu.memory_space<vmem>>
        %dma_wait3A_775 = arith.constant 0 : i32
        %dma_wait3A_776 = arith.constant 0 : i32
        %dma_wait3A_777 = tpu.memref_slice %arg3[%add3A, %add3A_769, %dma_wait3A_775, %dma_wait3A_776] : memref<32x157x2x64xi32, #tpu.memory_space<hbm>> -> memref<1x1x2x64xi32, #tpu.memory_space<hbm>>
        %dma_wait3A_778 = tpu.memref_squeeze %dma_wait3A_777 : memref<1x1x2x64xi32, #tpu.memory_space<hbm>> -> memref<2x64xi32, #tpu.memory_space<hbm>>
        %dma_wait3A_779 = arith.constant 0 : i32
        %dma_wait3A_780 = arith.constant 0 : i32
        %dma_wait3A_781 = tpu.memref_slice %arg6[%dma_wait3A_770, %dma_wait3A_779, %dma_wait3A_780] : memref<5x2x64xi32, #tpu.memory_space<vmem>> -> memref<1x2x64xi32, #tpu.memory_space<vmem>>
        %dma_wait3A_782 = tpu.memref_squeeze %dma_wait3A_781 : memref<1x2x64xi32, #tpu.memory_space<vmem>> -> memref<2x64xi32, #tpu.memory_space<vmem>>
        %dma_wait3A_783 = arith.constant 0 : i32
        %dma_wait3A_784 = arith.constant 0 : i32
        %dma_wait3A_785 = tpu.memref_slice %arg3[%add3A, %add3A_769, %dma_wait3A_783, %dma_wait3A_784] : memref<32x157x2x64xi32, #tpu.memory_space<hbm>> -> memref<1x1x2x64xi32, #tpu.memory_space<hbm>>
        %dma_wait3A_786 = tpu.memref_squeeze %dma_wait3A_785 : memref<1x1x2x64xi32, #tpu.memory_space<hbm>> -> memref<2x64xi32, #tpu.memory_space<hbm>>
        tpu.wait_dma2 semaphore(%arg13 : memref<!tpu.dma_semaphore, #tpu.memory_space<semaphore_mem>>) src(%dma_wait3A_786 : memref<2x64xi32, #tpu.memory_space<hbm>>) dst(%dma_wait3A_782 : memref<2x64xi32, #tpu.memory_space<vmem>>)
        %dma_start3A_787 = arith.constant 4 : i32
        %dma_start3A_788 = arith.constant 0 : i32
        %dma_start3A_789 = arith.constant 4 : i32
        %dma_start3A_790 = arith.constant 0 : i32
        %dma_start3A_791 = arith.constant 0 : i32
        %dma_start3A_792 = tpu.memref_slice %arg7[%dma_start3A_789, %dma_start3A_790, %dma_start3A_791] : memref<5x64x128xf32, #tpu.memory_space<vmem>> -> memref<1x64x128xf32, #tpu.memory_space<vmem>>
        %dma_start3A_793 = tpu.memref_squeeze %dma_start3A_792 : memref<1x64x128xf32, #tpu.memory_space<vmem>> -> memref<64x128xf32, #tpu.memory_space<vmem>>
        %dma_start3A_794 = arith.constant 0 : i32
        %dma_start3A_795 = tpu.memref_slice %arg6[%dma_start3A_787, %dma_start3A_788, %dma_start3A_794] : memref<5x2x64xi32, #tpu.memory_space<vmem>> -> memref<1x1x64xi32, #tpu.memory_space<vmem>>
        %dma_start3A_796 = tpu.memref_squeeze %dma_start3A_795 : memref<1x1x64xi32, #tpu.memory_space<vmem>> -> memref<64xi32, #tpu.memory_space<vmem>>
        %dma_start3A_797 = arith.constant 0 : i32
        %dma_start3A_798 = arith.constant 0 : i32
        %dma_start3A_799 = tpu.memref_slice %arg2[%dma_start3A_797, %dma_start3A_798] : memref<10240x128xf32, #tpu.memory_space<hbm>> -> memref<10240x128xf32, #tpu.memory_space<hbm>>
        tpu.enqueue_indirect_dma source(%dma_start3A_799 : memref<10240x128xf32, #tpu.memory_space<hbm>>) target(%dma_start3A_793 : memref<64x128xf32, #tpu.memory_space<vmem>>) offsets(%dma_start3A_796 : memref<64xi32, #tpu.memory_space<vmem>>) semaphore(%arg18 : memref<!tpu.dma_semaphore, #tpu.memory_space<semaphore_mem>>)
      } else {
      }
    }
    %scan3A_252 = arith.constant 31 : i32
    %dma_wait3A_253 = arith.constant 0 : i32
    %dma_wait3A_254 = arith.constant 0 : i32
    %dma_wait3A_255 = arith.constant 1 : i32
    %dma_wait3A_256 = arith.constant 0 : i32
    %dma_wait3A_257 = arith.constant 0 : i32
    %dma_wait3A_258 = tpu.memref_slice %arg7[%dma_wait3A_253, %dma_wait3A_256, %dma_wait3A_257] : memref<5x64x128xf32, #tpu.memory_space<vmem>> -> memref<1x64x128xf32, #tpu.memory_space<vmem>>
    %dma_wait3A_259 = tpu.memref_squeeze %dma_wait3A_258 : memref<1x64x128xf32, #tpu.memory_space<vmem>> -> memref<64x128xf32, #tpu.memory_space<vmem>>
    %dma_wait3A_260 = arith.constant 0 : i32
    %dma_wait3A_261 = tpu.memref_slice %arg6[%dma_wait3A_254, %dma_wait3A_255, %dma_wait3A_260] : memref<5x2x64xi32, #tpu.memory_space<vmem>> -> memref<1x1x64xi32, #tpu.memory_space<vmem>>
    %dma_wait3A_262 = tpu.memref_squeeze %dma_wait3A_261 : memref<1x1x64xi32, #tpu.memory_space<vmem>> -> memref<64xi32, #tpu.memory_space<vmem>>
    %dma_wait3A_263 = arith.constant 0 : i32
    %dma_wait3A_264 = arith.constant 0 : i32
    %dma_wait3A_265 = tpu.memref_slice %arg8[%dma_wait3A_263, %dma_wait3A_264] : memref<10240x128xf32, #tpu.memory_space<vmem_shared>> -> memref<10240x128xf32, #tpu.memory_space<vmem_shared>>
    tpu.wait_indirect_dma semaphore(%arg19 : memref<!tpu.dma_semaphore, #tpu.memory_space<semaphore_mem>>) src(%dma_wait3A_259 : memref<64x128xf32, #tpu.memory_space<vmem>>) dst(%dma_wait3A_265 : memref<10240x128xf32, #tpu.memory_space<vmem_shared>>)
    %dma_wait3A_266 = arith.constant 1 : i32
    %dma_wait3A_267 = arith.constant 1 : i32
    %dma_wait3A_268 = arith.constant 1 : i32
    %dma_wait3A_269 = arith.constant 0 : i32
    %dma_wait3A_270 = arith.constant 0 : i32
    %dma_wait3A_271 = tpu.memref_slice %arg7[%dma_wait3A_266, %dma_wait3A_269, %dma_wait3A_270] : memref<5x64x128xf32, #tpu.memory_space<vmem>> -> memref<1x64x128xf32, #tpu.memory_space<vmem>>
    %dma_wait3A_272 = tpu.memref_squeeze %dma_wait3A_271 : memref<1x64x128xf32, #tpu.memory_space<vmem>> -> memref<64x128xf32, #tpu.memory_space<vmem>>
    %dma_wait3A_273 = arith.constant 0 : i32
    %dma_wait3A_274 = tpu.memref_slice %arg6[%dma_wait3A_267, %dma_wait3A_268, %dma_wait3A_273] : memref<5x2x64xi32, #tpu.memory_space<vmem>> -> memref<1x1x64xi32, #tpu.memory_space<vmem>>
    %dma_wait3A_275 = tpu.memref_squeeze %dma_wait3A_274 : memref<1x1x64xi32, #tpu.memory_space<vmem>> -> memref<64xi32, #tpu.memory_space<vmem>>
    %dma_wait3A_276 = arith.constant 0 : i32
    %dma_wait3A_277 = arith.constant 0 : i32
    %dma_wait3A_278 = tpu.memref_slice %arg8[%dma_wait3A_276, %dma_wait3A_277] : memref<10240x128xf32, #tpu.memory_space<vmem_shared>> -> memref<10240x128xf32, #tpu.memory_space<vmem_shared>>
    tpu.wait_indirect_dma semaphore(%arg20 : memref<!tpu.dma_semaphore, #tpu.memory_space<semaphore_mem>>) src(%dma_wait3A_272 : memref<64x128xf32, #tpu.memory_space<vmem>>) dst(%dma_wait3A_278 : memref<10240x128xf32, #tpu.memory_space<vmem_shared>>)
    %dma_wait3A_279 = arith.constant 2 : i32
    %dma_wait3A_280 = arith.constant 2 : i32
    %dma_wait3A_281 = arith.constant 1 : i32
    %dma_wait3A_282 = arith.constant 0 : i32
    %dma_wait3A_283 = arith.constant 0 : i32
    %dma_wait3A_284 = tpu.memref_slice %arg7[%dma_wait3A_279, %dma_wait3A_282, %dma_wait3A_283] : memref<5x64x128xf32, #tpu.memory_space<vmem>> -> memref<1x64x128xf32, #tpu.memory_space<vmem>>
    %dma_wait3A_285 = tpu.memref_squeeze %dma_wait3A_284 : memref<1x64x128xf32, #tpu.memory_space<vmem>> -> memref<64x128xf32, #tpu.memory_space<vmem>>
    %dma_wait3A_286 = arith.constant 0 : i32
    %dma_wait3A_287 = tpu.memref_slice %arg6[%dma_wait3A_280, %dma_wait3A_281, %dma_wait3A_286] : memref<5x2x64xi32, #tpu.memory_space<vmem>> -> memref<1x1x64xi32, #tpu.memory_space<vmem>>
    %dma_wait3A_288 = tpu.memref_squeeze %dma_wait3A_287 : memref<1x1x64xi32, #tpu.memory_space<vmem>> -> memref<64xi32, #tpu.memory_space<vmem>>
    %dma_wait3A_289 = arith.constant 0 : i32
    %dma_wait3A_290 = arith.constant 0 : i32
    %dma_wait3A_291 = tpu.memref_slice %arg8[%dma_wait3A_289, %dma_wait3A_290] : memref<10240x128xf32, #tpu.memory_space<vmem_shared>> -> memref<10240x128xf32, #tpu.memory_space<vmem_shared>>
    tpu.wait_indirect_dma semaphore(%arg21 : memref<!tpu.dma_semaphore, #tpu.memory_space<semaphore_mem>>) src(%dma_wait3A_285 : memref<64x128xf32, #tpu.memory_space<vmem>>) dst(%dma_wait3A_291 : memref<10240x128xf32, #tpu.memory_space<vmem_shared>>)
    %dma_wait3A_292 = arith.constant 3 : i32
    %dma_wait3A_293 = arith.constant 3 : i32
    %dma_wait3A_294 = arith.constant 1 : i32
    %dma_wait3A_295 = arith.constant 0 : i32
    %dma_wait3A_296 = arith.constant 0 : i32
    %dma_wait3A_297 = tpu.memref_slice %arg7[%dma_wait3A_292, %dma_wait3A_295, %dma_wait3A_296] : memref<5x64x128xf32, #tpu.memory_space<vmem>> -> memref<1x64x128xf32, #tpu.memory_space<vmem>>
    %dma_wait3A_298 = tpu.memref_squeeze %dma_wait3A_297 : memref<1x64x128xf32, #tpu.memory_space<vmem>> -> memref<64x128xf32, #tpu.memory_space<vmem>>
    %dma_wait3A_299 = arith.constant 0 : i32
    %dma_wait3A_300 = tpu.memref_slice %arg6[%dma_wait3A_293, %dma_wait3A_294, %dma_wait3A_299] : memref<5x2x64xi32, #tpu.memory_space<vmem>> -> memref<1x1x64xi32, #tpu.memory_space<vmem>>
    %dma_wait3A_301 = tpu.memref_squeeze %dma_wait3A_300 : memref<1x1x64xi32, #tpu.memory_space<vmem>> -> memref<64xi32, #tpu.memory_space<vmem>>
    %dma_wait3A_302 = arith.constant 0 : i32
    %dma_wait3A_303 = arith.constant 0 : i32
    %dma_wait3A_304 = tpu.memref_slice %arg8[%dma_wait3A_302, %dma_wait3A_303] : memref<10240x128xf32, #tpu.memory_space<vmem_shared>> -> memref<10240x128xf32, #tpu.memory_space<vmem_shared>>
    tpu.wait_indirect_dma semaphore(%arg22 : memref<!tpu.dma_semaphore, #tpu.memory_space<semaphore_mem>>) src(%dma_wait3A_298 : memref<64x128xf32, #tpu.memory_space<vmem>>) dst(%dma_wait3A_304 : memref<10240x128xf32, #tpu.memory_space<vmem_shared>>)
    %dma_wait3A_305 = arith.constant 4 : i32
    %dma_wait3A_306 = arith.constant 4 : i32
    %dma_wait3A_307 = arith.constant 1 : i32
    %dma_wait3A_308 = arith.constant 0 : i32
    %dma_wait3A_309 = arith.constant 0 : i32
    %dma_wait3A_310 = tpu.memref_slice %arg7[%dma_wait3A_305, %dma_wait3A_308, %dma_wait3A_309] : memref<5x64x128xf32, #tpu.memory_space<vmem>> -> memref<1x64x128xf32, #tpu.memory_space<vmem>>
    %dma_wait3A_311 = tpu.memref_squeeze %dma_wait3A_310 : memref<1x64x128xf32, #tpu.memory_space<vmem>> -> memref<64x128xf32, #tpu.memory_space<vmem>>
    %dma_wait3A_312 = arith.constant 0 : i32
    %dma_wait3A_313 = tpu.memref_slice %arg6[%dma_wait3A_306, %dma_wait3A_307, %dma_wait3A_312] : memref<5x2x64xi32, #tpu.memory_space<vmem>> -> memref<1x1x64xi32, #tpu.memory_space<vmem>>
    %dma_wait3A_314 = tpu.memref_squeeze %dma_wait3A_313 : memref<1x1x64xi32, #tpu.memory_space<vmem>> -> memref<64xi32, #tpu.memory_space<vmem>>
    %dma_wait3A_315 = arith.constant 0 : i32
    %dma_wait3A_316 = arith.constant 0 : i32
    %dma_wait3A_317 = tpu.memref_slice %arg8[%dma_wait3A_315, %dma_wait3A_316] : memref<10240x128xf32, #tpu.memory_space<vmem_shared>> -> memref<10240x128xf32, #tpu.memory_space<vmem_shared>>
    tpu.wait_indirect_dma semaphore(%arg23 : memref<!tpu.dma_semaphore, #tpu.memory_space<semaphore_mem>>) src(%dma_wait3A_311 : memref<64x128xf32, #tpu.memory_space<vmem>>) dst(%dma_wait3A_317 : memref<10240x128xf32, #tpu.memory_space<vmem_shared>>)
    %barrier3A_318 = arith.constant 0 : index
    tpu.barrier barrier_id(%barrier3A_318)
    %mul3A_319 = arith.constant 640 : i32
    %mul3A_320 = arith.muli %arg1, %mul3A_319 : i32
    %mul3A_321 = arith.constant 640 : i32
    %mul3A_322 = arith.muli %arg1, %mul3A_321 : i32
    "tpu.region"() ({
      %run_scoped3A = tpu.sem_alloc : memref<!tpu.dma_semaphore, #tpu.memory_space<semaphore_mem>>
      %dma_start3A_323 = arith.constant 0 : i32
      %dma_start3A_324 = tpu.memref_slice %arg5[%arg0, %mul3A_322, %dma_start3A_323] : memref<2x10240x128xf32, #tpu.memory_space<hbm>> -> memref<1x640x128xf32, #tpu.memory_space<hbm>>
      %dma_start3A_325 = tpu.memref_squeeze %dma_start3A_324 : memref<1x640x128xf32, #tpu.memory_space<hbm>> -> memref<640x128xf32, #tpu.memory_space<hbm>>
      %dma_start3A_326 = arith.constant 0 : i32
      %dma_start3A_327 = tpu.memref_slice %arg8[%mul3A_320, %dma_start3A_326] : memref<10240x128xf32, #tpu.memory_space<vmem_shared>> -> memref<640x128xf32, #tpu.memory_space<vmem_shared>>
      tpu.enqueue_dma source(%dma_start3A_327 : memref<640x128xf32, #tpu.memory_space<vmem_shared>>) target(%dma_start3A_325 : memref<640x128xf32, #tpu.memory_space<hbm>>) target_semaphore(%run_scoped3A : memref<!tpu.dma_semaphore, #tpu.memory_space<semaphore_mem>>)
      %dma_wait3A_328 = arith.constant 0 : i32
      %dma_wait3A_329 = tpu.memref_slice %arg5[%arg0, %mul3A_322, %dma_wait3A_328] : memref<2x10240x128xf32, #tpu.memory_space<hbm>> -> memref<1x640x128xf32, #tpu.memory_space<hbm>>
      %dma_wait3A_330 = tpu.memref_squeeze %dma_wait3A_329 : memref<1x640x128xf32, #tpu.memory_space<hbm>> -> memref<640x128xf32, #tpu.memory_space<hbm>>
      %dma_wait3A_331 = arith.constant 0 : i32
      %dma_wait3A_332 = tpu.memref_slice %arg8[%mul3A_320, %dma_wait3A_331] : memref<10240x128xf32, #tpu.memory_space<vmem_shared>> -> memref<640x128xf32, #tpu.memory_space<vmem_shared>>
      tpu.wait_dma2 semaphore(%run_scoped3A : memref<!tpu.dma_semaphore, #tpu.memory_space<semaphore_mem>>) src(%dma_wait3A_332 : memref<640x128xf32, #tpu.memory_space<vmem_shared>>) dst(%dma_wait3A_330 : memref<640x128xf32, #tpu.memory_space<hbm>>)
      tpu.yield
    }) : () -> ()
    return
  }
}

#map = affine_map<(d0, d1) -> (0, 0)>
#map1 = affine_map<(d0, d1) -> (0, 0, 0, 0)>
#map2 = affine_map<(d0, d1) -> (0, 0, 0)>
module attributes {stable_mosaic.version = 14 : i64} {
  func.func @_prop_sc(%arg0: i32, %arg1: i32, %arg2: memref<10240x128xf32, #tpu.memory_space<hbm>>, %arg3: memref<32x157x2x64xi32, #tpu.memory_space<hbm>>, %arg4: memref<10240x128xf32, #tpu.memory_space<hbm>>, %arg5: memref<2x10240x128xf32, #tpu.memory_space<hbm>>, %arg6: memref<5x2x64xi32, #tpu.memory_space<vmem>>, %arg7: memref<5x64x128xf32, #tpu.memory_space<vmem>>, %arg8: memref<10240x128xf32, #tpu.memory_space<vmem_shared>>, %arg9: memref<!tpu.dma_semaphore, #tpu.memory_space<semaphore_mem>>, %arg10: memref<!tpu.dma_semaphore, #tpu.memory_space<semaphore_mem>>, %arg11: memref<!tpu.dma_semaphore, #tpu.memory_space<semaphore_mem>>, %arg12: memref<!tpu.dma_semaphore, #tpu.memory_space<semaphore_mem>>, %arg13: memref<!tpu.dma_semaphore, #tpu.memory_space<semaphore_mem>>, %arg14: memref<!tpu.dma_semaphore, #tpu.memory_space<semaphore_mem>>, %arg15: memref<!tpu.dma_semaphore, #tpu.memory_space<semaphore_mem>>, %arg16: memref<!tpu.dma_semaphore, #tpu.memory_space<semaphore_mem>>, %arg17: memref<!tpu.dma_semaphore, #tpu.memory_space<semaphore_mem>>, %arg18: memref<!tpu.dma_semaphore, #tpu.memory_space<semaphore_mem>>, %arg19: memref<!tpu.dma_semaphore, #tpu.memory_space<semaphore_mem>>, %arg20: memref<!tpu.dma_semaphore, #tpu.memory_space<semaphore_mem>>, %arg21: memref<!tpu.dma_semaphore, #tpu.memory_space<semaphore_mem>>, %arg22: memref<!tpu.dma_semaphore, #tpu.memory_space<semaphore_mem>>, %arg23: memref<!tpu.dma_semaphore, #tpu.memory_space<semaphore_mem>>) attributes {dimension_semantics = [#tpu.dimension_semantics<core_parallel>, #tpu.dimension_semantics<subcore_parallel>], iteration_bounds = array<i64: 2, 16>, scalar_prefetch = 0 : i64, scratch_operands = 18 : i64, tpu.core_type = #tpu.core_type<sc_vector_subcore>, window_params = [{transform_indices = #map}, {transform_indices = #map1}, {transform_indices = #map}, {transform_indices = #map2}]} {
    %mul3A = arith.constant 16 : i32
    %mul3A_0 = arith.muli %arg0, %mul3A : i32
    %add3A = arith.addi %mul3A_0, %arg1 : i32
    %mul3A_1 = arith.constant 640 : i32
    %mul3A_2 = arith.muli %arg1, %mul3A_1 : i32
    %mul3A_3 = arith.constant 640 : i32
    %mul3A_4 = arith.muli %arg1, %mul3A_3 : i32
    "tpu.region"() ({
      %run_scoped3A = tpu.sem_alloc : memref<!tpu.dma_semaphore, #tpu.memory_space<semaphore_mem>>
      %dma_start3A_323 = arith.constant 0 : i32
      %dma_start3A_324 = tpu.memref_slice %arg8[%mul3A_4, %dma_start3A_323] : memref<10240x128xf32, #tpu.memory_space<vmem_shared>> -> memref<640x128xf32, #tpu.memory_space<vmem_shared>>
      %dma_start3A_325 = arith.constant 0 : i32
      %dma_start3A_326 = tpu.memref_slice %arg4[%mul3A_2, %dma_start3A_325] : memref<10240x128xf32, #tpu.memory_space<hbm>> -> memref<640x128xf32, #tpu.memory_space<hbm>>
      tpu.enqueue_dma source(%dma_start3A_326 : memref<640x128xf32, #tpu.memory_space<hbm>>) target(%dma_start3A_324 : memref<640x128xf32, #tpu.memory_space<vmem_shared>>) target_semaphore(%run_scoped3A : memref<!tpu.dma_semaphore, #tpu.memory_space<semaphore_mem>>)
      %dma_wait3A_327 = arith.constant 0 : i32
      %dma_wait3A_328 = tpu.memref_slice %arg8[%mul3A_4, %dma_wait3A_327] : memref<10240x128xf32, #tpu.memory_space<vmem_shared>> -> memref<640x128xf32, #tpu.memory_space<vmem_shared>>
      %dma_wait3A_329 = arith.constant 0 : i32
      %dma_wait3A_330 = tpu.memref_slice %arg4[%mul3A_2, %dma_wait3A_329] : memref<10240x128xf32, #tpu.memory_space<hbm>> -> memref<640x128xf32, #tpu.memory_space<hbm>>
      tpu.wait_dma2 semaphore(%run_scoped3A : memref<!tpu.dma_semaphore, #tpu.memory_space<semaphore_mem>>) src(%dma_wait3A_330 : memref<640x128xf32, #tpu.memory_space<hbm>>) dst(%dma_wait3A_328 : memref<640x128xf32, #tpu.memory_space<vmem_shared>>)
      tpu.yield
    }) : () -> ()
    %barrier3A = arith.constant 0 : index
    tpu.barrier barrier_id(%barrier3A)
    %dma_start3A = arith.constant 0 : i32
    %dma_start3A_5 = arith.constant 0 : i32
    %dma_start3A_6 = arith.constant 0 : i32
    %dma_start3A_7 = arith.constant 0 : i32
    %dma_start3A_8 = tpu.memref_slice %arg6[%dma_start3A_5, %dma_start3A_6, %dma_start3A_7] : memref<5x2x64xi32, #tpu.memory_space<vmem>> -> memref<1x2x64xi32, #tpu.memory_space<vmem>>
    %dma_start3A_9 = tpu.memref_squeeze %dma_start3A_8 : memref<1x2x64xi32, #tpu.memory_space<vmem>> -> memref<2x64xi32, #tpu.memory_space<vmem>>
    %dma_start3A_10 = arith.constant 0 : i32
    %dma_start3A_11 = arith.constant 0 : i32
    %dma_start3A_12 = tpu.memref_slice %arg3[%add3A, %dma_start3A, %dma_start3A_10, %dma_start3A_11] : memref<32x157x2x64xi32, #tpu.memory_space<hbm>> -> memref<1x1x2x64xi32, #tpu.memory_space<hbm>>
    %dma_start3A_13 = tpu.memref_squeeze %dma_start3A_12 : memref<1x1x2x64xi32, #tpu.memory_space<hbm>> -> memref<2x64xi32, #tpu.memory_space<hbm>>
    %dma_start3A_14 = arith.constant 0 : i32
    %dma_start3A_15 = arith.constant 0 : i32
    %dma_start3A_16 = tpu.memref_slice %arg6[%dma_start3A_5, %dma_start3A_14, %dma_start3A_15] : memref<5x2x64xi32, #tpu.memory_space<vmem>> -> memref<1x2x64xi32, #tpu.memory_space<vmem>>
    %dma_start3A_17 = tpu.memref_squeeze %dma_start3A_16 : memref<1x2x64xi32, #tpu.memory_space<vmem>> -> memref<2x64xi32, #tpu.memory_space<vmem>>
    %dma_start3A_18 = arith.constant 0 : i32
    %dma_start3A_19 = arith.constant 0 : i32
    %dma_start3A_20 = tpu.memref_slice %arg3[%add3A, %dma_start3A, %dma_start3A_18, %dma_start3A_19] : memref<32x157x2x64xi32, #tpu.memory_space<hbm>> -> memref<1x1x2x64xi32, #tpu.memory_space<hbm>>
    %dma_start3A_21 = tpu.memref_squeeze %dma_start3A_20 : memref<1x1x2x64xi32, #tpu.memory_space<hbm>> -> memref<2x64xi32, #tpu.memory_space<hbm>>
    tpu.enqueue_dma source(%dma_start3A_21 : memref<2x64xi32, #tpu.memory_space<hbm>>) target(%dma_start3A_17 : memref<2x64xi32, #tpu.memory_space<vmem>>) target_semaphore(%arg9 : memref<!tpu.dma_semaphore, #tpu.memory_space<semaphore_mem>>)
    %dma_start3A_22 = arith.constant 1 : i32
    %dma_start3A_23 = arith.constant 1 : i32
    %dma_start3A_24 = arith.constant 0 : i32
    %dma_start3A_25 = arith.constant 0 : i32
    %dma_start3A_26 = tpu.memref_slice %arg6[%dma_start3A_23, %dma_start3A_24, %dma_start3A_25] : memref<5x2x64xi32, #tpu.memory_space<vmem>> -> memref<1x2x64xi32, #tpu.memory_space<vmem>>
    %dma_start3A_27 = tpu.memref_squeeze %dma_start3A_26 : memref<1x2x64xi32, #tpu.memory_space<vmem>> -> memref<2x64xi32, #tpu.memory_space<vmem>>
    %dma_start3A_28 = arith.constant 0 : i32
    %dma_start3A_29 = arith.constant 0 : i32
    %dma_start3A_30 = tpu.memref_slice %arg3[%add3A, %dma_start3A_22, %dma_start3A_28, %dma_start3A_29] : memref<32x157x2x64xi32, #tpu.memory_space<hbm>> -> memref<1x1x2x64xi32, #tpu.memory_space<hbm>>
    %dma_start3A_31 = tpu.memref_squeeze %dma_start3A_30 : memref<1x1x2x64xi32, #tpu.memory_space<hbm>> -> memref<2x64xi32, #tpu.memory_space<hbm>>
    %dma_start3A_32 = arith.constant 0 : i32
    %dma_start3A_33 = arith.constant 0 : i32
    %dma_start3A_34 = tpu.memref_slice %arg6[%dma_start3A_23, %dma_start3A_32, %dma_start3A_33] : memref<5x2x64xi32, #tpu.memory_space<vmem>> -> memref<1x2x64xi32, #tpu.memory_space<vmem>>
    %dma_start3A_35 = tpu.memref_squeeze %dma_start3A_34 : memref<1x2x64xi32, #tpu.memory_space<vmem>> -> memref<2x64xi32, #tpu.memory_space<vmem>>
    %dma_start3A_36 = arith.constant 0 : i32
    %dma_start3A_37 = arith.constant 0 : i32
    %dma_start3A_38 = tpu.memref_slice %arg3[%add3A, %dma_start3A_22, %dma_start3A_36, %dma_start3A_37] : memref<32x157x2x64xi32, #tpu.memory_space<hbm>> -> memref<1x1x2x64xi32, #tpu.memory_space<hbm>>
    %dma_start3A_39 = tpu.memref_squeeze %dma_start3A_38 : memref<1x1x2x64xi32, #tpu.memory_space<hbm>> -> memref<2x64xi32, #tpu.memory_space<hbm>>
    tpu.enqueue_dma source(%dma_start3A_39 : memref<2x64xi32, #tpu.memory_space<hbm>>) target(%dma_start3A_35 : memref<2x64xi32, #tpu.memory_space<vmem>>) target_semaphore(%arg10 : memref<!tpu.dma_semaphore, #tpu.memory_space<semaphore_mem>>)
    %dma_start3A_40 = arith.constant 2 : i32
    %dma_start3A_41 = arith.constant 2 : i32
    %dma_start3A_42 = arith.constant 0 : i32
    %dma_start3A_43 = arith.constant 0 : i32
    %dma_start3A_44 = tpu.memref_slice %arg6[%dma_start3A_41, %dma_start3A_42, %dma_start3A_43] : memref<5x2x64xi32, #tpu.memory_space<vmem>> -> memref<1x2x64xi32, #tpu.memory_space<vmem>>
    %dma_start3A_45 = tpu.memref_squeeze %dma_start3A_44 : memref<1x2x64xi32, #tpu.memory_space<vmem>> -> memref<2x64xi32, #tpu.memory_space<vmem>>
    %dma_start3A_46 = arith.constant 0 : i32
    %dma_start3A_47 = arith.constant 0 : i32
    %dma_start3A_48 = tpu.memref_slice %arg3[%add3A, %dma_start3A_40, %dma_start3A_46, %dma_start3A_47] : memref<32x157x2x64xi32, #tpu.memory_space<hbm>> -> memref<1x1x2x64xi32, #tpu.memory_space<hbm>>
    %dma_start3A_49 = tpu.memref_squeeze %dma_start3A_48 : memref<1x1x2x64xi32, #tpu.memory_space<hbm>> -> memref<2x64xi32, #tpu.memory_space<hbm>>
    %dma_start3A_50 = arith.constant 0 : i32
    %dma_start3A_51 = arith.constant 0 : i32
    %dma_start3A_52 = tpu.memref_slice %arg6[%dma_start3A_41, %dma_start3A_50, %dma_start3A_51] : memref<5x2x64xi32, #tpu.memory_space<vmem>> -> memref<1x2x64xi32, #tpu.memory_space<vmem>>
    %dma_start3A_53 = tpu.memref_squeeze %dma_start3A_52 : memref<1x2x64xi32, #tpu.memory_space<vmem>> -> memref<2x64xi32, #tpu.memory_space<vmem>>
    %dma_start3A_54 = arith.constant 0 : i32
    %dma_start3A_55 = arith.constant 0 : i32
    %dma_start3A_56 = tpu.memref_slice %arg3[%add3A, %dma_start3A_40, %dma_start3A_54, %dma_start3A_55] : memref<32x157x2x64xi32, #tpu.memory_space<hbm>> -> memref<1x1x2x64xi32, #tpu.memory_space<hbm>>
    %dma_start3A_57 = tpu.memref_squeeze %dma_start3A_56 : memref<1x1x2x64xi32, #tpu.memory_space<hbm>> -> memref<2x64xi32, #tpu.memory_space<hbm>>
    tpu.enqueue_dma source(%dma_start3A_57 : memref<2x64xi32, #tpu.memory_space<hbm>>) target(%dma_start3A_53 : memref<2x64xi32, #tpu.memory_space<vmem>>) target_semaphore(%arg11 : memref<!tpu.dma_semaphore, #tpu.memory_space<semaphore_mem>>)
    %dma_start3A_58 = arith.constant 3 : i32
    %dma_start3A_59 = arith.constant 3 : i32
    %dma_start3A_60 = arith.constant 0 : i32
    %dma_start3A_61 = arith.constant 0 : i32
    %dma_start3A_62 = tpu.memref_slice %arg6[%dma_start3A_59, %dma_start3A_60, %dma_start3A_61] : memref<5x2x64xi32, #tpu.memory_space<vmem>> -> memref<1x2x64xi32, #tpu.memory_space<vmem>>
    %dma_start3A_63 = tpu.memref_squeeze %dma_start3A_62 : memref<1x2x64xi32, #tpu.memory_space<vmem>> -> memref<2x64xi32, #tpu.memory_space<vmem>>
    %dma_start3A_64 = arith.constant 0 : i32
    %dma_start3A_65 = arith.constant 0 : i32
    %dma_start3A_66 = tpu.memref_slice %arg3[%add3A, %dma_start3A_58, %dma_start3A_64, %dma_start3A_65] : memref<32x157x2x64xi32, #tpu.memory_space<hbm>> -> memref<1x1x2x64xi32, #tpu.memory_space<hbm>>
    %dma_start3A_67 = tpu.memref_squeeze %dma_start3A_66 : memref<1x1x2x64xi32, #tpu.memory_space<hbm>> -> memref<2x64xi32, #tpu.memory_space<hbm>>
    %dma_start3A_68 = arith.constant 0 : i32
    %dma_start3A_69 = arith.constant 0 : i32
    %dma_start3A_70 = tpu.memref_slice %arg6[%dma_start3A_59, %dma_start3A_68, %dma_start3A_69] : memref<5x2x64xi32, #tpu.memory_space<vmem>> -> memref<1x2x64xi32, #tpu.memory_space<vmem>>
    %dma_start3A_71 = tpu.memref_squeeze %dma_start3A_70 : memref<1x2x64xi32, #tpu.memory_space<vmem>> -> memref<2x64xi32, #tpu.memory_space<vmem>>
    %dma_start3A_72 = arith.constant 0 : i32
    %dma_start3A_73 = arith.constant 0 : i32
    %dma_start3A_74 = tpu.memref_slice %arg3[%add3A, %dma_start3A_58, %dma_start3A_72, %dma_start3A_73] : memref<32x157x2x64xi32, #tpu.memory_space<hbm>> -> memref<1x1x2x64xi32, #tpu.memory_space<hbm>>
    %dma_start3A_75 = tpu.memref_squeeze %dma_start3A_74 : memref<1x1x2x64xi32, #tpu.memory_space<hbm>> -> memref<2x64xi32, #tpu.memory_space<hbm>>
    tpu.enqueue_dma source(%dma_start3A_75 : memref<2x64xi32, #tpu.memory_space<hbm>>) target(%dma_start3A_71 : memref<2x64xi32, #tpu.memory_space<vmem>>) target_semaphore(%arg12 : memref<!tpu.dma_semaphore, #tpu.memory_space<semaphore_mem>>)
    %dma_start3A_76 = arith.constant 4 : i32
    %dma_start3A_77 = arith.constant 4 : i32
    %dma_start3A_78 = arith.constant 0 : i32
    %dma_start3A_79 = arith.constant 0 : i32
    %dma_start3A_80 = tpu.memref_slice %arg6[%dma_start3A_77, %dma_start3A_78, %dma_start3A_79] : memref<5x2x64xi32, #tpu.memory_space<vmem>> -> memref<1x2x64xi32, #tpu.memory_space<vmem>>
    %dma_start3A_81 = tpu.memref_squeeze %dma_start3A_80 : memref<1x2x64xi32, #tpu.memory_space<vmem>> -> memref<2x64xi32, #tpu.memory_space<vmem>>
    %dma_start3A_82 = arith.constant 0 : i32
    %dma_start3A_83 = arith.constant 0 : i32
    %dma_start3A_84 = tpu.memref_slice %arg3[%add3A, %dma_start3A_76, %dma_start3A_82, %dma_start3A_83] : memref<32x157x2x64xi32, #tpu.memory_space<hbm>> -> memref<1x1x2x64xi32, #tpu.memory_space<hbm>>
    %dma_start3A_85 = tpu.memref_squeeze %dma_start3A_84 : memref<1x1x2x64xi32, #tpu.memory_space<hbm>> -> memref<2x64xi32, #tpu.memory_space<hbm>>
    %dma_start3A_86 = arith.constant 0 : i32
    %dma_start3A_87 = arith.constant 0 : i32
    %dma_start3A_88 = tpu.memref_slice %arg6[%dma_start3A_77, %dma_start3A_86, %dma_start3A_87] : memref<5x2x64xi32, #tpu.memory_space<vmem>> -> memref<1x2x64xi32, #tpu.memory_space<vmem>>
    %dma_start3A_89 = tpu.memref_squeeze %dma_start3A_88 : memref<1x2x64xi32, #tpu.memory_space<vmem>> -> memref<2x64xi32, #tpu.memory_space<vmem>>
    %dma_start3A_90 = arith.constant 0 : i32
    %dma_start3A_91 = arith.constant 0 : i32
    %dma_start3A_92 = tpu.memref_slice %arg3[%add3A, %dma_start3A_76, %dma_start3A_90, %dma_start3A_91] : memref<32x157x2x64xi32, #tpu.memory_space<hbm>> -> memref<1x1x2x64xi32, #tpu.memory_space<hbm>>
    %dma_start3A_93 = tpu.memref_squeeze %dma_start3A_92 : memref<1x1x2x64xi32, #tpu.memory_space<hbm>> -> memref<2x64xi32, #tpu.memory_space<hbm>>
    tpu.enqueue_dma source(%dma_start3A_93 : memref<2x64xi32, #tpu.memory_space<hbm>>) target(%dma_start3A_89 : memref<2x64xi32, #tpu.memory_space<vmem>>) target_semaphore(%arg13 : memref<!tpu.dma_semaphore, #tpu.memory_space<semaphore_mem>>)
    %dma_wait3A = arith.constant 0 : i32
    %dma_wait3A_94 = arith.constant 0 : i32
    %dma_wait3A_95 = arith.constant 0 : i32
    %dma_wait3A_96 = arith.constant 0 : i32
    %dma_wait3A_97 = tpu.memref_slice %arg6[%dma_wait3A_94, %dma_wait3A_95, %dma_wait3A_96] : memref<5x2x64xi32, #tpu.memory_space<vmem>> -> memref<1x2x64xi32, #tpu.memory_space<vmem>>
    %dma_wait3A_98 = tpu.memref_squeeze %dma_wait3A_97 : memref<1x2x64xi32, #tpu.memory_space<vmem>> -> memref<2x64xi32, #tpu.memory_space<vmem>>
    %dma_wait3A_99 = arith.constant 0 : i32
    %dma_wait3A_100 = arith.constant 0 : i32
    %dma_wait3A_101 = tpu.memref_slice %arg3[%add3A, %dma_wait3A, %dma_wait3A_99, %dma_wait3A_100] : memref<32x157x2x64xi32, #tpu.memory_space<hbm>> -> memref<1x1x2x64xi32, #tpu.memory_space<hbm>>
    %dma_wait3A_102 = tpu.memref_squeeze %dma_wait3A_101 : memref<1x1x2x64xi32, #tpu.memory_space<hbm>> -> memref<2x64xi32, #tpu.memory_space<hbm>>
    %dma_wait3A_103 = arith.constant 0 : i32
    %dma_wait3A_104 = arith.constant 0 : i32
    %dma_wait3A_105 = tpu.memref_slice %arg6[%dma_wait3A_94, %dma_wait3A_103, %dma_wait3A_104] : memref<5x2x64xi32, #tpu.memory_space<vmem>> -> memref<1x2x64xi32, #tpu.memory_space<vmem>>
    %dma_wait3A_106 = tpu.memref_squeeze %dma_wait3A_105 : memref<1x2x64xi32, #tpu.memory_space<vmem>> -> memref<2x64xi32, #tpu.memory_space<vmem>>
    %dma_wait3A_107 = arith.constant 0 : i32
    %dma_wait3A_108 = arith.constant 0 : i32
    %dma_wait3A_109 = tpu.memref_slice %arg3[%add3A, %dma_wait3A, %dma_wait3A_107, %dma_wait3A_108] : memref<32x157x2x64xi32, #tpu.memory_space<hbm>> -> memref<1x1x2x64xi32, #tpu.memory_space<hbm>>
    %dma_wait3A_110 = tpu.memref_squeeze %dma_wait3A_109 : memref<1x1x2x64xi32, #tpu.memory_space<hbm>> -> memref<2x64xi32, #tpu.memory_space<hbm>>
    tpu.wait_dma2 semaphore(%arg9 : memref<!tpu.dma_semaphore, #tpu.memory_space<semaphore_mem>>) src(%dma_wait3A_110 : memref<2x64xi32, #tpu.memory_space<hbm>>) dst(%dma_wait3A_106 : memref<2x64xi32, #tpu.memory_space<vmem>>)
    %dma_start3A_111 = arith.constant 0 : i32
    %dma_start3A_112 = arith.constant 0 : i32
    %dma_start3A_113 = arith.constant 0 : i32
    %dma_start3A_114 = arith.constant 0 : i32
    %dma_start3A_115 = arith.constant 0 : i32
    %dma_start3A_116 = tpu.memref_slice %arg7[%dma_start3A_113, %dma_start3A_114, %dma_start3A_115] : memref<5x64x128xf32, #tpu.memory_space<vmem>> -> memref<1x64x128xf32, #tpu.memory_space<vmem>>
    %dma_start3A_117 = tpu.memref_squeeze %dma_start3A_116 : memref<1x64x128xf32, #tpu.memory_space<vmem>> -> memref<64x128xf32, #tpu.memory_space<vmem>>
    %dma_start3A_118 = arith.constant 0 : i32
    %dma_start3A_119 = tpu.memref_slice %arg6[%dma_start3A_111, %dma_start3A_112, %dma_start3A_118] : memref<5x2x64xi32, #tpu.memory_space<vmem>> -> memref<1x1x64xi32, #tpu.memory_space<vmem>>
    %dma_start3A_120 = tpu.memref_squeeze %dma_start3A_119 : memref<1x1x64xi32, #tpu.memory_space<vmem>> -> memref<64xi32, #tpu.memory_space<vmem>>
    %dma_start3A_121 = arith.constant 0 : i32
    %dma_start3A_122 = arith.constant 0 : i32
    %dma_start3A_123 = tpu.memref_slice %arg2[%dma_start3A_121, %dma_start3A_122] : memref<10240x128xf32, #tpu.memory_space<hbm>> -> memref<10240x128xf32, #tpu.memory_space<hbm>>
    tpu.enqueue_indirect_dma source(%dma_start3A_123 : memref<10240x128xf32, #tpu.memory_space<hbm>>) target(%dma_start3A_117 : memref<64x128xf32, #tpu.memory_space<vmem>>) offsets(%dma_start3A_120 : memref<64xi32, #tpu.memory_space<vmem>>) semaphore(%arg14 : memref<!tpu.dma_semaphore, #tpu.memory_space<semaphore_mem>>)
    %dma_wait3A_124 = arith.constant 1 : i32
    %dma_wait3A_125 = arith.constant 1 : i32
    %dma_wait3A_126 = arith.constant 0 : i32
    %dma_wait3A_127 = arith.constant 0 : i32
    %dma_wait3A_128 = tpu.memref_slice %arg6[%dma_wait3A_125, %dma_wait3A_126, %dma_wait3A_127] : memref<5x2x64xi32, #tpu.memory_space<vmem>> -> memref<1x2x64xi32, #tpu.memory_space<vmem>>
    %dma_wait3A_129 = tpu.memref_squeeze %dma_wait3A_128 : memref<1x2x64xi32, #tpu.memory_space<vmem>> -> memref<2x64xi32, #tpu.memory_space<vmem>>
    %dma_wait3A_130 = arith.constant 0 : i32
    %dma_wait3A_131 = arith.constant 0 : i32
    %dma_wait3A_132 = tpu.memref_slice %arg3[%add3A, %dma_wait3A_124, %dma_wait3A_130, %dma_wait3A_131] : memref<32x157x2x64xi32, #tpu.memory_space<hbm>> -> memref<1x1x2x64xi32, #tpu.memory_space<hbm>>
    %dma_wait3A_133 = tpu.memref_squeeze %dma_wait3A_132 : memref<1x1x2x64xi32, #tpu.memory_space<hbm>> -> memref<2x64xi32, #tpu.memory_space<hbm>>
    %dma_wait3A_134 = arith.constant 0 : i32
    %dma_wait3A_135 = arith.constant 0 : i32
    %dma_wait3A_136 = tpu.memref_slice %arg6[%dma_wait3A_125, %dma_wait3A_134, %dma_wait3A_135] : memref<5x2x64xi32, #tpu.memory_space<vmem>> -> memref<1x2x64xi32, #tpu.memory_space<vmem>>
    %dma_wait3A_137 = tpu.memref_squeeze %dma_wait3A_136 : memref<1x2x64xi32, #tpu.memory_space<vmem>> -> memref<2x64xi32, #tpu.memory_space<vmem>>
    %dma_wait3A_138 = arith.constant 0 : i32
    %dma_wait3A_139 = arith.constant 0 : i32
    %dma_wait3A_140 = tpu.memref_slice %arg3[%add3A, %dma_wait3A_124, %dma_wait3A_138, %dma_wait3A_139] : memref<32x157x2x64xi32, #tpu.memory_space<hbm>> -> memref<1x1x2x64xi32, #tpu.memory_space<hbm>>
    %dma_wait3A_141 = tpu.memref_squeeze %dma_wait3A_140 : memref<1x1x2x64xi32, #tpu.memory_space<hbm>> -> memref<2x64xi32, #tpu.memory_space<hbm>>
    tpu.wait_dma2 semaphore(%arg10 : memref<!tpu.dma_semaphore, #tpu.memory_space<semaphore_mem>>) src(%dma_wait3A_141 : memref<2x64xi32, #tpu.memory_space<hbm>>) dst(%dma_wait3A_137 : memref<2x64xi32, #tpu.memory_space<vmem>>)
    %dma_start3A_142 = arith.constant 1 : i32
    %dma_start3A_143 = arith.constant 0 : i32
    %dma_start3A_144 = arith.constant 1 : i32
    %dma_start3A_145 = arith.constant 0 : i32
    %dma_start3A_146 = arith.constant 0 : i32
    %dma_start3A_147 = tpu.memref_slice %arg7[%dma_start3A_144, %dma_start3A_145, %dma_start3A_146] : memref<5x64x128xf32, #tpu.memory_space<vmem>> -> memref<1x64x128xf32, #tpu.memory_space<vmem>>
    %dma_start3A_148 = tpu.memref_squeeze %dma_start3A_147 : memref<1x64x128xf32, #tpu.memory_space<vmem>> -> memref<64x128xf32, #tpu.memory_space<vmem>>
    %dma_start3A_149 = arith.constant 0 : i32
    %dma_start3A_150 = tpu.memref_slice %arg6[%dma_start3A_142, %dma_start3A_143, %dma_start3A_149] : memref<5x2x64xi32, #tpu.memory_space<vmem>> -> memref<1x1x64xi32, #tpu.memory_space<vmem>>
    %dma_start3A_151 = tpu.memref_squeeze %dma_start3A_150 : memref<1x1x64xi32, #tpu.memory_space<vmem>> -> memref<64xi32, #tpu.memory_space<vmem>>
    %dma_start3A_152 = arith.constant 0 : i32
    %dma_start3A_153 = arith.constant 0 : i32
    %dma_start3A_154 = tpu.memref_slice %arg2[%dma_start3A_152, %dma_start3A_153] : memref<10240x128xf32, #tpu.memory_space<hbm>> -> memref<10240x128xf32, #tpu.memory_space<hbm>>
    tpu.enqueue_indirect_dma source(%dma_start3A_154 : memref<10240x128xf32, #tpu.memory_space<hbm>>) target(%dma_start3A_148 : memref<64x128xf32, #tpu.memory_space<vmem>>) offsets(%dma_start3A_151 : memref<64xi32, #tpu.memory_space<vmem>>) semaphore(%arg15 : memref<!tpu.dma_semaphore, #tpu.memory_space<semaphore_mem>>)
    %dma_wait3A_155 = arith.constant 2 : i32
    %dma_wait3A_156 = arith.constant 2 : i32
    %dma_wait3A_157 = arith.constant 0 : i32
    %dma_wait3A_158 = arith.constant 0 : i32
    %dma_wait3A_159 = tpu.memref_slice %arg6[%dma_wait3A_156, %dma_wait3A_157, %dma_wait3A_158] : memref<5x2x64xi32, #tpu.memory_space<vmem>> -> memref<1x2x64xi32, #tpu.memory_space<vmem>>
    %dma_wait3A_160 = tpu.memref_squeeze %dma_wait3A_159 : memref<1x2x64xi32, #tpu.memory_space<vmem>> -> memref<2x64xi32, #tpu.memory_space<vmem>>
    %dma_wait3A_161 = arith.constant 0 : i32
    %dma_wait3A_162 = arith.constant 0 : i32
    %dma_wait3A_163 = tpu.memref_slice %arg3[%add3A, %dma_wait3A_155, %dma_wait3A_161, %dma_wait3A_162] : memref<32x157x2x64xi32, #tpu.memory_space<hbm>> -> memref<1x1x2x64xi32, #tpu.memory_space<hbm>>
    %dma_wait3A_164 = tpu.memref_squeeze %dma_wait3A_163 : memref<1x1x2x64xi32, #tpu.memory_space<hbm>> -> memref<2x64xi32, #tpu.memory_space<hbm>>
    %dma_wait3A_165 = arith.constant 0 : i32
    %dma_wait3A_166 = arith.constant 0 : i32
    %dma_wait3A_167 = tpu.memref_slice %arg6[%dma_wait3A_156, %dma_wait3A_165, %dma_wait3A_166] : memref<5x2x64xi32, #tpu.memory_space<vmem>> -> memref<1x2x64xi32, #tpu.memory_space<vmem>>
    %dma_wait3A_168 = tpu.memref_squeeze %dma_wait3A_167 : memref<1x2x64xi32, #tpu.memory_space<vmem>> -> memref<2x64xi32, #tpu.memory_space<vmem>>
    %dma_wait3A_169 = arith.constant 0 : i32
    %dma_wait3A_170 = arith.constant 0 : i32
    %dma_wait3A_171 = tpu.memref_slice %arg3[%add3A, %dma_wait3A_155, %dma_wait3A_169, %dma_wait3A_170] : memref<32x157x2x64xi32, #tpu.memory_space<hbm>> -> memref<1x1x2x64xi32, #tpu.memory_space<hbm>>
    %dma_wait3A_172 = tpu.memref_squeeze %dma_wait3A_171 : memref<1x1x2x64xi32, #tpu.memory_space<hbm>> -> memref<2x64xi32, #tpu.memory_space<hbm>>
    tpu.wait_dma2 semaphore(%arg11 : memref<!tpu.dma_semaphore, #tpu.memory_space<semaphore_mem>>) src(%dma_wait3A_172 : memref<2x64xi32, #tpu.memory_space<hbm>>) dst(%dma_wait3A_168 : memref<2x64xi32, #tpu.memory_space<vmem>>)
    %dma_start3A_173 = arith.constant 2 : i32
    %dma_start3A_174 = arith.constant 0 : i32
    %dma_start3A_175 = arith.constant 2 : i32
    %dma_start3A_176 = arith.constant 0 : i32
    %dma_start3A_177 = arith.constant 0 : i32
    %dma_start3A_178 = tpu.memref_slice %arg7[%dma_start3A_175, %dma_start3A_176, %dma_start3A_177] : memref<5x64x128xf32, #tpu.memory_space<vmem>> -> memref<1x64x128xf32, #tpu.memory_space<vmem>>
    %dma_start3A_179 = tpu.memref_squeeze %dma_start3A_178 : memref<1x64x128xf32, #tpu.memory_space<vmem>> -> memref<64x128xf32, #tpu.memory_space<vmem>>
    %dma_start3A_180 = arith.constant 0 : i32
    %dma_start3A_181 = tpu.memref_slice %arg6[%dma_start3A_173, %dma_start3A_174, %dma_start3A_180] : memref<5x2x64xi32, #tpu.memory_space<vmem>> -> memref<1x1x64xi32, #tpu.memory_space<vmem>>
    %dma_start3A_182 = tpu.memref_squeeze %dma_start3A_181 : memref<1x1x64xi32, #tpu.memory_space<vmem>> -> memref<64xi32, #tpu.memory_space<vmem>>
    %dma_start3A_183 = arith.constant 0 : i32
    %dma_start3A_184 = arith.constant 0 : i32
    %dma_start3A_185 = tpu.memref_slice %arg2[%dma_start3A_183, %dma_start3A_184] : memref<10240x128xf32, #tpu.memory_space<hbm>> -> memref<10240x128xf32, #tpu.memory_space<hbm>>
    tpu.enqueue_indirect_dma source(%dma_start3A_185 : memref<10240x128xf32, #tpu.memory_space<hbm>>) target(%dma_start3A_179 : memref<64x128xf32, #tpu.memory_space<vmem>>) offsets(%dma_start3A_182 : memref<64xi32, #tpu.memory_space<vmem>>) semaphore(%arg16 : memref<!tpu.dma_semaphore, #tpu.memory_space<semaphore_mem>>)
    %dma_wait3A_186 = arith.constant 3 : i32
    %dma_wait3A_187 = arith.constant 3 : i32
    %dma_wait3A_188 = arith.constant 0 : i32
    %dma_wait3A_189 = arith.constant 0 : i32
    %dma_wait3A_190 = tpu.memref_slice %arg6[%dma_wait3A_187, %dma_wait3A_188, %dma_wait3A_189] : memref<5x2x64xi32, #tpu.memory_space<vmem>> -> memref<1x2x64xi32, #tpu.memory_space<vmem>>
    %dma_wait3A_191 = tpu.memref_squeeze %dma_wait3A_190 : memref<1x2x64xi32, #tpu.memory_space<vmem>> -> memref<2x64xi32, #tpu.memory_space<vmem>>
    %dma_wait3A_192 = arith.constant 0 : i32
    %dma_wait3A_193 = arith.constant 0 : i32
    %dma_wait3A_194 = tpu.memref_slice %arg3[%add3A, %dma_wait3A_186, %dma_wait3A_192, %dma_wait3A_193] : memref<32x157x2x64xi32, #tpu.memory_space<hbm>> -> memref<1x1x2x64xi32, #tpu.memory_space<hbm>>
    %dma_wait3A_195 = tpu.memref_squeeze %dma_wait3A_194 : memref<1x1x2x64xi32, #tpu.memory_space<hbm>> -> memref<2x64xi32, #tpu.memory_space<hbm>>
    %dma_wait3A_196 = arith.constant 0 : i32
    %dma_wait3A_197 = arith.constant 0 : i32
    %dma_wait3A_198 = tpu.memref_slice %arg6[%dma_wait3A_187, %dma_wait3A_196, %dma_wait3A_197] : memref<5x2x64xi32, #tpu.memory_space<vmem>> -> memref<1x2x64xi32, #tpu.memory_space<vmem>>
    %dma_wait3A_199 = tpu.memref_squeeze %dma_wait3A_198 : memref<1x2x64xi32, #tpu.memory_space<vmem>> -> memref<2x64xi32, #tpu.memory_space<vmem>>
    %dma_wait3A_200 = arith.constant 0 : i32
    %dma_wait3A_201 = arith.constant 0 : i32
    %dma_wait3A_202 = tpu.memref_slice %arg3[%add3A, %dma_wait3A_186, %dma_wait3A_200, %dma_wait3A_201] : memref<32x157x2x64xi32, #tpu.memory_space<hbm>> -> memref<1x1x2x64xi32, #tpu.memory_space<hbm>>
    %dma_wait3A_203 = tpu.memref_squeeze %dma_wait3A_202 : memref<1x1x2x64xi32, #tpu.memory_space<hbm>> -> memref<2x64xi32, #tpu.memory_space<hbm>>
    tpu.wait_dma2 semaphore(%arg12 : memref<!tpu.dma_semaphore, #tpu.memory_space<semaphore_mem>>) src(%dma_wait3A_203 : memref<2x64xi32, #tpu.memory_space<hbm>>) dst(%dma_wait3A_199 : memref<2x64xi32, #tpu.memory_space<vmem>>)
    %dma_start3A_204 = arith.constant 3 : i32
    %dma_start3A_205 = arith.constant 0 : i32
    %dma_start3A_206 = arith.constant 3 : i32
    %dma_start3A_207 = arith.constant 0 : i32
    %dma_start3A_208 = arith.constant 0 : i32
    %dma_start3A_209 = tpu.memref_slice %arg7[%dma_start3A_206, %dma_start3A_207, %dma_start3A_208] : memref<5x64x128xf32, #tpu.memory_space<vmem>> -> memref<1x64x128xf32, #tpu.memory_space<vmem>>
    %dma_start3A_210 = tpu.memref_squeeze %dma_start3A_209 : memref<1x64x128xf32, #tpu.memory_space<vmem>> -> memref<64x128xf32, #tpu.memory_space<vmem>>
    %dma_start3A_211 = arith.constant 0 : i32
    %dma_start3A_212 = tpu.memref_slice %arg6[%dma_start3A_204, %dma_start3A_205, %dma_start3A_211] : memref<5x2x64xi32, #tpu.memory_space<vmem>> -> memref<1x1x64xi32, #tpu.memory_space<vmem>>
    %dma_start3A_213 = tpu.memref_squeeze %dma_start3A_212 : memref<1x1x64xi32, #tpu.memory_space<vmem>> -> memref<64xi32, #tpu.memory_space<vmem>>
    %dma_start3A_214 = arith.constant 0 : i32
    %dma_start3A_215 = arith.constant 0 : i32
    %dma_start3A_216 = tpu.memref_slice %arg2[%dma_start3A_214, %dma_start3A_215] : memref<10240x128xf32, #tpu.memory_space<hbm>> -> memref<10240x128xf32, #tpu.memory_space<hbm>>
    tpu.enqueue_indirect_dma source(%dma_start3A_216 : memref<10240x128xf32, #tpu.memory_space<hbm>>) target(%dma_start3A_210 : memref<64x128xf32, #tpu.memory_space<vmem>>) offsets(%dma_start3A_213 : memref<64xi32, #tpu.memory_space<vmem>>) semaphore(%arg17 : memref<!tpu.dma_semaphore, #tpu.memory_space<semaphore_mem>>)
    %dma_wait3A_217 = arith.constant 4 : i32
    %dma_wait3A_218 = arith.constant 4 : i32
    %dma_wait3A_219 = arith.constant 0 : i32
    %dma_wait3A_220 = arith.constant 0 : i32
    %dma_wait3A_221 = tpu.memref_slice %arg6[%dma_wait3A_218, %dma_wait3A_219, %dma_wait3A_220] : memref<5x2x64xi32, #tpu.memory_space<vmem>> -> memref<1x2x64xi32, #tpu.memory_space<vmem>>
    %dma_wait3A_222 = tpu.memref_squeeze %dma_wait3A_221 : memref<1x2x64xi32, #tpu.memory_space<vmem>> -> memref<2x64xi32, #tpu.memory_space<vmem>>
    %dma_wait3A_223 = arith.constant 0 : i32
    %dma_wait3A_224 = arith.constant 0 : i32
    %dma_wait3A_225 = tpu.memref_slice %arg3[%add3A, %dma_wait3A_217, %dma_wait3A_223, %dma_wait3A_224] : memref<32x157x2x64xi32, #tpu.memory_space<hbm>> -> memref<1x1x2x64xi32, #tpu.memory_space<hbm>>
    %dma_wait3A_226 = tpu.memref_squeeze %dma_wait3A_225 : memref<1x1x2x64xi32, #tpu.memory_space<hbm>> -> memref<2x64xi32, #tpu.memory_space<hbm>>
    %dma_wait3A_227 = arith.constant 0 : i32
    %dma_wait3A_228 = arith.constant 0 : i32
    %dma_wait3A_229 = tpu.memref_slice %arg6[%dma_wait3A_218, %dma_wait3A_227, %dma_wait3A_228] : memref<5x2x64xi32, #tpu.memory_space<vmem>> -> memref<1x2x64xi32, #tpu.memory_space<vmem>>
    %dma_wait3A_230 = tpu.memref_squeeze %dma_wait3A_229 : memref<1x2x64xi32, #tpu.memory_space<vmem>> -> memref<2x64xi32, #tpu.memory_space<vmem>>
    %dma_wait3A_231 = arith.constant 0 : i32
    %dma_wait3A_232 = arith.constant 0 : i32
    %dma_wait3A_233 = tpu.memref_slice %arg3[%add3A, %dma_wait3A_217, %dma_wait3A_231, %dma_wait3A_232] : memref<32x157x2x64xi32, #tpu.memory_space<hbm>> -> memref<1x1x2x64xi32, #tpu.memory_space<hbm>>
    %dma_wait3A_234 = tpu.memref_squeeze %dma_wait3A_233 : memref<1x1x2x64xi32, #tpu.memory_space<hbm>> -> memref<2x64xi32, #tpu.memory_space<hbm>>
    tpu.wait_dma2 semaphore(%arg13 : memref<!tpu.dma_semaphore, #tpu.memory_space<semaphore_mem>>) src(%dma_wait3A_234 : memref<2x64xi32, #tpu.memory_space<hbm>>) dst(%dma_wait3A_230 : memref<2x64xi32, #tpu.memory_space<vmem>>)
    %dma_start3A_235 = arith.constant 4 : i32
    %dma_start3A_236 = arith.constant 0 : i32
    %dma_start3A_237 = arith.constant 4 : i32
    %dma_start3A_238 = arith.constant 0 : i32
    %dma_start3A_239 = arith.constant 0 : i32
    %dma_start3A_240 = tpu.memref_slice %arg7[%dma_start3A_237, %dma_start3A_238, %dma_start3A_239] : memref<5x64x128xf32, #tpu.memory_space<vmem>> -> memref<1x64x128xf32, #tpu.memory_space<vmem>>
    %dma_start3A_241 = tpu.memref_squeeze %dma_start3A_240 : memref<1x64x128xf32, #tpu.memory_space<vmem>> -> memref<64x128xf32, #tpu.memory_space<vmem>>
    %dma_start3A_242 = arith.constant 0 : i32
    %dma_start3A_243 = tpu.memref_slice %arg6[%dma_start3A_235, %dma_start3A_236, %dma_start3A_242] : memref<5x2x64xi32, #tpu.memory_space<vmem>> -> memref<1x1x64xi32, #tpu.memory_space<vmem>>
    %dma_start3A_244 = tpu.memref_squeeze %dma_start3A_243 : memref<1x1x64xi32, #tpu.memory_space<vmem>> -> memref<64xi32, #tpu.memory_space<vmem>>
    %dma_start3A_245 = arith.constant 0 : i32
    %dma_start3A_246 = arith.constant 0 : i32
    %dma_start3A_247 = tpu.memref_slice %arg2[%dma_start3A_245, %dma_start3A_246] : memref<10240x128xf32, #tpu.memory_space<hbm>> -> memref<10240x128xf32, #tpu.memory_space<hbm>>
    tpu.enqueue_indirect_dma source(%dma_start3A_247 : memref<10240x128xf32, #tpu.memory_space<hbm>>) target(%dma_start3A_241 : memref<64x128xf32, #tpu.memory_space<vmem>>) offsets(%dma_start3A_244 : memref<64xi32, #tpu.memory_space<vmem>>) semaphore(%arg18 : memref<!tpu.dma_semaphore, #tpu.memory_space<semaphore_mem>>)
    %scan3A = arith.constant 0 : i32
    %scan3A_248 = arith.constant 0 : i32
    %scan3A_249 = arith.constant 31 : i32
    %scan3A_250 = arith.addi %scan3A_248, %scan3A_249 : i32
    %scan3A_251 = arith.constant 1 : i32
    scf.for %scan3A_323 = %scan3A_248 to %scan3A_250 step %scan3A_251  : i32 {
      %mul3A_324 = arith.constant 5 : i32
      %mul3A_325 = arith.muli %mul3A_324, %scan3A_323 : i32
      %dma_wait3A_326 = arith.constant 0 : i32
      %dma_wait3A_327 = arith.constant 0 : i32
      %dma_wait3A_328 = arith.constant 0 : i32
      %dma_wait3A_329 = arith.constant 0 : i32
      %dma_wait3A_330 = arith.constant 0 : i32
      %dma_wait3A_331 = tpu.memref_slice %arg7[%dma_wait3A_328, %dma_wait3A_329, %dma_wait3A_330] : memref<5x64x128xf32, #tpu.memory_space<vmem>> -> memref<1x64x128xf32, #tpu.memory_space<vmem>>
      %dma_wait3A_332 = tpu.memref_squeeze %dma_wait3A_331 : memref<1x64x128xf32, #tpu.memory_space<vmem>> -> memref<64x128xf32, #tpu.memory_space<vmem>>
      %dma_wait3A_333 = arith.constant 0 : i32
      %dma_wait3A_334 = tpu.memref_slice %arg6[%dma_wait3A_326, %dma_wait3A_327, %dma_wait3A_333] : memref<5x2x64xi32, #tpu.memory_space<vmem>> -> memref<1x1x64xi32, #tpu.memory_space<vmem>>
      %dma_wait3A_335 = tpu.memref_squeeze %dma_wait3A_334 : memref<1x1x64xi32, #tpu.memory_space<vmem>> -> memref<64xi32, #tpu.memory_space<vmem>>
      %dma_wait3A_336 = arith.constant 0 : i32
      %dma_wait3A_337 = arith.constant 0 : i32
      %dma_wait3A_338 = tpu.memref_slice %arg2[%dma_wait3A_336, %dma_wait3A_337] : memref<10240x128xf32, #tpu.memory_space<hbm>> -> memref<10240x128xf32, #tpu.memory_space<hbm>>
      tpu.wait_indirect_dma semaphore(%arg14 : memref<!tpu.dma_semaphore, #tpu.memory_space<semaphore_mem>>) src(%dma_wait3A_338 : memref<10240x128xf32, #tpu.memory_space<hbm>>) dst(%dma_wait3A_332 : memref<64x128xf32, #tpu.memory_space<vmem>>)
      %dma_start3A_339 = arith.constant 0 : i32
      %dma_start3A_340 = arith.constant 0 : i32
      %dma_start3A_341 = arith.constant 1 : i32
      %dma_start3A_342 = arith.constant 0 : i32
      %dma_start3A_343 = arith.constant 0 : i32
      %dma_start3A_344 = tpu.memref_slice %arg7[%dma_start3A_339, %dma_start3A_342, %dma_start3A_343] : memref<5x64x128xf32, #tpu.memory_space<vmem>> -> memref<1x64x128xf32, #tpu.memory_space<vmem>>
      %dma_start3A_345 = tpu.memref_squeeze %dma_start3A_344 : memref<1x64x128xf32, #tpu.memory_space<vmem>> -> memref<64x128xf32, #tpu.memory_space<vmem>>
      %dma_start3A_346 = arith.constant 0 : i32
      %dma_start3A_347 = tpu.memref_slice %arg6[%dma_start3A_340, %dma_start3A_341, %dma_start3A_346] : memref<5x2x64xi32, #tpu.memory_space<vmem>> -> memref<1x1x64xi32, #tpu.memory_space<vmem>>
      %dma_start3A_348 = tpu.memref_squeeze %dma_start3A_347 : memref<1x1x64xi32, #tpu.memory_space<vmem>> -> memref<64xi32, #tpu.memory_space<vmem>>
      %dma_start3A_349 = arith.constant 0 : i32
      %dma_start3A_350 = arith.constant 0 : i32
      %dma_start3A_351 = tpu.memref_slice %arg8[%dma_start3A_349, %dma_start3A_350] : memref<10240x128xf32, #tpu.memory_space<vmem_shared>> -> memref<10240x128xf32, #tpu.memory_space<vmem_shared>>
      tpu.enqueue_indirect_dma source(%dma_start3A_345 : memref<64x128xf32, #tpu.memory_space<vmem>>) target(%dma_start3A_351 : memref<10240x128xf32, #tpu.memory_space<vmem_shared>>) offsets(%dma_start3A_348 : memref<64xi32, #tpu.memory_space<vmem>>) semaphore(%arg19 : memref<!tpu.dma_semaphore, #tpu.memory_space<semaphore_mem>>) {add = true}
      %dma_wait3A_352 = arith.constant 1 : i32
      %dma_wait3A_353 = arith.constant 0 : i32
      %dma_wait3A_354 = arith.constant 1 : i32
      %dma_wait3A_355 = arith.constant 0 : i32
      %dma_wait3A_356 = arith.constant 0 : i32
      %dma_wait3A_357 = tpu.memref_slice %arg7[%dma_wait3A_354, %dma_wait3A_355, %dma_wait3A_356] : memref<5x64x128xf32, #tpu.memory_space<vmem>> -> memref<1x64x128xf32, #tpu.memory_space<vmem>>
      %dma_wait3A_358 = tpu.memref_squeeze %dma_wait3A_357 : memref<1x64x128xf32, #tpu.memory_space<vmem>> -> memref<64x128xf32, #tpu.memory_space<vmem>>
      %dma_wait3A_359 = arith.constant 0 : i32
      %dma_wait3A_360 = tpu.memref_slice %arg6[%dma_wait3A_352, %dma_wait3A_353, %dma_wait3A_359] : memref<5x2x64xi32, #tpu.memory_space<vmem>> -> memref<1x1x64xi32, #tpu.memory_space<vmem>>
      %dma_wait3A_361 = tpu.memref_squeeze %dma_wait3A_360 : memref<1x1x64xi32, #tpu.memory_space<vmem>> -> memref<64xi32, #tpu.memory_space<vmem>>
      %dma_wait3A_362 = arith.constant 0 : i32
      %dma_wait3A_363 = arith.constant 0 : i32
      %dma_wait3A_364 = tpu.memref_slice %arg2[%dma_wait3A_362, %dma_wait3A_363] : memref<10240x128xf32, #tpu.memory_space<hbm>> -> memref<10240x128xf32, #tpu.memory_space<hbm>>
      tpu.wait_indirect_dma semaphore(%arg15 : memref<!tpu.dma_semaphore, #tpu.memory_space<semaphore_mem>>) src(%dma_wait3A_364 : memref<10240x128xf32, #tpu.memory_space<hbm>>) dst(%dma_wait3A_358 : memref<64x128xf32, #tpu.memory_space<vmem>>)
      %dma_start3A_365 = arith.constant 1 : i32
      %dma_start3A_366 = arith.constant 1 : i32
      %dma_start3A_367 = arith.constant 1 : i32
      %dma_start3A_368 = arith.constant 0 : i32
      %dma_start3A_369 = arith.constant 0 : i32
      %dma_start3A_370 = tpu.memref_slice %arg7[%dma_start3A_365, %dma_start3A_368, %dma_start3A_369] : memref<5x64x128xf32, #tpu.memory_space<vmem>> -> memref<1x64x128xf32, #tpu.memory_space<vmem>>
      %dma_start3A_371 = tpu.memref_squeeze %dma_start3A_370 : memref<1x64x128xf32, #tpu.memory_space<vmem>> -> memref<64x128xf32, #tpu.memory_space<vmem>>
      %dma_start3A_372 = arith.constant 0 : i32
      %dma_start3A_373 = tpu.memref_slice %arg6[%dma_start3A_366, %dma_start3A_367, %dma_start3A_372] : memref<5x2x64xi32, #tpu.memory_space<vmem>> -> memref<1x1x64xi32, #tpu.memory_space<vmem>>
      %dma_start3A_374 = tpu.memref_squeeze %dma_start3A_373 : memref<1x1x64xi32, #tpu.memory_space<vmem>> -> memref<64xi32, #tpu.memory_space<vmem>>
      %dma_start3A_375 = arith.constant 0 : i32
      %dma_start3A_376 = arith.constant 0 : i32
      %dma_start3A_377 = tpu.memref_slice %arg8[%dma_start3A_375, %dma_start3A_376] : memref<10240x128xf32, #tpu.memory_space<vmem_shared>> -> memref<10240x128xf32, #tpu.memory_space<vmem_shared>>
      tpu.enqueue_indirect_dma source(%dma_start3A_371 : memref<64x128xf32, #tpu.memory_space<vmem>>) target(%dma_start3A_377 : memref<10240x128xf32, #tpu.memory_space<vmem_shared>>) offsets(%dma_start3A_374 : memref<64xi32, #tpu.memory_space<vmem>>) semaphore(%arg20 : memref<!tpu.dma_semaphore, #tpu.memory_space<semaphore_mem>>) {add = true}
      %dma_wait3A_378 = arith.constant 2 : i32
      %dma_wait3A_379 = arith.constant 0 : i32
      %dma_wait3A_380 = arith.constant 2 : i32
      %dma_wait3A_381 = arith.constant 0 : i32
      %dma_wait3A_382 = arith.constant 0 : i32
      %dma_wait3A_383 = tpu.memref_slice %arg7[%dma_wait3A_380, %dma_wait3A_381, %dma_wait3A_382] : memref<5x64x128xf32, #tpu.memory_space<vmem>> -> memref<1x64x128xf32, #tpu.memory_space<vmem>>
      %dma_wait3A_384 = tpu.memref_squeeze %dma_wait3A_383 : memref<1x64x128xf32, #tpu.memory_space<vmem>> -> memref<64x128xf32, #tpu.memory_space<vmem>>
      %dma_wait3A_385 = arith.constant 0 : i32
      %dma_wait3A_386 = tpu.memref_slice %arg6[%dma_wait3A_378, %dma_wait3A_379, %dma_wait3A_385] : memref<5x2x64xi32, #tpu.memory_space<vmem>> -> memref<1x1x64xi32, #tpu.memory_space<vmem>>
      %dma_wait3A_387 = tpu.memref_squeeze %dma_wait3A_386 : memref<1x1x64xi32, #tpu.memory_space<vmem>> -> memref<64xi32, #tpu.memory_space<vmem>>
      %dma_wait3A_388 = arith.constant 0 : i32
      %dma_wait3A_389 = arith.constant 0 : i32
      %dma_wait3A_390 = tpu.memref_slice %arg2[%dma_wait3A_388, %dma_wait3A_389] : memref<10240x128xf32, #tpu.memory_space<hbm>> -> memref<10240x128xf32, #tpu.memory_space<hbm>>
      tpu.wait_indirect_dma semaphore(%arg16 : memref<!tpu.dma_semaphore, #tpu.memory_space<semaphore_mem>>) src(%dma_wait3A_390 : memref<10240x128xf32, #tpu.memory_space<hbm>>) dst(%dma_wait3A_384 : memref<64x128xf32, #tpu.memory_space<vmem>>)
      %dma_start3A_391 = arith.constant 2 : i32
      %dma_start3A_392 = arith.constant 2 : i32
      %dma_start3A_393 = arith.constant 1 : i32
      %dma_start3A_394 = arith.constant 0 : i32
      %dma_start3A_395 = arith.constant 0 : i32
      %dma_start3A_396 = tpu.memref_slice %arg7[%dma_start3A_391, %dma_start3A_394, %dma_start3A_395] : memref<5x64x128xf32, #tpu.memory_space<vmem>> -> memref<1x64x128xf32, #tpu.memory_space<vmem>>
      %dma_start3A_397 = tpu.memref_squeeze %dma_start3A_396 : memref<1x64x128xf32, #tpu.memory_space<vmem>> -> memref<64x128xf32, #tpu.memory_space<vmem>>
      %dma_start3A_398 = arith.constant 0 : i32
      %dma_start3A_399 = tpu.memref_slice %arg6[%dma_start3A_392, %dma_start3A_393, %dma_start3A_398] : memref<5x2x64xi32, #tpu.memory_space<vmem>> -> memref<1x1x64xi32, #tpu.memory_space<vmem>>
      %dma_start3A_400 = tpu.memref_squeeze %dma_start3A_399 : memref<1x1x64xi32, #tpu.memory_space<vmem>> -> memref<64xi32, #tpu.memory_space<vmem>>
      %dma_start3A_401 = arith.constant 0 : i32
      %dma_start3A_402 = arith.constant 0 : i32
      %dma_start3A_403 = tpu.memref_slice %arg8[%dma_start3A_401, %dma_start3A_402] : memref<10240x128xf32, #tpu.memory_space<vmem_shared>> -> memref<10240x128xf32, #tpu.memory_space<vmem_shared>>
      tpu.enqueue_indirect_dma source(%dma_start3A_397 : memref<64x128xf32, #tpu.memory_space<vmem>>) target(%dma_start3A_403 : memref<10240x128xf32, #tpu.memory_space<vmem_shared>>) offsets(%dma_start3A_400 : memref<64xi32, #tpu.memory_space<vmem>>) semaphore(%arg21 : memref<!tpu.dma_semaphore, #tpu.memory_space<semaphore_mem>>) {add = true}
      %dma_wait3A_404 = arith.constant 3 : i32
      %dma_wait3A_405 = arith.constant 0 : i32
      %dma_wait3A_406 = arith.constant 3 : i32
      %dma_wait3A_407 = arith.constant 0 : i32
      %dma_wait3A_408 = arith.constant 0 : i32
      %dma_wait3A_409 = tpu.memref_slice %arg7[%dma_wait3A_406, %dma_wait3A_407, %dma_wait3A_408] : memref<5x64x128xf32, #tpu.memory_space<vmem>> -> memref<1x64x128xf32, #tpu.memory_space<vmem>>
      %dma_wait3A_410 = tpu.memref_squeeze %dma_wait3A_409 : memref<1x64x128xf32, #tpu.memory_space<vmem>> -> memref<64x128xf32, #tpu.memory_space<vmem>>
      %dma_wait3A_411 = arith.constant 0 : i32
      %dma_wait3A_412 = tpu.memref_slice %arg6[%dma_wait3A_404, %dma_wait3A_405, %dma_wait3A_411] : memref<5x2x64xi32, #tpu.memory_space<vmem>> -> memref<1x1x64xi32, #tpu.memory_space<vmem>>
      %dma_wait3A_413 = tpu.memref_squeeze %dma_wait3A_412 : memref<1x1x64xi32, #tpu.memory_space<vmem>> -> memref<64xi32, #tpu.memory_space<vmem>>
      %dma_wait3A_414 = arith.constant 0 : i32
      %dma_wait3A_415 = arith.constant 0 : i32
      %dma_wait3A_416 = tpu.memref_slice %arg2[%dma_wait3A_414, %dma_wait3A_415] : memref<10240x128xf32, #tpu.memory_space<hbm>> -> memref<10240x128xf32, #tpu.memory_space<hbm>>
      tpu.wait_indirect_dma semaphore(%arg17 : memref<!tpu.dma_semaphore, #tpu.memory_space<semaphore_mem>>) src(%dma_wait3A_416 : memref<10240x128xf32, #tpu.memory_space<hbm>>) dst(%dma_wait3A_410 : memref<64x128xf32, #tpu.memory_space<vmem>>)
      %dma_start3A_417 = arith.constant 3 : i32
      %dma_start3A_418 = arith.constant 3 : i32
      %dma_start3A_419 = arith.constant 1 : i32
      %dma_start3A_420 = arith.constant 0 : i32
      %dma_start3A_421 = arith.constant 0 : i32
      %dma_start3A_422 = tpu.memref_slice %arg7[%dma_start3A_417, %dma_start3A_420, %dma_start3A_421] : memref<5x64x128xf32, #tpu.memory_space<vmem>> -> memref<1x64x128xf32, #tpu.memory_space<vmem>>
      %dma_start3A_423 = tpu.memref_squeeze %dma_start3A_422 : memref<1x64x128xf32, #tpu.memory_space<vmem>> -> memref<64x128xf32, #tpu.memory_space<vmem>>
      %dma_start3A_424 = arith.constant 0 : i32
      %dma_start3A_425 = tpu.memref_slice %arg6[%dma_start3A_418, %dma_start3A_419, %dma_start3A_424] : memref<5x2x64xi32, #tpu.memory_space<vmem>> -> memref<1x1x64xi32, #tpu.memory_space<vmem>>
      %dma_start3A_426 = tpu.memref_squeeze %dma_start3A_425 : memref<1x1x64xi32, #tpu.memory_space<vmem>> -> memref<64xi32, #tpu.memory_space<vmem>>
      %dma_start3A_427 = arith.constant 0 : i32
      %dma_start3A_428 = arith.constant 0 : i32
      %dma_start3A_429 = tpu.memref_slice %arg8[%dma_start3A_427, %dma_start3A_428] : memref<10240x128xf32, #tpu.memory_space<vmem_shared>> -> memref<10240x128xf32, #tpu.memory_space<vmem_shared>>
      tpu.enqueue_indirect_dma source(%dma_start3A_423 : memref<64x128xf32, #tpu.memory_space<vmem>>) target(%dma_start3A_429 : memref<10240x128xf32, #tpu.memory_space<vmem_shared>>) offsets(%dma_start3A_426 : memref<64xi32, #tpu.memory_space<vmem>>) semaphore(%arg22 : memref<!tpu.dma_semaphore, #tpu.memory_space<semaphore_mem>>) {add = true}
      %dma_wait3A_430 = arith.constant 4 : i32
      %dma_wait3A_431 = arith.constant 0 : i32
      %dma_wait3A_432 = arith.constant 4 : i32
      %dma_wait3A_433 = arith.constant 0 : i32
      %dma_wait3A_434 = arith.constant 0 : i32
      %dma_wait3A_435 = tpu.memref_slice %arg7[%dma_wait3A_432, %dma_wait3A_433, %dma_wait3A_434] : memref<5x64x128xf32, #tpu.memory_space<vmem>> -> memref<1x64x128xf32, #tpu.memory_space<vmem>>
      %dma_wait3A_436 = tpu.memref_squeeze %dma_wait3A_435 : memref<1x64x128xf32, #tpu.memory_space<vmem>> -> memref<64x128xf32, #tpu.memory_space<vmem>>
      %dma_wait3A_437 = arith.constant 0 : i32
      %dma_wait3A_438 = tpu.memref_slice %arg6[%dma_wait3A_430, %dma_wait3A_431, %dma_wait3A_437] : memref<5x2x64xi32, #tpu.memory_space<vmem>> -> memref<1x1x64xi32, #tpu.memory_space<vmem>>
      %dma_wait3A_439 = tpu.memref_squeeze %dma_wait3A_438 : memref<1x1x64xi32, #tpu.memory_space<vmem>> -> memref<64xi32, #tpu.memory_space<vmem>>
      %dma_wait3A_440 = arith.constant 0 : i32
      %dma_wait3A_441 = arith.constant 0 : i32
      %dma_wait3A_442 = tpu.memref_slice %arg2[%dma_wait3A_440, %dma_wait3A_441] : memref<10240x128xf32, #tpu.memory_space<hbm>> -> memref<10240x128xf32, #tpu.memory_space<hbm>>
      tpu.wait_indirect_dma semaphore(%arg18 : memref<!tpu.dma_semaphore, #tpu.memory_space<semaphore_mem>>) src(%dma_wait3A_442 : memref<10240x128xf32, #tpu.memory_space<hbm>>) dst(%dma_wait3A_436 : memref<64x128xf32, #tpu.memory_space<vmem>>)
      %dma_start3A_443 = arith.constant 4 : i32
      %dma_start3A_444 = arith.constant 4 : i32
      %dma_start3A_445 = arith.constant 1 : i32
      %dma_start3A_446 = arith.constant 0 : i32
      %dma_start3A_447 = arith.constant 0 : i32
      %dma_start3A_448 = tpu.memref_slice %arg7[%dma_start3A_443, %dma_start3A_446, %dma_start3A_447] : memref<5x64x128xf32, #tpu.memory_space<vmem>> -> memref<1x64x128xf32, #tpu.memory_space<vmem>>
      %dma_start3A_449 = tpu.memref_squeeze %dma_start3A_448 : memref<1x64x128xf32, #tpu.memory_space<vmem>> -> memref<64x128xf32, #tpu.memory_space<vmem>>
      %dma_start3A_450 = arith.constant 0 : i32
      %dma_start3A_451 = tpu.memref_slice %arg6[%dma_start3A_444, %dma_start3A_445, %dma_start3A_450] : memref<5x2x64xi32, #tpu.memory_space<vmem>> -> memref<1x1x64xi32, #tpu.memory_space<vmem>>
      %dma_start3A_452 = tpu.memref_squeeze %dma_start3A_451 : memref<1x1x64xi32, #tpu.memory_space<vmem>> -> memref<64xi32, #tpu.memory_space<vmem>>
      %dma_start3A_453 = arith.constant 0 : i32
      %dma_start3A_454 = arith.constant 0 : i32
      %dma_start3A_455 = tpu.memref_slice %arg8[%dma_start3A_453, %dma_start3A_454] : memref<10240x128xf32, #tpu.memory_space<vmem_shared>> -> memref<10240x128xf32, #tpu.memory_space<vmem_shared>>
      tpu.enqueue_indirect_dma source(%dma_start3A_449 : memref<64x128xf32, #tpu.memory_space<vmem>>) target(%dma_start3A_455 : memref<10240x128xf32, #tpu.memory_space<vmem_shared>>) offsets(%dma_start3A_452 : memref<64xi32, #tpu.memory_space<vmem>>) semaphore(%arg23 : memref<!tpu.dma_semaphore, #tpu.memory_space<semaphore_mem>>) {add = true}
      %add3A_456 = arith.constant 1 : i32
      %add3A_457 = arith.addi %scan3A_323, %add3A_456 : i32
      %lt3A = arith.constant 31 : i32
      %lt3A_458 = arith.cmpi slt, %add3A_457, %lt3A : i32
      %convert_element_type3A = arith.extui %lt3A_458 : i1 to i32
      %cond3A = arith.constant 0 : i32
      %cond3A_459 = arith.cmpi ne, %convert_element_type3A, %cond3A : i32
      scf.if %cond3A_459 {
        %dma_wait3A_460 = arith.constant 0 : i32
        %dma_wait3A_461 = arith.constant 0 : i32
        %dma_wait3A_462 = arith.constant 1 : i32
        %dma_wait3A_463 = arith.constant 0 : i32
        %dma_wait3A_464 = arith.constant 0 : i32
        %dma_wait3A_465 = tpu.memref_slice %arg7[%dma_wait3A_460, %dma_wait3A_463, %dma_wait3A_464] : memref<5x64x128xf32, #tpu.memory_space<vmem>> -> memref<1x64x128xf32, #tpu.memory_space<vmem>>
        %dma_wait3A_466 = tpu.memref_squeeze %dma_wait3A_465 : memref<1x64x128xf32, #tpu.memory_space<vmem>> -> memref<64x128xf32, #tpu.memory_space<vmem>>
        %dma_wait3A_467 = arith.constant 0 : i32
        %dma_wait3A_468 = tpu.memref_slice %arg6[%dma_wait3A_461, %dma_wait3A_462, %dma_wait3A_467] : memref<5x2x64xi32, #tpu.memory_space<vmem>> -> memref<1x1x64xi32, #tpu.memory_space<vmem>>
        %dma_wait3A_469 = tpu.memref_squeeze %dma_wait3A_468 : memref<1x1x64xi32, #tpu.memory_space<vmem>> -> memref<64xi32, #tpu.memory_space<vmem>>
        %dma_wait3A_470 = arith.constant 0 : i32
        %dma_wait3A_471 = arith.constant 0 : i32
        %dma_wait3A_472 = tpu.memref_slice %arg8[%dma_wait3A_470, %dma_wait3A_471] : memref<10240x128xf32, #tpu.memory_space<vmem_shared>> -> memref<10240x128xf32, #tpu.memory_space<vmem_shared>>
        tpu.wait_indirect_dma semaphore(%arg19 : memref<!tpu.dma_semaphore, #tpu.memory_space<semaphore_mem>>) src(%dma_wait3A_466 : memref<64x128xf32, #tpu.memory_space<vmem>>) dst(%dma_wait3A_472 : memref<10240x128xf32, #tpu.memory_space<vmem_shared>>)
        %add3A_473 = arith.constant 5 : i32
        %add3A_474 = arith.addi %mul3A_325, %add3A_473 : i32
        %add3A_475 = arith.constant 0 : i32
        %add3A_476 = arith.addi %add3A_474, %add3A_475 : i32
        %dma_start3A_477 = arith.constant 0 : i32
        %dma_start3A_478 = arith.constant 0 : i32
        %dma_start3A_479 = arith.constant 0 : i32
        %dma_start3A_480 = tpu.memref_slice %arg6[%dma_start3A_477, %dma_start3A_478, %dma_start3A_479] : memref<5x2x64xi32, #tpu.memory_space<vmem>> -> memref<1x2x64xi32, #tpu.memory_space<vmem>>
        %dma_start3A_481 = tpu.memref_squeeze %dma_start3A_480 : memref<1x2x64xi32, #tpu.memory_space<vmem>> -> memref<2x64xi32, #tpu.memory_space<vmem>>
        %dma_start3A_482 = arith.constant 0 : i32
        %dma_start3A_483 = arith.constant 0 : i32
        %dma_start3A_484 = tpu.memref_slice %arg3[%add3A, %add3A_476, %dma_start3A_482, %dma_start3A_483] : memref<32x157x2x64xi32, #tpu.memory_space<hbm>> -> memref<1x1x2x64xi32, #tpu.memory_space<hbm>>
        %dma_start3A_485 = tpu.memref_squeeze %dma_start3A_484 : memref<1x1x2x64xi32, #tpu.memory_space<hbm>> -> memref<2x64xi32, #tpu.memory_space<hbm>>
        %dma_start3A_486 = arith.constant 0 : i32
        %dma_start3A_487 = arith.constant 0 : i32
        %dma_start3A_488 = tpu.memref_slice %arg6[%dma_start3A_477, %dma_start3A_486, %dma_start3A_487] : memref<5x2x64xi32, #tpu.memory_space<vmem>> -> memref<1x2x64xi32, #tpu.memory_space<vmem>>
        %dma_start3A_489 = tpu.memref_squeeze %dma_start3A_488 : memref<1x2x64xi32, #tpu.memory_space<vmem>> -> memref<2x64xi32, #tpu.memory_space<vmem>>
        %dma_start3A_490 = arith.constant 0 : i32
        %dma_start3A_491 = arith.constant 0 : i32
        %dma_start3A_492 = tpu.memref_slice %arg3[%add3A, %add3A_476, %dma_start3A_490, %dma_start3A_491] : memref<32x157x2x64xi32, #tpu.memory_space<hbm>> -> memref<1x1x2x64xi32, #tpu.memory_space<hbm>>
        %dma_start3A_493 = tpu.memref_squeeze %dma_start3A_492 : memref<1x1x2x64xi32, #tpu.memory_space<hbm>> -> memref<2x64xi32, #tpu.memory_space<hbm>>
        tpu.enqueue_dma source(%dma_start3A_493 : memref<2x64xi32, #tpu.memory_space<hbm>>) target(%dma_start3A_489 : memref<2x64xi32, #tpu.memory_space<vmem>>) target_semaphore(%arg9 : memref<!tpu.dma_semaphore, #tpu.memory_space<semaphore_mem>>)
        %dma_wait3A_494 = arith.constant 1 : i32
        %dma_wait3A_495 = arith.constant 1 : i32
        %dma_wait3A_496 = arith.constant 1 : i32
        %dma_wait3A_497 = arith.constant 0 : i32
        %dma_wait3A_498 = arith.constant 0 : i32
        %dma_wait3A_499 = tpu.memref_slice %arg7[%dma_wait3A_494, %dma_wait3A_497, %dma_wait3A_498] : memref<5x64x128xf32, #tpu.memory_space<vmem>> -> memref<1x64x128xf32, #tpu.memory_space<vmem>>
        %dma_wait3A_500 = tpu.memref_squeeze %dma_wait3A_499 : memref<1x64x128xf32, #tpu.memory_space<vmem>> -> memref<64x128xf32, #tpu.memory_space<vmem>>
        %dma_wait3A_501 = arith.constant 0 : i32
        %dma_wait3A_502 = tpu.memref_slice %arg6[%dma_wait3A_495, %dma_wait3A_496, %dma_wait3A_501] : memref<5x2x64xi32, #tpu.memory_space<vmem>> -> memref<1x1x64xi32, #tpu.memory_space<vmem>>
        %dma_wait3A_503 = tpu.memref_squeeze %dma_wait3A_502 : memref<1x1x64xi32, #tpu.memory_space<vmem>> -> memref<64xi32, #tpu.memory_space<vmem>>
        %dma_wait3A_504 = arith.constant 0 : i32
        %dma_wait3A_505 = arith.constant 0 : i32
        %dma_wait3A_506 = tpu.memref_slice %arg8[%dma_wait3A_504, %dma_wait3A_505] : memref<10240x128xf32, #tpu.memory_space<vmem_shared>> -> memref<10240x128xf32, #tpu.memory_space<vmem_shared>>
        tpu.wait_indirect_dma semaphore(%arg20 : memref<!tpu.dma_semaphore, #tpu.memory_space<semaphore_mem>>) src(%dma_wait3A_500 : memref<64x128xf32, #tpu.memory_space<vmem>>) dst(%dma_wait3A_506 : memref<10240x128xf32, #tpu.memory_space<vmem_shared>>)
        %add3A_507 = arith.constant 5 : i32
        %add3A_508 = arith.addi %mul3A_325, %add3A_507 : i32
        %add3A_509 = arith.constant 1 : i32
        %add3A_510 = arith.addi %add3A_508, %add3A_509 : i32
        %dma_start3A_511 = arith.constant 1 : i32
        %dma_start3A_512 = arith.constant 0 : i32
        %dma_start3A_513 = arith.constant 0 : i32
        %dma_start3A_514 = tpu.memref_slice %arg6[%dma_start3A_511, %dma_start3A_512, %dma_start3A_513] : memref<5x2x64xi32, #tpu.memory_space<vmem>> -> memref<1x2x64xi32, #tpu.memory_space<vmem>>
        %dma_start3A_515 = tpu.memref_squeeze %dma_start3A_514 : memref<1x2x64xi32, #tpu.memory_space<vmem>> -> memref<2x64xi32, #tpu.memory_space<vmem>>
        %dma_start3A_516 = arith.constant 0 : i32
        %dma_start3A_517 = arith.constant 0 : i32
        %dma_start3A_518 = tpu.memref_slice %arg3[%add3A, %add3A_510, %dma_start3A_516, %dma_start3A_517] : memref<32x157x2x64xi32, #tpu.memory_space<hbm>> -> memref<1x1x2x64xi32, #tpu.memory_space<hbm>>
        %dma_start3A_519 = tpu.memref_squeeze %dma_start3A_518 : memref<1x1x2x64xi32, #tpu.memory_space<hbm>> -> memref<2x64xi32, #tpu.memory_space<hbm>>
        %dma_start3A_520 = arith.constant 0 : i32
        %dma_start3A_521 = arith.constant 0 : i32
        %dma_start3A_522 = tpu.memref_slice %arg6[%dma_start3A_511, %dma_start3A_520, %dma_start3A_521] : memref<5x2x64xi32, #tpu.memory_space<vmem>> -> memref<1x2x64xi32, #tpu.memory_space<vmem>>
        %dma_start3A_523 = tpu.memref_squeeze %dma_start3A_522 : memref<1x2x64xi32, #tpu.memory_space<vmem>> -> memref<2x64xi32, #tpu.memory_space<vmem>>
        %dma_start3A_524 = arith.constant 0 : i32
        %dma_start3A_525 = arith.constant 0 : i32
        %dma_start3A_526 = tpu.memref_slice %arg3[%add3A, %add3A_510, %dma_start3A_524, %dma_start3A_525] : memref<32x157x2x64xi32, #tpu.memory_space<hbm>> -> memref<1x1x2x64xi32, #tpu.memory_space<hbm>>
        %dma_start3A_527 = tpu.memref_squeeze %dma_start3A_526 : memref<1x1x2x64xi32, #tpu.memory_space<hbm>> -> memref<2x64xi32, #tpu.memory_space<hbm>>
        tpu.enqueue_dma source(%dma_start3A_527 : memref<2x64xi32, #tpu.memory_space<hbm>>) target(%dma_start3A_523 : memref<2x64xi32, #tpu.memory_space<vmem>>) target_semaphore(%arg10 : memref<!tpu.dma_semaphore, #tpu.memory_space<semaphore_mem>>)
        %dma_wait3A_528 = arith.constant 2 : i32
        %dma_wait3A_529 = arith.constant 2 : i32
        %dma_wait3A_530 = arith.constant 1 : i32
        %dma_wait3A_531 = arith.constant 0 : i32
        %dma_wait3A_532 = arith.constant 0 : i32
        %dma_wait3A_533 = tpu.memref_slice %arg7[%dma_wait3A_528, %dma_wait3A_531, %dma_wait3A_532] : memref<5x64x128xf32, #tpu.memory_space<vmem>> -> memref<1x64x128xf32, #tpu.memory_space<vmem>>
        %dma_wait3A_534 = tpu.memref_squeeze %dma_wait3A_533 : memref<1x64x128xf32, #tpu.memory_space<vmem>> -> memref<64x128xf32, #tpu.memory_space<vmem>>
        %dma_wait3A_535 = arith.constant 0 : i32
        %dma_wait3A_536 = tpu.memref_slice %arg6[%dma_wait3A_529, %dma_wait3A_530, %dma_wait3A_535] : memref<5x2x64xi32, #tpu.memory_space<vmem>> -> memref<1x1x64xi32, #tpu.memory_space<vmem>>
        %dma_wait3A_537 = tpu.memref_squeeze %dma_wait3A_536 : memref<1x1x64xi32, #tpu.memory_space<vmem>> -> memref<64xi32, #tpu.memory_space<vmem>>
        %dma_wait3A_538 = arith.constant 0 : i32
        %dma_wait3A_539 = arith.constant 0 : i32
        %dma_wait3A_540 = tpu.memref_slice %arg8[%dma_wait3A_538, %dma_wait3A_539] : memref<10240x128xf32, #tpu.memory_space<vmem_shared>> -> memref<10240x128xf32, #tpu.memory_space<vmem_shared>>
        tpu.wait_indirect_dma semaphore(%arg21 : memref<!tpu.dma_semaphore, #tpu.memory_space<semaphore_mem>>) src(%dma_wait3A_534 : memref<64x128xf32, #tpu.memory_space<vmem>>) dst(%dma_wait3A_540 : memref<10240x128xf32, #tpu.memory_space<vmem_shared>>)
        %add3A_541 = arith.constant 5 : i32
        %add3A_542 = arith.addi %mul3A_325, %add3A_541 : i32
        %add3A_543 = arith.constant 2 : i32
        %add3A_544 = arith.addi %add3A_542, %add3A_543 : i32
        %dma_start3A_545 = arith.constant 2 : i32
        %dma_start3A_546 = arith.constant 0 : i32
        %dma_start3A_547 = arith.constant 0 : i32
        %dma_start3A_548 = tpu.memref_slice %arg6[%dma_start3A_545, %dma_start3A_546, %dma_start3A_547] : memref<5x2x64xi32, #tpu.memory_space<vmem>> -> memref<1x2x64xi32, #tpu.memory_space<vmem>>
        %dma_start3A_549 = tpu.memref_squeeze %dma_start3A_548 : memref<1x2x64xi32, #tpu.memory_space<vmem>> -> memref<2x64xi32, #tpu.memory_space<vmem>>
        %dma_start3A_550 = arith.constant 0 : i32
        %dma_start3A_551 = arith.constant 0 : i32
        %dma_start3A_552 = tpu.memref_slice %arg3[%add3A, %add3A_544, %dma_start3A_550, %dma_start3A_551] : memref<32x157x2x64xi32, #tpu.memory_space<hbm>> -> memref<1x1x2x64xi32, #tpu.memory_space<hbm>>
        %dma_start3A_553 = tpu.memref_squeeze %dma_start3A_552 : memref<1x1x2x64xi32, #tpu.memory_space<hbm>> -> memref<2x64xi32, #tpu.memory_space<hbm>>
        %dma_start3A_554 = arith.constant 0 : i32
        %dma_start3A_555 = arith.constant 0 : i32
        %dma_start3A_556 = tpu.memref_slice %arg6[%dma_start3A_545, %dma_start3A_554, %dma_start3A_555] : memref<5x2x64xi32, #tpu.memory_space<vmem>> -> memref<1x2x64xi32, #tpu.memory_space<vmem>>
        %dma_start3A_557 = tpu.memref_squeeze %dma_start3A_556 : memref<1x2x64xi32, #tpu.memory_space<vmem>> -> memref<2x64xi32, #tpu.memory_space<vmem>>
        %dma_start3A_558 = arith.constant 0 : i32
        %dma_start3A_559 = arith.constant 0 : i32
        %dma_start3A_560 = tpu.memref_slice %arg3[%add3A, %add3A_544, %dma_start3A_558, %dma_start3A_559] : memref<32x157x2x64xi32, #tpu.memory_space<hbm>> -> memref<1x1x2x64xi32, #tpu.memory_space<hbm>>
        %dma_start3A_561 = tpu.memref_squeeze %dma_start3A_560 : memref<1x1x2x64xi32, #tpu.memory_space<hbm>> -> memref<2x64xi32, #tpu.memory_space<hbm>>
        tpu.enqueue_dma source(%dma_start3A_561 : memref<2x64xi32, #tpu.memory_space<hbm>>) target(%dma_start3A_557 : memref<2x64xi32, #tpu.memory_space<vmem>>) target_semaphore(%arg11 : memref<!tpu.dma_semaphore, #tpu.memory_space<semaphore_mem>>)
        %dma_wait3A_562 = arith.constant 3 : i32
        %dma_wait3A_563 = arith.constant 3 : i32
        %dma_wait3A_564 = arith.constant 1 : i32
        %dma_wait3A_565 = arith.constant 0 : i32
        %dma_wait3A_566 = arith.constant 0 : i32
        %dma_wait3A_567 = tpu.memref_slice %arg7[%dma_wait3A_562, %dma_wait3A_565, %dma_wait3A_566] : memref<5x64x128xf32, #tpu.memory_space<vmem>> -> memref<1x64x128xf32, #tpu.memory_space<vmem>>
        %dma_wait3A_568 = tpu.memref_squeeze %dma_wait3A_567 : memref<1x64x128xf32, #tpu.memory_space<vmem>> -> memref<64x128xf32, #tpu.memory_space<vmem>>
        %dma_wait3A_569 = arith.constant 0 : i32
        %dma_wait3A_570 = tpu.memref_slice %arg6[%dma_wait3A_563, %dma_wait3A_564, %dma_wait3A_569] : memref<5x2x64xi32, #tpu.memory_space<vmem>> -> memref<1x1x64xi32, #tpu.memory_space<vmem>>
        %dma_wait3A_571 = tpu.memref_squeeze %dma_wait3A_570 : memref<1x1x64xi32, #tpu.memory_space<vmem>> -> memref<64xi32, #tpu.memory_space<vmem>>
        %dma_wait3A_572 = arith.constant 0 : i32
        %dma_wait3A_573 = arith.constant 0 : i32
        %dma_wait3A_574 = tpu.memref_slice %arg8[%dma_wait3A_572, %dma_wait3A_573] : memref<10240x128xf32, #tpu.memory_space<vmem_shared>> -> memref<10240x128xf32, #tpu.memory_space<vmem_shared>>
        tpu.wait_indirect_dma semaphore(%arg22 : memref<!tpu.dma_semaphore, #tpu.memory_space<semaphore_mem>>) src(%dma_wait3A_568 : memref<64x128xf32, #tpu.memory_space<vmem>>) dst(%dma_wait3A_574 : memref<10240x128xf32, #tpu.memory_space<vmem_shared>>)
        %add3A_575 = arith.constant 5 : i32
        %add3A_576 = arith.addi %mul3A_325, %add3A_575 : i32
        %add3A_577 = arith.constant 3 : i32
        %add3A_578 = arith.addi %add3A_576, %add3A_577 : i32
        %dma_start3A_579 = arith.constant 3 : i32
        %dma_start3A_580 = arith.constant 0 : i32
        %dma_start3A_581 = arith.constant 0 : i32
        %dma_start3A_582 = tpu.memref_slice %arg6[%dma_start3A_579, %dma_start3A_580, %dma_start3A_581] : memref<5x2x64xi32, #tpu.memory_space<vmem>> -> memref<1x2x64xi32, #tpu.memory_space<vmem>>
        %dma_start3A_583 = tpu.memref_squeeze %dma_start3A_582 : memref<1x2x64xi32, #tpu.memory_space<vmem>> -> memref<2x64xi32, #tpu.memory_space<vmem>>
        %dma_start3A_584 = arith.constant 0 : i32
        %dma_start3A_585 = arith.constant 0 : i32
        %dma_start3A_586 = tpu.memref_slice %arg3[%add3A, %add3A_578, %dma_start3A_584, %dma_start3A_585] : memref<32x157x2x64xi32, #tpu.memory_space<hbm>> -> memref<1x1x2x64xi32, #tpu.memory_space<hbm>>
        %dma_start3A_587 = tpu.memref_squeeze %dma_start3A_586 : memref<1x1x2x64xi32, #tpu.memory_space<hbm>> -> memref<2x64xi32, #tpu.memory_space<hbm>>
        %dma_start3A_588 = arith.constant 0 : i32
        %dma_start3A_589 = arith.constant 0 : i32
        %dma_start3A_590 = tpu.memref_slice %arg6[%dma_start3A_579, %dma_start3A_588, %dma_start3A_589] : memref<5x2x64xi32, #tpu.memory_space<vmem>> -> memref<1x2x64xi32, #tpu.memory_space<vmem>>
        %dma_start3A_591 = tpu.memref_squeeze %dma_start3A_590 : memref<1x2x64xi32, #tpu.memory_space<vmem>> -> memref<2x64xi32, #tpu.memory_space<vmem>>
        %dma_start3A_592 = arith.constant 0 : i32
        %dma_start3A_593 = arith.constant 0 : i32
        %dma_start3A_594 = tpu.memref_slice %arg3[%add3A, %add3A_578, %dma_start3A_592, %dma_start3A_593] : memref<32x157x2x64xi32, #tpu.memory_space<hbm>> -> memref<1x1x2x64xi32, #tpu.memory_space<hbm>>
        %dma_start3A_595 = tpu.memref_squeeze %dma_start3A_594 : memref<1x1x2x64xi32, #tpu.memory_space<hbm>> -> memref<2x64xi32, #tpu.memory_space<hbm>>
        tpu.enqueue_dma source(%dma_start3A_595 : memref<2x64xi32, #tpu.memory_space<hbm>>) target(%dma_start3A_591 : memref<2x64xi32, #tpu.memory_space<vmem>>) target_semaphore(%arg12 : memref<!tpu.dma_semaphore, #tpu.memory_space<semaphore_mem>>)
        %dma_wait3A_596 = arith.constant 4 : i32
        %dma_wait3A_597 = arith.constant 4 : i32
        %dma_wait3A_598 = arith.constant 1 : i32
        %dma_wait3A_599 = arith.constant 0 : i32
        %dma_wait3A_600 = arith.constant 0 : i32
        %dma_wait3A_601 = tpu.memref_slice %arg7[%dma_wait3A_596, %dma_wait3A_599, %dma_wait3A_600] : memref<5x64x128xf32, #tpu.memory_space<vmem>> -> memref<1x64x128xf32, #tpu.memory_space<vmem>>
        %dma_wait3A_602 = tpu.memref_squeeze %dma_wait3A_601 : memref<1x64x128xf32, #tpu.memory_space<vmem>> -> memref<64x128xf32, #tpu.memory_space<vmem>>
        %dma_wait3A_603 = arith.constant 0 : i32
        %dma_wait3A_604 = tpu.memref_slice %arg6[%dma_wait3A_597, %dma_wait3A_598, %dma_wait3A_603] : memref<5x2x64xi32, #tpu.memory_space<vmem>> -> memref<1x1x64xi32, #tpu.memory_space<vmem>>
        %dma_wait3A_605 = tpu.memref_squeeze %dma_wait3A_604 : memref<1x1x64xi32, #tpu.memory_space<vmem>> -> memref<64xi32, #tpu.memory_space<vmem>>
        %dma_wait3A_606 = arith.constant 0 : i32
        %dma_wait3A_607 = arith.constant 0 : i32
        %dma_wait3A_608 = tpu.memref_slice %arg8[%dma_wait3A_606, %dma_wait3A_607] : memref<10240x128xf32, #tpu.memory_space<vmem_shared>> -> memref<10240x128xf32, #tpu.memory_space<vmem_shared>>
        tpu.wait_indirect_dma semaphore(%arg23 : memref<!tpu.dma_semaphore, #tpu.memory_space<semaphore_mem>>) src(%dma_wait3A_602 : memref<64x128xf32, #tpu.memory_space<vmem>>) dst(%dma_wait3A_608 : memref<10240x128xf32, #tpu.memory_space<vmem_shared>>)
        %add3A_609 = arith.constant 5 : i32
        %add3A_610 = arith.addi %mul3A_325, %add3A_609 : i32
        %add3A_611 = arith.constant 4 : i32
        %add3A_612 = arith.addi %add3A_610, %add3A_611 : i32
        %dma_start3A_613 = arith.constant 4 : i32
        %dma_start3A_614 = arith.constant 0 : i32
        %dma_start3A_615 = arith.constant 0 : i32
        %dma_start3A_616 = tpu.memref_slice %arg6[%dma_start3A_613, %dma_start3A_614, %dma_start3A_615] : memref<5x2x64xi32, #tpu.memory_space<vmem>> -> memref<1x2x64xi32, #tpu.memory_space<vmem>>
        %dma_start3A_617 = tpu.memref_squeeze %dma_start3A_616 : memref<1x2x64xi32, #tpu.memory_space<vmem>> -> memref<2x64xi32, #tpu.memory_space<vmem>>
        %dma_start3A_618 = arith.constant 0 : i32
        %dma_start3A_619 = arith.constant 0 : i32
        %dma_start3A_620 = tpu.memref_slice %arg3[%add3A, %add3A_612, %dma_start3A_618, %dma_start3A_619] : memref<32x157x2x64xi32, #tpu.memory_space<hbm>> -> memref<1x1x2x64xi32, #tpu.memory_space<hbm>>
        %dma_start3A_621 = tpu.memref_squeeze %dma_start3A_620 : memref<1x1x2x64xi32, #tpu.memory_space<hbm>> -> memref<2x64xi32, #tpu.memory_space<hbm>>
        %dma_start3A_622 = arith.constant 0 : i32
        %dma_start3A_623 = arith.constant 0 : i32
        %dma_start3A_624 = tpu.memref_slice %arg6[%dma_start3A_613, %dma_start3A_622, %dma_start3A_623] : memref<5x2x64xi32, #tpu.memory_space<vmem>> -> memref<1x2x64xi32, #tpu.memory_space<vmem>>
        %dma_start3A_625 = tpu.memref_squeeze %dma_start3A_624 : memref<1x2x64xi32, #tpu.memory_space<vmem>> -> memref<2x64xi32, #tpu.memory_space<vmem>>
        %dma_start3A_626 = arith.constant 0 : i32
        %dma_start3A_627 = arith.constant 0 : i32
        %dma_start3A_628 = tpu.memref_slice %arg3[%add3A, %add3A_612, %dma_start3A_626, %dma_start3A_627] : memref<32x157x2x64xi32, #tpu.memory_space<hbm>> -> memref<1x1x2x64xi32, #tpu.memory_space<hbm>>
        %dma_start3A_629 = tpu.memref_squeeze %dma_start3A_628 : memref<1x1x2x64xi32, #tpu.memory_space<hbm>> -> memref<2x64xi32, #tpu.memory_space<hbm>>
        tpu.enqueue_dma source(%dma_start3A_629 : memref<2x64xi32, #tpu.memory_space<hbm>>) target(%dma_start3A_625 : memref<2x64xi32, #tpu.memory_space<vmem>>) target_semaphore(%arg13 : memref<!tpu.dma_semaphore, #tpu.memory_space<semaphore_mem>>)
        %add3A_630 = arith.constant 5 : i32
        %add3A_631 = arith.addi %mul3A_325, %add3A_630 : i32
        %add3A_632 = arith.constant 0 : i32
        %add3A_633 = arith.addi %add3A_631, %add3A_632 : i32
        %dma_wait3A_634 = arith.constant 0 : i32
        %dma_wait3A_635 = arith.constant 0 : i32
        %dma_wait3A_636 = arith.constant 0 : i32
        %dma_wait3A_637 = tpu.memref_slice %arg6[%dma_wait3A_634, %dma_wait3A_635, %dma_wait3A_636] : memref<5x2x64xi32, #tpu.memory_space<vmem>> -> memref<1x2x64xi32, #tpu.memory_space<vmem>>
        %dma_wait3A_638 = tpu.memref_squeeze %dma_wait3A_637 : memref<1x2x64xi32, #tpu.memory_space<vmem>> -> memref<2x64xi32, #tpu.memory_space<vmem>>
        %dma_wait3A_639 = arith.constant 0 : i32
        %dma_wait3A_640 = arith.constant 0 : i32
        %dma_wait3A_641 = tpu.memref_slice %arg3[%add3A, %add3A_633, %dma_wait3A_639, %dma_wait3A_640] : memref<32x157x2x64xi32, #tpu.memory_space<hbm>> -> memref<1x1x2x64xi32, #tpu.memory_space<hbm>>
        %dma_wait3A_642 = tpu.memref_squeeze %dma_wait3A_641 : memref<1x1x2x64xi32, #tpu.memory_space<hbm>> -> memref<2x64xi32, #tpu.memory_space<hbm>>
        %dma_wait3A_643 = arith.constant 0 : i32
        %dma_wait3A_644 = arith.constant 0 : i32
        %dma_wait3A_645 = tpu.memref_slice %arg6[%dma_wait3A_634, %dma_wait3A_643, %dma_wait3A_644] : memref<5x2x64xi32, #tpu.memory_space<vmem>> -> memref<1x2x64xi32, #tpu.memory_space<vmem>>
        %dma_wait3A_646 = tpu.memref_squeeze %dma_wait3A_645 : memref<1x2x64xi32, #tpu.memory_space<vmem>> -> memref<2x64xi32, #tpu.memory_space<vmem>>
        %dma_wait3A_647 = arith.constant 0 : i32
        %dma_wait3A_648 = arith.constant 0 : i32
        %dma_wait3A_649 = tpu.memref_slice %arg3[%add3A, %add3A_633, %dma_wait3A_647, %dma_wait3A_648] : memref<32x157x2x64xi32, #tpu.memory_space<hbm>> -> memref<1x1x2x64xi32, #tpu.memory_space<hbm>>
        %dma_wait3A_650 = tpu.memref_squeeze %dma_wait3A_649 : memref<1x1x2x64xi32, #tpu.memory_space<hbm>> -> memref<2x64xi32, #tpu.memory_space<hbm>>
        tpu.wait_dma2 semaphore(%arg9 : memref<!tpu.dma_semaphore, #tpu.memory_space<semaphore_mem>>) src(%dma_wait3A_650 : memref<2x64xi32, #tpu.memory_space<hbm>>) dst(%dma_wait3A_646 : memref<2x64xi32, #tpu.memory_space<vmem>>)
        %dma_start3A_651 = arith.constant 0 : i32
        %dma_start3A_652 = arith.constant 0 : i32
        %dma_start3A_653 = arith.constant 0 : i32
        %dma_start3A_654 = arith.constant 0 : i32
        %dma_start3A_655 = arith.constant 0 : i32
        %dma_start3A_656 = tpu.memref_slice %arg7[%dma_start3A_653, %dma_start3A_654, %dma_start3A_655] : memref<5x64x128xf32, #tpu.memory_space<vmem>> -> memref<1x64x128xf32, #tpu.memory_space<vmem>>
        %dma_start3A_657 = tpu.memref_squeeze %dma_start3A_656 : memref<1x64x128xf32, #tpu.memory_space<vmem>> -> memref<64x128xf32, #tpu.memory_space<vmem>>
        %dma_start3A_658 = arith.constant 0 : i32
        %dma_start3A_659 = tpu.memref_slice %arg6[%dma_start3A_651, %dma_start3A_652, %dma_start3A_658] : memref<5x2x64xi32, #tpu.memory_space<vmem>> -> memref<1x1x64xi32, #tpu.memory_space<vmem>>
        %dma_start3A_660 = tpu.memref_squeeze %dma_start3A_659 : memref<1x1x64xi32, #tpu.memory_space<vmem>> -> memref<64xi32, #tpu.memory_space<vmem>>
        %dma_start3A_661 = arith.constant 0 : i32
        %dma_start3A_662 = arith.constant 0 : i32
        %dma_start3A_663 = tpu.memref_slice %arg2[%dma_start3A_661, %dma_start3A_662] : memref<10240x128xf32, #tpu.memory_space<hbm>> -> memref<10240x128xf32, #tpu.memory_space<hbm>>
        tpu.enqueue_indirect_dma source(%dma_start3A_663 : memref<10240x128xf32, #tpu.memory_space<hbm>>) target(%dma_start3A_657 : memref<64x128xf32, #tpu.memory_space<vmem>>) offsets(%dma_start3A_660 : memref<64xi32, #tpu.memory_space<vmem>>) semaphore(%arg14 : memref<!tpu.dma_semaphore, #tpu.memory_space<semaphore_mem>>)
        %add3A_664 = arith.constant 5 : i32
        %add3A_665 = arith.addi %mul3A_325, %add3A_664 : i32
        %add3A_666 = arith.constant 1 : i32
        %add3A_667 = arith.addi %add3A_665, %add3A_666 : i32
        %dma_wait3A_668 = arith.constant 1 : i32
        %dma_wait3A_669 = arith.constant 0 : i32
        %dma_wait3A_670 = arith.constant 0 : i32
        %dma_wait3A_671 = tpu.memref_slice %arg6[%dma_wait3A_668, %dma_wait3A_669, %dma_wait3A_670] : memref<5x2x64xi32, #tpu.memory_space<vmem>> -> memref<1x2x64xi32, #tpu.memory_space<vmem>>
        %dma_wait3A_672 = tpu.memref_squeeze %dma_wait3A_671 : memref<1x2x64xi32, #tpu.memory_space<vmem>> -> memref<2x64xi32, #tpu.memory_space<vmem>>
        %dma_wait3A_673 = arith.constant 0 : i32
        %dma_wait3A_674 = arith.constant 0 : i32
        %dma_wait3A_675 = tpu.memref_slice %arg3[%add3A, %add3A_667, %dma_wait3A_673, %dma_wait3A_674] : memref<32x157x2x64xi32, #tpu.memory_space<hbm>> -> memref<1x1x2x64xi32, #tpu.memory_space<hbm>>
        %dma_wait3A_676 = tpu.memref_squeeze %dma_wait3A_675 : memref<1x1x2x64xi32, #tpu.memory_space<hbm>> -> memref<2x64xi32, #tpu.memory_space<hbm>>
        %dma_wait3A_677 = arith.constant 0 : i32
        %dma_wait3A_678 = arith.constant 0 : i32
        %dma_wait3A_679 = tpu.memref_slice %arg6[%dma_wait3A_668, %dma_wait3A_677, %dma_wait3A_678] : memref<5x2x64xi32, #tpu.memory_space<vmem>> -> memref<1x2x64xi32, #tpu.memory_space<vmem>>
        %dma_wait3A_680 = tpu.memref_squeeze %dma_wait3A_679 : memref<1x2x64xi32, #tpu.memory_space<vmem>> -> memref<2x64xi32, #tpu.memory_space<vmem>>
        %dma_wait3A_681 = arith.constant 0 : i32
        %dma_wait3A_682 = arith.constant 0 : i32
        %dma_wait3A_683 = tpu.memref_slice %arg3[%add3A, %add3A_667, %dma_wait3A_681, %dma_wait3A_682] : memref<32x157x2x64xi32, #tpu.memory_space<hbm>> -> memref<1x1x2x64xi32, #tpu.memory_space<hbm>>
        %dma_wait3A_684 = tpu.memref_squeeze %dma_wait3A_683 : memref<1x1x2x64xi32, #tpu.memory_space<hbm>> -> memref<2x64xi32, #tpu.memory_space<hbm>>
        tpu.wait_dma2 semaphore(%arg10 : memref<!tpu.dma_semaphore, #tpu.memory_space<semaphore_mem>>) src(%dma_wait3A_684 : memref<2x64xi32, #tpu.memory_space<hbm>>) dst(%dma_wait3A_680 : memref<2x64xi32, #tpu.memory_space<vmem>>)
        %dma_start3A_685 = arith.constant 1 : i32
        %dma_start3A_686 = arith.constant 0 : i32
        %dma_start3A_687 = arith.constant 1 : i32
        %dma_start3A_688 = arith.constant 0 : i32
        %dma_start3A_689 = arith.constant 0 : i32
        %dma_start3A_690 = tpu.memref_slice %arg7[%dma_start3A_687, %dma_start3A_688, %dma_start3A_689] : memref<5x64x128xf32, #tpu.memory_space<vmem>> -> memref<1x64x128xf32, #tpu.memory_space<vmem>>
        %dma_start3A_691 = tpu.memref_squeeze %dma_start3A_690 : memref<1x64x128xf32, #tpu.memory_space<vmem>> -> memref<64x128xf32, #tpu.memory_space<vmem>>
        %dma_start3A_692 = arith.constant 0 : i32
        %dma_start3A_693 = tpu.memref_slice %arg6[%dma_start3A_685, %dma_start3A_686, %dma_start3A_692] : memref<5x2x64xi32, #tpu.memory_space<vmem>> -> memref<1x1x64xi32, #tpu.memory_space<vmem>>
        %dma_start3A_694 = tpu.memref_squeeze %dma_start3A_693 : memref<1x1x64xi32, #tpu.memory_space<vmem>> -> memref<64xi32, #tpu.memory_space<vmem>>
        %dma_start3A_695 = arith.constant 0 : i32
        %dma_start3A_696 = arith.constant 0 : i32
        %dma_start3A_697 = tpu.memref_slice %arg2[%dma_start3A_695, %dma_start3A_696] : memref<10240x128xf32, #tpu.memory_space<hbm>> -> memref<10240x128xf32, #tpu.memory_space<hbm>>
        tpu.enqueue_indirect_dma source(%dma_start3A_697 : memref<10240x128xf32, #tpu.memory_space<hbm>>) target(%dma_start3A_691 : memref<64x128xf32, #tpu.memory_space<vmem>>) offsets(%dma_start3A_694 : memref<64xi32, #tpu.memory_space<vmem>>) semaphore(%arg15 : memref<!tpu.dma_semaphore, #tpu.memory_space<semaphore_mem>>)
        %add3A_698 = arith.constant 5 : i32
        %add3A_699 = arith.addi %mul3A_325, %add3A_698 : i32
        %add3A_700 = arith.constant 2 : i32
        %add3A_701 = arith.addi %add3A_699, %add3A_700 : i32
        %dma_wait3A_702 = arith.constant 2 : i32
        %dma_wait3A_703 = arith.constant 0 : i32
        %dma_wait3A_704 = arith.constant 0 : i32
        %dma_wait3A_705 = tpu.memref_slice %arg6[%dma_wait3A_702, %dma_wait3A_703, %dma_wait3A_704] : memref<5x2x64xi32, #tpu.memory_space<vmem>> -> memref<1x2x64xi32, #tpu.memory_space<vmem>>
        %dma_wait3A_706 = tpu.memref_squeeze %dma_wait3A_705 : memref<1x2x64xi32, #tpu.memory_space<vmem>> -> memref<2x64xi32, #tpu.memory_space<vmem>>
        %dma_wait3A_707 = arith.constant 0 : i32
        %dma_wait3A_708 = arith.constant 0 : i32
        %dma_wait3A_709 = tpu.memref_slice %arg3[%add3A, %add3A_701, %dma_wait3A_707, %dma_wait3A_708] : memref<32x157x2x64xi32, #tpu.memory_space<hbm>> -> memref<1x1x2x64xi32, #tpu.memory_space<hbm>>
        %dma_wait3A_710 = tpu.memref_squeeze %dma_wait3A_709 : memref<1x1x2x64xi32, #tpu.memory_space<hbm>> -> memref<2x64xi32, #tpu.memory_space<hbm>>
        %dma_wait3A_711 = arith.constant 0 : i32
        %dma_wait3A_712 = arith.constant 0 : i32
        %dma_wait3A_713 = tpu.memref_slice %arg6[%dma_wait3A_702, %dma_wait3A_711, %dma_wait3A_712] : memref<5x2x64xi32, #tpu.memory_space<vmem>> -> memref<1x2x64xi32, #tpu.memory_space<vmem>>
        %dma_wait3A_714 = tpu.memref_squeeze %dma_wait3A_713 : memref<1x2x64xi32, #tpu.memory_space<vmem>> -> memref<2x64xi32, #tpu.memory_space<vmem>>
        %dma_wait3A_715 = arith.constant 0 : i32
        %dma_wait3A_716 = arith.constant 0 : i32
        %dma_wait3A_717 = tpu.memref_slice %arg3[%add3A, %add3A_701, %dma_wait3A_715, %dma_wait3A_716] : memref<32x157x2x64xi32, #tpu.memory_space<hbm>> -> memref<1x1x2x64xi32, #tpu.memory_space<hbm>>
        %dma_wait3A_718 = tpu.memref_squeeze %dma_wait3A_717 : memref<1x1x2x64xi32, #tpu.memory_space<hbm>> -> memref<2x64xi32, #tpu.memory_space<hbm>>
        tpu.wait_dma2 semaphore(%arg11 : memref<!tpu.dma_semaphore, #tpu.memory_space<semaphore_mem>>) src(%dma_wait3A_718 : memref<2x64xi32, #tpu.memory_space<hbm>>) dst(%dma_wait3A_714 : memref<2x64xi32, #tpu.memory_space<vmem>>)
        %dma_start3A_719 = arith.constant 2 : i32
        %dma_start3A_720 = arith.constant 0 : i32
        %dma_start3A_721 = arith.constant 2 : i32
        %dma_start3A_722 = arith.constant 0 : i32
        %dma_start3A_723 = arith.constant 0 : i32
        %dma_start3A_724 = tpu.memref_slice %arg7[%dma_start3A_721, %dma_start3A_722, %dma_start3A_723] : memref<5x64x128xf32, #tpu.memory_space<vmem>> -> memref<1x64x128xf32, #tpu.memory_space<vmem>>
        %dma_start3A_725 = tpu.memref_squeeze %dma_start3A_724 : memref<1x64x128xf32, #tpu.memory_space<vmem>> -> memref<64x128xf32, #tpu.memory_space<vmem>>
        %dma_start3A_726 = arith.constant 0 : i32
        %dma_start3A_727 = tpu.memref_slice %arg6[%dma_start3A_719, %dma_start3A_720, %dma_start3A_726] : memref<5x2x64xi32, #tpu.memory_space<vmem>> -> memref<1x1x64xi32, #tpu.memory_space<vmem>>
        %dma_start3A_728 = tpu.memref_squeeze %dma_start3A_727 : memref<1x1x64xi32, #tpu.memory_space<vmem>> -> memref<64xi32, #tpu.memory_space<vmem>>
        %dma_start3A_729 = arith.constant 0 : i32
        %dma_start3A_730 = arith.constant 0 : i32
        %dma_start3A_731 = tpu.memref_slice %arg2[%dma_start3A_729, %dma_start3A_730] : memref<10240x128xf32, #tpu.memory_space<hbm>> -> memref<10240x128xf32, #tpu.memory_space<hbm>>
        tpu.enqueue_indirect_dma source(%dma_start3A_731 : memref<10240x128xf32, #tpu.memory_space<hbm>>) target(%dma_start3A_725 : memref<64x128xf32, #tpu.memory_space<vmem>>) offsets(%dma_start3A_728 : memref<64xi32, #tpu.memory_space<vmem>>) semaphore(%arg16 : memref<!tpu.dma_semaphore, #tpu.memory_space<semaphore_mem>>)
        %add3A_732 = arith.constant 5 : i32
        %add3A_733 = arith.addi %mul3A_325, %add3A_732 : i32
        %add3A_734 = arith.constant 3 : i32
        %add3A_735 = arith.addi %add3A_733, %add3A_734 : i32
        %dma_wait3A_736 = arith.constant 3 : i32
        %dma_wait3A_737 = arith.constant 0 : i32
        %dma_wait3A_738 = arith.constant 0 : i32
        %dma_wait3A_739 = tpu.memref_slice %arg6[%dma_wait3A_736, %dma_wait3A_737, %dma_wait3A_738] : memref<5x2x64xi32, #tpu.memory_space<vmem>> -> memref<1x2x64xi32, #tpu.memory_space<vmem>>
        %dma_wait3A_740 = tpu.memref_squeeze %dma_wait3A_739 : memref<1x2x64xi32, #tpu.memory_space<vmem>> -> memref<2x64xi32, #tpu.memory_space<vmem>>
        %dma_wait3A_741 = arith.constant 0 : i32
        %dma_wait3A_742 = arith.constant 0 : i32
        %dma_wait3A_743 = tpu.memref_slice %arg3[%add3A, %add3A_735, %dma_wait3A_741, %dma_wait3A_742] : memref<32x157x2x64xi32, #tpu.memory_space<hbm>> -> memref<1x1x2x64xi32, #tpu.memory_space<hbm>>
        %dma_wait3A_744 = tpu.memref_squeeze %dma_wait3A_743 : memref<1x1x2x64xi32, #tpu.memory_space<hbm>> -> memref<2x64xi32, #tpu.memory_space<hbm>>
        %dma_wait3A_745 = arith.constant 0 : i32
        %dma_wait3A_746 = arith.constant 0 : i32
        %dma_wait3A_747 = tpu.memref_slice %arg6[%dma_wait3A_736, %dma_wait3A_745, %dma_wait3A_746] : memref<5x2x64xi32, #tpu.memory_space<vmem>> -> memref<1x2x64xi32, #tpu.memory_space<vmem>>
        %dma_wait3A_748 = tpu.memref_squeeze %dma_wait3A_747 : memref<1x2x64xi32, #tpu.memory_space<vmem>> -> memref<2x64xi32, #tpu.memory_space<vmem>>
        %dma_wait3A_749 = arith.constant 0 : i32
        %dma_wait3A_750 = arith.constant 0 : i32
        %dma_wait3A_751 = tpu.memref_slice %arg3[%add3A, %add3A_735, %dma_wait3A_749, %dma_wait3A_750] : memref<32x157x2x64xi32, #tpu.memory_space<hbm>> -> memref<1x1x2x64xi32, #tpu.memory_space<hbm>>
        %dma_wait3A_752 = tpu.memref_squeeze %dma_wait3A_751 : memref<1x1x2x64xi32, #tpu.memory_space<hbm>> -> memref<2x64xi32, #tpu.memory_space<hbm>>
        tpu.wait_dma2 semaphore(%arg12 : memref<!tpu.dma_semaphore, #tpu.memory_space<semaphore_mem>>) src(%dma_wait3A_752 : memref<2x64xi32, #tpu.memory_space<hbm>>) dst(%dma_wait3A_748 : memref<2x64xi32, #tpu.memory_space<vmem>>)
        %dma_start3A_753 = arith.constant 3 : i32
        %dma_start3A_754 = arith.constant 0 : i32
        %dma_start3A_755 = arith.constant 3 : i32
        %dma_start3A_756 = arith.constant 0 : i32
        %dma_start3A_757 = arith.constant 0 : i32
        %dma_start3A_758 = tpu.memref_slice %arg7[%dma_start3A_755, %dma_start3A_756, %dma_start3A_757] : memref<5x64x128xf32, #tpu.memory_space<vmem>> -> memref<1x64x128xf32, #tpu.memory_space<vmem>>
        %dma_start3A_759 = tpu.memref_squeeze %dma_start3A_758 : memref<1x64x128xf32, #tpu.memory_space<vmem>> -> memref<64x128xf32, #tpu.memory_space<vmem>>
        %dma_start3A_760 = arith.constant 0 : i32
        %dma_start3A_761 = tpu.memref_slice %arg6[%dma_start3A_753, %dma_start3A_754, %dma_start3A_760] : memref<5x2x64xi32, #tpu.memory_space<vmem>> -> memref<1x1x64xi32, #tpu.memory_space<vmem>>
        %dma_start3A_762 = tpu.memref_squeeze %dma_start3A_761 : memref<1x1x64xi32, #tpu.memory_space<vmem>> -> memref<64xi32, #tpu.memory_space<vmem>>
        %dma_start3A_763 = arith.constant 0 : i32
        %dma_start3A_764 = arith.constant 0 : i32
        %dma_start3A_765 = tpu.memref_slice %arg2[%dma_start3A_763, %dma_start3A_764] : memref<10240x128xf32, #tpu.memory_space<hbm>> -> memref<10240x128xf32, #tpu.memory_space<hbm>>
        tpu.enqueue_indirect_dma source(%dma_start3A_765 : memref<10240x128xf32, #tpu.memory_space<hbm>>) target(%dma_start3A_759 : memref<64x128xf32, #tpu.memory_space<vmem>>) offsets(%dma_start3A_762 : memref<64xi32, #tpu.memory_space<vmem>>) semaphore(%arg17 : memref<!tpu.dma_semaphore, #tpu.memory_space<semaphore_mem>>)
        %add3A_766 = arith.constant 5 : i32
        %add3A_767 = arith.addi %mul3A_325, %add3A_766 : i32
        %add3A_768 = arith.constant 4 : i32
        %add3A_769 = arith.addi %add3A_767, %add3A_768 : i32
        %dma_wait3A_770 = arith.constant 4 : i32
        %dma_wait3A_771 = arith.constant 0 : i32
        %dma_wait3A_772 = arith.constant 0 : i32
        %dma_wait3A_773 = tpu.memref_slice %arg6[%dma_wait3A_770, %dma_wait3A_771, %dma_wait3A_772] : memref<5x2x64xi32, #tpu.memory_space<vmem>> -> memref<1x2x64xi32, #tpu.memory_space<vmem>>
        %dma_wait3A_774 = tpu.memref_squeeze %dma_wait3A_773 : memref<1x2x64xi32, #tpu.memory_space<vmem>> -> memref<2x64xi32, #tpu.memory_space<vmem>>
        %dma_wait3A_775 = arith.constant 0 : i32
        %dma_wait3A_776 = arith.constant 0 : i32
        %dma_wait3A_777 = tpu.memref_slice %arg3[%add3A, %add3A_769, %dma_wait3A_775, %dma_wait3A_776] : memref<32x157x2x64xi32, #tpu.memory_space<hbm>> -> memref<1x1x2x64xi32, #tpu.memory_space<hbm>>
        %dma_wait3A_778 = tpu.memref_squeeze %dma_wait3A_777 : memref<1x1x2x64xi32, #tpu.memory_space<hbm>> -> memref<2x64xi32, #tpu.memory_space<hbm>>
        %dma_wait3A_779 = arith.constant 0 : i32
        %dma_wait3A_780 = arith.constant 0 : i32
        %dma_wait3A_781 = tpu.memref_slice %arg6[%dma_wait3A_770, %dma_wait3A_779, %dma_wait3A_780] : memref<5x2x64xi32, #tpu.memory_space<vmem>> -> memref<1x2x64xi32, #tpu.memory_space<vmem>>
        %dma_wait3A_782 = tpu.memref_squeeze %dma_wait3A_781 : memref<1x2x64xi32, #tpu.memory_space<vmem>> -> memref<2x64xi32, #tpu.memory_space<vmem>>
        %dma_wait3A_783 = arith.constant 0 : i32
        %dma_wait3A_784 = arith.constant 0 : i32
        %dma_wait3A_785 = tpu.memref_slice %arg3[%add3A, %add3A_769, %dma_wait3A_783, %dma_wait3A_784] : memref<32x157x2x64xi32, #tpu.memory_space<hbm>> -> memref<1x1x2x64xi32, #tpu.memory_space<hbm>>
        %dma_wait3A_786 = tpu.memref_squeeze %dma_wait3A_785 : memref<1x1x2x64xi32, #tpu.memory_space<hbm>> -> memref<2x64xi32, #tpu.memory_space<hbm>>
        tpu.wait_dma2 semaphore(%arg13 : memref<!tpu.dma_semaphore, #tpu.memory_space<semaphore_mem>>) src(%dma_wait3A_786 : memref<2x64xi32, #tpu.memory_space<hbm>>) dst(%dma_wait3A_782 : memref<2x64xi32, #tpu.memory_space<vmem>>)
        %dma_start3A_787 = arith.constant 4 : i32
        %dma_start3A_788 = arith.constant 0 : i32
        %dma_start3A_789 = arith.constant 4 : i32
        %dma_start3A_790 = arith.constant 0 : i32
        %dma_start3A_791 = arith.constant 0 : i32
        %dma_start3A_792 = tpu.memref_slice %arg7[%dma_start3A_789, %dma_start3A_790, %dma_start3A_791] : memref<5x64x128xf32, #tpu.memory_space<vmem>> -> memref<1x64x128xf32, #tpu.memory_space<vmem>>
        %dma_start3A_793 = tpu.memref_squeeze %dma_start3A_792 : memref<1x64x128xf32, #tpu.memory_space<vmem>> -> memref<64x128xf32, #tpu.memory_space<vmem>>
        %dma_start3A_794 = arith.constant 0 : i32
        %dma_start3A_795 = tpu.memref_slice %arg6[%dma_start3A_787, %dma_start3A_788, %dma_start3A_794] : memref<5x2x64xi32, #tpu.memory_space<vmem>> -> memref<1x1x64xi32, #tpu.memory_space<vmem>>
        %dma_start3A_796 = tpu.memref_squeeze %dma_start3A_795 : memref<1x1x64xi32, #tpu.memory_space<vmem>> -> memref<64xi32, #tpu.memory_space<vmem>>
        %dma_start3A_797 = arith.constant 0 : i32
        %dma_start3A_798 = arith.constant 0 : i32
        %dma_start3A_799 = tpu.memref_slice %arg2[%dma_start3A_797, %dma_start3A_798] : memref<10240x128xf32, #tpu.memory_space<hbm>> -> memref<10240x128xf32, #tpu.memory_space<hbm>>
        tpu.enqueue_indirect_dma source(%dma_start3A_799 : memref<10240x128xf32, #tpu.memory_space<hbm>>) target(%dma_start3A_793 : memref<64x128xf32, #tpu.memory_space<vmem>>) offsets(%dma_start3A_796 : memref<64xi32, #tpu.memory_space<vmem>>) semaphore(%arg18 : memref<!tpu.dma_semaphore, #tpu.memory_space<semaphore_mem>>)
      } else {
      }
    }
    %scan3A_252 = arith.constant 31 : i32
    %dma_wait3A_253 = arith.constant 0 : i32
    %dma_wait3A_254 = arith.constant 0 : i32
    %dma_wait3A_255 = arith.constant 1 : i32
    %dma_wait3A_256 = arith.constant 0 : i32
    %dma_wait3A_257 = arith.constant 0 : i32
    %dma_wait3A_258 = tpu.memref_slice %arg7[%dma_wait3A_253, %dma_wait3A_256, %dma_wait3A_257] : memref<5x64x128xf32, #tpu.memory_space<vmem>> -> memref<1x64x128xf32, #tpu.memory_space<vmem>>
    %dma_wait3A_259 = tpu.memref_squeeze %dma_wait3A_258 : memref<1x64x128xf32, #tpu.memory_space<vmem>> -> memref<64x128xf32, #tpu.memory_space<vmem>>
    %dma_wait3A_260 = arith.constant 0 : i32
    %dma_wait3A_261 = tpu.memref_slice %arg6[%dma_wait3A_254, %dma_wait3A_255, %dma_wait3A_260] : memref<5x2x64xi32, #tpu.memory_space<vmem>> -> memref<1x1x64xi32, #tpu.memory_space<vmem>>
    %dma_wait3A_262 = tpu.memref_squeeze %dma_wait3A_261 : memref<1x1x64xi32, #tpu.memory_space<vmem>> -> memref<64xi32, #tpu.memory_space<vmem>>
    %dma_wait3A_263 = arith.constant 0 : i32
    %dma_wait3A_264 = arith.constant 0 : i32
    %dma_wait3A_265 = tpu.memref_slice %arg8[%dma_wait3A_263, %dma_wait3A_264] : memref<10240x128xf32, #tpu.memory_space<vmem_shared>> -> memref<10240x128xf32, #tpu.memory_space<vmem_shared>>
    tpu.wait_indirect_dma semaphore(%arg19 : memref<!tpu.dma_semaphore, #tpu.memory_space<semaphore_mem>>) src(%dma_wait3A_259 : memref<64x128xf32, #tpu.memory_space<vmem>>) dst(%dma_wait3A_265 : memref<10240x128xf32, #tpu.memory_space<vmem_shared>>)
    %dma_wait3A_266 = arith.constant 1 : i32
    %dma_wait3A_267 = arith.constant 1 : i32
    %dma_wait3A_268 = arith.constant 1 : i32
    %dma_wait3A_269 = arith.constant 0 : i32
    %dma_wait3A_270 = arith.constant 0 : i32
    %dma_wait3A_271 = tpu.memref_slice %arg7[%dma_wait3A_266, %dma_wait3A_269, %dma_wait3A_270] : memref<5x64x128xf32, #tpu.memory_space<vmem>> -> memref<1x64x128xf32, #tpu.memory_space<vmem>>
    %dma_wait3A_272 = tpu.memref_squeeze %dma_wait3A_271 : memref<1x64x128xf32, #tpu.memory_space<vmem>> -> memref<64x128xf32, #tpu.memory_space<vmem>>
    %dma_wait3A_273 = arith.constant 0 : i32
    %dma_wait3A_274 = tpu.memref_slice %arg6[%dma_wait3A_267, %dma_wait3A_268, %dma_wait3A_273] : memref<5x2x64xi32, #tpu.memory_space<vmem>> -> memref<1x1x64xi32, #tpu.memory_space<vmem>>
    %dma_wait3A_275 = tpu.memref_squeeze %dma_wait3A_274 : memref<1x1x64xi32, #tpu.memory_space<vmem>> -> memref<64xi32, #tpu.memory_space<vmem>>
    %dma_wait3A_276 = arith.constant 0 : i32
    %dma_wait3A_277 = arith.constant 0 : i32
    %dma_wait3A_278 = tpu.memref_slice %arg8[%dma_wait3A_276, %dma_wait3A_277] : memref<10240x128xf32, #tpu.memory_space<vmem_shared>> -> memref<10240x128xf32, #tpu.memory_space<vmem_shared>>
    tpu.wait_indirect_dma semaphore(%arg20 : memref<!tpu.dma_semaphore, #tpu.memory_space<semaphore_mem>>) src(%dma_wait3A_272 : memref<64x128xf32, #tpu.memory_space<vmem>>) dst(%dma_wait3A_278 : memref<10240x128xf32, #tpu.memory_space<vmem_shared>>)
    %dma_wait3A_279 = arith.constant 2 : i32
    %dma_wait3A_280 = arith.constant 2 : i32
    %dma_wait3A_281 = arith.constant 1 : i32
    %dma_wait3A_282 = arith.constant 0 : i32
    %dma_wait3A_283 = arith.constant 0 : i32
    %dma_wait3A_284 = tpu.memref_slice %arg7[%dma_wait3A_279, %dma_wait3A_282, %dma_wait3A_283] : memref<5x64x128xf32, #tpu.memory_space<vmem>> -> memref<1x64x128xf32, #tpu.memory_space<vmem>>
    %dma_wait3A_285 = tpu.memref_squeeze %dma_wait3A_284 : memref<1x64x128xf32, #tpu.memory_space<vmem>> -> memref<64x128xf32, #tpu.memory_space<vmem>>
    %dma_wait3A_286 = arith.constant 0 : i32
    %dma_wait3A_287 = tpu.memref_slice %arg6[%dma_wait3A_280, %dma_wait3A_281, %dma_wait3A_286] : memref<5x2x64xi32, #tpu.memory_space<vmem>> -> memref<1x1x64xi32, #tpu.memory_space<vmem>>
    %dma_wait3A_288 = tpu.memref_squeeze %dma_wait3A_287 : memref<1x1x64xi32, #tpu.memory_space<vmem>> -> memref<64xi32, #tpu.memory_space<vmem>>
    %dma_wait3A_289 = arith.constant 0 : i32
    %dma_wait3A_290 = arith.constant 0 : i32
    %dma_wait3A_291 = tpu.memref_slice %arg8[%dma_wait3A_289, %dma_wait3A_290] : memref<10240x128xf32, #tpu.memory_space<vmem_shared>> -> memref<10240x128xf32, #tpu.memory_space<vmem_shared>>
    tpu.wait_indirect_dma semaphore(%arg21 : memref<!tpu.dma_semaphore, #tpu.memory_space<semaphore_mem>>) src(%dma_wait3A_285 : memref<64x128xf32, #tpu.memory_space<vmem>>) dst(%dma_wait3A_291 : memref<10240x128xf32, #tpu.memory_space<vmem_shared>>)
    %dma_wait3A_292 = arith.constant 3 : i32
    %dma_wait3A_293 = arith.constant 3 : i32
    %dma_wait3A_294 = arith.constant 1 : i32
    %dma_wait3A_295 = arith.constant 0 : i32
    %dma_wait3A_296 = arith.constant 0 : i32
    %dma_wait3A_297 = tpu.memref_slice %arg7[%dma_wait3A_292, %dma_wait3A_295, %dma_wait3A_296] : memref<5x64x128xf32, #tpu.memory_space<vmem>> -> memref<1x64x128xf32, #tpu.memory_space<vmem>>
    %dma_wait3A_298 = tpu.memref_squeeze %dma_wait3A_297 : memref<1x64x128xf32, #tpu.memory_space<vmem>> -> memref<64x128xf32, #tpu.memory_space<vmem>>
    %dma_wait3A_299 = arith.constant 0 : i32
    %dma_wait3A_300 = tpu.memref_slice %arg6[%dma_wait3A_293, %dma_wait3A_294, %dma_wait3A_299] : memref<5x2x64xi32, #tpu.memory_space<vmem>> -> memref<1x1x64xi32, #tpu.memory_space<vmem>>
    %dma_wait3A_301 = tpu.memref_squeeze %dma_wait3A_300 : memref<1x1x64xi32, #tpu.memory_space<vmem>> -> memref<64xi32, #tpu.memory_space<vmem>>
    %dma_wait3A_302 = arith.constant 0 : i32
    %dma_wait3A_303 = arith.constant 0 : i32
    %dma_wait3A_304 = tpu.memref_slice %arg8[%dma_wait3A_302, %dma_wait3A_303] : memref<10240x128xf32, #tpu.memory_space<vmem_shared>> -> memref<10240x128xf32, #tpu.memory_space<vmem_shared>>
    tpu.wait_indirect_dma semaphore(%arg22 : memref<!tpu.dma_semaphore, #tpu.memory_space<semaphore_mem>>) src(%dma_wait3A_298 : memref<64x128xf32, #tpu.memory_space<vmem>>) dst(%dma_wait3A_304 : memref<10240x128xf32, #tpu.memory_space<vmem_shared>>)
    %dma_wait3A_305 = arith.constant 4 : i32
    %dma_wait3A_306 = arith.constant 4 : i32
    %dma_wait3A_307 = arith.constant 1 : i32
    %dma_wait3A_308 = arith.constant 0 : i32
    %dma_wait3A_309 = arith.constant 0 : i32
    %dma_wait3A_310 = tpu.memref_slice %arg7[%dma_wait3A_305, %dma_wait3A_308, %dma_wait3A_309] : memref<5x64x128xf32, #tpu.memory_space<vmem>> -> memref<1x64x128xf32, #tpu.memory_space<vmem>>
    %dma_wait3A_311 = tpu.memref_squeeze %dma_wait3A_310 : memref<1x64x128xf32, #tpu.memory_space<vmem>> -> memref<64x128xf32, #tpu.memory_space<vmem>>
    %dma_wait3A_312 = arith.constant 0 : i32
    %dma_wait3A_313 = tpu.memref_slice %arg6[%dma_wait3A_306, %dma_wait3A_307, %dma_wait3A_312] : memref<5x2x64xi32, #tpu.memory_space<vmem>> -> memref<1x1x64xi32, #tpu.memory_space<vmem>>
    %dma_wait3A_314 = tpu.memref_squeeze %dma_wait3A_313 : memref<1x1x64xi32, #tpu.memory_space<vmem>> -> memref<64xi32, #tpu.memory_space<vmem>>
    %dma_wait3A_315 = arith.constant 0 : i32
    %dma_wait3A_316 = arith.constant 0 : i32
    %dma_wait3A_317 = tpu.memref_slice %arg8[%dma_wait3A_315, %dma_wait3A_316] : memref<10240x128xf32, #tpu.memory_space<vmem_shared>> -> memref<10240x128xf32, #tpu.memory_space<vmem_shared>>
    tpu.wait_indirect_dma semaphore(%arg23 : memref<!tpu.dma_semaphore, #tpu.memory_space<semaphore_mem>>) src(%dma_wait3A_311 : memref<64x128xf32, #tpu.memory_space<vmem>>) dst(%dma_wait3A_317 : memref<10240x128xf32, #tpu.memory_space<vmem_shared>>)
    %barrier3A_318 = arith.constant 0 : index
    tpu.barrier barrier_id(%barrier3A_318)
    %mul3A_319 = arith.constant 640 : i32
    %mul3A_320 = arith.muli %arg1, %mul3A_319 : i32
    %mul3A_321 = arith.constant 640 : i32
    %mul3A_322 = arith.muli %arg1, %mul3A_321 : i32
    "tpu.region"() ({
      %run_scoped3A = tpu.sem_alloc : memref<!tpu.dma_semaphore, #tpu.memory_space<semaphore_mem>>
      %dma_start3A_323 = arith.constant 0 : i32
      %dma_start3A_324 = tpu.memref_slice %arg5[%arg0, %mul3A_322, %dma_start3A_323] : memref<2x10240x128xf32, #tpu.memory_space<hbm>> -> memref<1x640x128xf32, #tpu.memory_space<hbm>>
      %dma_start3A_325 = tpu.memref_squeeze %dma_start3A_324 : memref<1x640x128xf32, #tpu.memory_space<hbm>> -> memref<640x128xf32, #tpu.memory_space<hbm>>
      %dma_start3A_326 = arith.constant 0 : i32
      %dma_start3A_327 = tpu.memref_slice %arg8[%mul3A_320, %dma_start3A_326] : memref<10240x128xf32, #tpu.memory_space<vmem_shared>> -> memref<640x128xf32, #tpu.memory_space<vmem_shared>>
      tpu.enqueue_dma source(%dma_start3A_327 : memref<640x128xf32, #tpu.memory_space<vmem_shared>>) target(%dma_start3A_325 : memref<640x128xf32, #tpu.memory_space<hbm>>) target_semaphore(%run_scoped3A : memref<!tpu.dma_semaphore, #tpu.memory_space<semaphore_mem>>)
      %dma_wait3A_328 = arith.constant 0 : i32
      %dma_wait3A_329 = tpu.memref_slice %arg5[%arg0, %mul3A_322, %dma_wait3A_328] : memref<2x10240x128xf32, #tpu.memory_space<hbm>> -> memref<1x640x128xf32, #tpu.memory_space<hbm>>
      %dma_wait3A_330 = tpu.memref_squeeze %dma_wait3A_329 : memref<1x640x128xf32, #tpu.memory_space<hbm>> -> memref<640x128xf32, #tpu.memory_space<hbm>>
      %dma_wait3A_331 = arith.constant 0 : i32
      %dma_wait3A_332 = tpu.memref_slice %arg8[%mul3A_320, %dma_wait3A_331] : memref<10240x128xf32, #tpu.memory_space<vmem_shared>> -> memref<640x128xf32, #tpu.memory_space<vmem_shared>>
      tpu.wait_dma2 semaphore(%run_scoped3A : memref<!tpu.dma_semaphore, #tpu.memory_space<semaphore_mem>>) src(%dma_wait3A_332 : memref<640x128xf32, #tpu.memory_space<vmem_shared>>) dst(%dma_wait3A_330 : memref<640x128xf32, #tpu.memory_space<hbm>>)
      tpu.yield
    }) : () -> ()
    return
  }
}

module attributes {stable_mosaic.version = 14 : i64} {
  func.func @_gates_body(%arg0: i32, %arg1: memref<400x128xf32, #tpu.memory_space<vmem>>, %arg2: memref<400x1xf32, #tpu.memory_space<vmem>>, %arg3: memref<400x1xf32, #tpu.memory_space<vmem>>, %arg4: memref<128x128xf32, #tpu.memory_space<vmem>>, %arg5: memref<1x128xf32, #tpu.memory_space<vmem>>, %arg6: memref<128x128xf32, #tpu.memory_space<vmem>>, %arg7: memref<128x128xf32, #tpu.memory_space<vmem>>, %arg8: memref<128x128xf32, #tpu.memory_space<vmem>>, %arg9: memref<128x128xf32, #tpu.memory_space<vmem>>, %arg10: memref<128x128xf32, #tpu.memory_space<vmem>>, %arg11: memref<1x128xf32, #tpu.memory_space<vmem>>, %arg12: memref<128x128xf32, #tpu.memory_space<vmem>>, %arg13: memref<128x128xf32, #tpu.memory_space<vmem>>, %arg14: memref<400x128xf32, #tpu.memory_space<vmem>>, %arg15: memref<400x128xf32, #tpu.memory_space<vmem>>, %arg16: memref<400x128xf32, #tpu.memory_space<vmem>>, %arg17: memref<400x1xf32, #tpu.memory_space<vmem>>) attributes {dimension_semantics = [#tpu.dimension_semantics<arbitrary>], iteration_bounds = array<i64: 25>, scalar_prefetch = 0 : i64, scratch_operands = 0 : i64, tpu.core_type = #tpu.core_type<tc>, window_params = [{transform_indices = @transform_0, window_bounds = array<i64: 400, 128>}, {transform_indices = @transform_1, window_bounds = array<i64: 400, 1>}, {transform_indices = @transform_2, window_bounds = array<i64: 400, 1>}, {pipeline_mode = #tpu.pipeline_mode<synchronous>, transform_indices = @transform_3, window_bounds = array<i64: 128, 128>}, {pipeline_mode = #tpu.pipeline_mode<synchronous>, transform_indices = @transform_4, window_bounds = array<i64: 1, 128>}, {pipeline_mode = #tpu.pipeline_mode<synchronous>, transform_indices = @transform_5, window_bounds = array<i64: 128, 128>}, {pipeline_mode = #tpu.pipeline_mode<synchronous>, transform_indices = @transform_6, window_bounds = array<i64: 128, 128>}, {pipeline_mode = #tpu.pipeline_mode<synchronous>, transform_indices = @transform_7, window_bounds = array<i64: 128, 128>}, {pipeline_mode = #tpu.pipeline_mode<synchronous>, transform_indices = @transform_8, window_bounds = array<i64: 128, 128>}, {pipeline_mode = #tpu.pipeline_mode<synchronous>, transform_indices = @transform_9, window_bounds = array<i64: 128, 128>}, {pipeline_mode = #tpu.pipeline_mode<synchronous>, transform_indices = @transform_10, window_bounds = array<i64: 1, 128>}, {pipeline_mode = #tpu.pipeline_mode<synchronous>, transform_indices = @transform_11, window_bounds = array<i64: 128, 128>}, {pipeline_mode = #tpu.pipeline_mode<synchronous>, transform_indices = @transform_12, window_bounds = array<i64: 128, 128>}, {transform_indices = @transform_13, window_bounds = array<i64: 400, 128>}, {transform_indices = @transform_14, window_bounds = array<i64: 400, 128>}, {transform_indices = @transform_15, window_bounds = array<i64: 400, 128>}, {transform_indices = @transform_16, window_bounds = array<i64: 400, 1>}]} {
    %get3A = arith.constant 0 : index
    %get3A_0 = arith.constant 0 : index
    %get3A_1 = vector.load %arg1[%get3A, %get3A_0] : memref<400x128xf32, #tpu.memory_space<vmem>>, vector<400x128xf32>
    %get3A_2 = arith.constant 0 : index
    %get3A_3 = arith.constant 0 : index
    %get3A_4 = vector.load %arg4[%get3A_2, %get3A_3] : memref<128x128xf32, #tpu.memory_space<vmem>>, vector<128x128xf32>
    %dot_general3A = arith.constant dense<0.000000e+00> : vector<400x128xf32>
    %dot_general3A_5 = tpu.matmul %get3A_1, %get3A_4, %dot_general3A {dimension_numbers = #tpu.dot_dimension_numbers<[1], [0], [0], [1], [0, 0, 1, 1], [], []>, transpose_lhs_hint = false} : vector<400x128xf32>, vector<128x128xf32>, vector<400x128xf32> -> vector<400x128xf32>
    %get3A_6 = arith.constant 0 : index
    %get3A_7 = arith.constant 0 : index
    %get3A_8 = vector.load %arg5[%get3A_6, %get3A_7] : memref<1x128xf32, #tpu.memory_space<vmem>>, vector<1x128xf32>
    %add3A = vector.broadcast %get3A_8 : vector<1x128xf32> to vector<400x128xf32>
    %add3A_9 = arith.addf %dot_general3A_5, %add3A : vector<400x128xf32>
    %get3A_10 = arith.constant 0 : index
    %get3A_11 = arith.constant 0 : index
    %get3A_12 = vector.load %arg2[%get3A_10, %get3A_11] : memref<400x1xf32, #tpu.memory_space<vmem>>, vector<400x1xf32>
    %get3A_13 = arith.constant 0 : index
    %get3A_14 = arith.constant 0 : index
    %get3A_15 = vector.load %arg3[%get3A_13, %get3A_14] : memref<400x1xf32, #tpu.memory_space<vmem>>, vector<400x1xf32>
    %add3A_16 = arith.addf %get3A_12, %get3A_15 : vector<400x1xf32>
    %add3A_17 = arith.constant 1.000000e+00 : f32
    %add3A_18 = vector.broadcast %add3A_17 : f32 to vector<400x1xf32>
    %add3A_19 = arith.addf %add3A_16, %add3A_18 : vector<400x1xf32>
    %rsqrt3A = math.rsqrt %add3A_19 : vector<400x1xf32>
    %get3A_20 = arith.constant 0 : index
    %get3A_21 = arith.constant 0 : index
    %get3A_22 = vector.load %arg11[%get3A_20, %get3A_21] : memref<1x128xf32, #tpu.memory_space<vmem>>, vector<1x128xf32>
    %get3A_23 = arith.constant 0 : index
    %get3A_24 = arith.constant 0 : index
    %get3A_25 = vector.load %arg12[%get3A_23, %get3A_24] : memref<128x128xf32, #tpu.memory_space<vmem>>, vector<128x128xf32>
    %dot_general3A_26 = arith.constant dense<0.000000e+00> : vector<1x128xf32>
    %dot_general3A_27 = tpu.matmul %get3A_22, %get3A_25, %dot_general3A_26 {dimension_numbers = #tpu.dot_dimension_numbers<[1], [0], [0], [1], [0, 0, 1, 1], [], []>, transpose_lhs_hint = false} : vector<1x128xf32>, vector<128x128xf32>, vector<1x128xf32> -> vector<1x128xf32>
    %get3A_28 = arith.constant 0 : index
    %get3A_29 = arith.constant 0 : index
    %get3A_30 = vector.load %arg11[%get3A_28, %get3A_29] : memref<1x128xf32, #tpu.memory_space<vmem>>, vector<1x128xf32>
    %get3A_31 = arith.constant 0 : index
    %get3A_32 = arith.constant 0 : index
    %get3A_33 = vector.load %arg13[%get3A_31, %get3A_32] : memref<128x128xf32, #tpu.memory_space<vmem>>, vector<128x128xf32>
    %dot_general3A_34 = arith.constant dense<0.000000e+00> : vector<1x128xf32>
    %dot_general3A_35 = tpu.matmul %get3A_30, %get3A_33, %dot_general3A_34 {dimension_numbers = #tpu.dot_dimension_numbers<[1], [0], [0], [1], [0, 0, 1, 1], [], []>, transpose_lhs_hint = false} : vector<1x128xf32>, vector<128x128xf32>, vector<1x128xf32> -> vector<1x128xf32>
    %get3A_36 = arith.constant 0 : index
    %get3A_37 = arith.constant 0 : index
    %get3A_38 = vector.load %arg6[%get3A_36, %get3A_37] : memref<128x128xf32, #tpu.memory_space<vmem>>, vector<128x128xf32>
    %dot_general3A_39 = arith.constant dense<0.000000e+00> : vector<400x128xf32>
    %dot_general3A_40 = tpu.matmul %add3A_9, %get3A_38, %dot_general3A_39 {dimension_numbers = #tpu.dot_dimension_numbers<[1], [0], [0], [1], [0, 0, 1, 1], [], []>, transpose_lhs_hint = false} : vector<400x128xf32>, vector<128x128xf32>, vector<400x128xf32> -> vector<400x128xf32>
    %logistic3A = arith.negf %dot_general3A_40 : vector<400x128xf32>
    %logistic3A_41 = math.exp %logistic3A : vector<400x128xf32>
    %logistic3A_42 = arith.constant 1.000000e+00 : f32
    %logistic3A_43 = vector.broadcast %logistic3A_42 : f32 to vector<400x128xf32>
    %logistic3A_44 = arith.addf %logistic3A_43, %logistic3A_41 : vector<400x128xf32>
    %logistic3A_45 = arith.divf %logistic3A_43, %logistic3A_44 : vector<400x128xf32>
    %get3A_46 = arith.constant 0 : index
    %get3A_47 = arith.constant 0 : index
    %get3A_48 = vector.load %arg7[%get3A_46, %get3A_47] : memref<128x128xf32, #tpu.memory_space<vmem>>, vector<128x128xf32>
    %dot_general3A_49 = arith.constant dense<0.000000e+00> : vector<400x128xf32>
    %dot_general3A_50 = tpu.matmul %add3A_9, %get3A_48, %dot_general3A_49 {dimension_numbers = #tpu.dot_dimension_numbers<[1], [0], [0], [1], [0, 0, 1, 1], [], []>, transpose_lhs_hint = false} : vector<400x128xf32>, vector<128x128xf32>, vector<400x128xf32> -> vector<400x128xf32>
    %tanh3A = math.tanh %dot_general3A_50 : vector<400x128xf32>
    %mul3A = arith.mulf %logistic3A_45, %tanh3A : vector<400x128xf32>
    %logistic3A_51 = arith.negf %mul3A : vector<400x128xf32>
    %logistic3A_52 = math.exp %logistic3A_51 : vector<400x128xf32>
    %logistic3A_53 = arith.constant 1.000000e+00 : f32
    %logistic3A_54 = vector.broadcast %logistic3A_53 : f32 to vector<400x128xf32>
    %logistic3A_55 = arith.addf %logistic3A_54, %logistic3A_52 : vector<400x128xf32>
    %logistic3A_56 = arith.divf %logistic3A_54, %logistic3A_55 : vector<400x128xf32>
    %mul3A_57 = vector.broadcast %rsqrt3A : vector<400x1xf32> to vector<400x128xf32>
    %mul3A_58 = arith.mulf %mul3A_57, %logistic3A_56 : vector<400x128xf32>
    %swap3A = arith.constant 0 : index
    %swap3A_59 = arith.constant 0 : index
    %swap3A_60 = vector.load %arg14[%swap3A, %swap3A_59] : memref<400x128xf32, #tpu.memory_space<vmem>>, vector<400x128xf32>
    tpu.vector_store %arg14[%swap3A, %swap3A_59], %mul3A_58 {strides = array<i32>} : memref<400x128xf32, #tpu.memory_space<vmem>>, vector<400x128xf32>,
    %mul3A_61 = vector.broadcast %add3A_16 : vector<400x1xf32> to vector<400x128xf32>
    %mul3A_62 = vector.broadcast %dot_general3A_27 : vector<1x128xf32> to vector<400x128xf32>
    %mul3A_63 = arith.mulf %mul3A_61, %mul3A_62 : vector<400x128xf32>
    %get3A_64 = arith.constant 0 : index
    %get3A_65 = arith.constant 0 : index
    %get3A_66 = vector.load %arg8[%get3A_64, %get3A_65] : memref<128x128xf32, #tpu.memory_space<vmem>>, vector<128x128xf32>
    %dot_general3A_67 = arith.constant dense<0.000000e+00> : vector<400x128xf32>
    %dot_general3A_68 = tpu.matmul %add3A_9, %get3A_66, %dot_general3A_67 {dimension_numbers = #tpu.dot_dimension_numbers<[1], [0], [0], [1], [0, 0, 1, 1], [], []>, transpose_lhs_hint = false} : vector<400x128xf32>, vector<128x128xf32>, vector<400x128xf32> -> vector<400x128xf32>
    %add3A_69 = arith.addf %mul3A_63, %dot_general3A_68 : vector<400x128xf32>
    %logistic3A_70 = arith.negf %add3A_69 : vector<400x128xf32>
    %logistic3A_71 = math.exp %logistic3A_70 : vector<400x128xf32>
    %logistic3A_72 = arith.constant 1.000000e+00 : f32
    %logistic3A_73 = vector.broadcast %logistic3A_72 : f32 to vector<400x128xf32>
    %logistic3A_74 = arith.addf %logistic3A_73, %logistic3A_71 : vector<400x128xf32>
    %logistic3A_75 = arith.divf %logistic3A_73, %logistic3A_74 : vector<400x128xf32>
    %swap3A_76 = arith.constant 0 : index
    %swap3A_77 = arith.constant 0 : index
    %swap3A_78 = vector.load %arg15[%swap3A_76, %swap3A_77] : memref<400x128xf32, #tpu.memory_space<vmem>>, vector<400x128xf32>
    tpu.vector_store %arg15[%swap3A_76, %swap3A_77], %logistic3A_75 {strides = array<i32>} : memref<400x128xf32, #tpu.memory_space<vmem>>, vector<400x128xf32>,
    %mul3A_79 = vector.broadcast %add3A_16 : vector<400x1xf32> to vector<400x128xf32>
    %mul3A_80 = vector.broadcast %dot_general3A_35 : vector<1x128xf32> to vector<400x128xf32>
    %mul3A_81 = arith.mulf %mul3A_79, %mul3A_80 : vector<400x128xf32>
    %get3A_82 = arith.constant 0 : index
    %get3A_83 = arith.constant 0 : index
    %get3A_84 = vector.load %arg9[%get3A_82, %get3A_83] : memref<128x128xf32, #tpu.memory_space<vmem>>, vector<128x128xf32>
    %dot_general3A_85 = arith.constant dense<0.000000e+00> : vector<400x128xf32>
    %dot_general3A_86 = tpu.matmul %add3A_9, %get3A_84, %dot_general3A_85 {dimension_numbers = #tpu.dot_dimension_numbers<[1], [0], [0], [1], [0, 0, 1, 1], [], []>, transpose_lhs_hint = false} : vector<400x128xf32>, vector<128x128xf32>, vector<400x128xf32> -> vector<400x128xf32>
    %add3A_87 = arith.addf %mul3A_81, %dot_general3A_86 : vector<400x128xf32>
    %logistic3A_88 = arith.negf %add3A_87 : vector<400x128xf32>
    %logistic3A_89 = math.exp %logistic3A_88 : vector<400x128xf32>
    %logistic3A_90 = arith.constant 1.000000e+00 : f32
    %logistic3A_91 = vector.broadcast %logistic3A_90 : f32 to vector<400x128xf32>
    %logistic3A_92 = arith.addf %logistic3A_91, %logistic3A_89 : vector<400x128xf32>
    %logistic3A_93 = arith.divf %logistic3A_91, %logistic3A_92 : vector<400x128xf32>
    %get3A_94 = arith.constant 0 : index
    %get3A_95 = arith.constant 0 : index
    %get3A_96 = vector.load %arg10[%get3A_94, %get3A_95] : memref<128x128xf32, #tpu.memory_space<vmem>>, vector<128x128xf32>
    %dot_general3A_97 = arith.constant dense<0.000000e+00> : vector<400x128xf32>
    %dot_general3A_98 = tpu.matmul %add3A_9, %get3A_96, %dot_general3A_97 {dimension_numbers = #tpu.dot_dimension_numbers<[1], [0], [0], [1], [0, 0, 1, 1], [], []>, transpose_lhs_hint = false} : vector<400x128xf32>, vector<128x128xf32>, vector<400x128xf32> -> vector<400x128xf32>
    %tanh3A_99 = math.tanh %dot_general3A_98 : vector<400x128xf32>
    %mul3A_100 = arith.mulf %logistic3A_93, %tanh3A_99 : vector<400x128xf32>
    %swap3A_101 = arith.constant 0 : index
    %swap3A_102 = arith.constant 0 : index
    %swap3A_103 = vector.load %arg16[%swap3A_101, %swap3A_102] : memref<400x128xf32, #tpu.memory_space<vmem>>, vector<400x128xf32>
    tpu.vector_store %arg16[%swap3A_101, %swap3A_102], %mul3A_100 {strides = array<i32>} : memref<400x128xf32, #tpu.memory_space<vmem>>, vector<400x128xf32>,
    %swap3A_104 = arith.constant 0 : index
    %swap3A_105 = arith.constant 0 : index
    %swap3A_106 = vector.load %arg17[%swap3A_104, %swap3A_105] : memref<400x1xf32, #tpu.memory_space<vmem>>, vector<400x1xf32>
    tpu.vector_store %arg17[%swap3A_104, %swap3A_105], %rsqrt3A {strides = array<i32>} : memref<400x1xf32, #tpu.memory_space<vmem>>, vector<400x1xf32>,
    return
  }
  func.func @transform_0(%arg0: i32) -> (i32, i32) {
    %c0_i32 = arith.constant 0 : i32
    %c0_i32_0 = arith.constant 0 : i32
    return %arg0, %c0_i32 : i32, i32
  }
  func.func @transform_1(%arg0: i32) -> (i32, i32) {
    %c0_i32 = arith.constant 0 : i32
    %c0_i32_0 = arith.constant 0 : i32
    return %arg0, %c0_i32 : i32, i32
  }
  func.func @transform_2(%arg0: i32) -> (i32, i32) {
    %c0_i32 = arith.constant 0 : i32
    %c0_i32_0 = arith.constant 0 : i32
    return %arg0, %c0_i32 : i32, i32
  }
  func.func @transform_3(%arg0: i32) -> (i32, i32) {
    %c0_i32 = arith.constant 0 : i32
    %c0_i32_0 = arith.constant 0 : i32
    %c0_i32_1 = arith.constant 0 : i32
    return %c0_i32, %c0_i32_0 : i32, i32
  }
  func.func @transform_4(%arg0: i32) -> (i32, i32) {
    %c0_i32 = arith.constant 0 : i32
    %c0_i32_0 = arith.constant 0 : i32
    %c0_i32_1 = arith.constant 0 : i32
    return %c0_i32, %c0_i32_0 : i32, i32
  }
  func.func @transform_5(%arg0: i32) -> (i32, i32) {
    %c0_i32 = arith.constant 0 : i32
    %c0_i32_0 = arith.constant 0 : i32
    %c0_i32_1 = arith.constant 0 : i32
    return %c0_i32, %c0_i32_0 : i32, i32
  }
  func.func @transform_6(%arg0: i32) -> (i32, i32) {
    %c0_i32 = arith.constant 0 : i32
    %c0_i32_0 = arith.constant 0 : i32
    %c0_i32_1 = arith.constant 0 : i32
    return %c0_i32, %c0_i32_0 : i32, i32
  }
  func.func @transform_7(%arg0: i32) -> (i32, i32) {
    %c0_i32 = arith.constant 0 : i32
    %c0_i32_0 = arith.constant 0 : i32
    %c0_i32_1 = arith.constant 0 : i32
    return %c0_i32, %c0_i32_0 : i32, i32
  }
  func.func @transform_8(%arg0: i32) -> (i32, i32) {
    %c0_i32 = arith.constant 0 : i32
    %c0_i32_0 = arith.constant 0 : i32
    %c0_i32_1 = arith.constant 0 : i32
    return %c0_i32, %c0_i32_0 : i32, i32
  }
  func.func @transform_9(%arg0: i32) -> (i32, i32) {
    %c0_i32 = arith.constant 0 : i32
    %c0_i32_0 = arith.constant 0 : i32
    %c0_i32_1 = arith.constant 0 : i32
    return %c0_i32, %c0_i32_0 : i32, i32
  }
  func.func @transform_10(%arg0: i32) -> (i32, i32) {
    %c0_i32 = arith.constant 0 : i32
    %c0_i32_0 = arith.constant 0 : i32
    %c0_i32_1 = arith.constant 0 : i32
    return %c0_i32, %c0_i32_0 : i32, i32
  }
  func.func @transform_11(%arg0: i32) -> (i32, i32) {
    %c0_i32 = arith.constant 0 : i32
    %c0_i32_0 = arith.constant 0 : i32
    %c0_i32_1 = arith.constant 0 : i32
    return %c0_i32, %c0_i32_0 : i32, i32
  }
  func.func @transform_12(%arg0: i32) -> (i32, i32) {
    %c0_i32 = arith.constant 0 : i32
    %c0_i32_0 = arith.constant 0 : i32
    %c0_i32_1 = arith.constant 0 : i32
    return %c0_i32, %c0_i32_0 : i32, i32
  }
  func.func @transform_13(%arg0: i32) -> (i32, i32) {
    %c0_i32 = arith.constant 0 : i32
    %c0_i32_0 = arith.constant 0 : i32
    return %arg0, %c0_i32 : i32, i32
  }
  func.func @transform_14(%arg0: i32) -> (i32, i32) {
    %c0_i32 = arith.constant 0 : i32
    %c0_i32_0 = arith.constant 0 : i32
    return %arg0, %c0_i32 : i32, i32
  }
  func.func @transform_15(%arg0: i32) -> (i32, i32) {
    %c0_i32 = arith.constant 0 : i32
    %c0_i32_0 = arith.constant 0 : i32
    return %arg0, %c0_i32 : i32, i32
  }
  func.func @transform_16(%arg0: i32) -> (i32, i32) {
    %c0_i32 = arith.constant 0 : i32
    %c0_i32_0 = arith.constant 0 : i32
    return %arg0, %c0_i32 : i32, i32
  }
}

module attributes {stable_mosaic.version = 14 : i64} {
  func.func @_mid_body(%arg0: i32, %arg1: memref<400x128xf32, #tpu.memory_space<vmem>>, %arg2: memref<400x128xf32, #tpu.memory_space<vmem>>, %arg3: memref<400x128xf32, #tpu.memory_space<vmem>>, %arg4: memref<400x1xf32, #tpu.memory_space<vmem>>, %arg5: memref<400x128xf32, #tpu.memory_space<vmem>>, %arg6: memref<400x128xf32, #tpu.memory_space<vmem>>, %arg7: memref<400x128xf32, #tpu.memory_space<vmem>>) attributes {dimension_semantics = [#tpu.dimension_semantics<arbitrary>], iteration_bounds = array<i64: 25>, scalar_prefetch = 0 : i64, scratch_operands = 0 : i64, tpu.core_type = #tpu.core_type<tc>, window_params = [{transform_indices = @transform_0, window_bounds = array<i64: 400, 128>}, {transform_indices = @transform_1, window_bounds = array<i64: 400, 128>}, {transform_indices = @transform_2, window_bounds = array<i64: 400, 128>}, {transform_indices = @transform_3, window_bounds = array<i64: 400, 1>}, {transform_indices = @transform_4, window_bounds = array<i64: 400, 128>}, {transform_indices = @transform_5, window_bounds = array<i64: 400, 128>}, {transform_indices = @transform_6, window_bounds = array<i64: 400, 128>}]} {
    %get3A = arith.constant 0 : index
    %get3A_0 = arith.constant 0 : index
    %get3A_1 = vector.load %arg4[%get3A, %get3A_0] : memref<400x1xf32, #tpu.memory_space<vmem>>, vector<400x1xf32>
    %get3A_2 = arith.constant 0 : index
    %get3A_3 = arith.constant 0 : index
    %get3A_4 = vector.load %arg1[%get3A_2, %get3A_3] : memref<400x128xf32, #tpu.memory_space<vmem>>, vector<400x128xf32>
    %get3A_5 = arith.constant 0 : index
    %get3A_6 = arith.constant 0 : index
    %get3A_7 = vector.load %arg2[%get3A_5, %get3A_6] : memref<400x128xf32, #tpu.memory_space<vmem>>, vector<400x128xf32>
    %add3A = arith.addf %get3A_4, %get3A_7 : vector<400x128xf32>
    %get3A_8 = arith.constant 0 : index
    %get3A_9 = arith.constant 0 : index
    %get3A_10 = vector.load %arg3[%get3A_8, %get3A_9] : memref<400x128xf32, #tpu.memory_space<vmem>>, vector<400x128xf32>
    %add3A_11 = arith.addf %add3A, %get3A_10 : vector<400x128xf32>
    %mul3A = vector.broadcast %get3A_1 : vector<400x1xf32> to vector<400x128xf32>
    %mul3A_12 = arith.mulf %mul3A, %add3A_11 : vector<400x128xf32>
    %get3A_13 = arith.constant 0 : index
    %get3A_14 = arith.constant 0 : index
    %get3A_15 = vector.load %arg5[%get3A_13, %get3A_14] : memref<400x128xf32, #tpu.memory_space<vmem>>, vector<400x128xf32>
    %mul3A_16 = arith.mulf %mul3A_12, %get3A_15 : vector<400x128xf32>
    %get3A_17 = arith.constant 0 : index
    %get3A_18 = arith.constant 0 : index
    %get3A_19 = vector.load %arg6[%get3A_17, %get3A_18] : memref<400x128xf32, #tpu.memory_space<vmem>>, vector<400x128xf32>
    %add3A_20 = arith.addf %mul3A_16, %get3A_19 : vector<400x128xf32>
    %logistic3A = arith.negf %add3A_20 : vector<400x128xf32>
    %logistic3A_21 = math.exp %logistic3A : vector<400x128xf32>
    %logistic3A_22 = arith.constant 1.000000e+00 : f32
    %logistic3A_23 = vector.broadcast %logistic3A_22 : f32 to vector<400x128xf32>
    %logistic3A_24 = arith.addf %logistic3A_23, %logistic3A_21 : vector<400x128xf32>
    %logistic3A_25 = arith.divf %logistic3A_23, %logistic3A_24 : vector<400x128xf32>
    %mul3A_26 = vector.broadcast %get3A_1 : vector<400x1xf32> to vector<400x128xf32>
    %mul3A_27 = arith.mulf %mul3A_26, %logistic3A_25 : vector<400x128xf32>
    %swap3A = arith.constant 0 : index
    %swap3A_28 = arith.constant 0 : index
    %swap3A_29 = vector.load %arg7[%swap3A, %swap3A_28] : memref<400x128xf32, #tpu.memory_space<vmem>>, vector<400x128xf32>
    tpu.vector_store %arg7[%swap3A, %swap3A_28], %mul3A_27 {strides = array<i32>} : memref<400x128xf32, #tpu.memory_space<vmem>>, vector<400x128xf32>,
    return
  }
  func.func @transform_0(%arg0: i32) -> (i32, i32) {
    %c0_i32 = arith.constant 0 : i32
    %c0_i32_0 = arith.constant 0 : i32
    return %arg0, %c0_i32 : i32, i32
  }
  func.func @transform_1(%arg0: i32) -> (i32, i32) {
    %c0_i32 = arith.constant 0 : i32
    %c0_i32_0 = arith.constant 0 : i32
    return %arg0, %c0_i32 : i32, i32
  }
  func.func @transform_2(%arg0: i32) -> (i32, i32) {
    %c0_i32 = arith.constant 0 : i32
    %c0_i32_0 = arith.constant 0 : i32
    return %arg0, %c0_i32 : i32, i32
  }
  func.func @transform_3(%arg0: i32) -> (i32, i32) {
    %c0_i32 = arith.constant 0 : i32
    %c0_i32_0 = arith.constant 0 : i32
    return %arg0, %c0_i32 : i32, i32
  }
  func.func @transform_4(%arg0: i32) -> (i32, i32) {
    %c0_i32 = arith.constant 0 : i32
    %c0_i32_0 = arith.constant 0 : i32
    return %arg0, %c0_i32 : i32, i32
  }
  func.func @transform_5(%arg0: i32) -> (i32, i32) {
    %c0_i32 = arith.constant 0 : i32
    %c0_i32_0 = arith.constant 0 : i32
    return %arg0, %c0_i32 : i32, i32
  }
  func.func @transform_6(%arg0: i32) -> (i32, i32) {
    %c0_i32 = arith.constant 0 : i32
    %c0_i32_0 = arith.constant 0 : i32
    return %arg0, %c0_i32 : i32, i32
  }
}

module attributes {stable_mosaic.version = 14 : i64} {
  func.func @_epi_body(%arg0: i32, %arg1: memref<400x128xf32, #tpu.memory_space<vmem>>, %arg2: memref<400x128xf32, #tpu.memory_space<vmem>>, %arg3: memref<400x128xf32, #tpu.memory_space<vmem>>, %arg4: memref<400x1xf32, #tpu.memory_space<vmem>>, %arg5: memref<400x1xi32, #tpu.memory_space<vmem>>, %arg6: memref<128x128xf32, #tpu.memory_space<vmem>>, %arg7: memref<1x128xf32, #tpu.memory_space<vmem>>, %arg8: memref<64x128xf32, #tpu.memory_space<vmem>>, %arg9: memref<64x128xf32, #tpu.memory_space<vmem>>, %arg10: memref<64x1xf32, #tpu.memory_space<vmem>>, %arg11: memref<64x1xf32, #tpu.memory_space<vmem>>) attributes {dimension_semantics = [#tpu.dimension_semantics<arbitrary>], iteration_bounds = array<i64: 25>, scalar_prefetch = 0 : i64, scratch_operands = 3 : i64, tpu.core_type = #tpu.core_type<tc>, window_params = [{transform_indices = @transform_0, window_bounds = array<i64: 400, 128>}, {transform_indices = @transform_1, window_bounds = array<i64: 400, 128>}, {transform_indices = @transform_2, window_bounds = array<i64: 400, 128>}, {transform_indices = @transform_3, window_bounds = array<i64: 400, 1>}, {transform_indices = @transform_4, window_bounds = array<i64: 400, 1>}, {pipeline_mode = #tpu.pipeline_mode<synchronous>, transform_indices = @transform_5, window_bounds = array<i64: 128, 128>}, {pipeline_mode = #tpu.pipeline_mode<synchronous>, transform_indices = @transform_6, window_bounds = array<i64: 1, 128>}, {pipeline_mode = #tpu.pipeline_mode<synchronous>, transform_indices = @transform_7, window_bounds = array<i64: 64, 128>}]} {
    %eq3A = arith.constant 0 : i32
    %eq3A_0 = arith.cmpi eq, %arg0, %eq3A : i32
    %convert_element_type3A = arith.extui %eq3A_0 : i1 to i32
    %cond3A = arith.constant 0 : i32
    %cond3A_1 = arith.cmpi ne, %convert_element_type3A, %cond3A : i32
    scf.if %cond3A_1 {
      %broadcast_in_dim3A_59 = arith.constant 0.000000e+00 : f32
      %broadcast_in_dim3A_60 = vector.broadcast %broadcast_in_dim3A_59 : f32 to vector<64x128xf32>
      %swap3A_61 = arith.constant 0 : index
      %swap3A_62 = arith.constant 0 : index
      %swap3A_63 = vector.load %arg9[%swap3A_61, %swap3A_62] : memref<64x128xf32, #tpu.memory_space<vmem>>, vector<64x128xf32>
      tpu.vector_store %arg9[%swap3A_61, %swap3A_62], %broadcast_in_dim3A_60 {strides = array<i32>} : memref<64x128xf32, #tpu.memory_space<vmem>>, vector<64x128xf32>,
      %broadcast_in_dim3A_64 = arith.constant 0.000000e+00 : f32
      %broadcast_in_dim3A_65 = vector.broadcast %broadcast_in_dim3A_64 : f32 to vector<64x1xf32>
      %swap3A_66 = arith.constant 0 : index
      %swap3A_67 = arith.constant 0 : index
      %swap3A_68 = vector.load %arg10[%swap3A_66, %swap3A_67] : memref<64x1xf32, #tpu.memory_space<vmem>>, vector<64x1xf32>
      tpu.vector_store %arg10[%swap3A_66, %swap3A_67], %broadcast_in_dim3A_65 {strides = array<i32>} : memref<64x1xf32, #tpu.memory_space<vmem>>, vector<64x1xf32>,
      %broadcast_in_dim3A_69 = arith.constant 0.000000e+00 : f32
      %broadcast_in_dim3A_70 = vector.broadcast %broadcast_in_dim3A_69 : f32 to vector<64x1xf32>
      %swap3A_71 = arith.constant 0 : index
      %swap3A_72 = arith.constant 0 : index
      %swap3A_73 = vector.load %arg11[%swap3A_71, %swap3A_72] : memref<64x1xf32, #tpu.memory_space<vmem>>, vector<64x1xf32>
      tpu.vector_store %arg11[%swap3A_71, %swap3A_72], %broadcast_in_dim3A_70 {strides = array<i32>} : memref<64x1xf32, #tpu.memory_space<vmem>>, vector<64x1xf32>,
    } else {
    }
    %get3A = arith.constant 0 : index
    %get3A_2 = arith.constant 0 : index
    %get3A_3 = vector.load %arg4[%get3A, %get3A_2] : memref<400x1xf32, #tpu.memory_space<vmem>>, vector<400x1xf32>
    %get3A_4 = arith.constant 0 : index
    %get3A_5 = arith.constant 0 : index
    %get3A_6 = vector.load %arg1[%get3A_4, %get3A_5] : memref<400x128xf32, #tpu.memory_space<vmem>>, vector<400x128xf32>
    %get3A_7 = arith.constant 0 : index
    %get3A_8 = arith.constant 0 : index
    %get3A_9 = vector.load %arg2[%get3A_7, %get3A_8] : memref<400x128xf32, #tpu.memory_space<vmem>>, vector<400x128xf32>
    %add3A = arith.addf %get3A_6, %get3A_9 : vector<400x128xf32>
    %get3A_10 = arith.constant 0 : index
    %get3A_11 = arith.constant 0 : index
    %get3A_12 = vector.load %arg3[%get3A_10, %get3A_11] : memref<400x128xf32, #tpu.memory_space<vmem>>, vector<400x128xf32>
    %add3A_13 = arith.addf %add3A, %get3A_12 : vector<400x128xf32>
    %mul3A = vector.broadcast %get3A_3 : vector<400x1xf32> to vector<400x128xf32>
    %mul3A_14 = arith.mulf %mul3A, %add3A_13 : vector<400x128xf32>
    %reduce_max3A = arith.constant dense<0xFF800000> : vector<400xf32>
    %reduce_max3A_15 = vector.multi_reduction <maximumf>, %mul3A_14, %reduce_max3A [1] : vector<400x128xf32> to vector<400xf32>
    %broadcast_in_dim3A = vector.shape_cast %reduce_max3A_15 : vector<400xf32> to vector<400x1xf32>
    %sub3A = vector.broadcast %broadcast_in_dim3A : vector<400x1xf32> to vector<400x128xf32>
    %sub3A_16 = arith.subf %mul3A_14, %sub3A : vector<400x128xf32>
    %exp3A = math.exp %sub3A_16 : vector<400x128xf32>
    %reduce_sum3A = arith.constant dense<0.000000e+00> : vector<400xf32>
    %reduce_sum3A_17 = vector.multi_reduction <add>, %exp3A, %reduce_sum3A [1] : vector<400x128xf32> to vector<400xf32>
    %broadcast_in_dim3A_18 = vector.shape_cast %reduce_sum3A_17 : vector<400xf32> to vector<400x1xf32>
    %log3A = math.log %broadcast_in_dim3A_18 : vector<400x1xf32>
    %add3A_19 = arith.addf %broadcast_in_dim3A, %log3A : vector<400x1xf32>
    %get3A_20 = arith.constant 0 : index
    %get3A_21 = arith.constant 0 : index
    %get3A_22 = vector.load %arg5[%get3A_20, %get3A_21] : memref<400x1xi32, #tpu.memory_space<vmem>>, vector<400x1xi32>
    %iota3A = tpu.iota {dimensions = array<i32: 1>} : vector<400x64xi32>
    %eq3A_23 = vector.broadcast %get3A_22 : vector<400x1xi32> to vector<400x64xi32>
    %eq3A_24 = arith.cmpi eq, %eq3A_23, %iota3A : vector<400x64xi32>
    %convert_element_type3A_25 = arith.extui %eq3A_24 : vector<400x64xi1> to vector<400x64xi32>
    %convert_element_type3A_26 = arith.sitofp %convert_element_type3A_25 : vector<400x64xi32> to vector<400x64xf32>
    %get3A_27 = arith.constant 0 : index
    %get3A_28 = arith.constant 0 : index
    %get3A_29 = vector.load %arg9[%get3A_27, %get3A_28] : memref<64x128xf32, #tpu.memory_space<vmem>>, vector<64x128xf32>
    %dot_general3A = arith.constant dense<0.000000e+00> : vector<64x128xf32>
    %dot_general3A_30 = tpu.matmul %convert_element_type3A_26, %mul3A_14, %dot_general3A {dimension_numbers = #tpu.dot_dimension_numbers<[0], [0], [1], [1], [0, 1, 1, 1], [], []>, transpose_lhs_hint = false} : vector<400x64xf32>, vector<400x128xf32>, vector<64x128xf32> -> vector<64x128xf32>
    %add3A_31 = arith.addf %get3A_29, %dot_general3A_30 : vector<64x128xf32>
    %swap3A = arith.constant 0 : index
    %swap3A_32 = arith.constant 0 : index
    %swap3A_33 = vector.load %arg9[%swap3A, %swap3A_32] : memref<64x128xf32, #tpu.memory_space<vmem>>, vector<64x128xf32>
    tpu.vector_store %arg9[%swap3A, %swap3A_32], %add3A_31 {strides = array<i32>} : memref<64x128xf32, #tpu.memory_space<vmem>>, vector<64x128xf32>,
    %get3A_34 = arith.constant 0 : index
    %get3A_35 = arith.constant 0 : index
    %get3A_36 = vector.load %arg10[%get3A_34, %get3A_35] : memref<64x1xf32, #tpu.memory_space<vmem>>, vector<64x1xf32>
    %dot_general3A_37 = arith.constant dense<0.000000e+00> : vector<64x1xf32>
    %dot_general3A_38 = tpu.matmul %convert_element_type3A_26, %add3A_19, %dot_general3A_37 {dimension_numbers = #tpu.dot_dimension_numbers<[0], [0], [1], [1], [0, 1, 1, 1], [], []>, transpose_lhs_hint = false} : vector<400x64xf32>, vector<400x1xf32>, vector<64x1xf32> -> vector<64x1xf32>
    %add3A_39 = arith.addf %get3A_36, %dot_general3A_38 : vector<64x1xf32>
    %swap3A_40 = arith.constant 0 : index
    %swap3A_41 = arith.constant 0 : index
    %swap3A_42 = vector.load %arg10[%swap3A_40, %swap3A_41] : memref<64x1xf32, #tpu.memory_space<vmem>>, vector<64x1xf32>
    tpu.vector_store %arg10[%swap3A_40, %swap3A_41], %add3A_39 {strides = array<i32>} : memref<64x1xf32, #tpu.memory_space<vmem>>, vector<64x1xf32>,
    %get3A_43 = arith.constant 0 : index
    %get3A_44 = arith.constant 0 : index
    %get3A_45 = vector.load %arg11[%get3A_43, %get3A_44] : memref<64x1xf32, #tpu.memory_space<vmem>>, vector<64x1xf32>
    %broadcast_in_dim3A_46 = arith.constant 1.000000e+00 : f32
    %broadcast_in_dim3A_47 = vector.broadcast %broadcast_in_dim3A_46 : f32 to vector<400x1xf32>
    %dot_general3A_48 = arith.constant dense<0.000000e+00> : vector<64x1xf32>
    %dot_general3A_49 = tpu.matmul %convert_element_type3A_26, %broadcast_in_dim3A_47, %dot_general3A_48 {dimension_numbers = #tpu.dot_dimension_numbers<[0], [0], [1], [1], [0, 1, 1, 1], [], []>, transpose_lhs_hint = false} : vector<400x64xf32>, vector<400x1xf32>, vector<64x1xf32> -> vector<64x1xf32>
    %add3A_50 = arith.addf %get3A_45, %dot_general3A_49 : vector<64x1xf32>
    %swap3A_51 = arith.constant 0 : index
    %swap3A_52 = arith.constant 0 : index
    %swap3A_53 = vector.load %arg11[%swap3A_51, %swap3A_52] : memref<64x1xf32, #tpu.memory_space<vmem>>, vector<64x1xf32>
    tpu.vector_store %arg11[%swap3A_51, %swap3A_52], %add3A_50 {strides = array<i32>} : memref<64x1xf32, #tpu.memory_space<vmem>>, vector<64x1xf32>,
    %eq3A_54 = arith.constant 24 : i32
    %eq3A_55 = arith.cmpi eq, %arg0, %eq3A_54 : i32
    %convert_element_type3A_56 = arith.extui %eq3A_55 : i1 to i32
    %cond3A_57 = arith.constant 0 : i32
    %cond3A_58 = arith.cmpi ne, %convert_element_type3A_56, %cond3A_57 : i32
    scf.if %cond3A_58 {
      %get3A_59 = arith.constant 0 : index
      %get3A_60 = arith.constant 0 : index
      %get3A_61 = vector.load %arg6[%get3A_59, %get3A_60] : memref<128x128xf32, #tpu.memory_space<vmem>>, vector<128x128xf32>
      %reduce_sum3A_62 = arith.constant dense<0.000000e+00> : vector<128xf32>
      %reduce_sum3A_63 = vector.multi_reduction <add>, %get3A_61, %reduce_sum3A_62 [0] : vector<128x128xf32> to vector<128xf32>
      %broadcast_in_dim3A_64 = vector.shape_cast %reduce_sum3A_63 : vector<128xf32> to vector<1x128xf32>
      %get3A_65 = arith.constant 0 : index
      %get3A_66 = arith.constant 0 : index
      %get3A_67 = vector.load %arg9[%get3A_65, %get3A_66] : memref<64x128xf32, #tpu.memory_space<vmem>>, vector<64x128xf32>
      %dot_general3A_68 = arith.constant dense<0.000000e+00> : vector<64x128xf32>
      %dot_general3A_69 = tpu.matmul %get3A_67, %get3A_61, %dot_general3A_68 {dimension_numbers = #tpu.dot_dimension_numbers<[1], [0], [0], [1], [0, 0, 1, 1], [], []>, transpose_lhs_hint = false} : vector<64x128xf32>, vector<128x128xf32>, vector<64x128xf32> -> vector<64x128xf32>
      %get3A_70 = arith.constant 0 : index
      %get3A_71 = arith.constant 0 : index
      %get3A_72 = vector.load %arg10[%get3A_70, %get3A_71] : memref<64x1xf32, #tpu.memory_space<vmem>>, vector<64x1xf32>
      %mul3A_73 = vector.broadcast %get3A_72 : vector<64x1xf32> to vector<64x128xf32>
      %mul3A_74 = vector.broadcast %broadcast_in_dim3A_64 : vector<1x128xf32> to vector<64x128xf32>
      %mul3A_75 = arith.mulf %mul3A_73, %mul3A_74 : vector<64x128xf32>
      %sub3A_76 = arith.subf %dot_general3A_69, %mul3A_75 : vector<64x128xf32>
      %get3A_77 = arith.constant 0 : index
      %get3A_78 = arith.constant 0 : index
      %get3A_79 = vector.load %arg11[%get3A_77, %get3A_78] : memref<64x1xf32, #tpu.memory_space<vmem>>, vector<64x1xf32>
      %max3A = arith.constant 1.000000e+00 : f32
      %max3A_80 = vector.broadcast %max3A : f32 to vector<64x1xf32>
      %max3A_81 = arith.maximumf %get3A_79, %max3A_80 : vector<64x1xf32>
      %div3A = vector.broadcast %max3A_81 : vector<64x1xf32> to vector<64x128xf32>
      %div3A_82 = arith.divf %sub3A_76, %div3A : vector<64x128xf32>
      %get3A_83 = arith.constant 0 : index
      %get3A_84 = arith.constant 0 : index
      %get3A_85 = vector.load %arg7[%get3A_83, %get3A_84] : memref<1x128xf32, #tpu.memory_space<vmem>>, vector<1x128xf32>
      %add3A_86 = vector.broadcast %get3A_85 : vector<1x128xf32> to vector<64x128xf32>
      %add3A_87 = arith.addf %div3A_82, %add3A_86 : vector<64x128xf32>
      %swap3A_88 = arith.constant 0 : index
      %swap3A_89 = arith.constant 0 : index
      %swap3A_90 = vector.load %arg8[%swap3A_88, %swap3A_89] : memref<64x128xf32, #tpu.memory_space<vmem>>, vector<64x128xf32>
      tpu.vector_store %arg8[%swap3A_88, %swap3A_89], %add3A_87 {strides = array<i32>} : memref<64x128xf32, #tpu.memory_space<vmem>>, vector<64x128xf32>,
    } else {
    }
    return
  }
  func.func @transform_0(%arg0: i32) -> (i32, i32) {
    %c0_i32 = arith.constant 0 : i32
    %c0_i32_0 = arith.constant 0 : i32
    return %arg0, %c0_i32 : i32, i32
  }
  func.func @transform_1(%arg0: i32) -> (i32, i32) {
    %c0_i32 = arith.constant 0 : i32
    %c0_i32_0 = arith.constant 0 : i32
    return %arg0, %c0_i32 : i32, i32
  }
  func.func @transform_2(%arg0: i32) -> (i32, i32) {
    %c0_i32 = arith.constant 0 : i32
    %c0_i32_0 = arith.constant 0 : i32
    return %arg0, %c0_i32 : i32, i32
  }
  func.func @transform_3(%arg0: i32) -> (i32, i32) {
    %c0_i32 = arith.constant 0 : i32
    %c0_i32_0 = arith.constant 0 : i32
    return %arg0, %c0_i32 : i32, i32
  }
  func.func @transform_4(%arg0: i32) -> (i32, i32) {
    %c0_i32 = arith.constant 0 : i32
    %c0_i32_0 = arith.constant 0 : i32
    return %arg0, %c0_i32 : i32, i32
  }
  func.func @transform_5(%arg0: i32) -> (i32, i32) {
    %c0_i32 = arith.constant 0 : i32
    %c0_i32_0 = arith.constant 0 : i32
    %c0_i32_1 = arith.constant 0 : i32
    return %c0_i32, %c0_i32_0 : i32, i32
  }
  func.func @transform_6(%arg0: i32) -> (i32, i32) {
    %c0_i32 = arith.constant 0 : i32
    %c0_i32_0 = arith.constant 0 : i32
    %c0_i32_1 = arith.constant 0 : i32
    return %c0_i32, %c0_i32_0 : i32, i32
  }
  func.func @transform_7(%arg0: i32) -> (i32, i32) {
    %c0_i32 = arith.constant 0 : i32
    %c0_i32_0 = arith.constant 0 : i32
    %c0_i32_1 = arith.constant 0 : i32
    return %c0_i32, %c0_i32_0 : i32, i32
  }
}

</mosaic_0001>

<sc_bundles>
// kernel: kernel.11.cloned.1.call-start
scs
__scs_entry_jumppad:
0x0: {  	(pc) =	sbr.rel $0x88, $3  }
0x1: {  	(tag) =	ssettag $0x0;
	lr =	simm.s32 $0x1  }
0x2: {  	[smem:$0x3F94] =	sst lr;
	_ =	strace $0xD0000000  }
0x3: {  	_ = 	snop  }
0x4: {  	_ = 	snop  }
0x5: {  	_ = 	snop  }
0x6: {  	_ = 	snop  }
0x7: {  	_ = 	snop  }
__scs_overlays_trampoline_lowered:
0x8: {  	[smem:$0x3FA3] =	sst s0  }
0x9: {  	[smem:$0x3FA4] =	sst s1  }
0xa: {  	[smem:$0x3FA5] =	sst s2  }
0xb: {  	[smem:$0x3FA6] =	sst s3  }
0xc: {  	[smem:$0x3FA7] =	sst s4  }
0xd: {  	[smem:$0x3FA8] =	sst s5  }
0xe: {  	[smem:$0x3FA9] =	sst s6  }
0xf: {  	[smem:$0x3FAA] =	sst s7  }
0x10: {  	[smem:$0x3FAB] =	sst s8  }
0x11: {  	[smem:$0x3FAC] =	sst s9;
	s0 =	simm.s32 @!p0 $0x0  }
0x12: {  	s1 =	sld [smem:$0x3F92];
	s0 =	simm.s32 @p0 $0x1  }
0x13: {  	[smem:$0x3FAD] =	sst s0;
	s0 =	simm.s32 @!p1 $0x0  }
0x14: {  	s2 =	sld [smem:$0x3F91];
	s0 =	simm.s32 @p1 $0x1  }
0x15: {  	[smem:$0x3FAE] =	sst s0;
	s0 =	simm.s32 @!p2 $0x0  }
0x16: {  	s3 =	sld [smem:$0x3FDB];
	s0 =	simm.s32 @p2 $0x1  }
0x17: {  	s4 =	simm.s32 $0x1BF5;
	[smem:$0x3FB0] =	sst s0  }
0x18: {  	s0 =	sld [smem:$0x3F93];
	_ =	swait.ge [sflag:s4], $0x0  }
0x19: {  	s7 =	sld [smem:$0x3F94]  }
0x1a: {  	s8 =	sadd.s32 $0xFFFFE003, lr  }
0x1b: {  	s9 =	sadd.s32 $0xFFFFFEF7, lr;
	s5 =	simm.s32 $0xFFFFFFFF;
	p2 =	slt.u32 s8, $0xFFFFF086  }
0x1c: {  	p1 =	slt.u32 s9, $0xF7A;
	s5 =	simm.s32 @!p2 $0x0  }
0x1d: {  	s5 =	simm.s32 @p1 $0x1;
	p0 =	seq.s32 s7, s2  }
0x1e: {  	s7 =	smul.u32 @!p0 $0xF7A, s2;
	p2 =	seq.s32 @!p0 s5, $0x0  }
0x1f: {  	s9 =	smul.u32 $0xF7A, s1;
	s8 =	simm.s32 @!p0 $0x1BF5;
	p2 =	por !p2, p0  }
0x20: {  	[sflag:s8] =	ssyncset.s32 @!p0 $0xFFFFF086;
	s6 =	sadd.s32 @!p0 s3, s7;
	s7 =	simm.s32 @!p0 $0x108  }
0x21: {  	s3 =	sadd.s32 s3, s9;
	s6 =	sadd.s32 @!p0 $0x88, s6;
	s7 =	simm.s32 @p2 $0x1082  }
0x22: {  	[simem:s7], [sflag:s8] =	dma.local @!p0 [hbm:s6], $0xF7A  }
0x23: {  	s9 =	sor.u32 $0xD0000000, s2;
	s6 =	simm.s32 $0x108;
	_ =	swait.ge @!p0 [sflag:s8], $0x0  }
0x24: {  	s3 =	sadd.s32 $0x88, s3;
	s6 =	simm.s32 @!p1 $0x1082;
	[sflag:s4] =	ssyncset.s32 $0xFFFFF086  }
0x25: {  	[simem:s6], [sflag:s4] =	dma.local [hbm:s3], $0xF7A  }
0x26: {  	[smem:$0x3F94] =	sst s1;
	(tag) =	ssettag s2;
	_ =	strace s9  }
0x27: {  	s1 =	sld [smem:$0x3FA4]  }
0x28: {  	s2 =	sld [smem:$0x3FA5]  }
0x29: {  	s4 =	sld [smem:$0x3FA7]  }
0x2a: {  	p0 =	seq.s32 s5, $0x0;
	s5 =	sld [smem:$0x3FA8]  }
0x2b: {  	s6 =	sld [smem:$0x3FA9]  }
0x2c: {  	s7 =	sld [smem:$0x3FAA]  }
0x2d: {  	s3 =	simm.s32 $0x108;
	s8 =	sld [smem:$0x3FAB]  }
0x2e: {  	s3 =	simm.s32 @!p0 $0x1082;
	s9 =	sld [smem:$0x3FAC]  }
0x2f: {  	lr =	sadd.s32 s0, s3;
	s0 =	sld [smem:$0x3FA3]  }
0x30: {  	s3 =	sld [smem:$0x3FA6]  }
0x31: {  	[smem:$0x3FAF] =	sst s10  }
0x32: {  	s10 =	sld [smem:$0x3FAD];
	_ =	sdelay $0x3  }
0x33: {  	p0 =	seq.s32 s10, $0x1;
	s10 =	sld [smem:$0x3FAF];
	_ =	sdelay $0x3  }
0x34: {  	[smem:$0x3FAF] =	sst s10  }
0x35: {  	s10 =	sld [smem:$0x3FAE];
	_ =	sdelay $0x3  }
0x36: {  	p1 =	seq.s32 s10, $0x1;
	s10 =	sld [smem:$0x3FAF];
	_ =	sdelay $0x3  }
0x37: {  	[smem:$0x3FAF] =	sst s10  }
0x38: {  	s10 =	sld [smem:$0x3FB0]  }
0x39: {  	_ = 	snop;
	(pc) =	sbr.ind lr, $3  }
0x3a: {  	_ = 	snop  }
0x3b: {  	_ = 	snop  }
0x3c: {  	p2 =	seq.s32 s10, $0x1;
	s10 =	sld [smem:$0x3FAF]  }
0x3d: {  	_ =	shalt  }
0x3e: {  	_ =	shalt  }
0x3f: {  	_ =	shalt  }
0x40: {  	_ =	shalt  }
0x41: {  	_ =	shalt  }
0x42: {  	_ =	shalt  }
0x43: {  	_ =	shalt  }
0x44: {  	_ =	shalt  }
0x45: {  	_ =	shalt  }
0x46: {  	_ =	shalt  }
0x47: {  	_ =	shalt  }
0x48: {  	_ =	shalt  }
0x49: {  	_ =	shalt  }
0x4a: {  	_ =	shalt  }
0x4b: {  	_ =	shalt  }
0x4c: {  	_ =	shalt  }
0x4d: {  	_ =	shalt  }
0x4e: {  	_ =	shalt  }
0x4f: {  	_ =	shalt  }
0x50: {  	_ =	shalt  }
0x51: {  	_ =	shalt  }
0x52: {  	_ =	shalt  }
0x53: {  	_ =	shalt  }
0x54: {  	_ =	shalt  }
0x55: {  	_ =	shalt  }
0x56: {  	_ =	shalt  }
0x57: {  	_ =	shalt  }
0x58: {  	_ =	shalt  }
0x59: {  	_ =	shalt  }
0x5a: {  	_ =	shalt  }
0x5b: {  	_ =	shalt  }
0x5c: {  	_ =	shalt  }
0x5d: {  	_ =	shalt  }
0x5e: {  	_ =	shalt  }
0x5f: {  	_ =	shalt  }
0x60: {  	_ =	shalt  }
0x61: {  	_ =	shalt  }
0x62: {  	_ =	shalt  }
0x63: {  	_ =	shalt  }
0x64: {  	_ =	shalt  }
0x65: {  	_ =	shalt  }
0x66: {  	_ =	shalt  }
0x67: {  	_ =	shalt  }
0x68: {  	_ =	shalt  }
0x69: {  	_ =	shalt  }
0x6a: {  	_ =	shalt  }
0x6b: {  	_ =	shalt  }
0x6c: {  	_ =	shalt  }
0x6d: {  	_ =	shalt  }
0x6e: {  	_ =	shalt  }
0x6f: {  	_ =	shalt  }
0x70: {  	_ =	shalt  }
0x71: {  	_ =	shalt  }
0x72: {  	_ =	shalt  }
0x73: {  	_ =	shalt  }
0x74: {  	_ =	shalt  }
0x75: {  	_ =	shalt  }
0x76: {  	_ =	shalt  }
0x77: {  	_ =	shalt  }
0x78: {  	_ =	shalt  }
0x79: {  	_ =	shalt  }
0x7a: {  	_ =	shalt  }
0x7b: {  	_ =	shalt  }
0x7c: {  	_ =	shalt  }
0x7d: {  	_ =	shalt  }
0x7e: {  	_ =	shalt  }
0x7f: {  	_ =	shalt  }
0x80: {  	_ =	shalt  }
0x81: {  	_ =	shalt  }
0x82: {  	_ =	shalt  }
0x83: {  	_ =	shalt  }
0x84: {  	_ =	shalt  }
0x85: {  	_ =	shalt  }
0x86: {  	_ =	shalt  }
0x87: {  	_ =	shalt  }
.Lfunc_end0:
.L_simem_size_0:
called_computation.1_lowered:
.L_overlay_start_0:
0x88: {  	s2 =	sld [smem:$0x3FD9]  }
0x89: {  	s3 =	sld [smem:$0x3FFE];
	_ =	sdelay $0x1  }
0x8a: {  	s1 =	srdreg.scid  }
0x8b: {  	s0 =	sand.u32 $0x1, s1  }
0x8c: {  	s16 =	sshll.u32 s0, $0xA;
	s2 =	sadd.s32 s3, s2  }
0x8d: {  	s2 =	sadd.s32 s2, s16  }
0x8e: {  	[smem:$0x3FBB] =	sst s2  }
0x8f: {  	_ = 	snop  }
0x90: {  	(tm) =	ssettm $0x1  }
0x91: {  	s17 =	sld [smem:$0x3FFB];
	_ =	sdelay $0x3  }
0x92: {  	_ =	strace s17  }
0x93: {  	s2 =	sld [smem:$0x3FFC];
	_ =	sdelay $0x3  }
0x94: {  	_ =	strace s2  }
0x95: {  	s2 =	sld [smem:$0x3FFD];
	_ =	sdelay $0x3  }
0x96: {  	_ =	strace s2  }
0x97: {  	_ =	strace $0x8FFFFFFF  }
0x98: {  	s18 =	sld [smem:$0x3FDB];
	_ =	sdelay $0x1  }
0x99: {  	s19 =	simm.s32 $_scs_section_size  }
0x9a: {  	s4 =	simm.s32 $_size__tile_overlayer_lowered;
	s5 =	simm.s32 $_tile_overlayer_lowered  }
0x9b: {  	s22 =	simm.s32 $0x1BFF;
	s21 =	sshll.u32 s5, $0x1;
	s2 =	sadd.s32 s19, s18  }
0x9c: {  	s6 =	simm.s32 $0x0;
	s20 =	sshll.u32 s4, $0x1;
	s4 =	sadd.s32 s21, s2  }
0x9d: {  	[timem:s6], [sflag:s22] =	dma.local [hbm:s4], s20  }
0x9e: {  	_ =	swait.ge [sflag:s22], s20  }
0x9f: {  	s3 =	ssub.s32 $0x0, s20;
	[sflag:s22] =	ssyncset.done $0x0  }
0xa0: {  	[sflag:s22] =	ssyncadd.s32 s3;
	_ =	sdelay $0x1  }
0xa1: {  	s23 =	simm.s32 $0x1B8B  }
0xa2: {  	_ =	swait.ge [sflag:s23], $0x1  }
0xa3: {  	[sflag:s23] =	ssyncset.done $0x0  }
0xa4: {  	s25 =	simm.s32 $0x1B8E;
	s24 =	sld [smem:$0x3FFE];
	[sflag:s23] =	ssyncadd.s32 $0xFFFFFFFF  }
0xa5: {  	s26 =	simm.s32 $execute0_lowered;
	[smem:$0x3FD2] =	sst s25  }
0xa6: {  	s4 =	sshll.u32 s26, $0x1;
	_ =	strace $0x80000049;
	[dreg:$0x1] =	wrdreg $0xFFFFFFFF  }
0xa7: {  	s28 =	simm.s32 $_size_execute0_lowered;
	s2 =	sadd.s32 s2, s4;
	[dreg:$0x0] =	wrdreg $0x0  }
0xa8: {  	s4 =	sshll.u32 s28, $0x1;
	[dreg:$0x2] =	wrdreg s2  }
0xa9: {  	[dreg:$0x3] =	wrdreg s4  }
0xaa: {  	[dreg:$0x4] =	wrdreg $0xC0  }
0xab: {  	_ =	task [dreg:s6], $0x5FFFF  }
0xac: {  	[dreg:$0x1] =	wrdreg $0xFFFFFFFF  }
0xad: {  	[dreg:$0x0] =	wrdreg $0x60  }
0xae: {  	[dreg:$0x2] =	wrdreg s24  }
0xaf: {  	[dreg:$0x3] =	wrdreg $0xA5000  }
0xb0: {  	[dreg:$0x4] =	wrdreg $0x9  }
0xb1: {  	_ =	task.clear_ibuf [dreg:s6], $0x5FFFF;
	_ =	strace $0x90000049  }
0xb2: {  	s29 =	simm.s32 $0x9;
	_ =	strace $0x8000004B  }
0xb3: {  	_ =	swait.ge [sflag:s29], $0x1  }
0xb4: {  	[sflag:s29] =	ssyncadd.s32 $0xFFFFFFFF  }
0xb5: {  	_ =	strace $0x9000004B  }
0xb6: {  	_ =	sfence  }
0xb7: {  	s30 =	sld [smem:$0x0];
	_ =	sdelay $0x2  }
0xb8: {  	s31 =	sshll.u32 s1, $0xD;
	s1 =	sshrl.u32 s1, $0x2  }
0xb9: {  	s3 =	sand.u32 $0x4000, s31;
	s1 =	sadd.s32 s1, s30  }
0xba: {  	s0 =	sor.u32 s3, s0;
	s1 =	sshll.u32 s1, $0x11  }
0xbb: {  	s0 =	sor.u32 s1, s0  }
0xbc: {  	s0 =	sadd.s32 $0x8F2B, s0  }
0xbd: {  	[sflag:s0] =	ssyncadd.remote.s32 $0x1  }
0xbe: {  	_ =	sfence.sel $0xFFFF  }
0xbf: {  	[dreg:$0x0] =	wrdreg $0xFFFFFFFF;
	(pc) =	sbr.abs _section_cstart, $3  }
0xc0: {  	[dreg:$0x1] =	wrdreg $0xFFFFFFFF  }
0xc1: {  	_ =	task.clear_ibuf [dreg:s6], $0x2FFFF;
	_ =	strace $0x9FFFFFFF  }
0xc2: {  	(tm) =	ssettm $0x7FFFFFFF  }
0xc3: {  	_ =	shalt  }
tec
execute0_lowered:
.L_overlay_start_1:
0x0: {  	(tag) =	ssettag $0x1  }
0x1: {  	s0 =	rddreg [dreg:$0x0]  }
0x2: {  	s2 =	rddreg [dreg:$0x1]  }
0x3: {  	s3 =	stileid.u32;
	s1 =	srdreg.scid;
	s4 =	simm.s32 $0x0  }
0x4: {  	s28 =	simm.s32 $0x40;
	s31 =	simm.s32 $0x2500;
	s6 =	smul.u32 $0x14000, s3  }
0x5: {  	s1 =	sand.u32 $0x1, s1;
	[smem:$0x7FF] =	sst s4;
	s10 =	smul.u32 $0x50000, s3  }
0x6: {  	s4 =	sadd.s32 $0xADE00, s0;
	s5 =	sadd.s32 $0x11400, s0;
	s14 =	smul.u32 $0x9D00, s3  }
0x7: {  	s15 =	sshll.u32 s3, $0x6;
	s7 =	smul.u32 $0x140000, s1;
	_ =	strace $0x8000004A  }
0x8: {  	s11 =	sshll.u32 s1, $0x4;
	s9 =	ssub.s32 $0x2, s1;
	s1 =	smul.u32 $0x9D000, s1  }
0x9: {  	s8 =	sshrl.u32 s6, $0x3;
	s12 =	sshrl.u32 s9, $0x1;
	s13 =	sshrl.u32 s10, $0x2  }
0xa: {  	s10 =	simm.s32 $0x0;
	s6 =	sadd.s32 s6, s7;
	s30 =	sadd.s32 s8, s0  }
0xb: {  	s8 =	sor.u32 s3, s11;
	s1 =	sadd.s32 s14, s1;
	s11 =	simm.s32 $0x8500  }
0xc: {  	s14 =	simm.s32 $0x7;
	s6 =	sshrl.u32 s6, $0x3;
	s8 =	smul.u32 $0x9D00, s8  }
0xd: {  	s7 =	sadd.s32 $0xD5E00, s30;
	s20 =	sadd.s32 $0x900, s1;
	s23 =	sadd.s32 $0x800, s1  }
0xe: {  	s24 =	sadd.s32 $0x700, s1;
	s25 =	sadd.s32 $0x600, s1;
	s30 =	sadd.s32 $0x500, s1  }
0xf: {  	s1 =	simm.s32 $0x4500;
	s0 =	sadd.s32 s6, s0;
	s6 =	ssub.s32 s9, s12  }
0x10: {  	s9 =	sadd.s32 s13, s2;
	[dreg:$0x3] =	wrdreg s7;
	s21 =	sshrl.u32 s20, $0x3  }
0x11: {  	s26 =	sshrl.u32 s24, $0x3;
	s29 =	sshrl.u32 s25, $0x3;
	[dreg:$0xc] =	wrdreg s30  }
0x12: {  	s12 =	simm.s32 $0x6;
	s13 =	simm.s32 $0x80;
	s24 =	simm.s32 $0x280  }
0x13: {  	s25 =	simm.s32 $0x380;
	s7 =	simm.s32 $0xA;
	s0 =	sadd.s32 $0xFDE00, s0  }
0x14: {  	s8 =	sshrl.u32 s8, $0x3;
	s22 =	smax.u32 s6, $0x1;
	[dreg:$0xa] =	wrdreg s0  }
0x15: {  	s6 =	simm.s32 $0x10;
	s16 =	sadd.s32 s5, s8;
	[dreg:$0xb] =	wrdreg s22  }
0x16: {  	s8 =	sor.u32 $0x1C10, s15;
	s15 =	sadd.s32 s21, s5;
	[dreg:$0x4] =	wrdreg s16  }
0x17: {  	s0 =	sshrl.u32 s23, $0x3;
	s17 =	sadd.s32 $0x20, s16;
	[dreg:$0x5] =	wrdreg s8  }
0x18: {  	s21 =	simm.s32 $0x500;
	s18 =	sadd.s32 $0x40, s16;
	[dreg:$0x6] =	wrdreg s17  }
0x19: {  	s22 =	simm.s32 $0x180;
	s19 =	sadd.s32 $0x60, s16;
	[dreg:$0x7] =	wrdreg s18  }
0x1a: {  	s23 =	simm.s32 $0x8;
	s3 =	sadd.s32 $0x80, s16;
	[dreg:$0x8] =	wrdreg s19  }
0x1b: {  	s16 =	sadd.s32 s0, s5;
	[dreg:$0x9] =	wrdreg s3;
	s17 =	sadd.s32 s26, s5  }
0x1c: {  	s18 =	sadd.s32 s29, s5;
	s3 =	sshrl.u32 s9, $0x3;
	s9 =	simm.s32 $0x6500  }
0x1d: {  	s19 =	simm.s32 $0x9;
	s26 =	simm.s32 $0x480;
	[dreg:$0xd] =	wrdreg s3  }
.LBB2_1:
0x1e: {  	[dreg:$0xe] =	wrdreg s10  }
0x1f: {  	s0 =	rddreg [dreg:$0x3]  }
0x20: {  	[spmem:s3], [sflag:s8] =	dma.local [hbm:s0], $0x2800  }
0x21: {  	_ =	swait.ge [sflag:s6], $0x2800  }
0x22: {  	[sflag:s6] =	ssyncset.done $0x0  }
0x23: {  	[sflag:s6] =	ssyncadd.s32 $0xFFFFD800  }
0x24: {  	[bflag:$0x0] =	sbarrier.arrive $0xFFFF  }
0x25: {  	s0 =	simm.s32 $0x0;
	s6 =	rddreg [dreg:$0x4]  }
0x26: {  	[tilespmem:s0], [sflag:$0x1] =	stream.linear.gather [hbm4b:s6+s0], $0x100, $0x38;
	[tilespmem:$0x1E500] =	vst v63  }
0x27: {  	s8 =	rddreg [dreg:$0x6];
	s6 =	simm.s32 $0x100  }
0x28: {  	[tilespmem:s6], [sflag:$0x2] =	stream.linear.gather [hbm4b:s8+s0], $0x100, $0x38;
	[tilespmem:$0x1E500] =	vst v63  }
0x29: {  	s10 =	rddreg [dreg:$0x7];
	s8 =	simm.s32 $0x200  }
0x2a: {  	[tilespmem:s8], [sflag:$0x3] =	stream.linear.gather [hbm4b:s10+s0], $0x100, $0x38;
	[tilespmem:$0x1E500] =	vst v63  }
0x2b: {  	s20 =	rddreg [dreg:$0x8];
	s10 =	simm.s32 $0x300  }
0x2c: {  	[tilespmem:s10], [sflag:$0x4] =	stream.linear.gather [hbm4b:s20+s0], $0x100, $0x38;
	[tilespmem:$0x1E500] =	vst v63  }
0x2d: {  	s30 =	simm.s32 $0x1;
	s29 =	rddreg [dreg:$0x9];
	s20 =	simm.s32 $0x400  }
0x2e: {  	[tilespmem:s20], [sflag:$0x5] =	stream.linear.gather [hbm4b:s29+s0], $0x100, $0x38;
	[tilespmem:$0x1E500] =	vst v63  }
0x2f: {  	_ =	swait.ge [sflag:s30], $0x100  }
0x30: {  	[sflag:s30] =	ssyncset.done $0x0  }
0x31: {  	s3 =	simm.s32 $0x2;
	[sflag:s30] =	ssyncadd.s32 $0xFFFFFF00  }
0x32: {  	[tilespmem:s21], [sflag:$0x6] =	stream.indirect.gather [hbm4b:s4+s28], $0x80, s0, s28, $0xb8;
	[tilespmem:$0x1E500] =	vst v63  }
0x33: {  	_ =	swait.ge [sflag:s3], $0x100  }
0x34: {  	[sflag:s3] =	ssyncset.done $0x0  }
0x35: {  	[sflag:s3] =	ssyncadd.s32 $0xFFFFFF00  }
0x36: {  	[tilespmem:s31], [sflag:$0x7] =	stream.indirect.gather [hbm4b:s4+s28], $0x80, s6, s28, $0xb8;
	[tilespmem:$0x1E500] =	vst v63  }
0x37: {  	s6 =	simm.s32 $0x3  }
0x38: {  	_ =	swait.ge [sflag:s6], $0x100  }
0x39: {  	[sflag:s6] =	ssyncset.done $0x0  }
0x3a: {  	s29 =	simm.s32 $0x4;
	[sflag:s6] =	ssyncadd.s32 $0xFFFFFF00  }
0x3b: {  	[tilespmem:s1], [sflag:$0x8] =	stream.indirect.gather [hbm4b:s4+s28], $0x80, s8, s28, $0xb8;
	[tilespmem:$0x1E500] =	vst v63  }
0x3c: {  	_ =	swait.ge [sflag:s29], $0x100  }
0x3d: {  	[sflag:s29] =	ssyncset.done $0x0  }
0x3e: {  	s30 =	simm.s32 $0x5;
	[sflag:s29] =	ssyncadd.s32 $0xFFFFFF00  }
0x3f: {  	[tilespmem:s9], [sflag:$0x9] =	stream.indirect.gather [hbm4b:s4+s28], $0x80, s10, s28, $0xb8;
	[tilespmem:$0x1E500] =	vst v63  }
0x40: {  	_ =	swait.ge [sflag:s30], $0x100  }
0x41: {  	[sflag:s30] =	ssyncset.done $0x0  }
0x42: {  	s10 =	simm.s32 $0x0;
	s6 =	rddreg [dreg:$0xc];
	[sflag:s30] =	ssyncadd.s32 $0xFFFFFF00  }
0x43: {  	[tilespmem:s11], [sflag:$0xA] =	stream.indirect.gather [hbm4b:s4+s28], $0x80, s20, s28, $0xb8;
	[tilespmem:$0x1E500] =	vst v63  }
.LBB2_2:
0x44: {  	_ =	swait.ge [sflag:s12], $0x2000  }
0x45: {  	[sflag:s12] =	ssyncset.done $0x0  }
0x46: {  	[sflag:s12] =	ssyncadd.s32 $0xFFFFE000  }
0x47: {  	[spmem:s2] =	stream.indirect.scatter.add.f32 [tilespmem:s21], [sflag:$0xB], $0x80, s13, s28, $0xb8;
	[tilespmem:$0x1E500] =	vst v63  }
0x48: {  	_ =	swait.ge [sflag:s14], $0x2000  }
0x49: {  	[sflag:s14] =	ssyncset.done $0x0  }
0x4a: {  	[sflag:s14] =	ssyncadd.s32 $0xFFFFE000  }
0x4b: {  	[spmem:s2] =	stream.indirect.scatter.add.f32 [tilespmem:s31], [sflag:$0xC], $0x80, s22, s28, $0xb8;
	[tilespmem:$0x1E500] =	vst v63  }
0x4c: {  	_ =	swait.ge [sflag:s23], $0x2000  }
0x4d: {  	[sflag:s23] =	ssyncset.done $0x0  }
0x4e: {  	[sflag:s23] =	ssyncadd.s32 $0xFFFFE000  }
0x4f: {  	[spmem:s2] =	stream.indirect.scatter.add.f32 [tilespmem:s1], [sflag:$0xD], $0x80, s24, s28, $0xb8;
	[tilespmem:$0x1E500] =	vst v63  }
0x50: {  	_ =	swait.ge [sflag:s19], $0x2000  }
0x51: {  	[sflag:s19] =	ssyncset.done $0x0  }
0x52: {  	[sflag:s19] =	ssyncadd.s32 $0xFFFFE000  }
0x53: {  	[spmem:s2] =	stream.indirect.scatter.add.f32 [tilespmem:s9], [sflag:$0xE], $0x80, s25, s28, $0xb8;
	[tilespmem:$0x1E500] =	vst v63  }
0x54: {  	_ =	swait.ge [sflag:s7], $0x2000  }
0x55: {  	p0 =	seq.s32 s10, $0x12C0;
	[sflag:s7] =	ssyncset.done $0x0  }
0x56: {  	s30 =	simm.s32 @!p0 $0xB;
	[sflag:s7] =	ssyncadd.s32 $0xFFFFE000  }
0x57: {  	[spmem:s2] =	stream.indirect.scatter.add.f32 [tilespmem:s11], [sflag:$0xF], $0x80, s26, s28, $0xb8;
	[tilespmem:$0x1E500] =	vst v63  }
0x58: {  	_ =	swait.ge @!p0 [sflag:s30], $0x2000  }
0x59: {  	s8 =	sshrl.u32 @!p0 s6, $0x3;
	[sflag:s30] =	ssyncset.done @!p0 $0x0  }
0x5a: {  	s8 =	sadd.s32 @!p0 s5, s8;
	[sflag:s30] =	ssyncadd.s32 @!p0 $0xFFFFE000;
	s30 =	simm.s32 @!p0 $0x0  }
0x5b: {  	[tilespmem:s30], [sflag:$0x1] =	stream.linear.gather @!p0 [hbm4b:s8+s30], $0x100, $0x38;
	[tilespmem:$0x1E500] =	vst v63  }
0x5c: {  	s8 =	simm.s32 @!p0 $0xC  }
0x5d: {  	_ =	swait.ge @!p0 [sflag:s8], $0x2000  }
0x5e: {  	[sflag:s8] =	ssyncset.done @!p0 $0x0  }
0x5f: {  	s20 =	simm.s32 @!p0 $0x100;
	[sflag:s8] =	ssyncadd.s32 @!p0 $0xFFFFE000;
	s8 =	sadd.s32 @!p0 s10, s18  }
0x60: {  	[tilespmem:s20], [sflag:$0x2] =	stream.linear.gather @!p0 [hbm4b:s8+s30], $0x100, $0x38;
	[tilespmem:$0x1E500] =	vst v63  }
0x61: {  	s8 =	simm.s32 @!p0 $0xD  }
0x62: {  	_ =	swait.ge @!p0 [sflag:s8], $0x2000  }
0x63: {  	[sflag:s8] =	ssyncset.done @!p0 $0x0  }
0x64: {  	s3 =	simm.s32 @!p0 $0x200;
	[sflag:s8] =	ssyncadd.s32 @!p0 $0xFFFFE000;
	s8 =	sadd.s32 @!p0 s10, s17  }
0x65: {  	[tilespmem:s3], [sflag:$0x3] =	stream.linear.gather @!p0 [hbm4b:s8+s30], $0x100, $0x38;
	[tilespmem:$0x1E500] =	vst v63  }
0x66: {  	s8 =	simm.s32 @!p0 $0xE  }
0x67: {  	_ =	swait.ge @!p0 [sflag:s8], $0x2000  }
0x68: {  	[sflag:s8] =	ssyncset.done @!p0 $0x0  }
0x69: {  	s21 =	simm.s32 @!p0 $0x300;
	[sflag:s8] =	ssyncadd.s32 @!p0 $0xFFFFE000;
	s8 =	sadd.s32 @!p0 s10, s16  }
0x6a: {  	[tilespmem:s21], [sflag:$0x4] =	stream.linear.gather @!p0 [hbm4b:s8+s30], $0x100, $0x38;
	[tilespmem:$0x1E500] =	vst v63  }
0x6b: {  	s8 =	simm.s32 @!p0 $0xF  }
0x6c: {  	_ =	swait.ge @!p0 [sflag:s8], $0x2000  }
0x6d: {  	[sflag:s8] =	ssyncset.done @!p0 $0x0  }
0x6e: {  	s0 =	simm.s32 @!p0 $0x400;
	[sflag:s8] =	ssyncadd.s32 @!p0 $0xFFFFE000;
	s8 =	sadd.s32 @!p0 s10, s15  }
0x6f: {  	[tilespmem:s0], [sflag:$0x5] =	stream.linear.gather @!p0 [hbm4b:s8+s30], $0x100, $0x38;
	[tilespmem:$0x1E500] =	vst v63  }
0x70: {  	s8 =	simm.s32 @!p0 $0x1  }
0x71: {  	_ =	swait.ge @!p0 [sflag:s8], $0x100  }
0x72: {  	[sflag:s8] =	ssyncset.done @!p0 $0x0  }
0x73: {  	s29 =	simm.s32 @!p0 $0x500;
	[sflag:s8] =	ssyncadd.s32 @!p0 $0xFFFFFF00;
	s8 =	simm.s32 @!p0 $0x40  }
0x74: {  	[tilespmem:s29], [sflag:$0x6] =	stream.indirect.gather @!p0 [hbm4b:s4+s8], $0x80, s30, s8, $0xb8;
	[tilespmem:$0x1E500] =	vst v63  }
0x75: {  	s29 =	simm.s32 @!p0 $0x2  }
0x76: {  	_ =	swait.ge @!p0 [sflag:s29], $0x100  }
0x77: {  	[sflag:s29] =	ssyncset.done @!p0 $0x0  }
0x78: {  	[sflag:s29] =	ssyncadd.s32 @!p0 $0xFFFFFF00;
	s29 =	simm.s32 @!p0 $0x2500  }
0x79: {  	[tilespmem:s29], [sflag:$0x7] =	stream.indirect.gather @!p0 [hbm4b:s4+s8], $0x80, s20, s8, $0xb8;
	[tilespmem:$0x1E500] =	vst v63  }
0x7a: {  	s20 =	simm.s32 @!p0 $0x3  }
0x7b: {  	_ =	swait.ge @!p0 [sflag:s20], $0x100  }
0x7c: {  	[sflag:s20] =	ssyncset.done @!p0 $0x0  }
0x7d: {  	[sflag:s20] =	ssyncadd.s32 @!p0 $0xFFFFFF00;
	s20 =	simm.s32 @!p0 $0x4500  }
0x7e: {  	[tilespmem:s20], [sflag:$0x8] =	stream.indirect.gather @!p0 [hbm4b:s4+s8], $0x80, s3, s8, $0xb8;
	[tilespmem:$0x1E500] =	vst v63  }
0x7f: {  	s3 =	simm.s32 @!p0 $0x4  }
0x80: {  	s10 =	sadd.s32 @!p0 $0xA0, s10;
	_ =	swait.ge @!p0 [sflag:s3], $0x100  }
0x81: {  	p1 =	sne.s32 @!p0 s10, $0x1360;
	[sflag:s3] =	ssyncset.done @!p0 $0x0  }
0x82: {  	p1 =	por p0, !p1;
	[sflag:s3] =	ssyncadd.s32 @!p0 $0xFFFFFF00;
	s3 =	simm.s32 @!p0 $0x6500  }
0x83: {  	[tilespmem:s3], [sflag:$0x9] =	stream.indirect.gather @!p0 [hbm4b:s4+s8], $0x80, s21, s8, $0xb8;
	[tilespmem:$0x1E500] =	vst v63  }
.Ltmp0:
0x84: {  	s3 =	simm.s32 @!p0 $0x5;
	(pc) =	sbr.rel @!p1 .LBB2_2-.Ltmp0, $4  }
0x85: {  	_ =	swait.ge @!p0 [sflag:s3], $0x100  }
0x86: {  	s6 =	sadd.s32 @!p0 $0x500, s6;
	[sflag:s3] =	ssyncset.done @!p0 $0x0  }
0x87: {  	s21 =	simm.s32 $0x500;
	[sflag:s3] =	ssyncadd.s32 @!p0 $0xFFFFFF00;
	s3 =	simm.s32 @!p0 $0x8500  }
0x88: {  	[tilespmem:s3], [sflag:$0xA] =	stream.indirect.gather @!p0 [hbm4b:s4+s8], $0x80, s0, s8, $0xb8;
	[tilespmem:$0x1E500] =	vst v63  }
0x89: {  	s0 =	simm.s32 $0xB  }
0x8a: {  	_ =	swait.ge [sflag:s0], $0x2000  }
0x8b: {  	[sflag:s0] =	ssyncset.done $0x0  }
0x8c: {  	s6 =	simm.s32 $0xC;
	[sflag:s0] =	ssyncadd.s32 $0xFFFFE000  }
0x8d: {  	_ =	swait.ge [sflag:s6], $0x2000  }
0x8e: {  	[sflag:s6] =	ssyncset.done $0x0  }
0x8f: {  	s8 =	simm.s32 $0xD;
	[sflag:s6] =	ssyncadd.s32 $0xFFFFE000  }
0x90: {  	_ =	swait.ge [sflag:s8], $0x2000  }
0x91: {  	[sflag:s8] =	ssyncset.done $0x0  }
0x92: {  	s10 =	simm.s32 $0xE;
	[sflag:s8] =	ssyncadd.s32 $0xFFFFE000  }
0x93: {  	_ =	swait.ge [sflag:s10], $0x2000  }
0x94: {  	[sflag:s10] =	ssyncset.done $0x0  }
0x95: {  	s20 =	simm.s32 $0xF;
	[sflag:s10] =	ssyncadd.s32 $0xFFFFE000  }
0x96: {  	_ =	swait.ge [sflag:s20], $0x2000  }
0x97: {  	[sflag:s20] =	ssyncset.done $0x0  }
0x98: {  	[sflag:s20] =	ssyncadd.s32 $0xFFFFE000  }
0x99: {  	[bflag:$0x0] =	sbarrier.arrive $0xFFFF  }
0x9a: {  	s8 =	rddreg [dreg:$0x5]  }
0x9b: {  	s29 =	rddreg [dreg:$0xa]  }
0x9c: {  	s6 =	simm.s32 $0x10;
	s3 =	rddreg [dreg:$0xd]  }
0x9d: {  	[hbm:s29], [sflag:s8] =	dma.local [spmem:s3], $0x2800  }
0x9e: {  	_ =	swait.ge [sflag:s6], $0x2800  }
0x9f: {  	s10 =	rddreg [dreg:$0xe]  }
0xa0: {  	s30 =	rddreg [dreg:$0xb];
	s10 =	sadd.s32 $0x1, s10  }
0xa1: {  	p0 =	sne.s32 s10, s30  }
.Ltmp1:
0xa2: {  	_ = 	snop;
	(pc) =	sbr.rel @p0 .LBB2_1-.Ltmp1, $3  }
0xa3: {  	_ =	sdelay $0x1  }
0xa4: {  	[sflag:s6] =	ssyncset.done $0x0  }
0xa5: {  	[sflag:s6] =	ssyncadd.s32 $0xFFFFD800  }
0xa6: {  	_ =	sfence.sel $0x180000  }
0xa7: {  	[bflag:$0x0] =	sbarrier.arrive $0xFFFF  }
0xa8: {  	_ =	strace $0x9000004A  }
0xa9: {  	s0 =	stileid.u32;
	[bflag:$0x2] =	sbarrier.arrive $0xFFFF  }
0xaa: {  	p0 =	sne.s32 s0, $0x0;
	s0 =	rddreg [dreg:$0x2]  }
0xab: {  	s0 =	sadd.s32 @!p0 $0x100000, s0  }
0xac: {  	[sflag:s0] =	ssyncadd.tile.s32 @!p0 $0x1;
	_ =	shalt  }
.Lfunc_end2:
_tile_overlayer_lowered:
.L_overlay_start_2:
0xad: {  	(tag) =	ssettag $0x2  }
0xae: {  	s0 =	rddreg [dreg:$0x0];
	s2 =	stileid.u32  }
0xaf: {  	s1 =	rddreg [dreg:$0x1];
	p0 =	sne.s32 s2, $0x0  }
0xb0: {  	s3 =	rddreg [dreg:$0x2];
	[bflag:$0x3] =	sbarrier.arrive $0xFFFF;
	s2 =	simm.s32 @!p0 $0x1C10  }
0xb1: {  	[timem:s3], [sflag:s2] =	dma.local @!p0 [hbm:s0], s1  }
0xb2: {  	s0 =	simm.s32 @!p0 $0x10  }
0xb3: {  	_ =	swait.ge @!p0 [sflag:s0], s1  }
0xb4: {  	s1 =	ssub.s32 @!p0 $0x0, s1;
	[sflag:s0] =	ssyncset.done @!p0 $0x0  }
0xb5: {  	[sflag:s0] =	ssyncadd.s32 @!p0 s1  }
0xb6: {  	[bflag:$0x3] =	sbarrier.arrive $0xFFFF  }
0xb7: {  	_ =	shalt  }

// kernel: kernel.14.cloned.1.call-start
scs
__scs_entry_jumppad:
0x0: {  	(pc) =	sbr.rel $0x88, $3  }
0x1: {  	(tag) =	ssettag $0x0;
	lr =	simm.s32 $0x1  }
0x2: {  	[smem:$0x3F94] =	sst lr;
	_ =	strace $0xD0000000  }
0x3: {  	_ = 	snop  }
0x4: {  	_ = 	snop  }
0x5: {  	_ = 	snop  }
0x6: {  	_ = 	snop  }
0x7: {  	_ = 	snop  }
__scs_overlays_trampoline_lowered:
0x8: {  	[smem:$0x3FA3] =	sst s0  }
0x9: {  	[smem:$0x3FA4] =	sst s1  }
0xa: {  	[smem:$0x3FA5] =	sst s2  }
0xb: {  	[smem:$0x3FA6] =	sst s3  }
0xc: {  	[smem:$0x3FA7] =	sst s4  }
0xd: {  	[smem:$0x3FA8] =	sst s5  }
0xe: {  	[smem:$0x3FA9] =	sst s6  }
0xf: {  	[smem:$0x3FAA] =	sst s7  }
0x10: {  	[smem:$0x3FAB] =	sst s8  }
0x11: {  	[smem:$0x3FAC] =	sst s9;
	s0 =	simm.s32 @!p0 $0x0  }
0x12: {  	s1 =	sld [smem:$0x3F92];
	s0 =	simm.s32 @p0 $0x1  }
0x13: {  	[smem:$0x3FAD] =	sst s0;
	s0 =	simm.s32 @!p1 $0x0  }
0x14: {  	s2 =	sld [smem:$0x3F91];
	s0 =	simm.s32 @p1 $0x1  }
0x15: {  	[smem:$0x3FAE] =	sst s0;
	s0 =	simm.s32 @!p2 $0x0  }
0x16: {  	s3 =	sld [smem:$0x3FDB];
	s0 =	simm.s32 @p2 $0x1  }
0x17: {  	s4 =	simm.s32 $0x1BF5;
	[smem:$0x3FB0] =	sst s0  }
0x18: {  	s0 =	sld [smem:$0x3F93];
	_ =	swait.ge [sflag:s4], $0x0  }
0x19: {  	s7 =	sld [smem:$0x3F94]  }
0x1a: {  	s8 =	sadd.s32 $0xFFFFE003, lr  }
0x1b: {  	s9 =	sadd.s32 $0xFFFFFEF7, lr;
	s5 =	simm.s32 $0xFFFFFFFF;
	p2 =	slt.u32 s8, $0xFFFFF086  }
0x1c: {  	p1 =	slt.u32 s9, $0xF7A;
	s5 =	simm.s32 @!p2 $0x0  }
0x1d: {  	s5 =	simm.s32 @p1 $0x1;
	p0 =	seq.s32 s7, s2  }
0x1e: {  	s7 =	smul.u32 @!p0 $0xF7A, s2;
	p2 =	seq.s32 @!p0 s5, $0x0  }
0x1f: {  	s9 =	smul.u32 $0xF7A, s1;
	s8 =	simm.s32 @!p0 $0x1BF5;
	p2 =	por !p2, p0  }
0x20: {  	[sflag:s8] =	ssyncset.s32 @!p0 $0xFFFFF086;
	s6 =	sadd.s32 @!p0 s3, s7;
	s7 =	simm.s32 @!p0 $0x108  }
0x21: {  	s3 =	sadd.s32 s3, s9;
	s6 =	sadd.s32 @!p0 $0x88, s6;
	s7 =	simm.s32 @p2 $0x1082  }
0x22: {  	[simem:s7], [sflag:s8] =	dma.local @!p0 [hbm:s6], $0xF7A  }
0x23: {  	s9 =	sor.u32 $0xD0000000, s2;
	s6 =	simm.s32 $0x108;
	_ =	swait.ge @!p0 [sflag:s8], $0x0  }
0x24: {  	s3 =	sadd.s32 $0x88, s3;
	s6 =	simm.s32 @!p1 $0x1082;
	[sflag:s4] =	ssyncset.s32 $0xFFFFF086  }
0x25: {  	[simem:s6], [sflag:s4] =	dma.local [hbm:s3], $0xF7A  }
0x26: {  	[smem:$0x3F94] =	sst s1;
	(tag) =	ssettag s2;
	_ =	strace s9  }
0x27: {  	s1 =	sld [smem:$0x3FA4]  }
0x28: {  	s2 =	sld [smem:$0x3FA5]  }
0x29: {  	s4 =	sld [smem:$0x3FA7]  }
0x2a: {  	p0 =	seq.s32 s5, $0x0;
	s5 =	sld [smem:$0x3FA8]  }
0x2b: {  	s6 =	sld [smem:$0x3FA9]  }
0x2c: {  	s7 =	sld [smem:$0x3FAA]  }
0x2d: {  	s3 =	simm.s32 $0x108;
	s8 =	sld [smem:$0x3FAB]  }
0x2e: {  	s3 =	simm.s32 @!p0 $0x1082;
	s9 =	sld [smem:$0x3FAC]  }
0x2f: {  	lr =	sadd.s32 s0, s3;
	s0 =	sld [smem:$0x3FA3]  }
0x30: {  	s3 =	sld [smem:$0x3FA6]  }
0x31: {  	[smem:$0x3FAF] =	sst s10  }
0x32: {  	s10 =	sld [smem:$0x3FAD];
	_ =	sdelay $0x3  }
0x33: {  	p0 =	seq.s32 s10, $0x1;
	s10 =	sld [smem:$0x3FAF];
	_ =	sdelay $0x3  }
0x34: {  	[smem:$0x3FAF] =	sst s10  }
0x35: {  	s10 =	sld [smem:$0x3FAE];
	_ =	sdelay $0x3  }
0x36: {  	p1 =	seq.s32 s10, $0x1;
	s10 =	sld [smem:$0x3FAF];
	_ =	sdelay $0x3  }
0x37: {  	[smem:$0x3FAF] =	sst s10  }
0x38: {  	s10 =	sld [smem:$0x3FB0]  }
0x39: {  	_ = 	snop;
	(pc) =	sbr.ind lr, $3  }
0x3a: {  	_ = 	snop  }
0x3b: {  	_ = 	snop  }
0x3c: {  	p2 =	seq.s32 s10, $0x1;
	s10 =	sld [smem:$0x3FAF]  }
0x3d: {  	_ =	shalt  }
0x3e: {  	_ =	shalt  }
0x3f: {  	_ =	shalt  }
0x40: {  	_ =	shalt  }
0x41: {  	_ =	shalt  }
0x42: {  	_ =	shalt  }
0x43: {  	_ =	shalt  }
0x44: {  	_ =	shalt  }
0x45: {  	_ =	shalt  }
0x46: {  	_ =	shalt  }
0x47: {  	_ =	shalt  }
0x48: {  	_ =	shalt  }
0x49: {  	_ =	shalt  }
0x4a: {  	_ =	shalt  }
0x4b: {  	_ =	shalt  }
0x4c: {  	_ =	shalt  }
0x4d: {  	_ =	shalt  }
0x4e: {  	_ =	shalt  }
0x4f: {  	_ =	shalt  }
0x50: {  	_ =	shalt  }
0x51: {  	_ =	shalt  }
0x52: {  	_ =	shalt  }
0x53: {  	_ =	shalt  }
0x54: {  	_ =	shalt  }
0x55: {  	_ =	shalt  }
0x56: {  	_ =	shalt  }
0x57: {  	_ =	shalt  }
0x58: {  	_ =	shalt  }
0x59: {  	_ =	shalt  }
0x5a: {  	_ =	shalt  }
0x5b: {  	_ =	shalt  }
0x5c: {  	_ =	shalt  }
0x5d: {  	_ =	shalt  }
0x5e: {  	_ =	shalt  }
0x5f: {  	_ =	shalt  }
0x60: {  	_ =	shalt  }
0x61: {  	_ =	shalt  }
0x62: {  	_ =	shalt  }
0x63: {  	_ =	shalt  }
0x64: {  	_ =	shalt  }
0x65: {  	_ =	shalt  }
0x66: {  	_ =	shalt  }
0x67: {  	_ =	shalt  }
0x68: {  	_ =	shalt  }
0x69: {  	_ =	shalt  }
0x6a: {  	_ =	shalt  }
0x6b: {  	_ =	shalt  }
0x6c: {  	_ =	shalt  }
0x6d: {  	_ =	shalt  }
0x6e: {  	_ =	shalt  }
0x6f: {  	_ =	shalt  }
0x70: {  	_ =	shalt  }
0x71: {  	_ =	shalt  }
0x72: {  	_ =	shalt  }
0x73: {  	_ =	shalt  }
0x74: {  	_ =	shalt  }
0x75: {  	_ =	shalt  }
0x76: {  	_ =	shalt  }
0x77: {  	_ =	shalt  }
0x78: {  	_ =	shalt  }
0x79: {  	_ =	shalt  }
0x7a: {  	_ =	shalt  }
0x7b: {  	_ =	shalt  }
0x7c: {  	_ =	shalt  }
0x7d: {  	_ =	shalt  }
0x7e: {  	_ =	shalt  }
0x7f: {  	_ =	shalt  }
0x80: {  	_ =	shalt  }
0x81: {  	_ =	shalt  }
0x82: {  	_ =	shalt  }
0x83: {  	_ =	shalt  }
0x84: {  	_ =	shalt  }
0x85: {  	_ =	shalt  }
0x86: {  	_ =	shalt  }
0x87: {  	_ =	shalt  }
.Lfunc_end0:
.L_simem_size_0:
called_computation.2_lowered:
.L_overlay_start_0:
0x88: {  	s2 =	sld [smem:$0x3FD9]  }
0x89: {  	s3 =	sld [smem:$0x3FFE];
	_ =	sdelay $0x1  }
0x8a: {  	s1 =	srdreg.scid  }
0x8b: {  	s0 =	sand.u32 $0x1, s1  }
0x8c: {  	s16 =	sshll.u32 s0, $0xA;
	s2 =	sadd.s32 s3, s2  }
0x8d: {  	s2 =	sadd.s32 s2, s16  }
0x8e: {  	[smem:$0x3FBB] =	sst s2  }
0x8f: {  	_ = 	snop  }
0x90: {  	(tm) =	ssettm $0x1  }
0x91: {  	s17 =	sld [smem:$0x3FFB];
	_ =	sdelay $0x3  }
0x92: {  	_ =	strace s17  }
0x93: {  	s2 =	sld [smem:$0x3FFC];
	_ =	sdelay $0x3  }
0x94: {  	_ =	strace s2  }
0x95: {  	s2 =	sld [smem:$0x3FFD];
	_ =	sdelay $0x3  }
0x96: {  	_ =	strace s2  }
0x97: {  	_ =	strace $0x8FFFFFFF  }
0x98: {  	s18 =	sld [smem:$0x3FDB];
	_ =	sdelay $0x1  }
0x99: {  	s19 =	simm.s32 $_scs_section_size  }
0x9a: {  	s4 =	simm.s32 $_size__tile_overlayer_lowered;
	s5 =	simm.s32 $_tile_overlayer_lowered  }
0x9b: {  	s22 =	simm.s32 $0x1BFF;
	s21 =	sshll.u32 s5, $0x1;
	s2 =	sadd.s32 s19, s18  }
0x9c: {  	s6 =	simm.s32 $0x0;
	s20 =	sshll.u32 s4, $0x1;
	s4 =	sadd.s32 s21, s2  }
0x9d: {  	[timem:s6], [sflag:s22] =	dma.local [hbm:s4], s20  }
0x9e: {  	_ =	swait.ge [sflag:s22], s20  }
0x9f: {  	s3 =	ssub.s32 $0x0, s20;
	[sflag:s22] =	ssyncset.done $0x0  }
0xa0: {  	[sflag:s22] =	ssyncadd.s32 s3;
	_ =	sdelay $0x1  }
0xa1: {  	s23 =	simm.s32 $0x1B8B  }
0xa2: {  	_ =	swait.ge [sflag:s23], $0x1  }
0xa3: {  	[sflag:s23] =	ssyncset.done $0x0  }
0xa4: {  	s25 =	simm.s32 $0x1B8E;
	s24 =	sld [smem:$0x3FFE];
	[sflag:s23] =	ssyncadd.s32 $0xFFFFFFFF  }
0xa5: {  	s26 =	simm.s32 $execute0_lowered;
	[smem:$0x3FD2] =	sst s25  }
0xa6: {  	s4 =	sshll.u32 s26, $0x1;
	_ =	strace $0x8000004C;
	[dreg:$0x1] =	wrdreg $0xFFFFFFFF  }
0xa7: {  	s28 =	simm.s32 $_size_execute0_lowered;
	s2 =	sadd.s32 s2, s4;
	[dreg:$0x0] =	wrdreg $0x0  }
0xa8: {  	s4 =	sshll.u32 s28, $0x1;
	[dreg:$0x2] =	wrdreg s2  }
0xa9: {  	[dreg:$0x3] =	wrdreg s4  }
0xaa: {  	[dreg:$0x4] =	wrdreg $0xC0  }
0xab: {  	_ =	task [dreg:s6], $0x5FFFF  }
0xac: {  	[dreg:$0x1] =	wrdreg $0xFFFFFFFF  }
0xad: {  	[dreg:$0x0] =	wrdreg $0x60  }
0xae: {  	[dreg:$0x2] =	wrdreg s24  }
0xaf: {  	[dreg:$0x3] =	wrdreg $0xA5000  }
0xb0: {  	[dreg:$0x4] =	wrdreg $0x9  }
0xb1: {  	_ =	task.clear_ibuf [dreg:s6], $0x5FFFF;
	_ =	strace $0x9000004C  }
0xb2: {  	s29 =	simm.s32 $0x9;
	_ =	strace $0x8000004E  }
0xb3: {  	_ =	swait.ge [sflag:s29], $0x1  }
0xb4: {  	[sflag:s29] =	ssyncadd.s32 $0xFFFFFFFF  }
0xb5: {  	_ =	strace $0x9000004E  }
0xb6: {  	_ =	sfence  }
0xb7: {  	s30 =	sld [smem:$0x0];
	_ =	sdelay $0x2  }
0xb8: {  	s31 =	sshll.u32 s1, $0xD;
	s1 =	sshrl.u32 s1, $0x2  }
0xb9: {  	s3 =	sand.u32 $0x4000, s31;
	s1 =	sadd.s32 s1, s30  }
0xba: {  	s0 =	sor.u32 s3, s0;
	s1 =	sshll.u32 s1, $0x11  }
0xbb: {  	s0 =	sor.u32 s1, s0  }
0xbc: {  	s0 =	sadd.s32 $0x8F2B, s0  }
0xbd: {  	[sflag:s0] =	ssyncadd.remote.s32 $0x1  }
0xbe: {  	_ =	sfence.sel $0xFFFF  }
0xbf: {  	[dreg:$0x0] =	wrdreg $0xFFFFFFFF;
	(pc) =	sbr.abs _section_cstart, $3  }
0xc0: {  	[dreg:$0x1] =	wrdreg $0xFFFFFFFF  }
0xc1: {  	_ =	task.clear_ibuf [dreg:s6], $0x2FFFF;
	_ =	strace $0x9FFFFFFF  }
0xc2: {  	(tm) =	ssettm $0x7FFFFFFF  }
0xc3: {  	_ =	shalt  }
tec
execute0_lowered:
.L_overlay_start_1:
0x0: {  	(tag) =	ssettag $0x1  }
0x1: {  	s0 =	rddreg [dreg:$0x0]  }
0x2: {  	s2 =	rddreg [dreg:$0x1]  }
0x3: {  	s3 =	stileid.u32;
	s1 =	srdreg.scid;
	s4 =	simm.s32 $0x0  }
0x4: {  	s28 =	simm.s32 $0x40;
	s31 =	simm.s32 $0x2500;
	s6 =	smul.u32 $0x14000, s3  }
0x5: {  	s1 =	sand.u32 $0x1, s1;
	[smem:$0x7FF] =	sst s4;
	s10 =	smul.u32 $0x50000, s3  }
0x6: {  	s4 =	sadd.s32 $0x86C00, s0;
	s5 =	sadd.s32 $0x11400, s0;
	s14 =	smul.u32 $0x9D00, s3  }
0x7: {  	s15 =	sshll.u32 s3, $0x6;
	s7 =	smul.u32 $0x140000, s1;
	_ =	strace $0x8000004D  }
0x8: {  	s11 =	sshll.u32 s1, $0x4;
	s9 =	ssub.s32 $0x2, s1;
	s1 =	smul.u32 $0x9D000, s1  }
0x9: {  	s8 =	sshrl.u32 s6, $0x3;
	s12 =	sshrl.u32 s9, $0x1;
	s13 =	sshrl.u32 s10, $0x2  }
0xa: {  	s10 =	simm.s32 $0x0;
	s6 =	sadd.s32 s6, s7;
	s30 =	sadd.s32 s8, s0  }
0xb: {  	s8 =	sor.u32 s3, s11;
	s1 =	sadd.s32 s14, s1;
	s11 =	simm.s32 $0x8500  }
0xc: {  	s14 =	simm.s32 $0x7;
	s6 =	sshrl.u32 s6, $0x3;
	s8 =	smul.u32 $0x9D00, s8  }
0xd: {  	s7 =	sadd.s32 $0xD5E00, s30;
	s20 =	sadd.s32 $0x900, s1;
	s23 =	sadd.s32 $0x800, s1  }
0xe: {  	s24 =	sadd.s32 $0x700, s1;
	s25 =	sadd.s32 $0x600, s1;
	s30 =	sadd.s32 $0x500, s1  }
0xf: {  	s1 =	simm.s32 $0x4500;
	s0 =	sadd.s32 s6, s0;
	s6 =	ssub.s32 s9, s12  }
0x10: {  	s9 =	sadd.s32 s13, s2;
	[dreg:$0x3] =	wrdreg s7;
	s21 =	sshrl.u32 s20, $0x3  }
0x11: {  	s26 =	sshrl.u32 s24, $0x3;
	s29 =	sshrl.u32 s25, $0x3;
	[dreg:$0xc] =	wrdreg s30  }
0x12: {  	s12 =	simm.s32 $0x6;
	s13 =	simm.s32 $0x80;
	s24 =	simm.s32 $0x280  }
0x13: {  	s25 =	simm.s32 $0x380;
	s7 =	simm.s32 $0xA;
	s0 =	sadd.s32 $0xFDE00, s0  }
0x14: {  	s8 =	sshrl.u32 s8, $0x3;
	s22 =	smax.u32 s6, $0x1;
	[dreg:$0xa] =	wrdreg s0  }
0x15: {  	s6 =	simm.s32 $0x10;
	s16 =	sadd.s32 s5, s8;
	[dreg:$0xb] =	wrdreg s22  }
0x16: {  	s8 =	sor.u32 $0x1C10, s15;
	s15 =	sadd.s32 s21, s5;
	[dreg:$0x4] =	wrdreg s16  }
0x17: {  	s0 =	sshrl.u32 s23, $0x3;
	s17 =	sadd.s32 $0x20, s16;
	[dreg:$0x5] =	wrdreg s8  }
0x18: {  	s21 =	simm.s32 $0x500;
	s18 =	sadd.s32 $0x40, s16;
	[dreg:$0x6] =	wrdreg s17  }
0x19: {  	s22 =	simm.s32 $0x180;
	s19 =	sadd.s32 $0x60, s16;
	[dreg:$0x7] =	wrdreg s18  }
0x1a: {  	s23 =	simm.s32 $0x8;
	s3 =	sadd.s32 $0x80, s16;
	[dreg:$0x8] =	wrdreg s19  }
0x1b: {  	s16 =	sadd.s32 s0, s5;
	[dreg:$0x9] =	wrdreg s3;
	s17 =	sadd.s32 s26, s5  }
0x1c: {  	s18 =	sadd.s32 s29, s5;
	s3 =	sshrl.u32 s9, $0x3;
	s9 =	simm.s32 $0x6500  }
0x1d: {  	s19 =	simm.s32 $0x9;
	s26 =	simm.s32 $0x480;
	[dreg:$0xd] =	wrdreg s3  }
.LBB2_1:
0x1e: {  	[dreg:$0xe] =	wrdreg s10  }
0x1f: {  	s0 =	rddreg [dreg:$0x3]  }
0x20: {  	[spmem:s3], [sflag:s8] =	dma.local [hbm:s0], $0x2800  }
0x21: {  	_ =	swait.ge [sflag:s6], $0x2800  }
0x22: {  	[sflag:s6] =	ssyncset.done $0x0  }
0x23: {  	[sflag:s6] =	ssyncadd.s32 $0xFFFFD800  }
0x24: {  	[bflag:$0x0] =	sbarrier.arrive $0xFFFF  }
0x25: {  	s0 =	simm.s32 $0x0;
	s6 =	rddreg [dreg:$0x4]  }
0x26: {  	[tilespmem:s0], [sflag:$0x1] =	stream.linear.gather [hbm4b:s6+s0], $0x100, $0x38;
	[tilespmem:$0x1E500] =	vst v63  }
0x27: {  	s8 =	rddreg [dreg:$0x6];
	s6 =	simm.s32 $0x100  }
0x28: {  	[tilespmem:s6], [sflag:$0x2] =	stream.linear.gather [hbm4b:s8+s0], $0x100, $0x38;
	[tilespmem:$0x1E500] =	vst v63  }
0x29: {  	s10 =	rddreg [dreg:$0x7];
	s8 =	simm.s32 $0x200  }
0x2a: {  	[tilespmem:s8], [sflag:$0x3] =	stream.linear.gather [hbm4b:s10+s0], $0x100, $0x38;
	[tilespmem:$0x1E500] =	vst v63  }
0x2b: {  	s20 =	rddreg [dreg:$0x8];
	s10 =	simm.s32 $0x300  }
0x2c: {  	[tilespmem:s10], [sflag:$0x4] =	stream.linear.gather [hbm4b:s20+s0], $0x100, $0x38;
	[tilespmem:$0x1E500] =	vst v63  }
0x2d: {  	s30 =	simm.s32 $0x1;
	s29 =	rddreg [dreg:$0x9];
	s20 =	simm.s32 $0x400  }
0x2e: {  	[tilespmem:s20], [sflag:$0x5] =	stream.linear.gather [hbm4b:s29+s0], $0x100, $0x38;
	[tilespmem:$0x1E500] =	vst v63  }
0x2f: {  	_ =	swait.ge [sflag:s30], $0x100  }
0x30: {  	[sflag:s30] =	ssyncset.done $0x0  }
0x31: {  	s3 =	simm.s32 $0x2;
	[sflag:s30] =	ssyncadd.s32 $0xFFFFFF00  }
0x32: {  	[tilespmem:s21], [sflag:$0x6] =	stream.indirect.gather [hbm4b:s4+s28], $0x80, s0, s28, $0xb8;
	[tilespmem:$0x1E500] =	vst v63  }
0x33: {  	_ =	swait.ge [sflag:s3], $0x100  }
0x34: {  	[sflag:s3] =	ssyncset.done $0x0  }
0x35: {  	[sflag:s3] =	ssyncadd.s32 $0xFFFFFF00  }
0x36: {  	[tilespmem:s31], [sflag:$0x7] =	stream.indirect.gather [hbm4b:s4+s28], $0x80, s6, s28, $0xb8;
	[tilespmem:$0x1E500] =	vst v63  }
0x37: {  	s6 =	simm.s32 $0x3  }
0x38: {  	_ =	swait.ge [sflag:s6], $0x100  }
0x39: {  	[sflag:s6] =	ssyncset.done $0x0  }
0x3a: {  	s29 =	simm.s32 $0x4;
	[sflag:s6] =	ssyncadd.s32 $0xFFFFFF00  }
0x3b: {  	[tilespmem:s1], [sflag:$0x8] =	stream.indirect.gather [hbm4b:s4+s28], $0x80, s8, s28, $0xb8;
	[tilespmem:$0x1E500] =	vst v63  }
0x3c: {  	_ =	swait.ge [sflag:s29], $0x100  }
0x3d: {  	[sflag:s29] =	ssyncset.done $0x0  }
0x3e: {  	s30 =	simm.s32 $0x5;
	[sflag:s29] =	ssyncadd.s32 $0xFFFFFF00  }
0x3f: {  	[tilespmem:s9], [sflag:$0x9] =	stream.indirect.gather [hbm4b:s4+s28], $0x80, s10, s28, $0xb8;
	[tilespmem:$0x1E500] =	vst v63  }
0x40: {  	_ =	swait.ge [sflag:s30], $0x100  }
0x41: {  	[sflag:s30] =	ssyncset.done $0x0  }
0x42: {  	s10 =	simm.s32 $0x0;
	s6 =	rddreg [dreg:$0xc];
	[sflag:s30] =	ssyncadd.s32 $0xFFFFFF00  }
0x43: {  	[tilespmem:s11], [sflag:$0xA] =	stream.indirect.gather [hbm4b:s4+s28], $0x80, s20, s28, $0xb8;
	[tilespmem:$0x1E500] =	vst v63  }
.LBB2_2:
0x44: {  	_ =	swait.ge [sflag:s12], $0x2000  }
0x45: {  	[sflag:s12] =	ssyncset.done $0x0  }
0x46: {  	[sflag:s12] =	ssyncadd.s32 $0xFFFFE000  }
0x47: {  	[spmem:s2] =	stream.indirect.scatter.add.f32 [tilespmem:s21], [sflag:$0xB], $0x80, s13, s28, $0xb8;
	[tilespmem:$0x1E500] =	vst v63  }
0x48: {  	_ =	swait.ge [sflag:s14], $0x2000  }
0x49: {  	[sflag:s14] =	ssyncset.done $0x0  }
0x4a: {  	[sflag:s14] =	ssyncadd.s32 $0xFFFFE000  }
0x4b: {  	[spmem:s2] =	stream.indirect.scatter.add.f32 [tilespmem:s31], [sflag:$0xC], $0x80, s22, s28, $0xb8;
	[tilespmem:$0x1E500] =	vst v63  }
0x4c: {  	_ =	swait.ge [sflag:s23], $0x2000  }
0x4d: {  	[sflag:s23] =	ssyncset.done $0x0  }
0x4e: {  	[sflag:s23] =	ssyncadd.s32 $0xFFFFE000  }
0x4f: {  	[spmem:s2] =	stream.indirect.scatter.add.f32 [tilespmem:s1], [sflag:$0xD], $0x80, s24, s28, $0xb8;
	[tilespmem:$0x1E500] =	vst v63  }
0x50: {  	_ =	swait.ge [sflag:s19], $0x2000  }
0x51: {  	[sflag:s19] =	ssyncset.done $0x0  }
0x52: {  	[sflag:s19] =	ssyncadd.s32 $0xFFFFE000  }
0x53: {  	[spmem:s2] =	stream.indirect.scatter.add.f32 [tilespmem:s9], [sflag:$0xE], $0x80, s25, s28, $0xb8;
	[tilespmem:$0x1E500] =	vst v63  }
0x54: {  	_ =	swait.ge [sflag:s7], $0x2000  }
0x55: {  	p0 =	seq.s32 s10, $0x12C0;
	[sflag:s7] =	ssyncset.done $0x0  }
0x56: {  	s30 =	simm.s32 @!p0 $0xB;
	[sflag:s7] =	ssyncadd.s32 $0xFFFFE000  }
0x57: {  	[spmem:s2] =	stream.indirect.scatter.add.f32 [tilespmem:s11], [sflag:$0xF], $0x80, s26, s28, $0xb8;
	[tilespmem:$0x1E500] =	vst v63  }
0x58: {  	_ =	swait.ge @!p0 [sflag:s30], $0x2000  }
0x59: {  	s8 =	sshrl.u32 @!p0 s6, $0x3;
	[sflag:s30] =	ssyncset.done @!p0 $0x0  }
0x5a: {  	s8 =	sadd.s32 @!p0 s5, s8;
	[sflag:s30] =	ssyncadd.s32 @!p0 $0xFFFFE000;
	s30 =	simm.s32 @!p0 $0x0  }
0x5b: {  	[tilespmem:s30], [sflag:$0x1] =	stream.linear.gather @!p0 [hbm4b:s8+s30], $0x100, $0x38;
	[tilespmem:$0x1E500] =	vst v63  }
0x5c: {  	s8 =	simm.s32 @!p0 $0xC  }
0x5d: {  	_ =	swait.ge @!p0 [sflag:s8], $0x2000  }
0x5e: {  	[sflag:s8] =	ssyncset.done @!p0 $0x0  }
0x5f: {  	s20 =	simm.s32 @!p0 $0x100;
	[sflag:s8] =	ssyncadd.s32 @!p0 $0xFFFFE000;
	s8 =	sadd.s32 @!p0 s10, s18  }
0x60: {  	[tilespmem:s20], [sflag:$0x2] =	stream.linear.gather @!p0 [hbm4b:s8+s30], $0x100, $0x38;
	[tilespmem:$0x1E500] =	vst v63  }
0x61: {  	s8 =	simm.s32 @!p0 $0xD  }
0x62: {  	_ =	swait.ge @!p0 [sflag:s8], $0x2000  }
0x63: {  	[sflag:s8] =	ssyncset.done @!p0 $0x0  }
0x64: {  	s3 =	simm.s32 @!p0 $0x200;
	[sflag:s8] =	ssyncadd.s32 @!p0 $0xFFFFE000;
	s8 =	sadd.s32 @!p0 s10, s17  }
0x65: {  	[tilespmem:s3], [sflag:$0x3] =	stream.linear.gather @!p0 [hbm4b:s8+s30], $0x100, $0x38;
	[tilespmem:$0x1E500] =	vst v63  }
0x66: {  	s8 =	simm.s32 @!p0 $0xE  }
0x67: {  	_ =	swait.ge @!p0 [sflag:s8], $0x2000  }
0x68: {  	[sflag:s8] =	ssyncset.done @!p0 $0x0  }
0x69: {  	s21 =	simm.s32 @!p0 $0x300;
	[sflag:s8] =	ssyncadd.s32 @!p0 $0xFFFFE000;
	s8 =	sadd.s32 @!p0 s10, s16  }
0x6a: {  	[tilespmem:s21], [sflag:$0x4] =	stream.linear.gather @!p0 [hbm4b:s8+s30], $0x100, $0x38;
	[tilespmem:$0x1E500] =	vst v63  }
0x6b: {  	s8 =	simm.s32 @!p0 $0xF  }
0x6c: {  	_ =	swait.ge @!p0 [sflag:s8], $0x2000  }
0x6d: {  	[sflag:s8] =	ssyncset.done @!p0 $0x0  }
0x6e: {  	s0 =	simm.s32 @!p0 $0x400;
	[sflag:s8] =	ssyncadd.s32 @!p0 $0xFFFFE000;
	s8 =	sadd.s32 @!p0 s10, s15  }
0x6f: {  	[tilespmem:s0], [sflag:$0x5] =	stream.linear.gather @!p0 [hbm4b:s8+s30], $0x100, $0x38;
	[tilespmem:$0x1E500] =	vst v63  }
0x70: {  	s8 =	simm.s32 @!p0 $0x1  }
0x71: {  	_ =	swait.ge @!p0 [sflag:s8], $0x100  }
0x72: {  	[sflag:s8] =	ssyncset.done @!p0 $0x0  }
0x73: {  	s29 =	simm.s32 @!p0 $0x500;
	[sflag:s8] =	ssyncadd.s32 @!p0 $0xFFFFFF00;
	s8 =	simm.s32 @!p0 $0x40  }
0x74: {  	[tilespmem:s29], [sflag:$0x6] =	stream.indirect.gather @!p0 [hbm4b:s4+s8], $0x80, s30, s8, $0xb8;
	[tilespmem:$0x1E500] =	vst v63  }
0x75: {  	s29 =	simm.s32 @!p0 $0x2  }
0x76: {  	_ =	swait.ge @!p0 [sflag:s29], $0x100  }
0x77: {  	[sflag:s29] =	ssyncset.done @!p0 $0x0  }
0x78: {  	[sflag:s29] =	ssyncadd.s32 @!p0 $0xFFFFFF00;
	s29 =	simm.s32 @!p0 $0x2500  }
0x79: {  	[tilespmem:s29], [sflag:$0x7] =	stream.indirect.gather @!p0 [hbm4b:s4+s8], $0x80, s20, s8, $0xb8;
	[tilespmem:$0x1E500] =	vst v63  }
0x7a: {  	s20 =	simm.s32 @!p0 $0x3  }
0x7b: {  	_ =	swait.ge @!p0 [sflag:s20], $0x100  }
0x7c: {  	[sflag:s20] =	ssyncset.done @!p0 $0x0  }
0x7d: {  	[sflag:s20] =	ssyncadd.s32 @!p0 $0xFFFFFF00;
	s20 =	simm.s32 @!p0 $0x4500  }
0x7e: {  	[tilespmem:s20], [sflag:$0x8] =	stream.indirect.gather @!p0 [hbm4b:s4+s8], $0x80, s3, s8, $0xb8;
	[tilespmem:$0x1E500] =	vst v63  }
0x7f: {  	s3 =	simm.s32 @!p0 $0x4  }
0x80: {  	s10 =	sadd.s32 @!p0 $0xA0, s10;
	_ =	swait.ge @!p0 [sflag:s3], $0x100  }
0x81: {  	p1 =	sne.s32 @!p0 s10, $0x1360;
	[sflag:s3] =	ssyncset.done @!p0 $0x0  }
0x82: {  	p1 =	por p0, !p1;
	[sflag:s3] =	ssyncadd.s32 @!p0 $0xFFFFFF00;
	s3 =	simm.s32 @!p0 $0x6500  }
0x83: {  	[tilespmem:s3], [sflag:$0x9] =	stream.indirect.gather @!p0 [hbm4b:s4+s8], $0x80, s21, s8, $0xb8;
	[tilespmem:$0x1E500] =	vst v63  }
.Ltmp0:
0x84: {  	s3 =	simm.s32 @!p0 $0x5;
	(pc) =	sbr.rel @!p1 .LBB2_2-.Ltmp0, $4  }
0x85: {  	_ =	swait.ge @!p0 [sflag:s3], $0x100  }
0x86: {  	s6 =	sadd.s32 @!p0 $0x500, s6;
	[sflag:s3] =	ssyncset.done @!p0 $0x0  }
0x87: {  	s21 =	simm.s32 $0x500;
	[sflag:s3] =	ssyncadd.s32 @!p0 $0xFFFFFF00;
	s3 =	simm.s32 @!p0 $0x8500  }
0x88: {  	[tilespmem:s3], [sflag:$0xA] =	stream.indirect.gather @!p0 [hbm4b:s4+s8], $0x80, s0, s8, $0xb8;
	[tilespmem:$0x1E500] =	vst v63  }
0x89: {  	s0 =	simm.s32 $0xB  }
0x8a: {  	_ =	swait.ge [sflag:s0], $0x2000  }
0x8b: {  	[sflag:s0] =	ssyncset.done $0x0  }
0x8c: {  	s6 =	simm.s32 $0xC;
	[sflag:s0] =	ssyncadd.s32 $0xFFFFE000  }
0x8d: {  	_ =	swait.ge [sflag:s6], $0x2000  }
0x8e: {  	[sflag:s6] =	ssyncset.done $0x0  }
0x8f: {  	s8 =	simm.s32 $0xD;
	[sflag:s6] =	ssyncadd.s32 $0xFFFFE000  }
0x90: {  	_ =	swait.ge [sflag:s8], $0x2000  }
0x91: {  	[sflag:s8] =	ssyncset.done $0x0  }
0x92: {  	s10 =	simm.s32 $0xE;
	[sflag:s8] =	ssyncadd.s32 $0xFFFFE000  }
0x93: {  	_ =	swait.ge [sflag:s10], $0x2000  }
0x94: {  	[sflag:s10] =	ssyncset.done $0x0  }
0x95: {  	s20 =	simm.s32 $0xF;
	[sflag:s10] =	ssyncadd.s32 $0xFFFFE000  }
0x96: {  	_ =	swait.ge [sflag:s20], $0x2000  }
0x97: {  	[sflag:s20] =	ssyncset.done $0x0  }
0x98: {  	[sflag:s20] =	ssyncadd.s32 $0xFFFFE000  }
0x99: {  	[bflag:$0x0] =	sbarrier.arrive $0xFFFF  }
0x9a: {  	s8 =	rddreg [dreg:$0x5]  }
0x9b: {  	s29 =	rddreg [dreg:$0xa]  }
0x9c: {  	s6 =	simm.s32 $0x10;
	s3 =	rddreg [dreg:$0xd]  }
0x9d: {  	[hbm:s29], [sflag:s8] =	dma.local [spmem:s3], $0x2800  }
0x9e: {  	_ =	swait.ge [sflag:s6], $0x2800  }
0x9f: {  	s10 =	rddreg [dreg:$0xe]  }
0xa0: {  	s30 =	rddreg [dreg:$0xb];
	s10 =	sadd.s32 $0x1, s10  }
0xa1: {  	p0 =	sne.s32 s10, s30  }
.Ltmp1:
0xa2: {  	_ = 	snop;
	(pc) =	sbr.rel @p0 .LBB2_1-.Ltmp1, $3  }
0xa3: {  	_ =	sdelay $0x1  }
0xa4: {  	[sflag:s6] =	ssyncset.done $0x0  }
0xa5: {  	[sflag:s6] =	ssyncadd.s32 $0xFFFFD800  }
0xa6: {  	_ =	sfence.sel $0x180000  }
0xa7: {  	[bflag:$0x0] =	sbarrier.arrive $0xFFFF  }
0xa8: {  	_ =	strace $0x9000004D  }
0xa9: {  	s0 =	stileid.u32;
	[bflag:$0x2] =	sbarrier.arrive $0xFFFF  }
0xaa: {  	p0 =	sne.s32 s0, $0x0;
	s0 =	rddreg [dreg:$0x2]  }
0xab: {  	s0 =	sadd.s32 @!p0 $0x100000, s0  }
0xac: {  	[sflag:s0] =	ssyncadd.tile.s32 @!p0 $0x1;
	_ =	shalt  }
.Lfunc_end2:
_tile_overlayer_lowered:
.L_overlay_start_2:
0xad: {  	(tag) =	ssettag $0x2  }
0xae: {  	s0 =	rddreg [dreg:$0x0];
	s2 =	stileid.u32  }
0xaf: {  	s1 =	rddreg [dreg:$0x1];
	p0 =	sne.s32 s2, $0x0  }
0xb0: {  	s3 =	rddreg [dreg:$0x2];
	[bflag:$0x3] =	sbarrier.arrive $0xFFFF;
	s2 =	simm.s32 @!p0 $0x1C10  }
0xb1: {  	[timem:s3], [sflag:s2] =	dma.local @!p0 [hbm:s0], s1  }
0xb2: {  	s0 =	simm.s32 @!p0 $0x10  }
0xb3: {  	_ =	swait.ge @!p0 [sflag:s0], s1  }
0xb4: {  	s1 =	ssub.s32 @!p0 $0x0, s1;
	[sflag:s0] =	ssyncset.done @!p0 $0x0  }
0xb5: {  	[sflag:s0] =	ssyncadd.s32 @!p0 s1  }
0xb6: {  	[bflag:$0x3] =	sbarrier.arrive $0xFFFF  }
0xb7: {  	_ =	shalt  }

// kernel: kernel.8.cloned.1.call-start
scs
__scs_entry_jumppad:
0x0: {  	(pc) =	sbr.rel $0x88, $3  }
0x1: {  	(tag) =	ssettag $0x0;
	lr =	simm.s32 $0x1  }
0x2: {  	[smem:$0x3F94] =	sst lr;
	_ =	strace $0xD0000000  }
0x3: {  	_ = 	snop  }
0x4: {  	_ = 	snop  }
0x5: {  	_ = 	snop  }
0x6: {  	_ = 	snop  }
0x7: {  	_ = 	snop  }
__scs_overlays_trampoline_lowered:
0x8: {  	[smem:$0x3FA3] =	sst s0  }
0x9: {  	[smem:$0x3FA4] =	sst s1  }
0xa: {  	[smem:$0x3FA5] =	sst s2  }
0xb: {  	[smem:$0x3FA6] =	sst s3  }
0xc: {  	[smem:$0x3FA7] =	sst s4  }
0xd: {  	[smem:$0x3FA8] =	sst s5  }
0xe: {  	[smem:$0x3FA9] =	sst s6  }
0xf: {  	[smem:$0x3FAA] =	sst s7  }
0x10: {  	[smem:$0x3FAB] =	sst s8  }
0x11: {  	[smem:$0x3FAC] =	sst s9;
	s0 =	simm.s32 @!p0 $0x0  }
0x12: {  	s1 =	sld [smem:$0x3F92];
	s0 =	simm.s32 @p0 $0x1  }
0x13: {  	[smem:$0x3FAD] =	sst s0;
	s0 =	simm.s32 @!p1 $0x0  }
0x14: {  	s2 =	sld [smem:$0x3F91];
	s0 =	simm.s32 @p1 $0x1  }
0x15: {  	[smem:$0x3FAE] =	sst s0;
	s0 =	simm.s32 @!p2 $0x0  }
0x16: {  	s3 =	sld [smem:$0x3FDB];
	s0 =	simm.s32 @p2 $0x1  }
0x17: {  	s4 =	simm.s32 $0x1BF5;
	[smem:$0x3FB0] =	sst s0  }
0x18: {  	s0 =	sld [smem:$0x3F93];
	_ =	swait.ge [sflag:s4], $0x0  }
0x19: {  	s7 =	sld [smem:$0x3F94]  }
0x1a: {  	s8 =	sadd.s32 $0xFFFFE003, lr  }
0x1b: {  	s9 =	sadd.s32 $0xFFFFFEF7, lr;
	s5 =	simm.s32 $0xFFFFFFFF;
	p2 =	slt.u32 s8, $0xFFFFF086  }
0x1c: {  	p1 =	slt.u32 s9, $0xF7A;
	s5 =	simm.s32 @!p2 $0x0  }
0x1d: {  	s5 =	simm.s32 @p1 $0x1;
	p0 =	seq.s32 s7, s2  }
0x1e: {  	s7 =	smul.u32 @!p0 $0xF7A, s2;
	p2 =	seq.s32 @!p0 s5, $0x0  }
0x1f: {  	s9 =	smul.u32 $0xF7A, s1;
	s8 =	simm.s32 @!p0 $0x1BF5;
	p2 =	por !p2, p0  }
0x20: {  	[sflag:s8] =	ssyncset.s32 @!p0 $0xFFFFF086;
	s6 =	sadd.s32 @!p0 s3, s7;
	s7 =	simm.s32 @!p0 $0x108  }
0x21: {  	s3 =	sadd.s32 s3, s9;
	s6 =	sadd.s32 @!p0 $0x88, s6;
	s7 =	simm.s32 @p2 $0x1082  }
0x22: {  	[simem:s7], [sflag:s8] =	dma.local @!p0 [hbm:s6], $0xF7A  }
0x23: {  	s9 =	sor.u32 $0xD0000000, s2;
	s6 =	simm.s32 $0x108;
	_ =	swait.ge @!p0 [sflag:s8], $0x0  }
0x24: {  	s3 =	sadd.s32 $0x88, s3;
	s6 =	simm.s32 @!p1 $0x1082;
	[sflag:s4] =	ssyncset.s32 $0xFFFFF086  }
0x25: {  	[simem:s6], [sflag:s4] =	dma.local [hbm:s3], $0xF7A  }
0x26: {  	[smem:$0x3F94] =	sst s1;
	(tag) =	ssettag s2;
	_ =	strace s9  }
0x27: {  	s1 =	sld [smem:$0x3FA4]  }
0x28: {  	s2 =	sld [smem:$0x3FA5]  }
0x29: {  	s4 =	sld [smem:$0x3FA7]  }
0x2a: {  	p0 =	seq.s32 s5, $0x0;
	s5 =	sld [smem:$0x3FA8]  }
0x2b: {  	s6 =	sld [smem:$0x3FA9]  }
0x2c: {  	s7 =	sld [smem:$0x3FAA]  }
0x2d: {  	s3 =	simm.s32 $0x108;
	s8 =	sld [smem:$0x3FAB]  }
0x2e: {  	s3 =	simm.s32 @!p0 $0x1082;
	s9 =	sld [smem:$0x3FAC]  }
0x2f: {  	lr =	sadd.s32 s0, s3;
	s0 =	sld [smem:$0x3FA3]  }
0x30: {  	s3 =	sld [smem:$0x3FA6]  }
0x31: {  	[smem:$0x3FAF] =	sst s10  }
0x32: {  	s10 =	sld [smem:$0x3FAD];
	_ =	sdelay $0x3  }
0x33: {  	p0 =	seq.s32 s10, $0x1;
	s10 =	sld [smem:$0x3FAF];
	_ =	sdelay $0x3  }
0x34: {  	[smem:$0x3FAF] =	sst s10  }
0x35: {  	s10 =	sld [smem:$0x3FAE];
	_ =	sdelay $0x3  }
0x36: {  	p1 =	seq.s32 s10, $0x1;
	s10 =	sld [smem:$0x3FAF];
	_ =	sdelay $0x3  }
0x37: {  	[smem:$0x3FAF] =	sst s10  }
0x38: {  	s10 =	sld [smem:$0x3FB0]  }
0x39: {  	_ = 	snop;
	(pc) =	sbr.ind lr, $3  }
0x3a: {  	_ = 	snop  }
0x3b: {  	_ = 	snop  }
0x3c: {  	p2 =	seq.s32 s10, $0x1;
	s10 =	sld [smem:$0x3FAF]  }
0x3d: {  	_ =	shalt  }
0x3e: {  	_ =	shalt  }
0x3f: {  	_ =	shalt  }
0x40: {  	_ =	shalt  }
0x41: {  	_ =	shalt  }
0x42: {  	_ =	shalt  }
0x43: {  	_ =	shalt  }
0x44: {  	_ =	shalt  }
0x45: {  	_ =	shalt  }
0x46: {  	_ =	shalt  }
0x47: {  	_ =	shalt  }
0x48: {  	_ =	shalt  }
0x49: {  	_ =	shalt  }
0x4a: {  	_ =	shalt  }
0x4b: {  	_ =	shalt  }
0x4c: {  	_ =	shalt  }
0x4d: {  	_ =	shalt  }
0x4e: {  	_ =	shalt  }
0x4f: {  	_ =	shalt  }
0x50: {  	_ =	shalt  }
0x51: {  	_ =	shalt  }
0x52: {  	_ =	shalt  }
0x53: {  	_ =	shalt  }
0x54: {  	_ =	shalt  }
0x55: {  	_ =	shalt  }
0x56: {  	_ =	shalt  }
0x57: {  	_ =	shalt  }
0x58: {  	_ =	shalt  }
0x59: {  	_ =	shalt  }
0x5a: {  	_ =	shalt  }
0x5b: {  	_ =	shalt  }
0x5c: {  	_ =	shalt  }
0x5d: {  	_ =	shalt  }
0x5e: {  	_ =	shalt  }
0x5f: {  	_ =	shalt  }
0x60: {  	_ =	shalt  }
0x61: {  	_ =	shalt  }
0x62: {  	_ =	shalt  }
0x63: {  	_ =	shalt  }
0x64: {  	_ =	shalt  }
0x65: {  	_ =	shalt  }
0x66: {  	_ =	shalt  }
0x67: {  	_ =	shalt  }
0x68: {  	_ =	shalt  }
0x69: {  	_ =	shalt  }
0x6a: {  	_ =	shalt  }
0x6b: {  	_ =	shalt  }
0x6c: {  	_ =	shalt  }
0x6d: {  	_ =	shalt  }
0x6e: {  	_ =	shalt  }
0x6f: {  	_ =	shalt  }
0x70: {  	_ =	shalt  }
0x71: {  	_ =	shalt  }
0x72: {  	_ =	shalt  }
0x73: {  	_ =	shalt  }
0x74: {  	_ =	shalt  }
0x75: {  	_ =	shalt  }
0x76: {  	_ =	shalt  }
0x77: {  	_ =	shalt  }
0x78: {  	_ =	shalt  }
0x79: {  	_ =	shalt  }
0x7a: {  	_ =	shalt  }
0x7b: {  	_ =	shalt  }
0x7c: {  	_ =	shalt  }
0x7d: {  	_ =	shalt  }
0x7e: {  	_ =	shalt  }
0x7f: {  	_ =	shalt  }
0x80: {  	_ =	shalt  }
0x81: {  	_ =	shalt  }
0x82: {  	_ =	shalt  }
0x83: {  	_ =	shalt  }
0x84: {  	_ =	shalt  }
0x85: {  	_ =	shalt  }
0x86: {  	_ =	shalt  }
0x87: {  	_ =	shalt  }
.Lfunc_end0:
.L_simem_size_0:
called_computation_lowered:
.L_overlay_start_0:
0x88: {  	s2 =	sld [smem:$0x3FD9]  }
0x89: {  	s3 =	sld [smem:$0x3FFE];
	_ =	sdelay $0x1  }
0x8a: {  	s1 =	srdreg.scid  }
0x8b: {  	s0 =	sand.u32 $0x1, s1  }
0x8c: {  	s17 =	sshll.u32 s0, $0xA;
	s2 =	sadd.s32 s3, s2  }
0x8d: {  	s2 =	sadd.s32 s2, s17  }
0x8e: {  	[smem:$0x3FBB] =	sst s2  }
0x8f: {  	_ = 	snop  }
0x90: {  	s2 =	sld [smem:$0x3FD0];
	(tm) =	ssettm $0x1  }
0x91: {  	s18 =	sld [smem:$0x3FFB];
	_ =	sdelay $0x3  }
0x92: {  	_ =	strace s18  }
0x93: {  	s3 =	sld [smem:$0x3FFC];
	_ =	sdelay $0x3  }
0x94: {  	_ =	strace s3  }
0x95: {  	s3 =	sld [smem:$0x3FFD];
	_ =	sdelay $0x3  }
0x96: {  	_ =	strace s3  }
0x97: {  	_ =	strace $0x8FFFFFFF  }
0x98: {  	s19 =	sld [smem:$0x3FDB];
	_ =	sdelay $0x1  }
0x99: {  	s4 =	simm.s32 $_scs_section_size  }
0x9a: {  	s5 =	simm.s32 $_size__tile_overlayer_lowered;
	s6 =	simm.s32 $_tile_overlayer_lowered  }
0x9b: {  	s22 =	simm.s32 $0x1BFF;
	s21 =	sshll.u32 s6, $0x1;
	s3 =	sadd.s32 s4, s19  }
0x9c: {  	s7 =	simm.s32 $0x0;
	s20 =	sshll.u32 s5, $0x1;
	s5 =	sadd.s32 s21, s3  }
0x9d: {  	[timem:s7], [sflag:s22] =	dma.local [hbm:s5], s20  }
0x9e: {  	_ =	swait.ge [sflag:s22], s20  }
0x9f: {  	s4 =	ssub.s32 $0x0, s20;
	[sflag:s22] =	ssyncset.done $0x0  }
0xa0: {  	[sflag:s22] =	ssyncadd.s32 s4;
	_ =	sdelay $0x1  }
0xa1: {  	s23 =	simm.s32 $0x1B8B  }
0xa2: {  	_ =	swait.ge [sflag:s23], $0x1  }
0xa3: {  	[sflag:s23] =	ssyncset.done $0x0  }
0xa4: {  	s25 =	simm.s32 $0x1B8E;
	s24 =	sld [smem:$0x3FFE];
	[sflag:s23] =	ssyncadd.s32 $0xFFFFFFFF  }
0xa5: {  	s26 =	simm.s32 $execute0_lowered;
	[smem:$0x3FD2] =	sst s25  }
0xa6: {  	s5 =	sshll.u32 s26, $0x1;
	_ =	strace $0x80000046;
	[dreg:$0x1] =	wrdreg $0xFFFFFFFF  }
0xa7: {  	s28 =	simm.s32 $_size_execute0_lowered;
	s3 =	sadd.s32 s3, s5;
	[dreg:$0x0] =	wrdreg $0x0  }
0xa8: {  	s5 =	sshll.u32 s28, $0x1;
	[dreg:$0x2] =	wrdreg s3  }
0xa9: {  	[dreg:$0x3] =	wrdreg s5  }
0xaa: {  	[dreg:$0x4] =	wrdreg $0xC0  }
0xab: {  	_ =	task [dreg:s7], $0x5FFFF  }
0xac: {  	[dreg:$0x1] =	wrdreg $0xFFFFFFFF  }
0xad: {  	[dreg:$0x0] =	wrdreg $0x60  }
0xae: {  	[dreg:$0x2] =	wrdreg s24  }
0xaf: {  	[dreg:$0x3] =	wrdreg s2  }
0xb0: {  	[dreg:$0x4] =	wrdreg $0x34800  }
0xb1: {  	[dreg:$0x5] =	wrdreg $0x9  }
0xb2: {  	_ =	task.clear_ibuf [dreg:s7], $0x6FFFF;
	_ =	strace $0x90000046  }
0xb3: {  	s29 =	simm.s32 $0x9;
	_ =	strace $0x80000048  }
0xb4: {  	_ =	swait.ge [sflag:s29], $0x1  }
0xb5: {  	[sflag:s29] =	ssyncadd.s32 $0xFFFFFFFF  }
0xb6: {  	_ =	strace $0x90000048  }
0xb7: {  	_ =	sfence  }
0xb8: {  	s30 =	sld [smem:$0x0];
	_ =	sdelay $0x2  }
0xb9: {  	s31 =	sshll.u32 s1, $0xD;
	s1 =	sshrl.u32 s1, $0x2  }
0xba: {  	s3 =	sand.u32 $0x4000, s31;
	s1 =	sadd.s32 s1, s30  }
0xbb: {  	s0 =	sor.u32 s3, s0;
	s1 =	sshll.u32 s1, $0x11  }
0xbc: {  	s0 =	sor.u32 s1, s0  }
0xbd: {  	s0 =	sadd.s32 $0x8F2B, s0  }
0xbe: {  	[sflag:s0] =	ssyncadd.remote.s32 $0x1  }
0xbf: {  	_ =	sfence.sel $0xFFFF  }
0xc0: {  	[dreg:$0x0] =	wrdreg $0xFFFFFFFF;
	(pc) =	sbr.abs _section_cstart, $3  }
0xc1: {  	[dreg:$0x1] =	wrdreg $0xFFFFFFFF  }
0xc2: {  	_ =	task.clear_ibuf [dreg:s7], $0x2FFFF;
	_ =	strace $0x9FFFFFFF  }
0xc3: {  	(tm) =	ssettm $0x7FFFFFFF  }
tec
execute0_lowered:
.L_overlay_start_1:
0x0: {  	(tag) =	ssettag $0x1  }
0x1: {  	s6 =	rddreg [dreg:$0x0]  }
0x2: {  	s0 =	srdreg.scid;
	s2 =	rddreg [dreg:$0x1]  }
0x3: {  	s3 =	rddreg [dreg:$0x2];
	s4 =	simm.s32 $0x0;
	s13 =	simm.s32 $0x64  }
0x4: {  	s14 =	simm.s32 $0x20;
	s5 =	sand.u32 $0x1, s0;
	s0 =	stileid.u32  }
0x5: {  	s15 =	simm.s32 $0x10;
	s16 =	simm.s32 $0x0;
	s8 =	smul.u32 $0x500, s0  }
0x6: {  	[smem:$0x7FF] =	sst s4;
	s1 =	sshll.u32 s5, $0x4;
	s9 =	smul.u32 $0x280, s0  }
0x7: {  	s10 =	sshll.u32 s5, $0x7;
	s5 =	ssub.s32 $0x2, s5;
	s1 =	sor.u32 s0, s1  }
0x8: {  	s31 =	sshll.u32 s0, $0x6;
	s30 =	sshrl.u32 s5, $0x1;
	s7 =	smul.u32 $0x680, s1  }
0x9: {  	s1 =	rddreg [dreg:$0x3];
	_ =	strace $0x80000047;
	s8 =	sor.u32 s10, s8  }
0xa: {  	s29 =	sshrl.u32 s9, $0x3;
	s11 =	ssub.s32 s5, s30;
	s12 =	sadd.s32 s9, s3  }
0xb: {  	s9 =	simm.s32 $0x1;
	s8 =	sshrl.u32 s8, $0x3;
	s10 =	sadd.s32 s29, s6  }
0xc: {  	s12 =	sshrl.u32 s12, $0x3;
	s7 =	sadd.s32 s7, s6;
	s8 =	sadd.s32 s8, s6  }
0xd: {  	s6 =	sadd.s32 $0x10400, s10;
	s10 =	simm.s32 $0x3400;
	s5 =	sadd.s32 $0x3400, s7  }
0xe: {  	s7 =	sadd.s32 $0x10A00, s8;
	s8 =	smax.u32 s11, $0x1;
	s11 =	sor.u32 $0x1C01, s31  }
.LBB2_1:
0xf: {  	[tilespmem:s4], [sflag:$0x1] =	stream.linear.gather [hbm4b:s5+s4], $0x3200, $0x38;
	[tilespmem:$0x3700] =	vst v63  }
0x10: {  	_ =	swait.ge [sflag:s9], $0x3200  }
0x11: {  	[sflag:s9] =	ssyncset.done $0x0  }
0x12: {  	[sflag:s9] =	ssyncadd.s32 $0xFFFFCE00  }
0x13: {  	[tilespmem:s10], [sflag:$0x1] =	stream.linear.gather [hbm4b:s2+s4], $0x80, $0x38;
	[tilespmem:$0x3700] =	vst v63  }
0x14: {  	_ =	swait.ge [sflag:s9], $0x80  }
0x15: {  	[sflag:s9] =	ssyncset.done $0x0  }
0x16: {  	[sflag:s9] =	ssyncadd.s32 $0xFFFFFF80  }
0x17: {  	[spmem:s12], [sflag:s11] =	dma.local [hbm:s6], $0x50  }
0x18: {  	_ =	swait.ge [sflag:s9], $0x50  }
0x19: {  	[sflag:s9] =	ssyncset.done $0x0  }
0x1a: {  	[sflag:s9] =	ssyncadd.s32 $0xFFFFFFB0  }
0x1b: {  	s17 =	simm.s32 $0x0;
	[bflag:$0x0] =	sbarrier.arrive $0xFFFF  }
0x1c: {  	[spmem:s3] =	stream.indirect.scatter.add.f32 [tilespmem:s10], [sflag:$0x1], $0x1, s17, s13, $0xb8;
	[tilespmem:$0x3700] =	vst v63  }
0x1d: {  	_ =	swait.ge [sflag:s9], $0x64  }
0x1e: {  	s17 =	simm.s32 $0x200;
	[sflag:s9] =	ssyncset.done $0x0  }
.LBB2_2:
0x1f: {  	s18 =	sshra.s32 s17, $0x2;
	[sflag:s9] =	ssyncadd.s32 $0xFFFFFF9C;
	p0 =	sne.s32 s17, $0xC600  }
0x20: {  	[spmem:s3] =	stream.indirect.scatter.add.f32 [tilespmem:s10], [sflag:$0x1], $0x1, s18, s13, $0xb8;
	[tilespmem:$0x3700] =	vst v63  }
.Ltmp0:
0x21: {  	_ = 	snop;
	(pc) =	sbr.rel @p0 .LBB2_2-.Ltmp0, $4  }
0x22: {  	_ = 	snop  }
0x23: {  	s17 =	sadd.s32 $0x200, s17  }
0x24: {  	_ =	swait.ge [sflag:s9], $0x64  }
0x25: {  	[sflag:s9] =	ssyncset.done $0x0  }
0x26: {  	s16 =	sadd.s32 $0x1, s16  }
0x27: {  	[sflag:s9] =	ssyncadd.s32 $0xFFFFFF9C;
	p0 =	sne.s32 s16, s8  }
.Ltmp1:
0x28: {  	[bflag:$0x0] =	sbarrier.arrive $0xFFFF;
	(pc) =	sbr.rel @p0 .LBB2_1-.Ltmp1, $4  }
0x29: {  	[hbm:s7@s14], [sflag:s11] =	dma.strided [spmem:s12@s15], $0x50, s9, $0x10   }
0x2a: {  	_ =	swait.ge [sflag:s9], $0x50  }
0x2b: {  	[sflag:s9] =	ssyncset.done $0x0  }
0x2c: {  	[sflag:s9] =	ssyncadd.s32 $0xFFFFFFB0  }
0x2d: {  	_ =	sfence.sel $0x180000  }
0x2e: {  	[bflag:$0x0] =	sbarrier.arrive $0xFFFF  }
0x2f: {  	p0 =	sne.s32 s0, $0x0;
	_ =	strace $0x90000047  }
0x30: {  	s0 =	sadd.s32 @!p0 $0x100000, s1;
	[bflag:$0x2] =	sbarrier.arrive $0xFFFF  }
0x31: {  	[sflag:s0] =	ssyncadd.tile.s32 @!p0 $0x1;
	_ =	shalt  }
.Lfunc_end2:
_tile_overlayer_lowered:
.L_overlay_start_2:
0x32: {  	(tag) =	ssettag $0x2  }
0x33: {  	s0 =	rddreg [dreg:$0x0];
	s2 =	stileid.u32  }
0x34: {  	s1 =	rddreg [dreg:$0x1];
	p0 =	sne.s32 s2, $0x0  }
0x35: {  	s3 =	rddreg [dreg:$0x2];
	[bflag:$0x3] =	sbarrier.arrive $0xFFFF;
	s2 =	simm.s32 @!p0 $0x1C01  }
0x36: {  	[timem:s3], [sflag:s2] =	dma.local @!p0 [hbm:s0], s1  }
0x37: {  	s0 =	simm.s32 @!p0 $0x1  }
0x38: {  	_ =	swait.ge @!p0 [sflag:s0], s1  }
0x39: {  	s1 =	ssub.s32 @!p0 $0x0, s1;
	[sflag:s0] =	ssyncset.done @!p0 $0x0  }
0x3a: {  	[sflag:s0] =	ssyncadd.s32 @!p0 s1  }
0x3b: {  	[bflag:$0x3] =	sbarrier.arrive $0xFFFF  }
0x3c: {  	_ =	shalt  }

</sc_bundles>
